<compile_context>
chip_gen: v7x
topology: tpu7x:2x2x1
jax: 0.10.2.dev20260603
libtpu: 0.0.44.dev20260713+nightly
codegen_flags: <defaults>
</compile_context>

<pallas_src>
import functools

import numpy as np

import jax
import jax.numpy as jnp
from jax import lax
from jax.experimental import pallas as pl
from jax.experimental.pallas import tpu as pltpu
from jax.experimental.pallas import tpu_sc as plsc

_info = plsc.get_sparse_core_info()
_NC, _NS = _info.num_cores, _info.num_subcores
_NW = _NC * _NS

_CHUNK = 32


def _make_gather_mean(n_batch, d_feat, n_sample, n_nodes):
    mesh = plsc.VectorSubcoreMesh(core_axis_name="c", subcore_axis_name="s")
    n_nb = n_batch * n_sample
    per_b = n_batch // _NW
    nd = d_feat // 16
    ch = _CHUNK
    nsch = n_sample * ch
    nch_b = per_b // ch
    nch = nch_b * (1 + n_sample)

    @functools.partial(
        pl.kernel,
        mesh=mesh,
        out_type=[
            jax.ShapeDtypeStruct((n_batch, d_feat // 2), jnp.int32),
            jax.ShapeDtypeStruct((n_batch, d_feat // 2), jnp.int32),
            jax.ShapeDtypeStruct((n_sample, n_batch, d_feat // 2), jnp.int32),
            jax.ShapeDtypeStruct((n_sample, n_batch, d_feat // 2), jnp.int32),
        ],
        scratch_types=[
            pltpu.VMEM(((1 + n_sample) * per_b,), jnp.int32),
            pltpu.VMEM((nsch,), jnp.int32),
            pltpu.VMEM((nsch,), jnp.int32),
            pltpu.VMEM((nsch,), jnp.int32),
            pltpu.VMEM((nsch,), jnp.int32),
            pltpu.VMEM((2 * ch, d_feat), jnp.float32),
            pltpu.VMEM((2 * nsch, d_feat), jnp.float32),
            pltpu.VMEM((2 * ch, d_feat // 2), jnp.int32),
            pltpu.VMEM((2 * ch, d_feat // 2), jnp.int32),
            pltpu.SemaphoreType.DMA,
            pltpu.SemaphoreType.DMA,
            pltpu.SemaphoreType.DMA,
            pltpu.SemaphoreType.DMA,
            pltpu.SemaphoreType.DMA,
        ],
    )
    def k(nodes_b_hbm, feats_hbm, neighf_hbm,
          sb_out, ab_out, sn_out, an_out,
          allnodes_v, eidx_v0, eidx_v1, nids_v0, nids_v1,
          self_v, nb_v, agg_v, selfp_v, semi, semf0, semf1, semo0, semo1):
        w = lax.axis_index("s") * _NC + lax.axis_index("c")
        semf = (semf0, semf1)
        semo = (semo0, semo1)
        eidx = (eidx_v0, eidx_v1)
        nids = (nids_v0, nids_v1)

        def off_in(g):
            q = jnp.maximum(g - nch_b, 0)
            s2 = q // nch_b
            g2 = q - s2 * nch_b
            return jnp.where(g < nch_b, g * ch,
                             per_b + s2 * per_b + g2 * ch)


        def launch_ids(g, slot):
            src = off_in(g)
            for s in range(n_sample):
                for grp in range(ch // 16):
                    v = allnodes_v[pl.ds(src + grp * 16, 16)]
                    eidx[slot][pl.ds(s * ch + grp * 16, 16)] = (
                        v + s * n_nodes)
            pltpu.async_copy(neighf_hbm.at[eidx[slot]], nids[slot], semi)

        def launch_feats(g, fslot):
            g = jnp.int32(g)
            pltpu.make_async_copy(neighf_hbm.at[pl.ds(0, nsch)],
                                  nids[fslot], semi).wait()

            @pl.when(g >= 2)
            def _():
                pltpu.make_async_copy(
                    selfp_v.at[pl.ds(fslot * ch, ch)],
                    sb_out.at[pl.ds(0, ch)], semo[fslot]).wait()
                pltpu.make_async_copy(
                    agg_v.at[pl.ds(fslot * ch, ch)],
                    ab_out.at[pl.ds(0, ch)], semo[fslot]).wait()
            pltpu.async_copy(
                feats_hbm.at[allnodes_v.at[pl.ds(off_in(g), ch)]],
                self_v.at[pl.ds(fslot * ch, ch)], semf[fslot])
            pltpu.async_copy(feats_hbm.at[nids[fslot]],
                             nb_v.at[pl.ds(fslot * nsch, nsch)], semf[fslot])

        def wait_and_stash(g, fslot):
            pltpu.make_async_copy(feats_hbm.at[pl.ds(0, ch)],
                                  self_v.at[pl.ds(fslot * ch, ch)],
                                  semf[fslot]).wait()
            pltpu.make_async_copy(feats_hbm.at[pl.ds(0, nsch)],
                                  nb_v.at[pl.ds(fslot * nsch, nsch)],
                                  semf[fslot]).wait()

            @pl.when(g < nch_b)
            def _():
                for s in range(n_sample):
                    for grp in range(ch // 16):
                        allnodes_v[pl.ds(per_b + s * per_b + g * ch
                                         + grp * 16, 16)] = (
                            nids[fslot][pl.ds(s * ch + grp * 16, 16)])

        def finish(g, fslot):
            is_p1 = g < nch_b
            base = fslot * nsch

            inv = jnp.float32(1.0 / n_sample)

            def accum(c, d):
                sl = pl.ds(d * 16, 16)
                acc = nb_v[base + c, sl]
                for s in range(1, n_sample):
                    acc = acc + nb_v[base + s * ch + c, sl]
                return acc * inv

            def pack2(a, b):
                ua = lax.bitcast_convert_type(a, jnp.int32)
                ub = lax.bitcast_convert_type(b, jnp.int32)
                return lax.shift_right_logical(ua, 16) | (
                    ub & jnp.int32(-65536))

            def node_body(c, _):
                for d in range(nd // 2):
                    osl = pl.ds(d * 16, 16)
                    agg_v[fslot * ch + c, osl] = pack2(
                        accum(c, 2 * d), accum(c, 2 * d + 1))
                    selfp_v[fslot * ch + c, osl] = pack2(
                        self_v[fslot * ch + c, pl.ds(32 * d, 16)],
                        self_v[fslot * ch + c, pl.ds(32 * d + 16, 16)])
                return 0

            lax.fori_loop(0, ch, node_body, 0)
            q = jnp.maximum(g - nch_b, 0)
            s2 = q // nch_b
            g2 = q - s2 * nch_b
            row2 = w * per_b + g2 * ch
            sv = selfp_v.at[pl.ds(fslot * ch, ch)]
            av = agg_v.at[pl.ds(fslot * ch, ch)]

            @pl.when(is_p1)
            def _():
                oo = w * per_b + g * ch
                pltpu.async_copy(sv, sb_out.at[pl.ds(oo, ch)], semo[fslot])
                pltpu.async_copy(av, ab_out.at[pl.ds(oo, ch)], semo[fslot])

            @pl.when(jnp.logical_not(is_p1))
            def _():
                pltpu.async_copy(sv, sn_out.at[s2, pl.ds(row2, ch)],
                                 semo[fslot])
                pltpu.async_copy(av, an_out.at[s2, pl.ds(row2, ch)],
                                 semo[fslot])

        pltpu.sync_copy(nodes_b_hbm.at[pl.ds(w * per_b, per_b)],
                        allnodes_v.at[pl.ds(0, per_b)])
        launch_ids(0, 0)
        launch_feats(0, 0)
        launch_ids(1, 1)

        def iteration(g, slot):
            @pl.when(g + 1 < nch)
            def _():
                launch_feats(g + 1, 1 - slot)

            wait_and_stash(g, slot)

            @pl.when(g + 2 < nch)
            def _():
                launch_ids(g + 2, slot)

            finish(g, slot)

        def pair_body(p, _):
            iteration(2 * p, 0)
            iteration(2 * p + 1, 1)
            return 0

        lax.fori_loop(0, nch // 2, pair_body, 0)
        for fslot in range(2):
            pltpu.make_async_copy(selfp_v.at[pl.ds(fslot * ch, ch)],
                                  sb_out.at[pl.ds(0, ch)],
                                  semo[fslot]).wait()
            pltpu.make_async_copy(agg_v.at[pl.ds(fslot * ch, ch)],
                                  ab_out.at[pl.ds(0, ch)],
                                  semo[fslot]).wait()

    return k


def _tc_body(n_sample, r_blk, d_out, d_feat,
             sb_ref, ab_ref, sn_ref, an_ref, w1_ref, w2_ref, o_ref):
    f32 = jnp.float32

    def dott(x, wh):
        return lax.dot_general(x, wh, (((1,), (1,)), ((), ())),
                               preferred_element_type=f32)

    w1a = w1_ref[:, :d_feat]
    w1b = w1_ref[:, d_feat:]
    h_self = jax.nn.relu(dott(sb_ref[...].astype(f32), w1a) +
                         dott(ab_ref[...].astype(f32), w1b))
    sn = sn_ref[...].astype(f32).reshape(n_sample * r_blk, -1)
    an = an_ref[...].astype(f32).reshape(n_sample * r_blk, -1)
    h_nb = jax.nn.relu(dott(sn, w1a) + dott(an, w1b))
    agg2 = jnp.mean(h_nb.reshape(n_sample, r_blk, d_out), axis=0)
    o_ref[...] = jax.nn.relu(dott(h_self, w2_ref[:, :d_out]) +
                             dott(agg2, w2_ref[:, d_out:]))


_SPLIT = 1


def kernel(nodes_batch, feats, neigh, W1, W2):
    n_batch, = nodes_batch.shape
    n_nodes, d_feat = feats.shape
    n_sample = neigh.shape[1]
    d_out = W1.shape[0]

    neighf = jnp.swapaxes(neigh, 0, 1).reshape(-1)
    nh = n_batch // _SPLIT
    sc = _make_gather_mean(nh, d_feat, n_sample, n_nodes)
    r_blk = 256
    grid = (nh // r_blk,)
    wspec = pl.BlockSpec((d_out, 2 * d_feat), lambda i: (0, 0))
    tc = pl.pallas_call(
        functools.partial(_tc_body, n_sample, r_blk, d_out, d_feat),
        grid=grid,
        in_specs=[
            pl.BlockSpec((r_blk, d_feat), lambda i: (i, 0)),
            pl.BlockSpec((r_blk, d_feat), lambda i: (i, 0)),
            pl.BlockSpec((n_sample, r_blk, d_feat), lambda i: (0, i, 0)),
            pl.BlockSpec((n_sample, r_blk, d_feat), lambda i: (0, i, 0)),
            wspec, wspec,
        ],
        out_specs=pl.BlockSpec((r_blk, d_out), lambda i: (i, 0)),
        out_shape=jax.ShapeDtypeStruct((nh, d_out), jnp.float32),
    )
    def tobf(x):
        y = lax.bitcast_convert_type(x, jnp.bfloat16)
        return y.reshape(*x.shape[:-1], x.shape[-1] * 2)

    pp = np.arange(d_feat)
    stored_orig = (pp // 32) * 32 + (pp % 32) // 2 + 16 * (pp % 2)
    perm = np.concatenate([stored_orig, d_feat + stored_orig])
    W1 = W1[:, perm]

    parts = []
    for h in range(_SPLIT):
        sb, ab, sn3, an3 = sc(
            lax.slice_in_dim(nodes_batch, h * nh, (h + 1) * nh), feats,
            neighf)
        parts.append(tc(tobf(sb), tobf(ab), tobf(sn3), tobf(an3), W1, W2))
    return jnp.concatenate(parts, axis=0)

# --- scband reference (transcript-rebuilt; emitter-appended) ---
"""Pipeline reference for scband-graph-sage-3246995276246 (READ-ONLY COPY).

The authoritative reference and input builder live on the scoring server;
editing this copy changes nothing except your own understanding.
"""

import jax, jax.numpy as jnp
import numpy as np
import math

N_NODES = 100000
D_FEAT = 128
D_OUT = 128
NUM_SAMPLE = 10
BATCH = 4096


def setup_inputs(seed: int = 0) -> dict:
    key = jax.random.key(seed)
    k1, k2, k3, k4, k5 = jax.random.split(key, 5)
    nodes_batch = jax.random.randint(k1, (BATCH,), 0, N_NODES, dtype=jnp.int32)
    # raw node feature table (init arg raw_features in the torch module)
    feats = jax.random.normal(k2, (N_NODES, D_FEAT), dtype=jnp.float32)
    # dense sampled-neighbor table standing in for adj_lists + random.sample(., num_sample)
    neigh = jax.random.randint(k3, (N_NODES, NUM_SAMPLE), 0, N_NODES, dtype=jnp.int32)
    # xavier_uniform init, matching nn.init.xavier_uniform_
    lim1 = math.sqrt(6.0 / (D_OUT + 2 * D_FEAT))
    W1 = jax.random.uniform(k4, (D_OUT, 2 * D_FEAT), minval=-lim1, maxval=lim1, dtype=jnp.float32)
    lim2 = math.sqrt(6.0 / (D_OUT + 2 * D_OUT))
    W2 = jax.random.uniform(k5, (D_OUT, 2 * D_OUT), minval=-lim2, maxval=lim2, dtype=jnp.float32)
    return {"nodes_batch": nodes_batch, "feats": feats, "neigh": neigh, "W1": W1, "W2": W2}


def reference(nodes_batch, feats, neigh, W1, W2):
    # SageLayer.forward: relu(W @ concat(self, agg).T).T == relu(concat(self, agg) @ W.T)
    def sage_layer(self_feats, agg_feats, W):
        combined = jnp.concatenate([self_feats, agg_feats], axis=-1)
        return jax.nn.relu(combined @ W.T)

    # layer-1 embedding for arbitrary node index array: MEAN aggregate over
    # sampled neighbors (self removed, gcn=False), concat with self feats.
    def layer1(nodes):
        self_feats = jnp.take(feats, nodes, axis=0)
        nb = jnp.take(neigh, nodes, axis=0)           # [..., S]
        nb_feats = jnp.take(feats, nb, axis=0)        # [..., S, D]
        agg = nb_feats.mean(axis=-2)                  # MEAN aggregator
        return sage_layer(self_feats, agg, W1)

    # layer 2: aggregate layer-1 embeddings of sampled neighbors of batch nodes
    h_self = layer1(nodes_batch)                      # [B, D_OUT]
    nb = jnp.take(neigh, nodes_batch, axis=0)         # [B, S]
    h_nb = layer1(nb)                                 # [B, S, D_OUT]
    agg2 = h_nb.mean(axis=1)
    out = sage_layer(h_self, agg2, W2)                # [B, D_OUT]
    return out

if __name__ == "__main__":
    import jax
    _d = setup_inputs()
    print(jax.jit(kernel)(*tuple(_d.values())))

</pallas_src>

<mosaic_0001>
#map = affine_map<(d0, d1) -> (0)>
#map1 = affine_map<(d0, d1) -> (0, 0)>
#map2 = affine_map<(d0, d1) -> (0, 0, 0)>
module attributes {stable_mosaic.version = 14 : i64} {
  func.func @k(%arg0: i32, %arg1: i32, %arg2: memref<4096xi32, #tpu.memory_space<hbm>>, %arg3: memref<100000x128xf32, #tpu.memory_space<hbm>>, %arg4: memref<1000000xi32, #tpu.memory_space<hbm>>, %arg5: memref<4096x64xi32, #tpu.memory_space<hbm>>, %arg6: memref<4096x64xi32, #tpu.memory_space<hbm>>, %arg7: memref<10x4096x64xi32, #tpu.memory_space<hbm>>, %arg8: memref<10x4096x64xi32, #tpu.memory_space<hbm>>, %arg9: memref<1408xi32, #tpu.memory_space<vmem>>, %arg10: memref<320xi32, #tpu.memory_space<vmem>>, %arg11: memref<320xi32, #tpu.memory_space<vmem>>, %arg12: memref<320xi32, #tpu.memory_space<vmem>>, %arg13: memref<320xi32, #tpu.memory_space<vmem>>, %arg14: memref<64x128xf32, #tpu.memory_space<vmem>>, %arg15: memref<640x128xf32, #tpu.memory_space<vmem>>, %arg16: memref<64x64xi32, #tpu.memory_space<vmem>>, %arg17: memref<64x64xi32, #tpu.memory_space<vmem>>, %arg18: memref<!tpu.dma_semaphore, #tpu.memory_space<semaphore_mem>>, %arg19: memref<!tpu.dma_semaphore, #tpu.memory_space<semaphore_mem>>, %arg20: memref<!tpu.dma_semaphore, #tpu.memory_space<semaphore_mem>>, %arg21: memref<!tpu.dma_semaphore, #tpu.memory_space<semaphore_mem>>, %arg22: memref<!tpu.dma_semaphore, #tpu.memory_space<semaphore_mem>>) attributes {dimension_semantics = [#tpu.dimension_semantics<core_parallel>, #tpu.dimension_semantics<subcore_parallel>], iteration_bounds = array<i64: 2, 16>, scalar_prefetch = 0 : i64, scratch_operands = 14 : i64, tpu.core_type = #tpu.core_type<sc_vector_subcore>, window_params = [{transform_indices = #map}, {transform_indices = #map1}, {transform_indices = #map}, {transform_indices = #map1}, {transform_indices = #map1}, {transform_indices = #map2}, {transform_indices = #map2}]} {
    %mul3A = arith.constant 2 : i32
    %mul3A_0 = arith.muli %arg1, %mul3A : i32
    %add3A = arith.addi %mul3A_0, %arg0 : i32
    %mul3A_1 = arith.constant 128 : i32
    %mul3A_2 = arith.muli %add3A, %mul3A_1 : i32
    "tpu.region"() ({
      %run_scoped3A = tpu.sem_alloc : memref<!tpu.dma_semaphore, #tpu.memory_space<semaphore_mem>>
      %dma_start3A_673 = arith.constant 0 : i32
      %dma_start3A_674 = tpu.memref_slice %arg9[%dma_start3A_673] : memref<1408xi32, #tpu.memory_space<vmem>> -> memref<128xi32, #tpu.memory_space<vmem>>
      %dma_start3A_675 = tpu.memref_slice %arg2[%mul3A_2] : memref<4096xi32, #tpu.memory_space<hbm>> -> memref<128xi32, #tpu.memory_space<hbm>>
      %dma_start3A_676 = arith.constant 0 : i32
      %dma_start3A_677 = tpu.memref_slice %arg9[%dma_start3A_676] : memref<1408xi32, #tpu.memory_space<vmem>> -> memref<128xi32, #tpu.memory_space<vmem>>
      %dma_start3A_678 = tpu.memref_slice %arg2[%mul3A_2] : memref<4096xi32, #tpu.memory_space<hbm>> -> memref<128xi32, #tpu.memory_space<hbm>>
      tpu.enqueue_dma source(%dma_start3A_678 : memref<128xi32, #tpu.memory_space<hbm>>) target(%dma_start3A_677 : memref<128xi32, #tpu.memory_space<vmem>>) target_semaphore(%run_scoped3A : memref<!tpu.dma_semaphore, #tpu.memory_space<semaphore_mem>>)
      %dma_wait3A_679 = arith.constant 0 : i32
      %dma_wait3A_680 = tpu.memref_slice %arg9[%dma_wait3A_679] : memref<1408xi32, #tpu.memory_space<vmem>> -> memref<128xi32, #tpu.memory_space<vmem>>
      %dma_wait3A_681 = tpu.memref_slice %arg2[%mul3A_2] : memref<4096xi32, #tpu.memory_space<hbm>> -> memref<128xi32, #tpu.memory_space<hbm>>
      %dma_wait3A_682 = arith.constant 0 : i32
      %dma_wait3A_683 = tpu.memref_slice %arg9[%dma_wait3A_682] : memref<1408xi32, #tpu.memory_space<vmem>> -> memref<128xi32, #tpu.memory_space<vmem>>
      %dma_wait3A_684 = tpu.memref_slice %arg2[%mul3A_2] : memref<4096xi32, #tpu.memory_space<hbm>> -> memref<128xi32, #tpu.memory_space<hbm>>
      tpu.wait_dma2 semaphore(%run_scoped3A : memref<!tpu.dma_semaphore, #tpu.memory_space<semaphore_mem>>) src(%dma_wait3A_684 : memref<128xi32, #tpu.memory_space<hbm>>) dst(%dma_wait3A_683 : memref<128xi32, #tpu.memory_space<vmem>>)
      tpu.yield
    }) : () -> ()
    %max3A = arith.constant -4 : i32
    %max3A_3 = arith.constant 0 : i32
    %max3A_4 = arith.maxsi %max3A, %max3A_3 : i32
    %jit3A = arith.constant 4 : i32
    %div3A = arith.divsi %max3A_4, %jit3A : i32
    %sign3A = arith.constant 0 : i32
    %sign3A_5 = arith.cmpi sgt, %max3A_4, %sign3A : i32
    %sign3A_6 = arith.extui %sign3A_5 : i1 to i32
    %sign3A_7 = arith.constant 0 : i32
    %sign3A_8 = arith.cmpi slt, %max3A_4, %sign3A_7 : i32
    %sign3A_9 = arith.extui %sign3A_8 : i1 to i32
    %sign3A_10 = arith.subi %sign3A_6, %sign3A_9 : i32
    %sign3A_11 = arith.constant 0 : i32
    %sign3A_12 = arith.cmpi sgt, %jit3A, %sign3A_11 : i32
    %sign3A_13 = arith.extui %sign3A_12 : i1 to i32
    %sign3A_14 = arith.constant 0 : i32
    %sign3A_15 = arith.cmpi slt, %jit3A, %sign3A_14 : i32
    %sign3A_16 = arith.extui %sign3A_15 : i1 to i32
    %sign3A_17 = arith.subi %sign3A_13, %sign3A_16 : i32
    %ne3A = arith.cmpi ne, %sign3A_10, %sign3A_17 : i32
    %rem3A = arith.remsi %max3A_4, %jit3A : i32
    %ne3A_18 = arith.constant 0 : i32
    %ne3A_19 = arith.cmpi ne, %rem3A, %ne3A_18 : i32
    %and3A = arith.andi %ne3A, %ne3A_19 : i1
    %sub3A = arith.constant 1 : i32
    %sub3A_20 = arith.subi %div3A, %sub3A : i32
    %select_n3A = arith.select %and3A, %sub3A_20, %div3A : i32
    %mul3A_21 = arith.constant 4 : i32
    %mul3A_22 = arith.muli %select_n3A, %mul3A_21 : i32
    %sub3A_23 = arith.subi %max3A_4, %mul3A_22 : i32
    %mul3A_24 = arith.constant 128 : i32
    %mul3A_25 = arith.muli %select_n3A, %mul3A_24 : i32
    %add3A_26 = arith.constant 128 : i32
    %add3A_27 = arith.addi %add3A_26, %mul3A_25 : i32
    %mul3A_28 = arith.constant 32 : i32
    %mul3A_29 = arith.muli %sub3A_23, %mul3A_28 : i32
    %add3A_30 = arith.addi %add3A_27, %mul3A_29 : i32
    %jit3A_31 = arith.constant true
    %jit3A_32 = arith.constant 0 : i32
    %select_n3A_33 = arith.select %jit3A_31, %jit3A_32, %add3A_30 : i32
    %add3A_34 = arith.constant 0 : i32
    %add3A_35 = arith.addi %select_n3A_33, %add3A_34 : i32
    %get3A = arith.index_cast %add3A_35 : i32 to index
    %get3A_36 = tpu.vector_load %arg9[%get3A] {strides = array<i32>} : memref<1408xi32, #tpu.memory_space<vmem>>, vector<16xi32>,
    %get3A_37 = vector.shape_cast %get3A_36 : vector<16xi32> to vector<16xi32>
    %add3A_38 = arith.constant 0 : i32
    %add3A_39 = vector.broadcast %add3A_38 : i32 to vector<16xi32>
    %add3A_40 = arith.addi %get3A_37, %add3A_39 : vector<16xi32>
    %swap3A = arith.constant 0 : index
    %swap3A_41 = tpu.vector_load %arg10[%swap3A] {strides = array<i32>} : memref<320xi32, #tpu.memory_space<vmem>>, vector<16xi32>,
    %swap3A_42 = vector.shape_cast %swap3A_41 : vector<16xi32> to vector<16xi32>
    %swap3A_43 = vector.shape_cast %add3A_40 : vector<16xi32> to vector<16xi32>
    tpu.vector_store %arg10[%swap3A], %swap3A_43 {strides = array<i32>} : memref<320xi32, #tpu.memory_space<vmem>>, vector<16xi32>,
    %add3A_44 = arith.constant 16 : i32
    %add3A_45 = arith.addi %select_n3A_33, %add3A_44 : i32
    %get3A_46 = arith.index_cast %add3A_45 : i32 to index
    %get3A_47 = tpu.vector_load %arg9[%get3A_46] {strides = array<i32>} : memref<1408xi32, #tpu.memory_space<vmem>>, vector<16xi32>,
    %get3A_48 = vector.shape_cast %get3A_47 : vector<16xi32> to vector<16xi32>
    %add3A_49 = arith.constant 0 : i32
    %add3A_50 = vector.broadcast %add3A_49 : i32 to vector<16xi32>
    %add3A_51 = arith.addi %get3A_48, %add3A_50 : vector<16xi32>
    %swap3A_52 = arith.constant 16 : index
    %swap3A_53 = tpu.vector_load %arg10[%swap3A_52] {strides = array<i32>} : memref<320xi32, #tpu.memory_space<vmem>>, vector<16xi32>,
    %swap3A_54 = vector.shape_cast %swap3A_53 : vector<16xi32> to vector<16xi32>
    %swap3A_55 = vector.shape_cast %add3A_51 : vector<16xi32> to vector<16xi32>
    tpu.vector_store %arg10[%swap3A_52], %swap3A_55 {strides = array<i32>} : memref<320xi32, #tpu.memory_space<vmem>>, vector<16xi32>,
    %add3A_56 = arith.constant 0 : i32
    %add3A_57 = arith.addi %select_n3A_33, %add3A_56 : i32
    %get3A_58 = arith.index_cast %add3A_57 : i32 to index
    %get3A_59 = tpu.vector_load %arg9[%get3A_58] {strides = array<i32>} : memref<1408xi32, #tpu.memory_space<vmem>>, vector<16xi32>,
    %get3A_60 = vector.shape_cast %get3A_59 : vector<16xi32> to vector<16xi32>
    %add3A_61 = arith.constant 100000 : i32
    %add3A_62 = vector.broadcast %add3A_61 : i32 to vector<16xi32>
    %add3A_63 = arith.addi %get3A_60, %add3A_62 : vector<16xi32>
    %swap3A_64 = arith.constant 32 : index
    %swap3A_65 = tpu.vector_load %arg10[%swap3A_64] {strides = array<i32>} : memref<320xi32, #tpu.memory_space<vmem>>, vector<16xi32>,
    %swap3A_66 = vector.shape_cast %swap3A_65 : vector<16xi32> to vector<16xi32>
    %swap3A_67 = vector.shape_cast %add3A_63 : vector<16xi32> to vector<16xi32>
    tpu.vector_store %arg10[%swap3A_64], %swap3A_67 {strides = array<i32>} : memref<320xi32, #tpu.memory_space<vmem>>, vector<16xi32>,
    %add3A_68 = arith.constant 16 : i32
    %add3A_69 = arith.addi %select_n3A_33, %add3A_68 : i32
    %get3A_70 = arith.index_cast %add3A_69 : i32 to index
    %get3A_71 = tpu.vector_load %arg9[%get3A_70] {strides = array<i32>} : memref<1408xi32, #tpu.memory_space<vmem>>, vector<16xi32>,
    %get3A_72 = vector.shape_cast %get3A_71 : vector<16xi32> to vector<16xi32>
    %add3A_73 = arith.constant 100000 : i32
    %add3A_74 = vector.broadcast %add3A_73 : i32 to vector<16xi32>
    %add3A_75 = arith.addi %get3A_72, %add3A_74 : vector<16xi32>
    %swap3A_76 = arith.constant 48 : index
    %swap3A_77 = tpu.vector_load %arg10[%swap3A_76] {strides = array<i32>} : memref<320xi32, #tpu.memory_space<vmem>>, vector<16xi32>,
    %swap3A_78 = vector.shape_cast %swap3A_77 : vector<16xi32> to vector<16xi32>
    %swap3A_79 = vector.shape_cast %add3A_75 : vector<16xi32> to vector<16xi32>
    tpu.vector_store %arg10[%swap3A_76], %swap3A_79 {strides = array<i32>} : memref<320xi32, #tpu.memory_space<vmem>>, vector<16xi32>,
    %add3A_80 = arith.constant 0 : i32
    %add3A_81 = arith.addi %select_n3A_33, %add3A_80 : i32
    %get3A_82 = arith.index_cast %add3A_81 : i32 to index
    %get3A_83 = tpu.vector_load %arg9[%get3A_82] {strides = array<i32>} : memref<1408xi32, #tpu.memory_space<vmem>>, vector<16xi32>,
    %get3A_84 = vector.shape_cast %get3A_83 : vector<16xi32> to vector<16xi32>
    %add3A_85 = arith.constant 200000 : i32
    %add3A_86 = vector.broadcast %add3A_85 : i32 to vector<16xi32>
    %add3A_87 = arith.addi %get3A_84, %add3A_86 : vector<16xi32>
    %swap3A_88 = arith.constant 64 : index
    %swap3A_89 = tpu.vector_load %arg10[%swap3A_88] {strides = array<i32>} : memref<320xi32, #tpu.memory_space<vmem>>, vector<16xi32>,
    %swap3A_90 = vector.shape_cast %swap3A_89 : vector<16xi32> to vector<16xi32>
    %swap3A_91 = vector.shape_cast %add3A_87 : vector<16xi32> to vector<16xi32>
    tpu.vector_store %arg10[%swap3A_88], %swap3A_91 {strides = array<i32>} : memref<320xi32, #tpu.memory_space<vmem>>, vector<16xi32>,
    %add3A_92 = arith.constant 16 : i32
    %add3A_93 = arith.addi %select_n3A_33, %add3A_92 : i32
    %get3A_94 = arith.index_cast %add3A_93 : i32 to index
    %get3A_95 = tpu.vector_load %arg9[%get3A_94] {strides = array<i32>} : memref<1408xi32, #tpu.memory_space<vmem>>, vector<16xi32>,
    %get3A_96 = vector.shape_cast %get3A_95 : vector<16xi32> to vector<16xi32>
    %add3A_97 = arith.constant 200000 : i32
    %add3A_98 = vector.broadcast %add3A_97 : i32 to vector<16xi32>
    %add3A_99 = arith.addi %get3A_96, %add3A_98 : vector<16xi32>
    %swap3A_100 = arith.constant 80 : index
    %swap3A_101 = tpu.vector_load %arg10[%swap3A_100] {strides = array<i32>} : memref<320xi32, #tpu.memory_space<vmem>>, vector<16xi32>,
    %swap3A_102 = vector.shape_cast %swap3A_101 : vector<16xi32> to vector<16xi32>
    %swap3A_103 = vector.shape_cast %add3A_99 : vector<16xi32> to vector<16xi32>
    tpu.vector_store %arg10[%swap3A_100], %swap3A_103 {strides = array<i32>} : memref<320xi32, #tpu.memory_space<vmem>>, vector<16xi32>,
    %add3A_104 = arith.constant 0 : i32
    %add3A_105 = arith.addi %select_n3A_33, %add3A_104 : i32
    %get3A_106 = arith.index_cast %add3A_105 : i32 to index
    %get3A_107 = tpu.vector_load %arg9[%get3A_106] {strides = array<i32>} : memref<1408xi32, #tpu.memory_space<vmem>>, vector<16xi32>,
    %get3A_108 = vector.shape_cast %get3A_107 : vector<16xi32> to vector<16xi32>
    %add3A_109 = arith.constant 300000 : i32
    %add3A_110 = vector.broadcast %add3A_109 : i32 to vector<16xi32>
    %add3A_111 = arith.addi %get3A_108, %add3A_110 : vector<16xi32>
    %swap3A_112 = arith.constant 96 : index
    %swap3A_113 = tpu.vector_load %arg10[%swap3A_112] {strides = array<i32>} : memref<320xi32, #tpu.memory_space<vmem>>, vector<16xi32>,
    %swap3A_114 = vector.shape_cast %swap3A_113 : vector<16xi32> to vector<16xi32>
    %swap3A_115 = vector.shape_cast %add3A_111 : vector<16xi32> to vector<16xi32>
    tpu.vector_store %arg10[%swap3A_112], %swap3A_115 {strides = array<i32>} : memref<320xi32, #tpu.memory_space<vmem>>, vector<16xi32>,
    %add3A_116 = arith.constant 16 : i32
    %add3A_117 = arith.addi %select_n3A_33, %add3A_116 : i32
    %get3A_118 = arith.index_cast %add3A_117 : i32 to index
    %get3A_119 = tpu.vector_load %arg9[%get3A_118] {strides = array<i32>} : memref<1408xi32, #tpu.memory_space<vmem>>, vector<16xi32>,
    %get3A_120 = vector.shape_cast %get3A_119 : vector<16xi32> to vector<16xi32>
    %add3A_121 = arith.constant 300000 : i32
    %add3A_122 = vector.broadcast %add3A_121 : i32 to vector<16xi32>
    %add3A_123 = arith.addi %get3A_120, %add3A_122 : vector<16xi32>
    %swap3A_124 = arith.constant 112 : index
    %swap3A_125 = tpu.vector_load %arg10[%swap3A_124] {strides = array<i32>} : memref<320xi32, #tpu.memory_space<vmem>>, vector<16xi32>,
    %swap3A_126 = vector.shape_cast %swap3A_125 : vector<16xi32> to vector<16xi32>
    %swap3A_127 = vector.shape_cast %add3A_123 : vector<16xi32> to vector<16xi32>
    tpu.vector_store %arg10[%swap3A_124], %swap3A_127 {strides = array<i32>} : memref<320xi32, #tpu.memory_space<vmem>>, vector<16xi32>,
    %add3A_128 = arith.constant 0 : i32
    %add3A_129 = arith.addi %select_n3A_33, %add3A_128 : i32
    %get3A_130 = arith.index_cast %add3A_129 : i32 to index
    %get3A_131 = tpu.vector_load %arg9[%get3A_130] {strides = array<i32>} : memref<1408xi32, #tpu.memory_space<vmem>>, vector<16xi32>,
    %get3A_132 = vector.shape_cast %get3A_131 : vector<16xi32> to vector<16xi32>
    %add3A_133 = arith.constant 400000 : i32
    %add3A_134 = vector.broadcast %add3A_133 : i32 to vector<16xi32>
    %add3A_135 = arith.addi %get3A_132, %add3A_134 : vector<16xi32>
    %swap3A_136 = arith.constant 128 : index
    %swap3A_137 = tpu.vector_load %arg10[%swap3A_136] {strides = array<i32>} : memref<320xi32, #tpu.memory_space<vmem>>, vector<16xi32>,
    %swap3A_138 = vector.shape_cast %swap3A_137 : vector<16xi32> to vector<16xi32>
    %swap3A_139 = vector.shape_cast %add3A_135 : vector<16xi32> to vector<16xi32>
    tpu.vector_store %arg10[%swap3A_136], %swap3A_139 {strides = array<i32>} : memref<320xi32, #tpu.memory_space<vmem>>, vector<16xi32>,
    %add3A_140 = arith.constant 16 : i32
    %add3A_141 = arith.addi %select_n3A_33, %add3A_140 : i32
    %get3A_142 = arith.index_cast %add3A_141 : i32 to index
    %get3A_143 = tpu.vector_load %arg9[%get3A_142] {strides = array<i32>} : memref<1408xi32, #tpu.memory_space<vmem>>, vector<16xi32>,
    %get3A_144 = vector.shape_cast %get3A_143 : vector<16xi32> to vector<16xi32>
    %add3A_145 = arith.constant 400000 : i32
    %add3A_146 = vector.broadcast %add3A_145 : i32 to vector<16xi32>
    %add3A_147 = arith.addi %get3A_144, %add3A_146 : vector<16xi32>
    %swap3A_148 = arith.constant 144 : index
    %swap3A_149 = tpu.vector_load %arg10[%swap3A_148] {strides = array<i32>} : memref<320xi32, #tpu.memory_space<vmem>>, vector<16xi32>,
    %swap3A_150 = vector.shape_cast %swap3A_149 : vector<16xi32> to vector<16xi32>
    %swap3A_151 = vector.shape_cast %add3A_147 : vector<16xi32> to vector<16xi32>
    tpu.vector_store %arg10[%swap3A_148], %swap3A_151 {strides = array<i32>} : memref<320xi32, #tpu.memory_space<vmem>>, vector<16xi32>,
    %add3A_152 = arith.constant 0 : i32
    %add3A_153 = arith.addi %select_n3A_33, %add3A_152 : i32
    %get3A_154 = arith.index_cast %add3A_153 : i32 to index
    %get3A_155 = tpu.vector_load %arg9[%get3A_154] {strides = array<i32>} : memref<1408xi32, #tpu.memory_space<vmem>>, vector<16xi32>,
    %get3A_156 = vector.shape_cast %get3A_155 : vector<16xi32> to vector<16xi32>
    %add3A_157 = arith.constant 500000 : i32
    %add3A_158 = vector.broadcast %add3A_157 : i32 to vector<16xi32>
    %add3A_159 = arith.addi %get3A_156, %add3A_158 : vector<16xi32>
    %swap3A_160 = arith.constant 160 : index
    %swap3A_161 = tpu.vector_load %arg10[%swap3A_160] {strides = array<i32>} : memref<320xi32, #tpu.memory_space<vmem>>, vector<16xi32>,
    %swap3A_162 = vector.shape_cast %swap3A_161 : vector<16xi32> to vector<16xi32>
    %swap3A_163 = vector.shape_cast %add3A_159 : vector<16xi32> to vector<16xi32>
    tpu.vector_store %arg10[%swap3A_160], %swap3A_163 {strides = array<i32>} : memref<320xi32, #tpu.memory_space<vmem>>, vector<16xi32>,
    %add3A_164 = arith.constant 16 : i32
    %add3A_165 = arith.addi %select_n3A_33, %add3A_164 : i32
    %get3A_166 = arith.index_cast %add3A_165 : i32 to index
    %get3A_167 = tpu.vector_load %arg9[%get3A_166] {strides = array<i32>} : memref<1408xi32, #tpu.memory_space<vmem>>, vector<16xi32>,
    %get3A_168 = vector.shape_cast %get3A_167 : vector<16xi32> to vector<16xi32>
    %add3A_169 = arith.constant 500000 : i32
    %add3A_170 = vector.broadcast %add3A_169 : i32 to vector<16xi32>
    %add3A_171 = arith.addi %get3A_168, %add3A_170 : vector<16xi32>
    %swap3A_172 = arith.constant 176 : index
    %swap3A_173 = tpu.vector_load %arg10[%swap3A_172] {strides = array<i32>} : memref<320xi32, #tpu.memory_space<vmem>>, vector<16xi32>,
    %swap3A_174 = vector.shape_cast %swap3A_173 : vector<16xi32> to vector<16xi32>
    %swap3A_175 = vector.shape_cast %add3A_171 : vector<16xi32> to vector<16xi32>
    tpu.vector_store %arg10[%swap3A_172], %swap3A_175 {strides = array<i32>} : memref<320xi32, #tpu.memory_space<vmem>>, vector<16xi32>,
    %add3A_176 = arith.constant 0 : i32
    %add3A_177 = arith.addi %select_n3A_33, %add3A_176 : i32
    %get3A_178 = arith.index_cast %add3A_177 : i32 to index
    %get3A_179 = tpu.vector_load %arg9[%get3A_178] {strides = array<i32>} : memref<1408xi32, #tpu.memory_space<vmem>>, vector<16xi32>,
    %get3A_180 = vector.shape_cast %get3A_179 : vector<16xi32> to vector<16xi32>
    %add3A_181 = arith.constant 600000 : i32
    %add3A_182 = vector.broadcast %add3A_181 : i32 to vector<16xi32>
    %add3A_183 = arith.addi %get3A_180, %add3A_182 : vector<16xi32>
    %swap3A_184 = arith.constant 192 : index
    %swap3A_185 = tpu.vector_load %arg10[%swap3A_184] {strides = array<i32>} : memref<320xi32, #tpu.memory_space<vmem>>, vector<16xi32>,
    %swap3A_186 = vector.shape_cast %swap3A_185 : vector<16xi32> to vector<16xi32>
    %swap3A_187 = vector.shape_cast %add3A_183 : vector<16xi32> to vector<16xi32>
    tpu.vector_store %arg10[%swap3A_184], %swap3A_187 {strides = array<i32>} : memref<320xi32, #tpu.memory_space<vmem>>, vector<16xi32>,
    %add3A_188 = arith.constant 16 : i32
    %add3A_189 = arith.addi %select_n3A_33, %add3A_188 : i32
    %get3A_190 = arith.index_cast %add3A_189 : i32 to index
    %get3A_191 = tpu.vector_load %arg9[%get3A_190] {strides = array<i32>} : memref<1408xi32, #tpu.memory_space<vmem>>, vector<16xi32>,
    %get3A_192 = vector.shape_cast %get3A_191 : vector<16xi32> to vector<16xi32>
    %add3A_193 = arith.constant 600000 : i32
    %add3A_194 = vector.broadcast %add3A_193 : i32 to vector<16xi32>
    %add3A_195 = arith.addi %get3A_192, %add3A_194 : vector<16xi32>
    %swap3A_196 = arith.constant 208 : index
    %swap3A_197 = tpu.vector_load %arg10[%swap3A_196] {strides = array<i32>} : memref<320xi32, #tpu.memory_space<vmem>>, vector<16xi32>,
    %swap3A_198 = vector.shape_cast %swap3A_197 : vector<16xi32> to vector<16xi32>
    %swap3A_199 = vector.shape_cast %add3A_195 : vector<16xi32> to vector<16xi32>
    tpu.vector_store %arg10[%swap3A_196], %swap3A_199 {strides = array<i32>} : memref<320xi32, #tpu.memory_space<vmem>>, vector<16xi32>,
    %add3A_200 = arith.constant 0 : i32
    %add3A_201 = arith.addi %select_n3A_33, %add3A_200 : i32
    %get3A_202 = arith.index_cast %add3A_201 : i32 to index
    %get3A_203 = tpu.vector_load %arg9[%get3A_202] {strides = array<i32>} : memref<1408xi32, #tpu.memory_space<vmem>>, vector<16xi32>,
    %get3A_204 = vector.shape_cast %get3A_203 : vector<16xi32> to vector<16xi32>
    %add3A_205 = arith.constant 700000 : i32
    %add3A_206 = vector.broadcast %add3A_205 : i32 to vector<16xi32>
    %add3A_207 = arith.addi %get3A_204, %add3A_206 : vector<16xi32>
    %swap3A_208 = arith.constant 224 : index
    %swap3A_209 = tpu.vector_load %arg10[%swap3A_208] {strides = array<i32>} : memref<320xi32, #tpu.memory_space<vmem>>, vector<16xi32>,
    %swap3A_210 = vector.shape_cast %swap3A_209 : vector<16xi32> to vector<16xi32>
    %swap3A_211 = vector.shape_cast %add3A_207 : vector<16xi32> to vector<16xi32>
    tpu.vector_store %arg10[%swap3A_208], %swap3A_211 {strides = array<i32>} : memref<320xi32, #tpu.memory_space<vmem>>, vector<16xi32>,
    %add3A_212 = arith.constant 16 : i32
    %add3A_213 = arith.addi %select_n3A_33, %add3A_212 : i32
    %get3A_214 = arith.index_cast %add3A_213 : i32 to index
    %get3A_215 = tpu.vector_load %arg9[%get3A_214] {strides = array<i32>} : memref<1408xi32, #tpu.memory_space<vmem>>, vector<16xi32>,
    %get3A_216 = vector.shape_cast %get3A_215 : vector<16xi32> to vector<16xi32>
    %add3A_217 = arith.constant 700000 : i32
    %add3A_218 = vector.broadcast %add3A_217 : i32 to vector<16xi32>
    %add3A_219 = arith.addi %get3A_216, %add3A_218 : vector<16xi32>
    %swap3A_220 = arith.constant 240 : index
    %swap3A_221 = tpu.vector_load %arg10[%swap3A_220] {strides = array<i32>} : memref<320xi32, #tpu.memory_space<vmem>>, vector<16xi32>,
    %swap3A_222 = vector.shape_cast %swap3A_221 : vector<16xi32> to vector<16xi32>
    %swap3A_223 = vector.shape_cast %add3A_219 : vector<16xi32> to vector<16xi32>
    tpu.vector_store %arg10[%swap3A_220], %swap3A_223 {strides = array<i32>} : memref<320xi32, #tpu.memory_space<vmem>>, vector<16xi32>,
    %add3A_224 = arith.constant 0 : i32
    %add3A_225 = arith.addi %select_n3A_33, %add3A_224 : i32
    %get3A_226 = arith.index_cast %add3A_225 : i32 to index
    %get3A_227 = tpu.vector_load %arg9[%get3A_226] {strides = array<i32>} : memref<1408xi32, #tpu.memory_space<vmem>>, vector<16xi32>,
    %get3A_228 = vector.shape_cast %get3A_227 : vector<16xi32> to vector<16xi32>
    %add3A_229 = arith.constant 800000 : i32
    %add3A_230 = vector.broadcast %add3A_229 : i32 to vector<16xi32>
    %add3A_231 = arith.addi %get3A_228, %add3A_230 : vector<16xi32>
    %swap3A_232 = arith.constant 256 : index
    %swap3A_233 = tpu.vector_load %arg10[%swap3A_232] {strides = array<i32>} : memref<320xi32, #tpu.memory_space<vmem>>, vector<16xi32>,
    %swap3A_234 = vector.shape_cast %swap3A_233 : vector<16xi32> to vector<16xi32>
    %swap3A_235 = vector.shape_cast %add3A_231 : vector<16xi32> to vector<16xi32>
    tpu.vector_store %arg10[%swap3A_232], %swap3A_235 {strides = array<i32>} : memref<320xi32, #tpu.memory_space<vmem>>, vector<16xi32>,
    %add3A_236 = arith.constant 16 : i32
    %add3A_237 = arith.addi %select_n3A_33, %add3A_236 : i32
    %get3A_238 = arith.index_cast %add3A_237 : i32 to index
    %get3A_239 = tpu.vector_load %arg9[%get3A_238] {strides = array<i32>} : memref<1408xi32, #tpu.memory_space<vmem>>, vector<16xi32>,
    %get3A_240 = vector.shape_cast %get3A_239 : vector<16xi32> to vector<16xi32>
    %add3A_241 = arith.constant 800000 : i32
    %add3A_242 = vector.broadcast %add3A_241 : i32 to vector<16xi32>
    %add3A_243 = arith.addi %get3A_240, %add3A_242 : vector<16xi32>
    %swap3A_244 = arith.constant 272 : index
    %swap3A_245 = tpu.vector_load %arg10[%swap3A_244] {strides = array<i32>} : memref<320xi32, #tpu.memory_space<vmem>>, vector<16xi32>,
    %swap3A_246 = vector.shape_cast %swap3A_245 : vector<16xi32> to vector<16xi32>
    %swap3A_247 = vector.shape_cast %add3A_243 : vector<16xi32> to vector<16xi32>
    tpu.vector_store %arg10[%swap3A_244], %swap3A_247 {strides = array<i32>} : memref<320xi32, #tpu.memory_space<vmem>>, vector<16xi32>,
    %add3A_248 = arith.constant 0 : i32
    %add3A_249 = arith.addi %select_n3A_33, %add3A_248 : i32
    %get3A_250 = arith.index_cast %add3A_249 : i32 to index
    %get3A_251 = tpu.vector_load %arg9[%get3A_250] {strides = array<i32>} : memref<1408xi32, #tpu.memory_space<vmem>>, vector<16xi32>,
    %get3A_252 = vector.shape_cast %get3A_251 : vector<16xi32> to vector<16xi32>
    %add3A_253 = arith.constant 900000 : i32
    %add3A_254 = vector.broadcast %add3A_253 : i32 to vector<16xi32>
    %add3A_255 = arith.addi %get3A_252, %add3A_254 : vector<16xi32>
    %swap3A_256 = arith.constant 288 : index
    %swap3A_257 = tpu.vector_load %arg10[%swap3A_256] {strides = array<i32>} : memref<320xi32, #tpu.memory_space<vmem>>, vector<16xi32>,
    %swap3A_258 = vector.shape_cast %swap3A_257 : vector<16xi32> to vector<16xi32>
    %swap3A_259 = vector.shape_cast %add3A_255 : vector<16xi32> to vector<16xi32>
    tpu.vector_store %arg10[%swap3A_256], %swap3A_259 {strides = array<i32>} : memref<320xi32, #tpu.memory_space<vmem>>, vector<16xi32>,
    %add3A_260 = arith.constant 16 : i32
    %add3A_261 = arith.addi %select_n3A_33, %add3A_260 : i32
    %get3A_262 = arith.index_cast %add3A_261 : i32 to index
    %get3A_263 = tpu.vector_load %arg9[%get3A_262] {strides = array<i32>} : memref<1408xi32, #tpu.memory_space<vmem>>, vector<16xi32>,
    %get3A_264 = vector.shape_cast %get3A_263 : vector<16xi32> to vector<16xi32>
    %add3A_265 = arith.constant 900000 : i32
    %add3A_266 = vector.broadcast %add3A_265 : i32 to vector<16xi32>
    %add3A_267 = arith.addi %get3A_264, %add3A_266 : vector<16xi32>
    %swap3A_268 = arith.constant 304 : index
    %swap3A_269 = tpu.vector_load %arg10[%swap3A_268] {strides = array<i32>} : memref<320xi32, #tpu.memory_space<vmem>>, vector<16xi32>,
    %swap3A_270 = vector.shape_cast %swap3A_269 : vector<16xi32> to vector<16xi32>
    %swap3A_271 = vector.shape_cast %add3A_267 : vector<16xi32> to vector<16xi32>
    tpu.vector_store %arg10[%swap3A_268], %swap3A_271 {strides = array<i32>} : memref<320xi32, #tpu.memory_space<vmem>>, vector<16xi32>,
    %dma_start3A = arith.constant 0 : i32
    %dma_start3A_272 = tpu.memref_slice %arg4[%dma_start3A] : memref<1000000xi32, #tpu.memory_space<hbm>> -> memref<1000000xi32, #tpu.memory_space<hbm>>
    tpu.enqueue_indirect_dma source(%dma_start3A_272 : memref<1000000xi32, #tpu.memory_space<hbm>>) target(%arg12 : memref<320xi32, #tpu.memory_space<vmem>>) offsets(%arg10 : memref<320xi32, #tpu.memory_space<vmem>>) semaphore(%arg18 : memref<!tpu.dma_semaphore, #tpu.memory_space<semaphore_mem>>)
    %dma_wait3A = arith.constant 0 : i32
    %dma_wait3A_273 = tpu.memref_slice %arg4[%dma_wait3A] : memref<1000000xi32, #tpu.memory_space<hbm>> -> memref<320xi32, #tpu.memory_space<hbm>>
    %dma_wait3A_274 = arith.constant 0 : i32
    %dma_wait3A_275 = tpu.memref_slice %arg4[%dma_wait3A_274] : memref<1000000xi32, #tpu.memory_space<hbm>> -> memref<320xi32, #tpu.memory_space<hbm>>
    tpu.wait_dma2 semaphore(%arg18 : memref<!tpu.dma_semaphore, #tpu.memory_space<semaphore_mem>>) src(%dma_wait3A_275 : memref<320xi32, #tpu.memory_space<hbm>>) dst(%arg12 : memref<320xi32, #tpu.memory_space<vmem>>)
    %ge3A = arith.constant 0 : i32
    %ge3A_276 = arith.constant 2 : i32
    %ge3A_277 = arith.cmpi sge, %ge3A, %ge3A_276 : i32
    %convert_element_type3A = arith.extui %ge3A_277 : i1 to i32
    %cond3A = arith.constant 0 : i32
    %cond3A_278 = arith.cmpi ne, %convert_element_type3A, %cond3A : i32
    scf.if %cond3A_278 {
      %dma_wait3A_673 = arith.constant 0 : i32
      %dma_wait3A_674 = arith.constant 0 : i32
      %dma_wait3A_675 = tpu.memref_slice %arg17[%dma_wait3A_673, %dma_wait3A_674] : memref<64x64xi32, #tpu.memory_space<vmem>> -> memref<32x64xi32, #tpu.memory_space<vmem>>
      %dma_wait3A_676 = arith.constant 0 : i32
      %dma_wait3A_677 = arith.constant 0 : i32
      %dma_wait3A_678 = tpu.memref_slice %arg5[%dma_wait3A_676, %dma_wait3A_677] : memref<4096x64xi32, #tpu.memory_space<hbm>> -> memref<32x64xi32, #tpu.memory_space<hbm>>
      %dma_wait3A_679 = arith.constant 0 : i32
      %dma_wait3A_680 = arith.constant 0 : i32
      %dma_wait3A_681 = tpu.memref_slice %arg5[%dma_wait3A_679, %dma_wait3A_680] : memref<4096x64xi32, #tpu.memory_space<hbm>> -> memref<32x64xi32, #tpu.memory_space<hbm>>
      %dma_wait3A_682 = arith.constant 0 : i32
      %dma_wait3A_683 = arith.constant 0 : i32
      %dma_wait3A_684 = tpu.memref_slice %arg17[%dma_wait3A_682, %dma_wait3A_683] : memref<64x64xi32, #tpu.memory_space<vmem>> -> memref<32x64xi32, #tpu.memory_space<vmem>>
      tpu.wait_dma2 semaphore(%arg21 : memref<!tpu.dma_semaphore, #tpu.memory_space<semaphore_mem>>) src(%dma_wait3A_684 : memref<32x64xi32, #tpu.memory_space<vmem>>) dst(%dma_wait3A_681 : memref<32x64xi32, #tpu.memory_space<hbm>>)
      %dma_wait3A_685 = arith.constant 0 : i32
      %dma_wait3A_686 = arith.constant 0 : i32
      %dma_wait3A_687 = tpu.memref_slice %arg16[%dma_wait3A_685, %dma_wait3A_686] : memref<64x64xi32, #tpu.memory_space<vmem>> -> memref<32x64xi32, #tpu.memory_space<vmem>>
      %dma_wait3A_688 = arith.constant 0 : i32
      %dma_wait3A_689 = arith.constant 0 : i32
      %dma_wait3A_690 = tpu.memref_slice %arg6[%dma_wait3A_688, %dma_wait3A_689] : memref<4096x64xi32, #tpu.memory_space<hbm>> -> memref<32x64xi32, #tpu.memory_space<hbm>>
      %dma_wait3A_691 = arith.constant 0 : i32
      %dma_wait3A_692 = arith.constant 0 : i32
      %dma_wait3A_693 = tpu.memref_slice %arg6[%dma_wait3A_691, %dma_wait3A_692] : memref<4096x64xi32, #tpu.memory_space<hbm>> -> memref<32x64xi32, #tpu.memory_space<hbm>>
      %dma_wait3A_694 = arith.constant 0 : i32
      %dma_wait3A_695 = arith.constant 0 : i32
      %dma_wait3A_696 = tpu.memref_slice %arg16[%dma_wait3A_694, %dma_wait3A_695] : memref<64x64xi32, #tpu.memory_space<vmem>> -> memref<32x64xi32, #tpu.memory_space<vmem>>
      tpu.wait_dma2 semaphore(%arg21 : memref<!tpu.dma_semaphore, #tpu.memory_space<semaphore_mem>>) src(%dma_wait3A_696 : memref<32x64xi32, #tpu.memory_space<vmem>>) dst(%dma_wait3A_693 : memref<32x64xi32, #tpu.memory_space<hbm>>)
    } else {
    }
    %sub3A_279 = arith.constant 0 : i32
    %sub3A_280 = arith.constant 4 : i32
    %sub3A_281 = arith.subi %sub3A_279, %sub3A_280 : i32
    %max3A_282 = arith.constant 0 : i32
    %max3A_283 = arith.maxsi %sub3A_281, %max3A_282 : i32
    %jit3A_284 = arith.constant 4 : i32
    %div3A_285 = arith.divsi %max3A_283, %jit3A_284 : i32
    %sign3A_286 = arith.constant 0 : i32
    %sign3A_287 = arith.cmpi sgt, %max3A_283, %sign3A_286 : i32
    %sign3A_288 = arith.extui %sign3A_287 : i1 to i32
    %sign3A_289 = arith.constant 0 : i32
    %sign3A_290 = arith.cmpi slt, %max3A_283, %sign3A_289 : i32
    %sign3A_291 = arith.extui %sign3A_290 : i1 to i32
    %sign3A_292 = arith.subi %sign3A_288, %sign3A_291 : i32
    %sign3A_293 = arith.constant 0 : i32
    %sign3A_294 = arith.cmpi sgt, %jit3A_284, %sign3A_293 : i32
    %sign3A_295 = arith.extui %sign3A_294 : i1 to i32
    %sign3A_296 = arith.constant 0 : i32
    %sign3A_297 = arith.cmpi slt, %jit3A_284, %sign3A_296 : i32
    %sign3A_298 = arith.extui %sign3A_297 : i1 to i32
    %sign3A_299 = arith.subi %sign3A_295, %sign3A_298 : i32
    %ne3A_300 = arith.cmpi ne, %sign3A_292, %sign3A_299 : i32
    %rem3A_301 = arith.remsi %max3A_283, %jit3A_284 : i32
    %ne3A_302 = arith.constant 0 : i32
    %ne3A_303 = arith.cmpi ne, %rem3A_301, %ne3A_302 : i32
    %and3A_304 = arith.andi %ne3A_300, %ne3A_303 : i1
    %sub3A_305 = arith.constant 1 : i32
    %sub3A_306 = arith.subi %div3A_285, %sub3A_305 : i32
    %select_n3A_307 = arith.select %and3A_304, %sub3A_306, %div3A_285 : i32
    %mul3A_308 = arith.constant 4 : i32
    %mul3A_309 = arith.muli %select_n3A_307, %mul3A_308 : i32
    %sub3A_310 = arith.subi %max3A_283, %mul3A_309 : i32
    %lt3A = arith.constant 0 : i32
    %lt3A_311 = arith.constant 4 : i32
    %lt3A_312 = arith.cmpi slt, %lt3A, %lt3A_311 : i32
    %mul3A_313 = arith.constant 0 : i32
    %mul3A_314 = arith.constant 32 : i32
    %mul3A_315 = arith.muli %mul3A_313, %mul3A_314 : i32
    %mul3A_316 = arith.constant 128 : i32
    %mul3A_317 = arith.muli %select_n3A_307, %mul3A_316 : i32
    %add3A_318 = arith.constant 128 : i32
    %add3A_319 = arith.addi %add3A_318, %mul3A_317 : i32
    %mul3A_320 = arith.constant 32 : i32
    %mul3A_321 = arith.muli %sub3A_310, %mul3A_320 : i32
    %add3A_322 = arith.addi %add3A_319, %mul3A_321 : i32
    %select_n3A_323 = arith.select %lt3A_312, %mul3A_315, %add3A_322 : i32
    %dma_start3A_324 = arith.constant 0 : i32
    %dma_start3A_325 = arith.constant 0 : i32
    %dma_start3A_326 = tpu.memref_slice %arg14[%dma_start3A_324, %dma_start3A_325] : memref<64x128xf32, #tpu.memory_space<vmem>> -> memref<32x128xf32, #tpu.memory_space<vmem>>
    %dma_start3A_327 = tpu.memref_slice %arg9[%select_n3A_323] : memref<1408xi32, #tpu.memory_space<vmem>> -> memref<32xi32, #tpu.memory_space<vmem>>
    %dma_start3A_328 = arith.constant 0 : i32
    %dma_start3A_329 = arith.constant 0 : i32
    %dma_start3A_330 = tpu.memref_slice %arg3[%dma_start3A_328, %dma_start3A_329] : memref<100000x128xf32, #tpu.memory_space<hbm>> -> memref<100000x128xf32, #tpu.memory_space<hbm>>
    tpu.enqueue_indirect_dma source(%dma_start3A_330 : memref<100000x128xf32, #tpu.memory_space<hbm>>) target(%dma_start3A_326 : memref<32x128xf32, #tpu.memory_space<vmem>>) offsets(%dma_start3A_327 : memref<32xi32, #tpu.memory_space<vmem>>) semaphore(%arg19 : memref<!tpu.dma_semaphore, #tpu.memory_space<semaphore_mem>>)
    %dma_start3A_331 = arith.constant 0 : i32
    %dma_start3A_332 = arith.constant 0 : i32
    %dma_start3A_333 = tpu.memref_slice %arg15[%dma_start3A_331, %dma_start3A_332] : memref<640x128xf32, #tpu.memory_space<vmem>> -> memref<320x128xf32, #tpu.memory_space<vmem>>
    %dma_start3A_334 = arith.constant 0 : i32
    %dma_start3A_335 = arith.constant 0 : i32
    %dma_start3A_336 = tpu.memref_slice %arg3[%dma_start3A_334, %dma_start3A_335] : memref<100000x128xf32, #tpu.memory_space<hbm>> -> memref<100000x128xf32, #tpu.memory_space<hbm>>
    tpu.enqueue_indirect_dma source(%dma_start3A_336 : memref<100000x128xf32, #tpu.memory_space<hbm>>) target(%dma_start3A_333 : memref<320x128xf32, #tpu.memory_space<vmem>>) offsets(%arg12 : memref<320xi32, #tpu.memory_space<vmem>>) semaphore(%arg19 : memref<!tpu.dma_semaphore, #tpu.memory_space<semaphore_mem>>)
    %max3A_337 = arith.constant -3 : i32
    %max3A_338 = arith.constant 0 : i32
    %max3A_339 = arith.maxsi %max3A_337, %max3A_338 : i32
    %jit3A_340 = arith.constant 4 : i32
    %div3A_341 = arith.divsi %max3A_339, %jit3A_340 : i32
    %sign3A_342 = arith.constant 0 : i32
    %sign3A_343 = arith.cmpi sgt, %max3A_339, %sign3A_342 : i32
    %sign3A_344 = arith.extui %sign3A_343 : i1 to i32
    %sign3A_345 = arith.constant 0 : i32
    %sign3A_346 = arith.cmpi slt, %max3A_339, %sign3A_345 : i32
    %sign3A_347 = arith.extui %sign3A_346 : i1 to i32
    %sign3A_348 = arith.subi %sign3A_344, %sign3A_347 : i32
    %sign3A_349 = arith.constant 0 : i32
    %sign3A_350 = arith.cmpi sgt, %jit3A_340, %sign3A_349 : i32
    %sign3A_351 = arith.extui %sign3A_350 : i1 to i32
    %sign3A_352 = arith.constant 0 : i32
    %sign3A_353 = arith.cmpi slt, %jit3A_340, %sign3A_352 : i32
    %sign3A_354 = arith.extui %sign3A_353 : i1 to i32
    %sign3A_355 = arith.subi %sign3A_351, %sign3A_354 : i32
    %ne3A_356 = arith.cmpi ne, %sign3A_348, %sign3A_355 : i32
    %rem3A_357 = arith.remsi %max3A_339, %jit3A_340 : i32
    %ne3A_358 = arith.constant 0 : i32
    %ne3A_359 = arith.cmpi ne, %rem3A_357, %ne3A_358 : i32
    %and3A_360 = arith.andi %ne3A_356, %ne3A_359 : i1
    %sub3A_361 = arith.constant 1 : i32
    %sub3A_362 = arith.subi %div3A_341, %sub3A_361 : i32
    %select_n3A_363 = arith.select %and3A_360, %sub3A_362, %div3A_341 : i32
    %mul3A_364 = arith.constant 4 : i32
    %mul3A_365 = arith.muli %select_n3A_363, %mul3A_364 : i32
    %sub3A_366 = arith.subi %max3A_339, %mul3A_365 : i32
    %mul3A_367 = arith.constant 128 : i32
    %mul3A_368 = arith.muli %select_n3A_363, %mul3A_367 : i32
    %add3A_369 = arith.constant 128 : i32
    %add3A_370 = arith.addi %add3A_369, %mul3A_368 : i32
    %mul3A_371 = arith.constant 32 : i32
    %mul3A_372 = arith.muli %sub3A_366, %mul3A_371 : i32
    %add3A_373 = arith.addi %add3A_370, %mul3A_372 : i32
    %jit3A_374 = arith.constant true
    %jit3A_375 = arith.constant 32 : i32
    %select_n3A_376 = arith.select %jit3A_374, %jit3A_375, %add3A_373 : i32
    %add3A_377 = arith.constant 0 : i32
    %add3A_378 = arith.addi %select_n3A_376, %add3A_377 : i32
    %get3A_379 = arith.index_cast %add3A_378 : i32 to index
    %get3A_380 = tpu.vector_load %arg9[%get3A_379] {strides = array<i32>} : memref<1408xi32, #tpu.memory_space<vmem>>, vector<16xi32>,
    %get3A_381 = vector.shape_cast %get3A_380 : vector<16xi32> to vector<16xi32>
    %add3A_382 = arith.constant 0 : i32
    %add3A_383 = vector.broadcast %add3A_382 : i32 to vector<16xi32>
    %add3A_384 = arith.addi %get3A_381, %add3A_383 : vector<16xi32>
    %swap3A_385 = arith.constant 0 : index
    %swap3A_386 = tpu.vector_load %arg11[%swap3A_385] {strides = array<i32>} : memref<320xi32, #tpu.memory_space<vmem>>, vector<16xi32>,
    %swap3A_387 = vector.shape_cast %swap3A_386 : vector<16xi32> to vector<16xi32>
    %swap3A_388 = vector.shape_cast %add3A_384 : vector<16xi32> to vector<16xi32>
    tpu.vector_store %arg11[%swap3A_385], %swap3A_388 {strides = array<i32>} : memref<320xi32, #tpu.memory_space<vmem>>, vector<16xi32>,
    %add3A_389 = arith.constant 16 : i32
    %add3A_390 = arith.addi %select_n3A_376, %add3A_389 : i32
    %get3A_391 = arith.index_cast %add3A_390 : i32 to index
    %get3A_392 = tpu.vector_load %arg9[%get3A_391] {strides = array<i32>} : memref<1408xi32, #tpu.memory_space<vmem>>, vector<16xi32>,
    %get3A_393 = vector.shape_cast %get3A_392 : vector<16xi32> to vector<16xi32>
    %add3A_394 = arith.constant 0 : i32
    %add3A_395 = vector.broadcast %add3A_394 : i32 to vector<16xi32>
    %add3A_396 = arith.addi %get3A_393, %add3A_395 : vector<16xi32>
    %swap3A_397 = arith.constant 16 : index
    %swap3A_398 = tpu.vector_load %arg11[%swap3A_397] {strides = array<i32>} : memref<320xi32, #tpu.memory_space<vmem>>, vector<16xi32>,
    %swap3A_399 = vector.shape_cast %swap3A_398 : vector<16xi32> to vector<16xi32>
    %swap3A_400 = vector.shape_cast %add3A_396 : vector<16xi32> to vector<16xi32>
    tpu.vector_store %arg11[%swap3A_397], %swap3A_400 {strides = array<i32>} : memref<320xi32, #tpu.memory_space<vmem>>, vector<16xi32>,
    %add3A_401 = arith.constant 0 : i32
    %add3A_402 = arith.addi %select_n3A_376, %add3A_401 : i32
    %get3A_403 = arith.index_cast %add3A_402 : i32 to index
    %get3A_404 = tpu.vector_load %arg9[%get3A_403] {strides = array<i32>} : memref<1408xi32, #tpu.memory_space<vmem>>, vector<16xi32>,
    %get3A_405 = vector.shape_cast %get3A_404 : vector<16xi32> to vector<16xi32>
    %add3A_406 = arith.constant 100000 : i32
    %add3A_407 = vector.broadcast %add3A_406 : i32 to vector<16xi32>
    %add3A_408 = arith.addi %get3A_405, %add3A_407 : vector<16xi32>
    %swap3A_409 = arith.constant 32 : index
    %swap3A_410 = tpu.vector_load %arg11[%swap3A_409] {strides = array<i32>} : memref<320xi32, #tpu.memory_space<vmem>>, vector<16xi32>,
    %swap3A_411 = vector.shape_cast %swap3A_410 : vector<16xi32> to vector<16xi32>
    %swap3A_412 = vector.shape_cast %add3A_408 : vector<16xi32> to vector<16xi32>
    tpu.vector_store %arg11[%swap3A_409], %swap3A_412 {strides = array<i32>} : memref<320xi32, #tpu.memory_space<vmem>>, vector<16xi32>,
    %add3A_413 = arith.constant 16 : i32
    %add3A_414 = arith.addi %select_n3A_376, %add3A_413 : i32
    %get3A_415 = arith.index_cast %add3A_414 : i32 to index
    %get3A_416 = tpu.vector_load %arg9[%get3A_415] {strides = array<i32>} : memref<1408xi32, #tpu.memory_space<vmem>>, vector<16xi32>,
    %get3A_417 = vector.shape_cast %get3A_416 : vector<16xi32> to vector<16xi32>
    %add3A_418 = arith.constant 100000 : i32
    %add3A_419 = vector.broadcast %add3A_418 : i32 to vector<16xi32>
    %add3A_420 = arith.addi %get3A_417, %add3A_419 : vector<16xi32>
    %swap3A_421 = arith.constant 48 : index
    %swap3A_422 = tpu.vector_load %arg11[%swap3A_421] {strides = array<i32>} : memref<320xi32, #tpu.memory_space<vmem>>, vector<16xi32>,
    %swap3A_423 = vector.shape_cast %swap3A_422 : vector<16xi32> to vector<16xi32>
    %swap3A_424 = vector.shape_cast %add3A_420 : vector<16xi32> to vector<16xi32>
    tpu.vector_store %arg11[%swap3A_421], %swap3A_424 {strides = array<i32>} : memref<320xi32, #tpu.memory_space<vmem>>, vector<16xi32>,
    %add3A_425 = arith.constant 0 : i32
    %add3A_426 = arith.addi %select_n3A_376, %add3A_425 : i32
    %get3A_427 = arith.index_cast %add3A_426 : i32 to index
    %get3A_428 = tpu.vector_load %arg9[%get3A_427] {strides = array<i32>} : memref<1408xi32, #tpu.memory_space<vmem>>, vector<16xi32>,
    %get3A_429 = vector.shape_cast %get3A_428 : vector<16xi32> to vector<16xi32>
    %add3A_430 = arith.constant 200000 : i32
    %add3A_431 = vector.broadcast %add3A_430 : i32 to vector<16xi32>
    %add3A_432 = arith.addi %get3A_429, %add3A_431 : vector<16xi32>
    %swap3A_433 = arith.constant 64 : index
    %swap3A_434 = tpu.vector_load %arg11[%swap3A_433] {strides = array<i32>} : memref<320xi32, #tpu.memory_space<vmem>>, vector<16xi32>,
    %swap3A_435 = vector.shape_cast %swap3A_434 : vector<16xi32> to vector<16xi32>
    %swap3A_436 = vector.shape_cast %add3A_432 : vector<16xi32> to vector<16xi32>
    tpu.vector_store %arg11[%swap3A_433], %swap3A_436 {strides = array<i32>} : memref<320xi32, #tpu.memory_space<vmem>>, vector<16xi32>,
    %add3A_437 = arith.constant 16 : i32
    %add3A_438 = arith.addi %select_n3A_376, %add3A_437 : i32
    %get3A_439 = arith.index_cast %add3A_438 : i32 to index
    %get3A_440 = tpu.vector_load %arg9[%get3A_439] {strides = array<i32>} : memref<1408xi32, #tpu.memory_space<vmem>>, vector<16xi32>,
    %get3A_441 = vector.shape_cast %get3A_440 : vector<16xi32> to vector<16xi32>
    %add3A_442 = arith.constant 200000 : i32
    %add3A_443 = vector.broadcast %add3A_442 : i32 to vector<16xi32>
    %add3A_444 = arith.addi %get3A_441, %add3A_443 : vector<16xi32>
    %swap3A_445 = arith.constant 80 : index
    %swap3A_446 = tpu.vector_load %arg11[%swap3A_445] {strides = array<i32>} : memref<320xi32, #tpu.memory_space<vmem>>, vector<16xi32>,
    %swap3A_447 = vector.shape_cast %swap3A_446 : vector<16xi32> to vector<16xi32>
    %swap3A_448 = vector.shape_cast %add3A_444 : vector<16xi32> to vector<16xi32>
    tpu.vector_store %arg11[%swap3A_445], %swap3A_448 {strides = array<i32>} : memref<320xi32, #tpu.memory_space<vmem>>, vector<16xi32>,
    %add3A_449 = arith.constant 0 : i32
    %add3A_450 = arith.addi %select_n3A_376, %add3A_449 : i32
    %get3A_451 = arith.index_cast %add3A_450 : i32 to index
    %get3A_452 = tpu.vector_load %arg9[%get3A_451] {strides = array<i32>} : memref<1408xi32, #tpu.memory_space<vmem>>, vector<16xi32>,
    %get3A_453 = vector.shape_cast %get3A_452 : vector<16xi32> to vector<16xi32>
    %add3A_454 = arith.constant 300000 : i32
    %add3A_455 = vector.broadcast %add3A_454 : i32 to vector<16xi32>
    %add3A_456 = arith.addi %get3A_453, %add3A_455 : vector<16xi32>
    %swap3A_457 = arith.constant 96 : index
    %swap3A_458 = tpu.vector_load %arg11[%swap3A_457] {strides = array<i32>} : memref<320xi32, #tpu.memory_space<vmem>>, vector<16xi32>,
    %swap3A_459 = vector.shape_cast %swap3A_458 : vector<16xi32> to vector<16xi32>
    %swap3A_460 = vector.shape_cast %add3A_456 : vector<16xi32> to vector<16xi32>
    tpu.vector_store %arg11[%swap3A_457], %swap3A_460 {strides = array<i32>} : memref<320xi32, #tpu.memory_space<vmem>>, vector<16xi32>,
    %add3A_461 = arith.constant 16 : i32
    %add3A_462 = arith.addi %select_n3A_376, %add3A_461 : i32
    %get3A_463 = arith.index_cast %add3A_462 : i32 to index
    %get3A_464 = tpu.vector_load %arg9[%get3A_463] {strides = array<i32>} : memref<1408xi32, #tpu.memory_space<vmem>>, vector<16xi32>,
    %get3A_465 = vector.shape_cast %get3A_464 : vector<16xi32> to vector<16xi32>
    %add3A_466 = arith.constant 300000 : i32
    %add3A_467 = vector.broadcast %add3A_466 : i32 to vector<16xi32>
    %add3A_468 = arith.addi %get3A_465, %add3A_467 : vector<16xi32>
    %swap3A_469 = arith.constant 112 : index
    %swap3A_470 = tpu.vector_load %arg11[%swap3A_469] {strides = array<i32>} : memref<320xi32, #tpu.memory_space<vmem>>, vector<16xi32>,
    %swap3A_471 = vector.shape_cast %swap3A_470 : vector<16xi32> to vector<16xi32>
    %swap3A_472 = vector.shape_cast %add3A_468 : vector<16xi32> to vector<16xi32>
    tpu.vector_store %arg11[%swap3A_469], %swap3A_472 {strides = array<i32>} : memref<320xi32, #tpu.memory_space<vmem>>, vector<16xi32>,
    %add3A_473 = arith.constant 0 : i32
    %add3A_474 = arith.addi %select_n3A_376, %add3A_473 : i32
    %get3A_475 = arith.index_cast %add3A_474 : i32 to index
    %get3A_476 = tpu.vector_load %arg9[%get3A_475] {strides = array<i32>} : memref<1408xi32, #tpu.memory_space<vmem>>, vector<16xi32>,
    %get3A_477 = vector.shape_cast %get3A_476 : vector<16xi32> to vector<16xi32>
    %add3A_478 = arith.constant 400000 : i32
    %add3A_479 = vector.broadcast %add3A_478 : i32 to vector<16xi32>
    %add3A_480 = arith.addi %get3A_477, %add3A_479 : vector<16xi32>
    %swap3A_481 = arith.constant 128 : index
    %swap3A_482 = tpu.vector_load %arg11[%swap3A_481] {strides = array<i32>} : memref<320xi32, #tpu.memory_space<vmem>>, vector<16xi32>,
    %swap3A_483 = vector.shape_cast %swap3A_482 : vector<16xi32> to vector<16xi32>
    %swap3A_484 = vector.shape_cast %add3A_480 : vector<16xi32> to vector<16xi32>
    tpu.vector_store %arg11[%swap3A_481], %swap3A_484 {strides = array<i32>} : memref<320xi32, #tpu.memory_space<vmem>>, vector<16xi32>,
    %add3A_485 = arith.constant 16 : i32
    %add3A_486 = arith.addi %select_n3A_376, %add3A_485 : i32
    %get3A_487 = arith.index_cast %add3A_486 : i32 to index
    %get3A_488 = tpu.vector_load %arg9[%get3A_487] {strides = array<i32>} : memref<1408xi32, #tpu.memory_space<vmem>>, vector<16xi32>,
    %get3A_489 = vector.shape_cast %get3A_488 : vector<16xi32> to vector<16xi32>
    %add3A_490 = arith.constant 400000 : i32
    %add3A_491 = vector.broadcast %add3A_490 : i32 to vector<16xi32>
    %add3A_492 = arith.addi %get3A_489, %add3A_491 : vector<16xi32>
    %swap3A_493 = arith.constant 144 : index
    %swap3A_494 = tpu.vector_load %arg11[%swap3A_493] {strides = array<i32>} : memref<320xi32, #tpu.memory_space<vmem>>, vector<16xi32>,
    %swap3A_495 = vector.shape_cast %swap3A_494 : vector<16xi32> to vector<16xi32>
    %swap3A_496 = vector.shape_cast %add3A_492 : vector<16xi32> to vector<16xi32>
    tpu.vector_store %arg11[%swap3A_493], %swap3A_496 {strides = array<i32>} : memref<320xi32, #tpu.memory_space<vmem>>, vector<16xi32>,
    %add3A_497 = arith.constant 0 : i32
    %add3A_498 = arith.addi %select_n3A_376, %add3A_497 : i32
    %get3A_499 = arith.index_cast %add3A_498 : i32 to index
    %get3A_500 = tpu.vector_load %arg9[%get3A_499] {strides = array<i32>} : memref<1408xi32, #tpu.memory_space<vmem>>, vector<16xi32>,
    %get3A_501 = vector.shape_cast %get3A_500 : vector<16xi32> to vector<16xi32>
    %add3A_502 = arith.constant 500000 : i32
    %add3A_503 = vector.broadcast %add3A_502 : i32 to vector<16xi32>
    %add3A_504 = arith.addi %get3A_501, %add3A_503 : vector<16xi32>
    %swap3A_505 = arith.constant 160 : index
    %swap3A_506 = tpu.vector_load %arg11[%swap3A_505] {strides = array<i32>} : memref<320xi32, #tpu.memory_space<vmem>>, vector<16xi32>,
    %swap3A_507 = vector.shape_cast %swap3A_506 : vector<16xi32> to vector<16xi32>
    %swap3A_508 = vector.shape_cast %add3A_504 : vector<16xi32> to vector<16xi32>
    tpu.vector_store %arg11[%swap3A_505], %swap3A_508 {strides = array<i32>} : memref<320xi32, #tpu.memory_space<vmem>>, vector<16xi32>,
    %add3A_509 = arith.constant 16 : i32
    %add3A_510 = arith.addi %select_n3A_376, %add3A_509 : i32
    %get3A_511 = arith.index_cast %add3A_510 : i32 to index
    %get3A_512 = tpu.vector_load %arg9[%get3A_511] {strides = array<i32>} : memref<1408xi32, #tpu.memory_space<vmem>>, vector<16xi32>,
    %get3A_513 = vector.shape_cast %get3A_512 : vector<16xi32> to vector<16xi32>
    %add3A_514 = arith.constant 500000 : i32
    %add3A_515 = vector.broadcast %add3A_514 : i32 to vector<16xi32>
    %add3A_516 = arith.addi %get3A_513, %add3A_515 : vector<16xi32>
    %swap3A_517 = arith.constant 176 : index
    %swap3A_518 = tpu.vector_load %arg11[%swap3A_517] {strides = array<i32>} : memref<320xi32, #tpu.memory_space<vmem>>, vector<16xi32>,
    %swap3A_519 = vector.shape_cast %swap3A_518 : vector<16xi32> to vector<16xi32>
    %swap3A_520 = vector.shape_cast %add3A_516 : vector<16xi32> to vector<16xi32>
    tpu.vector_store %arg11[%swap3A_517], %swap3A_520 {strides = array<i32>} : memref<320xi32, #tpu.memory_space<vmem>>, vector<16xi32>,
    %add3A_521 = arith.constant 0 : i32
    %add3A_522 = arith.addi %select_n3A_376, %add3A_521 : i32
    %get3A_523 = arith.index_cast %add3A_522 : i32 to index
    %get3A_524 = tpu.vector_load %arg9[%get3A_523] {strides = array<i32>} : memref<1408xi32, #tpu.memory_space<vmem>>, vector<16xi32>,
    %get3A_525 = vector.shape_cast %get3A_524 : vector<16xi32> to vector<16xi32>
    %add3A_526 = arith.constant 600000 : i32
    %add3A_527 = vector.broadcast %add3A_526 : i32 to vector<16xi32>
    %add3A_528 = arith.addi %get3A_525, %add3A_527 : vector<16xi32>
    %swap3A_529 = arith.constant 192 : index
    %swap3A_530 = tpu.vector_load %arg11[%swap3A_529] {strides = array<i32>} : memref<320xi32, #tpu.memory_space<vmem>>, vector<16xi32>,
    %swap3A_531 = vector.shape_cast %swap3A_530 : vector<16xi32> to vector<16xi32>
    %swap3A_532 = vector.shape_cast %add3A_528 : vector<16xi32> to vector<16xi32>
    tpu.vector_store %arg11[%swap3A_529], %swap3A_532 {strides = array<i32>} : memref<320xi32, #tpu.memory_space<vmem>>, vector<16xi32>,
    %add3A_533 = arith.constant 16 : i32
    %add3A_534 = arith.addi %select_n3A_376, %add3A_533 : i32
    %get3A_535 = arith.index_cast %add3A_534 : i32 to index
    %get3A_536 = tpu.vector_load %arg9[%get3A_535] {strides = array<i32>} : memref<1408xi32, #tpu.memory_space<vmem>>, vector<16xi32>,
    %get3A_537 = vector.shape_cast %get3A_536 : vector<16xi32> to vector<16xi32>
    %add3A_538 = arith.constant 600000 : i32
    %add3A_539 = vector.broadcast %add3A_538 : i32 to vector<16xi32>
    %add3A_540 = arith.addi %get3A_537, %add3A_539 : vector<16xi32>
    %swap3A_541 = arith.constant 208 : index
    %swap3A_542 = tpu.vector_load %arg11[%swap3A_541] {strides = array<i32>} : memref<320xi32, #tpu.memory_space<vmem>>, vector<16xi32>,
    %swap3A_543 = vector.shape_cast %swap3A_542 : vector<16xi32> to vector<16xi32>
    %swap3A_544 = vector.shape_cast %add3A_540 : vector<16xi32> to vector<16xi32>
    tpu.vector_store %arg11[%swap3A_541], %swap3A_544 {strides = array<i32>} : memref<320xi32, #tpu.memory_space<vmem>>, vector<16xi32>,
    %add3A_545 = arith.constant 0 : i32
    %add3A_546 = arith.addi %select_n3A_376, %add3A_545 : i32
    %get3A_547 = arith.index_cast %add3A_546 : i32 to index
    %get3A_548 = tpu.vector_load %arg9[%get3A_547] {strides = array<i32>} : memref<1408xi32, #tpu.memory_space<vmem>>, vector<16xi32>,
    %get3A_549 = vector.shape_cast %get3A_548 : vector<16xi32> to vector<16xi32>
    %add3A_550 = arith.constant 700000 : i32
    %add3A_551 = vector.broadcast %add3A_550 : i32 to vector<16xi32>
    %add3A_552 = arith.addi %get3A_549, %add3A_551 : vector<16xi32>
    %swap3A_553 = arith.constant 224 : index
    %swap3A_554 = tpu.vector_load %arg11[%swap3A_553] {strides = array<i32>} : memref<320xi32, #tpu.memory_space<vmem>>, vector<16xi32>,
    %swap3A_555 = vector.shape_cast %swap3A_554 : vector<16xi32> to vector<16xi32>
    %swap3A_556 = vector.shape_cast %add3A_552 : vector<16xi32> to vector<16xi32>
    tpu.vector_store %arg11[%swap3A_553], %swap3A_556 {strides = array<i32>} : memref<320xi32, #tpu.memory_space<vmem>>, vector<16xi32>,
    %add3A_557 = arith.constant 16 : i32
    %add3A_558 = arith.addi %select_n3A_376, %add3A_557 : i32
    %get3A_559 = arith.index_cast %add3A_558 : i32 to index
    %get3A_560 = tpu.vector_load %arg9[%get3A_559] {strides = array<i32>} : memref<1408xi32, #tpu.memory_space<vmem>>, vector<16xi32>,
    %get3A_561 = vector.shape_cast %get3A_560 : vector<16xi32> to vector<16xi32>
    %add3A_562 = arith.constant 700000 : i32
    %add3A_563 = vector.broadcast %add3A_562 : i32 to vector<16xi32>
    %add3A_564 = arith.addi %get3A_561, %add3A_563 : vector<16xi32>
    %swap3A_565 = arith.constant 240 : index
    %swap3A_566 = tpu.vector_load %arg11[%swap3A_565] {strides = array<i32>} : memref<320xi32, #tpu.memory_space<vmem>>, vector<16xi32>,
    %swap3A_567 = vector.shape_cast %swap3A_566 : vector<16xi32> to vector<16xi32>
    %swap3A_568 = vector.shape_cast %add3A_564 : vector<16xi32> to vector<16xi32>
    tpu.vector_store %arg11[%swap3A_565], %swap3A_568 {strides = array<i32>} : memref<320xi32, #tpu.memory_space<vmem>>, vector<16xi32>,
    %add3A_569 = arith.constant 0 : i32
    %add3A_570 = arith.addi %select_n3A_376, %add3A_569 : i32
    %get3A_571 = arith.index_cast %add3A_570 : i32 to index
    %get3A_572 = tpu.vector_load %arg9[%get3A_571] {strides = array<i32>} : memref<1408xi32, #tpu.memory_space<vmem>>, vector<16xi32>,
    %get3A_573 = vector.shape_cast %get3A_572 : vector<16xi32> to vector<16xi32>
    %add3A_574 = arith.constant 800000 : i32
    %add3A_575 = vector.broadcast %add3A_574 : i32 to vector<16xi32>
    %add3A_576 = arith.addi %get3A_573, %add3A_575 : vector<16xi32>
    %swap3A_577 = arith.constant 256 : index
    %swap3A_578 = tpu.vector_load %arg11[%swap3A_577] {strides = array<i32>} : memref<320xi32, #tpu.memory_space<vmem>>, vector<16xi32>,
    %swap3A_579 = vector.shape_cast %swap3A_578 : vector<16xi32> to vector<16xi32>
    %swap3A_580 = vector.shape_cast %add3A_576 : vector<16xi32> to vector<16xi32>
    tpu.vector_store %arg11[%swap3A_577], %swap3A_580 {strides = array<i32>} : memref<320xi32, #tpu.memory_space<vmem>>, vector<16xi32>,
    %add3A_581 = arith.constant 16 : i32
    %add3A_582 = arith.addi %select_n3A_376, %add3A_581 : i32
    %get3A_583 = arith.index_cast %add3A_582 : i32 to index
    %get3A_584 = tpu.vector_load %arg9[%get3A_583] {strides = array<i32>} : memref<1408xi32, #tpu.memory_space<vmem>>, vector<16xi32>,
    %get3A_585 = vector.shape_cast %get3A_584 : vector<16xi32> to vector<16xi32>
    %add3A_586 = arith.constant 800000 : i32
    %add3A_587 = vector.broadcast %add3A_586 : i32 to vector<16xi32>
    %add3A_588 = arith.addi %get3A_585, %add3A_587 : vector<16xi32>
    %swap3A_589 = arith.constant 272 : index
    %swap3A_590 = tpu.vector_load %arg11[%swap3A_589] {strides = array<i32>} : memref<320xi32, #tpu.memory_space<vmem>>, vector<16xi32>,
    %swap3A_591 = vector.shape_cast %swap3A_590 : vector<16xi32> to vector<16xi32>
    %swap3A_592 = vector.shape_cast %add3A_588 : vector<16xi32> to vector<16xi32>
    tpu.vector_store %arg11[%swap3A_589], %swap3A_592 {strides = array<i32>} : memref<320xi32, #tpu.memory_space<vmem>>, vector<16xi32>,
    %add3A_593 = arith.constant 0 : i32
    %add3A_594 = arith.addi %select_n3A_376, %add3A_593 : i32
    %get3A_595 = arith.index_cast %add3A_594 : i32 to index
    %get3A_596 = tpu.vector_load %arg9[%get3A_595] {strides = array<i32>} : memref<1408xi32, #tpu.memory_space<vmem>>, vector<16xi32>,
    %get3A_597 = vector.shape_cast %get3A_596 : vector<16xi32> to vector<16xi32>
    %add3A_598 = arith.constant 900000 : i32
    %add3A_599 = vector.broadcast %add3A_598 : i32 to vector<16xi32>
    %add3A_600 = arith.addi %get3A_597, %add3A_599 : vector<16xi32>
    %swap3A_601 = arith.constant 288 : index
    %swap3A_602 = tpu.vector_load %arg11[%swap3A_601] {strides = array<i32>} : memref<320xi32, #tpu.memory_space<vmem>>, vector<16xi32>,
    %swap3A_603 = vector.shape_cast %swap3A_602 : vector<16xi32> to vector<16xi32>
    %swap3A_604 = vector.shape_cast %add3A_600 : vector<16xi32> to vector<16xi32>
    tpu.vector_store %arg11[%swap3A_601], %swap3A_604 {strides = array<i32>} : memref<320xi32, #tpu.memory_space<vmem>>, vector<16xi32>,
    %add3A_605 = arith.constant 16 : i32
    %add3A_606 = arith.addi %select_n3A_376, %add3A_605 : i32
    %get3A_607 = arith.index_cast %add3A_606 : i32 to index
    %get3A_608 = tpu.vector_load %arg9[%get3A_607] {strides = array<i32>} : memref<1408xi32, #tpu.memory_space<vmem>>, vector<16xi32>,
    %get3A_609 = vector.shape_cast %get3A_608 : vector<16xi32> to vector<16xi32>
    %add3A_610 = arith.constant 900000 : i32
    %add3A_611 = vector.broadcast %add3A_610 : i32 to vector<16xi32>
    %add3A_612 = arith.addi %get3A_609, %add3A_611 : vector<16xi32>
    %swap3A_613 = arith.constant 304 : index
    %swap3A_614 = tpu.vector_load %arg11[%swap3A_613] {strides = array<i32>} : memref<320xi32, #tpu.memory_space<vmem>>, vector<16xi32>,
    %swap3A_615 = vector.shape_cast %swap3A_614 : vector<16xi32> to vector<16xi32>
    %swap3A_616 = vector.shape_cast %add3A_612 : vector<16xi32> to vector<16xi32>
    tpu.vector_store %arg11[%swap3A_613], %swap3A_616 {strides = array<i32>} : memref<320xi32, #tpu.memory_space<vmem>>, vector<16xi32>,
    %dma_start3A_617 = arith.constant 0 : i32
    %dma_start3A_618 = tpu.memref_slice %arg4[%dma_start3A_617] : memref<1000000xi32, #tpu.memory_space<hbm>> -> memref<1000000xi32, #tpu.memory_space<hbm>>
    tpu.enqueue_indirect_dma source(%dma_start3A_618 : memref<1000000xi32, #tpu.memory_space<hbm>>) target(%arg13 : memref<320xi32, #tpu.memory_space<vmem>>) offsets(%arg11 : memref<320xi32, #tpu.memory_space<vmem>>) semaphore(%arg18 : memref<!tpu.dma_semaphore, #tpu.memory_space<semaphore_mem>>)
    %scan3A = arith.constant 0 : i32
    %scan3A_619 = arith.constant 0 : i32
    %scan3A_620 = arith.constant 22 : i32
    %scan3A_621 = arith.addi %scan3A_619, %scan3A_620 : i32
    %scan3A_622 = arith.constant 1 : i32
    %scan3A_623 = scf.for %scan3A_673 = %scan3A_619 to %scan3A_621 step %scan3A_622 iter_args(%scan3A_674 = %scan3A) -> (i32)  : i32 {
      %mul3A_675 = arith.constant 2 : i32
      %mul3A_676 = arith.muli %mul3A_675, %scan3A_673 : i32
      %add3A_677 = arith.constant 1 : i32
      %add3A_678 = arith.addi %mul3A_676, %add3A_677 : i32
      %lt3A_679 = arith.constant 44 : i32
      %lt3A_680 = arith.cmpi slt, %add3A_678, %lt3A_679 : i32
      %convert_element_type3A_681 = arith.extui %lt3A_680 : i1 to i32
      %cond3A_682 = arith.constant 0 : i32
      %cond3A_683 = arith.cmpi ne, %convert_element_type3A_681, %cond3A_682 : i32
      scf.if %cond3A_683 {
        %add3A_875 = arith.constant 1 : i32
        %add3A_876 = arith.addi %mul3A_676, %add3A_875 : i32
        %dma_wait3A_877 = arith.constant 0 : i32
        %dma_wait3A_878 = tpu.memref_slice %arg4[%dma_wait3A_877] : memref<1000000xi32, #tpu.memory_space<hbm>> -> memref<320xi32, #tpu.memory_space<hbm>>
        %dma_wait3A_879 = arith.constant 0 : i32
        %dma_wait3A_880 = tpu.memref_slice %arg4[%dma_wait3A_879] : memref<1000000xi32, #tpu.memory_space<hbm>> -> memref<320xi32, #tpu.memory_space<hbm>>
        tpu.wait_dma2 semaphore(%arg18 : memref<!tpu.dma_semaphore, #tpu.memory_space<semaphore_mem>>) src(%dma_wait3A_880 : memref<320xi32, #tpu.memory_space<hbm>>) dst(%arg13 : memref<320xi32, #tpu.memory_space<vmem>>)
        %ge3A_881 = arith.constant 2 : i32
        %ge3A_882 = arith.cmpi sge, %add3A_876, %ge3A_881 : i32
        %convert_element_type3A_883 = arith.extui %ge3A_882 : i1 to i32
        %cond3A_884 = arith.constant 0 : i32
        %cond3A_885 = arith.cmpi ne, %convert_element_type3A_883, %cond3A_884 : i32
        scf.if %cond3A_885 {
          %dma_wait3A_942 = arith.constant 32 : i32
          %dma_wait3A_943 = arith.constant 0 : i32
          %dma_wait3A_944 = tpu.memref_slice %arg17[%dma_wait3A_942, %dma_wait3A_943] : memref<64x64xi32, #tpu.memory_space<vmem>> -> memref<32x64xi32, #tpu.memory_space<vmem>>
          %dma_wait3A_945 = arith.constant 0 : i32
          %dma_wait3A_946 = arith.constant 0 : i32
          %dma_wait3A_947 = tpu.memref_slice %arg5[%dma_wait3A_945, %dma_wait3A_946] : memref<4096x64xi32, #tpu.memory_space<hbm>> -> memref<32x64xi32, #tpu.memory_space<hbm>>
          %dma_wait3A_948 = arith.constant 0 : i32
          %dma_wait3A_949 = arith.constant 0 : i32
          %dma_wait3A_950 = tpu.memref_slice %arg5[%dma_wait3A_948, %dma_wait3A_949] : memref<4096x64xi32, #tpu.memory_space<hbm>> -> memref<32x64xi32, #tpu.memory_space<hbm>>
          %dma_wait3A_951 = arith.constant 32 : i32
          %dma_wait3A_952 = arith.constant 0 : i32
          %dma_wait3A_953 = tpu.memref_slice %arg17[%dma_wait3A_951, %dma_wait3A_952] : memref<64x64xi32, #tpu.memory_space<vmem>> -> memref<32x64xi32, #tpu.memory_space<vmem>>
          tpu.wait_dma2 semaphore(%arg22 : memref<!tpu.dma_semaphore, #tpu.memory_space<semaphore_mem>>) src(%dma_wait3A_953 : memref<32x64xi32, #tpu.memory_space<vmem>>) dst(%dma_wait3A_950 : memref<32x64xi32, #tpu.memory_space<hbm>>)
          %dma_wait3A_954 = arith.constant 32 : i32
          %dma_wait3A_955 = arith.constant 0 : i32
          %dma_wait3A_956 = tpu.memref_slice %arg16[%dma_wait3A_954, %dma_wait3A_955] : memref<64x64xi32, #tpu.memory_space<vmem>> -> memref<32x64xi32, #tpu.memory_space<vmem>>
          %dma_wait3A_957 = arith.constant 0 : i32
          %dma_wait3A_958 = arith.constant 0 : i32
          %dma_wait3A_959 = tpu.memref_slice %arg6[%dma_wait3A_957, %dma_wait3A_958] : memref<4096x64xi32, #tpu.memory_space<hbm>> -> memref<32x64xi32, #tpu.memory_space<hbm>>
          %dma_wait3A_960 = arith.constant 0 : i32
          %dma_wait3A_961 = arith.constant 0 : i32
          %dma_wait3A_962 = tpu.memref_slice %arg6[%dma_wait3A_960, %dma_wait3A_961] : memref<4096x64xi32, #tpu.memory_space<hbm>> -> memref<32x64xi32, #tpu.memory_space<hbm>>
          %dma_wait3A_963 = arith.constant 32 : i32
          %dma_wait3A_964 = arith.constant 0 : i32
          %dma_wait3A_965 = tpu.memref_slice %arg16[%dma_wait3A_963, %dma_wait3A_964] : memref<64x64xi32, #tpu.memory_space<vmem>> -> memref<32x64xi32, #tpu.memory_space<vmem>>
          tpu.wait_dma2 semaphore(%arg22 : memref<!tpu.dma_semaphore, #tpu.memory_space<semaphore_mem>>) src(%dma_wait3A_965 : memref<32x64xi32, #tpu.memory_space<vmem>>) dst(%dma_wait3A_962 : memref<32x64xi32, #tpu.memory_space<hbm>>)
        } else {
        }
        %sub3A_886 = arith.constant 4 : i32
        %sub3A_887 = arith.subi %add3A_876, %sub3A_886 : i32
        %max3A_888 = arith.constant 0 : i32
        %max3A_889 = arith.maxsi %sub3A_887, %max3A_888 : i32
        %jit3A_890 = arith.constant 4 : i32
        %div3A_891 = arith.divsi %max3A_889, %jit3A_890 : i32
        %sign3A_892 = arith.constant 0 : i32
        %sign3A_893 = arith.cmpi sgt, %max3A_889, %sign3A_892 : i32
        %sign3A_894 = arith.extui %sign3A_893 : i1 to i32
        %sign3A_895 = arith.constant 0 : i32
        %sign3A_896 = arith.cmpi slt, %max3A_889, %sign3A_895 : i32
        %sign3A_897 = arith.extui %sign3A_896 : i1 to i32
        %sign3A_898 = arith.subi %sign3A_894, %sign3A_897 : i32
        %sign3A_899 = arith.constant 0 : i32
        %sign3A_900 = arith.cmpi sgt, %jit3A_890, %sign3A_899 : i32
        %sign3A_901 = arith.extui %sign3A_900 : i1 to i32
        %sign3A_902 = arith.constant 0 : i32
        %sign3A_903 = arith.cmpi slt, %jit3A_890, %sign3A_902 : i32
        %sign3A_904 = arith.extui %sign3A_903 : i1 to i32
        %sign3A_905 = arith.subi %sign3A_901, %sign3A_904 : i32
        %ne3A_906 = arith.cmpi ne, %sign3A_898, %sign3A_905 : i32
        %rem3A_907 = arith.remsi %max3A_889, %jit3A_890 : i32
        %ne3A_908 = arith.constant 0 : i32
        %ne3A_909 = arith.cmpi ne, %rem3A_907, %ne3A_908 : i32
        %and3A_910 = arith.andi %ne3A_906, %ne3A_909 : i1
        %sub3A_911 = arith.constant 1 : i32
        %sub3A_912 = arith.subi %div3A_891, %sub3A_911 : i32
        %select_n3A_913 = arith.select %and3A_910, %sub3A_912, %div3A_891 : i32
        %mul3A_914 = arith.constant 4 : i32
        %mul3A_915 = arith.muli %select_n3A_913, %mul3A_914 : i32
        %sub3A_916 = arith.subi %max3A_889, %mul3A_915 : i32
        %lt3A_917 = arith.constant 4 : i32
        %lt3A_918 = arith.cmpi slt, %add3A_876, %lt3A_917 : i32
        %mul3A_919 = arith.constant 32 : i32
        %mul3A_920 = arith.muli %add3A_876, %mul3A_919 : i32
        %mul3A_921 = arith.constant 128 : i32
        %mul3A_922 = arith.muli %select_n3A_913, %mul3A_921 : i32
        %add3A_923 = arith.constant 128 : i32
        %add3A_924 = arith.addi %add3A_923, %mul3A_922 : i32
        %mul3A_925 = arith.constant 32 : i32
        %mul3A_926 = arith.muli %sub3A_916, %mul3A_925 : i32
        %add3A_927 = arith.addi %add3A_924, %mul3A_926 : i32
        %select_n3A_928 = arith.select %lt3A_918, %mul3A_920, %add3A_927 : i32
        %dma_start3A_929 = arith.constant 32 : i32
        %dma_start3A_930 = arith.constant 0 : i32
        %dma_start3A_931 = tpu.memref_slice %arg14[%dma_start3A_929, %dma_start3A_930] : memref<64x128xf32, #tpu.memory_space<vmem>> -> memref<32x128xf32, #tpu.memory_space<vmem>>
        %dma_start3A_932 = tpu.memref_slice %arg9[%select_n3A_928] : memref<1408xi32, #tpu.memory_space<vmem>> -> memref<32xi32, #tpu.memory_space<vmem>>
        %dma_start3A_933 = arith.constant 0 : i32
        %dma_start3A_934 = arith.constant 0 : i32
        %dma_start3A_935 = tpu.memref_slice %arg3[%dma_start3A_933, %dma_start3A_934] : memref<100000x128xf32, #tpu.memory_space<hbm>> -> memref<100000x128xf32, #tpu.memory_space<hbm>>
        tpu.enqueue_indirect_dma source(%dma_start3A_935 : memref<100000x128xf32, #tpu.memory_space<hbm>>) target(%dma_start3A_931 : memref<32x128xf32, #tpu.memory_space<vmem>>) offsets(%dma_start3A_932 : memref<32xi32, #tpu.memory_space<vmem>>) semaphore(%arg20 : memref<!tpu.dma_semaphore, #tpu.memory_space<semaphore_mem>>)
        %dma_start3A_936 = arith.constant 320 : i32
        %dma_start3A_937 = arith.constant 0 : i32
        %dma_start3A_938 = tpu.memref_slice %arg15[%dma_start3A_936, %dma_start3A_937] : memref<640x128xf32, #tpu.memory_space<vmem>> -> memref<320x128xf32, #tpu.memory_space<vmem>>
        %dma_start3A_939 = arith.constant 0 : i32
        %dma_start3A_940 = arith.constant 0 : i32
        %dma_start3A_941 = tpu.memref_slice %arg3[%dma_start3A_939, %dma_start3A_940] : memref<100000x128xf32, #tpu.memory_space<hbm>> -> memref<100000x128xf32, #tpu.memory_space<hbm>>
        tpu.enqueue_indirect_dma source(%dma_start3A_941 : memref<100000x128xf32, #tpu.memory_space<hbm>>) target(%dma_start3A_938 : memref<320x128xf32, #tpu.memory_space<vmem>>) offsets(%arg13 : memref<320xi32, #tpu.memory_space<vmem>>) semaphore(%arg20 : memref<!tpu.dma_semaphore, #tpu.memory_space<semaphore_mem>>)
      } else {
      }
      %dma_wait3A_684 = arith.constant 0 : i32
      %dma_wait3A_685 = arith.constant 0 : i32
      %dma_wait3A_686 = tpu.memref_slice %arg14[%dma_wait3A_684, %dma_wait3A_685] : memref<64x128xf32, #tpu.memory_space<vmem>> -> memref<32x128xf32, #tpu.memory_space<vmem>>
      %dma_wait3A_687 = arith.constant 0 : i32
      %dma_wait3A_688 = arith.constant 0 : i32
      %dma_wait3A_689 = tpu.memref_slice %arg3[%dma_wait3A_687, %dma_wait3A_688] : memref<100000x128xf32, #tpu.memory_space<hbm>> -> memref<32x128xf32, #tpu.memory_space<hbm>>
      %dma_wait3A_690 = arith.constant 0 : i32
      %dma_wait3A_691 = arith.constant 0 : i32
      %dma_wait3A_692 = tpu.memref_slice %arg14[%dma_wait3A_690, %dma_wait3A_691] : memref<64x128xf32, #tpu.memory_space<vmem>> -> memref<32x128xf32, #tpu.memory_space<vmem>>
      %dma_wait3A_693 = arith.constant 0 : i32
      %dma_wait3A_694 = arith.constant 0 : i32
      %dma_wait3A_695 = tpu.memref_slice %arg3[%dma_wait3A_693, %dma_wait3A_694] : memref<100000x128xf32, #tpu.memory_space<hbm>> -> memref<32x128xf32, #tpu.memory_space<hbm>>
      tpu.wait_dma2 semaphore(%arg19 : memref<!tpu.dma_semaphore, #tpu.memory_space<semaphore_mem>>) src(%dma_wait3A_695 : memref<32x128xf32, #tpu.memory_space<hbm>>) dst(%dma_wait3A_692 : memref<32x128xf32, #tpu.memory_space<vmem>>)
      %dma_wait3A_696 = arith.constant 0 : i32
      %dma_wait3A_697 = arith.constant 0 : i32
      %dma_wait3A_698 = tpu.memref_slice %arg15[%dma_wait3A_696, %dma_wait3A_697] : memref<640x128xf32, #tpu.memory_space<vmem>> -> memref<320x128xf32, #tpu.memory_space<vmem>>
      %dma_wait3A_699 = arith.constant 0 : i32
      %dma_wait3A_700 = arith.constant 0 : i32
      %dma_wait3A_701 = tpu.memref_slice %arg3[%dma_wait3A_699, %dma_wait3A_700] : memref<100000x128xf32, #tpu.memory_space<hbm>> -> memref<320x128xf32, #tpu.memory_space<hbm>>
      %dma_wait3A_702 = arith.constant 0 : i32
      %dma_wait3A_703 = arith.constant 0 : i32
      %dma_wait3A_704 = tpu.memref_slice %arg15[%dma_wait3A_702, %dma_wait3A_703] : memref<640x128xf32, #tpu.memory_space<vmem>> -> memref<320x128xf32, #tpu.memory_space<vmem>>
      %dma_wait3A_705 = arith.constant 0 : i32
      %dma_wait3A_706 = arith.constant 0 : i32
      %dma_wait3A_707 = tpu.memref_slice %arg3[%dma_wait3A_705, %dma_wait3A_706] : memref<100000x128xf32, #tpu.memory_space<hbm>> -> memref<320x128xf32, #tpu.memory_space<hbm>>
      tpu.wait_dma2 semaphore(%arg19 : memref<!tpu.dma_semaphore, #tpu.memory_space<semaphore_mem>>) src(%dma_wait3A_707 : memref<320x128xf32, #tpu.memory_space<hbm>>) dst(%dma_wait3A_704 : memref<320x128xf32, #tpu.memory_space<vmem>>)
      %lt3A_708 = arith.constant 4 : i32
      %lt3A_709 = arith.cmpi slt, %mul3A_676, %lt3A_708 : i32
      %convert_element_type3A_710 = arith.extui %lt3A_709 : i1 to i32
      %cond3A_711 = arith.constant 0 : i32
      %cond3A_712 = arith.cmpi ne, %convert_element_type3A_710, %cond3A_711 : i32
      scf.if %cond3A_712 {
        %get3A_875 = arith.constant 0 : index
        %get3A_876 = tpu.vector_load %arg12[%get3A_875] {strides = array<i32>} : memref<320xi32, #tpu.memory_space<vmem>>, vector<16xi32>,
        %get3A_877 = vector.shape_cast %get3A_876 : vector<16xi32> to vector<16xi32>
        %mul3A_878 = arith.constant 32 : i32
        %mul3A_879 = arith.muli %mul3A_676, %mul3A_878 : i32
        %add3A_880 = arith.constant 128 : i32
        %add3A_881 = arith.addi %add3A_880, %mul3A_879 : i32
        %add3A_882 = arith.constant 0 : i32
        %add3A_883 = arith.addi %add3A_881, %add3A_882 : i32
        %swap3A_884 = arith.index_cast %add3A_883 : i32 to index
        %swap3A_885 = tpu.vector_load %arg9[%swap3A_884] {strides = array<i32>} : memref<1408xi32, #tpu.memory_space<vmem>>, vector<16xi32>,
        %swap3A_886 = vector.shape_cast %swap3A_885 : vector<16xi32> to vector<16xi32>
        %swap3A_887 = vector.shape_cast %get3A_877 : vector<16xi32> to vector<16xi32>
        tpu.vector_store %arg9[%swap3A_884], %swap3A_887 {strides = array<i32>} : memref<1408xi32, #tpu.memory_space<vmem>>, vector<16xi32>,
        %get3A_888 = arith.constant 16 : index
        %get3A_889 = tpu.vector_load %arg12[%get3A_888] {strides = array<i32>} : memref<320xi32, #tpu.memory_space<vmem>>, vector<16xi32>,
        %get3A_890 = vector.shape_cast %get3A_889 : vector<16xi32> to vector<16xi32>
        %mul3A_891 = arith.constant 32 : i32
        %mul3A_892 = arith.muli %mul3A_676, %mul3A_891 : i32
        %add3A_893 = arith.constant 128 : i32
        %add3A_894 = arith.addi %add3A_893, %mul3A_892 : i32
        %add3A_895 = arith.constant 16 : i32
        %add3A_896 = arith.addi %add3A_894, %add3A_895 : i32
        %swap3A_897 = arith.index_cast %add3A_896 : i32 to index
        %swap3A_898 = tpu.vector_load %arg9[%swap3A_897] {strides = array<i32>} : memref<1408xi32, #tpu.memory_space<vmem>>, vector<16xi32>,
        %swap3A_899 = vector.shape_cast %swap3A_898 : vector<16xi32> to vector<16xi32>
        %swap3A_900 = vector.shape_cast %get3A_890 : vector<16xi32> to vector<16xi32>
        tpu.vector_store %arg9[%swap3A_897], %swap3A_900 {strides = array<i32>} : memref<1408xi32, #tpu.memory_space<vmem>>, vector<16xi32>,
        %get3A_901 = arith.constant 32 : index
        %get3A_902 = tpu.vector_load %arg12[%get3A_901] {strides = array<i32>} : memref<320xi32, #tpu.memory_space<vmem>>, vector<16xi32>,
        %get3A_903 = vector.shape_cast %get3A_902 : vector<16xi32> to vector<16xi32>
        %mul3A_904 = arith.constant 32 : i32
        %mul3A_905 = arith.muli %mul3A_676, %mul3A_904 : i32
        %add3A_906 = arith.constant 256 : i32
        %add3A_907 = arith.addi %add3A_906, %mul3A_905 : i32
        %add3A_908 = arith.constant 0 : i32
        %add3A_909 = arith.addi %add3A_907, %add3A_908 : i32
        %swap3A_910 = arith.index_cast %add3A_909 : i32 to index
        %swap3A_911 = tpu.vector_load %arg9[%swap3A_910] {strides = array<i32>} : memref<1408xi32, #tpu.memory_space<vmem>>, vector<16xi32>,
        %swap3A_912 = vector.shape_cast %swap3A_911 : vector<16xi32> to vector<16xi32>
        %swap3A_913 = vector.shape_cast %get3A_903 : vector<16xi32> to vector<16xi32>
        tpu.vector_store %arg9[%swap3A_910], %swap3A_913 {strides = array<i32>} : memref<1408xi32, #tpu.memory_space<vmem>>, vector<16xi32>,
        %get3A_914 = arith.constant 48 : index
        %get3A_915 = tpu.vector_load %arg12[%get3A_914] {strides = array<i32>} : memref<320xi32, #tpu.memory_space<vmem>>, vector<16xi32>,
        %get3A_916 = vector.shape_cast %get3A_915 : vector<16xi32> to vector<16xi32>
        %mul3A_917 = arith.constant 32 : i32
        %mul3A_918 = arith.muli %mul3A_676, %mul3A_917 : i32
        %add3A_919 = arith.constant 256 : i32
        %add3A_920 = arith.addi %add3A_919, %mul3A_918 : i32
        %add3A_921 = arith.constant 16 : i32
        %add3A_922 = arith.addi %add3A_920, %add3A_921 : i32
        %swap3A_923 = arith.index_cast %add3A_922 : i32 to index
        %swap3A_924 = tpu.vector_load %arg9[%swap3A_923] {strides = array<i32>} : memref<1408xi32, #tpu.memory_space<vmem>>, vector<16xi32>,
        %swap3A_925 = vector.shape_cast %swap3A_924 : vector<16xi32> to vector<16xi32>
        %swap3A_926 = vector.shape_cast %get3A_916 : vector<16xi32> to vector<16xi32>
        tpu.vector_store %arg9[%swap3A_923], %swap3A_926 {strides = array<i32>} : memref<1408xi32, #tpu.memory_space<vmem>>, vector<16xi32>,
        %get3A_927 = arith.constant 64 : index
        %get3A_928 = tpu.vector_load %arg12[%get3A_927] {strides = array<i32>} : memref<320xi32, #tpu.memory_space<vmem>>, vector<16xi32>,
        %get3A_929 = vector.shape_cast %get3A_928 : vector<16xi32> to vector<16xi32>
        %mul3A_930 = arith.constant 32 : i32
        %mul3A_931 = arith.muli %mul3A_676, %mul3A_930 : i32
        %add3A_932 = arith.constant 384 : i32
        %add3A_933 = arith.addi %add3A_932, %mul3A_931 : i32
        %add3A_934 = arith.constant 0 : i32
        %add3A_935 = arith.addi %add3A_933, %add3A_934 : i32
        %swap3A_936 = arith.index_cast %add3A_935 : i32 to index
        %swap3A_937 = tpu.vector_load %arg9[%swap3A_936] {strides = array<i32>} : memref<1408xi32, #tpu.memory_space<vmem>>, vector<16xi32>,
        %swap3A_938 = vector.shape_cast %swap3A_937 : vector<16xi32> to vector<16xi32>
        %swap3A_939 = vector.shape_cast %get3A_929 : vector<16xi32> to vector<16xi32>
        tpu.vector_store %arg9[%swap3A_936], %swap3A_939 {strides = array<i32>} : memref<1408xi32, #tpu.memory_space<vmem>>, vector<16xi32>,
        %get3A_940 = arith.constant 80 : index
        %get3A_941 = tpu.vector_load %arg12[%get3A_940] {strides = array<i32>} : memref<320xi32, #tpu.memory_space<vmem>>, vector<16xi32>,
        %get3A_942 = vector.shape_cast %get3A_941 : vector<16xi32> to vector<16xi32>
        %mul3A_943 = arith.constant 32 : i32
        %mul3A_944 = arith.muli %mul3A_676, %mul3A_943 : i32
        %add3A_945 = arith.constant 384 : i32
        %add3A_946 = arith.addi %add3A_945, %mul3A_944 : i32
        %add3A_947 = arith.constant 16 : i32
        %add3A_948 = arith.addi %add3A_946, %add3A_947 : i32
        %swap3A_949 = arith.index_cast %add3A_948 : i32 to index
        %swap3A_950 = tpu.vector_load %arg9[%swap3A_949] {strides = array<i32>} : memref<1408xi32, #tpu.memory_space<vmem>>, vector<16xi32>,
        %swap3A_951 = vector.shape_cast %swap3A_950 : vector<16xi32> to vector<16xi32>
        %swap3A_952 = vector.shape_cast %get3A_942 : vector<16xi32> to vector<16xi32>
        tpu.vector_store %arg9[%swap3A_949], %swap3A_952 {strides = array<i32>} : memref<1408xi32, #tpu.memory_space<vmem>>, vector<16xi32>,
        %get3A_953 = arith.constant 96 : index
        %get3A_954 = tpu.vector_load %arg12[%get3A_953] {strides = array<i32>} : memref<320xi32, #tpu.memory_space<vmem>>, vector<16xi32>,
        %get3A_955 = vector.shape_cast %get3A_954 : vector<16xi32> to vector<16xi32>
        %mul3A_956 = arith.constant 32 : i32
        %mul3A_957 = arith.muli %mul3A_676, %mul3A_956 : i32
        %add3A_958 = arith.constant 512 : i32
        %add3A_959 = arith.addi %add3A_958, %mul3A_957 : i32
        %add3A_960 = arith.constant 0 : i32
        %add3A_961 = arith.addi %add3A_959, %add3A_960 : i32
        %swap3A_962 = arith.index_cast %add3A_961 : i32 to index
        %swap3A_963 = tpu.vector_load %arg9[%swap3A_962] {strides = array<i32>} : memref<1408xi32, #tpu.memory_space<vmem>>, vector<16xi32>,
        %swap3A_964 = vector.shape_cast %swap3A_963 : vector<16xi32> to vector<16xi32>
        %swap3A_965 = vector.shape_cast %get3A_955 : vector<16xi32> to vector<16xi32>
        tpu.vector_store %arg9[%swap3A_962], %swap3A_965 {strides = array<i32>} : memref<1408xi32, #tpu.memory_space<vmem>>, vector<16xi32>,
        %get3A_966 = arith.constant 112 : index
        %get3A_967 = tpu.vector_load %arg12[%get3A_966] {strides = array<i32>} : memref<320xi32, #tpu.memory_space<vmem>>, vector<16xi32>,
        %get3A_968 = vector.shape_cast %get3A_967 : vector<16xi32> to vector<16xi32>
        %mul3A_969 = arith.constant 32 : i32
        %mul3A_970 = arith.muli %mul3A_676, %mul3A_969 : i32
        %add3A_971 = arith.constant 512 : i32
        %add3A_972 = arith.addi %add3A_971, %mul3A_970 : i32
        %add3A_973 = arith.constant 16 : i32
        %add3A_974 = arith.addi %add3A_972, %add3A_973 : i32
        %swap3A_975 = arith.index_cast %add3A_974 : i32 to index
        %swap3A_976 = tpu.vector_load %arg9[%swap3A_975] {strides = array<i32>} : memref<1408xi32, #tpu.memory_space<vmem>>, vector<16xi32>,
        %swap3A_977 = vector.shape_cast %swap3A_976 : vector<16xi32> to vector<16xi32>
        %swap3A_978 = vector.shape_cast %get3A_968 : vector<16xi32> to vector<16xi32>
        tpu.vector_store %arg9[%swap3A_975], %swap3A_978 {strides = array<i32>} : memref<1408xi32, #tpu.memory_space<vmem>>, vector<16xi32>,
        %get3A_979 = arith.constant 128 : index
        %get3A_980 = tpu.vector_load %arg12[%get3A_979] {strides = array<i32>} : memref<320xi32, #tpu.memory_space<vmem>>, vector<16xi32>,
        %get3A_981 = vector.shape_cast %get3A_980 : vector<16xi32> to vector<16xi32>
        %mul3A_982 = arith.constant 32 : i32
        %mul3A_983 = arith.muli %mul3A_676, %mul3A_982 : i32
        %add3A_984 = arith.constant 640 : i32
        %add3A_985 = arith.addi %add3A_984, %mul3A_983 : i32
        %add3A_986 = arith.constant 0 : i32
        %add3A_987 = arith.addi %add3A_985, %add3A_986 : i32
        %swap3A_988 = arith.index_cast %add3A_987 : i32 to index
        %swap3A_989 = tpu.vector_load %arg9[%swap3A_988] {strides = array<i32>} : memref<1408xi32, #tpu.memory_space<vmem>>, vector<16xi32>,
        %swap3A_990 = vector.shape_cast %swap3A_989 : vector<16xi32> to vector<16xi32>
        %swap3A_991 = vector.shape_cast %get3A_981 : vector<16xi32> to vector<16xi32>
        tpu.vector_store %arg9[%swap3A_988], %swap3A_991 {strides = array<i32>} : memref<1408xi32, #tpu.memory_space<vmem>>, vector<16xi32>,
        %get3A_992 = arith.constant 144 : index
        %get3A_993 = tpu.vector_load %arg12[%get3A_992] {strides = array<i32>} : memref<320xi32, #tpu.memory_space<vmem>>, vector<16xi32>,
        %get3A_994 = vector.shape_cast %get3A_993 : vector<16xi32> to vector<16xi32>
        %mul3A_995 = arith.constant 32 : i32
        %mul3A_996 = arith.muli %mul3A_676, %mul3A_995 : i32
        %add3A_997 = arith.constant 640 : i32
        %add3A_998 = arith.addi %add3A_997, %mul3A_996 : i32
        %add3A_999 = arith.constant 16 : i32
        %add3A_1000 = arith.addi %add3A_998, %add3A_999 : i32
        %swap3A_1001 = arith.index_cast %add3A_1000 : i32 to index
        %swap3A_1002 = tpu.vector_load %arg9[%swap3A_1001] {strides = array<i32>} : memref<1408xi32, #tpu.memory_space<vmem>>, vector<16xi32>,
        %swap3A_1003 = vector.shape_cast %swap3A_1002 : vector<16xi32> to vector<16xi32>
        %swap3A_1004 = vector.shape_cast %get3A_994 : vector<16xi32> to vector<16xi32>
        tpu.vector_store %arg9[%swap3A_1001], %swap3A_1004 {strides = array<i32>} : memref<1408xi32, #tpu.memory_space<vmem>>, vector<16xi32>,
        %get3A_1005 = arith.constant 160 : index
        %get3A_1006 = tpu.vector_load %arg12[%get3A_1005] {strides = array<i32>} : memref<320xi32, #tpu.memory_space<vmem>>, vector<16xi32>,
        %get3A_1007 = vector.shape_cast %get3A_1006 : vector<16xi32> to vector<16xi32>
        %mul3A_1008 = arith.constant 32 : i32
        %mul3A_1009 = arith.muli %mul3A_676, %mul3A_1008 : i32
        %add3A_1010 = arith.constant 768 : i32
        %add3A_1011 = arith.addi %add3A_1010, %mul3A_1009 : i32
        %add3A_1012 = arith.constant 0 : i32
        %add3A_1013 = arith.addi %add3A_1011, %add3A_1012 : i32
        %swap3A_1014 = arith.index_cast %add3A_1013 : i32 to index
        %swap3A_1015 = tpu.vector_load %arg9[%swap3A_1014] {strides = array<i32>} : memref<1408xi32, #tpu.memory_space<vmem>>, vector<16xi32>,
        %swap3A_1016 = vector.shape_cast %swap3A_1015 : vector<16xi32> to vector<16xi32>
        %swap3A_1017 = vector.shape_cast %get3A_1007 : vector<16xi32> to vector<16xi32>
        tpu.vector_store %arg9[%swap3A_1014], %swap3A_1017 {strides = array<i32>} : memref<1408xi32, #tpu.memory_space<vmem>>, vector<16xi32>,
        %get3A_1018 = arith.constant 176 : index
        %get3A_1019 = tpu.vector_load %arg12[%get3A_1018] {strides = array<i32>} : memref<320xi32, #tpu.memory_space<vmem>>, vector<16xi32>,
        %get3A_1020 = vector.shape_cast %get3A_1019 : vector<16xi32> to vector<16xi32>
        %mul3A_1021 = arith.constant 32 : i32
        %mul3A_1022 = arith.muli %mul3A_676, %mul3A_1021 : i32
        %add3A_1023 = arith.constant 768 : i32
        %add3A_1024 = arith.addi %add3A_1023, %mul3A_1022 : i32
        %add3A_1025 = arith.constant 16 : i32
        %add3A_1026 = arith.addi %add3A_1024, %add3A_1025 : i32
        %swap3A_1027 = arith.index_cast %add3A_1026 : i32 to index
        %swap3A_1028 = tpu.vector_load %arg9[%swap3A_1027] {strides = array<i32>} : memref<1408xi32, #tpu.memory_space<vmem>>, vector<16xi32>,
        %swap3A_1029 = vector.shape_cast %swap3A_1028 : vector<16xi32> to vector<16xi32>
        %swap3A_1030 = vector.shape_cast %get3A_1020 : vector<16xi32> to vector<16xi32>
        tpu.vector_store %arg9[%swap3A_1027], %swap3A_1030 {strides = array<i32>} : memref<1408xi32, #tpu.memory_space<vmem>>, vector<16xi32>,
        %get3A_1031 = arith.constant 192 : index
        %get3A_1032 = tpu.vector_load %arg12[%get3A_1031] {strides = array<i32>} : memref<320xi32, #tpu.memory_space<vmem>>, vector<16xi32>,
        %get3A_1033 = vector.shape_cast %get3A_1032 : vector<16xi32> to vector<16xi32>
        %mul3A_1034 = arith.constant 32 : i32
        %mul3A_1035 = arith.muli %mul3A_676, %mul3A_1034 : i32
        %add3A_1036 = arith.constant 896 : i32
        %add3A_1037 = arith.addi %add3A_1036, %mul3A_1035 : i32
        %add3A_1038 = arith.constant 0 : i32
        %add3A_1039 = arith.addi %add3A_1037, %add3A_1038 : i32
        %swap3A_1040 = arith.index_cast %add3A_1039 : i32 to index
        %swap3A_1041 = tpu.vector_load %arg9[%swap3A_1040] {strides = array<i32>} : memref<1408xi32, #tpu.memory_space<vmem>>, vector<16xi32>,
        %swap3A_1042 = vector.shape_cast %swap3A_1041 : vector<16xi32> to vector<16xi32>
        %swap3A_1043 = vector.shape_cast %get3A_1033 : vector<16xi32> to vector<16xi32>
        tpu.vector_store %arg9[%swap3A_1040], %swap3A_1043 {strides = array<i32>} : memref<1408xi32, #tpu.memory_space<vmem>>, vector<16xi32>,
        %get3A_1044 = arith.constant 208 : index
        %get3A_1045 = tpu.vector_load %arg12[%get3A_1044] {strides = array<i32>} : memref<320xi32, #tpu.memory_space<vmem>>, vector<16xi32>,
        %get3A_1046 = vector.shape_cast %get3A_1045 : vector<16xi32> to vector<16xi32>
        %mul3A_1047 = arith.constant 32 : i32
        %mul3A_1048 = arith.muli %mul3A_676, %mul3A_1047 : i32
        %add3A_1049 = arith.constant 896 : i32
        %add3A_1050 = arith.addi %add3A_1049, %mul3A_1048 : i32
        %add3A_1051 = arith.constant 16 : i32
        %add3A_1052 = arith.addi %add3A_1050, %add3A_1051 : i32
        %swap3A_1053 = arith.index_cast %add3A_1052 : i32 to index
        %swap3A_1054 = tpu.vector_load %arg9[%swap3A_1053] {strides = array<i32>} : memref<1408xi32, #tpu.memory_space<vmem>>, vector<16xi32>,
        %swap3A_1055 = vector.shape_cast %swap3A_1054 : vector<16xi32> to vector<16xi32>
        %swap3A_1056 = vector.shape_cast %get3A_1046 : vector<16xi32> to vector<16xi32>
        tpu.vector_store %arg9[%swap3A_1053], %swap3A_1056 {strides = array<i32>} : memref<1408xi32, #tpu.memory_space<vmem>>, vector<16xi32>,
        %get3A_1057 = arith.constant 224 : index
        %get3A_1058 = tpu.vector_load %arg12[%get3A_1057] {strides = array<i32>} : memref<320xi32, #tpu.memory_space<vmem>>, vector<16xi32>,
        %get3A_1059 = vector.shape_cast %get3A_1058 : vector<16xi32> to vector<16xi32>
        %mul3A_1060 = arith.constant 32 : i32
        %mul3A_1061 = arith.muli %mul3A_676, %mul3A_1060 : i32
        %add3A_1062 = arith.constant 1024 : i32
        %add3A_1063 = arith.addi %add3A_1062, %mul3A_1061 : i32
        %add3A_1064 = arith.constant 0 : i32
        %add3A_1065 = arith.addi %add3A_1063, %add3A_1064 : i32
        %swap3A_1066 = arith.index_cast %add3A_1065 : i32 to index
        %swap3A_1067 = tpu.vector_load %arg9[%swap3A_1066] {strides = array<i32>} : memref<1408xi32, #tpu.memory_space<vmem>>, vector<16xi32>,
        %swap3A_1068 = vector.shape_cast %swap3A_1067 : vector<16xi32> to vector<16xi32>
        %swap3A_1069 = vector.shape_cast %get3A_1059 : vector<16xi32> to vector<16xi32>
        tpu.vector_store %arg9[%swap3A_1066], %swap3A_1069 {strides = array<i32>} : memref<1408xi32, #tpu.memory_space<vmem>>, vector<16xi32>,
        %get3A_1070 = arith.constant 240 : index
        %get3A_1071 = tpu.vector_load %arg12[%get3A_1070] {strides = array<i32>} : memref<320xi32, #tpu.memory_space<vmem>>, vector<16xi32>,
        %get3A_1072 = vector.shape_cast %get3A_1071 : vector<16xi32> to vector<16xi32>
        %mul3A_1073 = arith.constant 32 : i32
        %mul3A_1074 = arith.muli %mul3A_676, %mul3A_1073 : i32
        %add3A_1075 = arith.constant 1024 : i32
        %add3A_1076 = arith.addi %add3A_1075, %mul3A_1074 : i32
        %add3A_1077 = arith.constant 16 : i32
        %add3A_1078 = arith.addi %add3A_1076, %add3A_1077 : i32
        %swap3A_1079 = arith.index_cast %add3A_1078 : i32 to index
        %swap3A_1080 = tpu.vector_load %arg9[%swap3A_1079] {strides = array<i32>} : memref<1408xi32, #tpu.memory_space<vmem>>, vector<16xi32>,
        %swap3A_1081 = vector.shape_cast %swap3A_1080 : vector<16xi32> to vector<16xi32>
        %swap3A_1082 = vector.shape_cast %get3A_1072 : vector<16xi32> to vector<16xi32>
        tpu.vector_store %arg9[%swap3A_1079], %swap3A_1082 {strides = array<i32>} : memref<1408xi32, #tpu.memory_space<vmem>>, vector<16xi32>,
        %get3A_1083 = arith.constant 256 : index
        %get3A_1084 = tpu.vector_load %arg12[%get3A_1083] {strides = array<i32>} : memref<320xi32, #tpu.memory_space<vmem>>, vector<16xi32>,
        %get3A_1085 = vector.shape_cast %get3A_1084 : vector<16xi32> to vector<16xi32>
        %mul3A_1086 = arith.constant 32 : i32
        %mul3A_1087 = arith.muli %mul3A_676, %mul3A_1086 : i32
        %add3A_1088 = arith.constant 1152 : i32
        %add3A_1089 = arith.addi %add3A_1088, %mul3A_1087 : i32
        %add3A_1090 = arith.constant 0 : i32
        %add3A_1091 = arith.addi %add3A_1089, %add3A_1090 : i32
        %swap3A_1092 = arith.index_cast %add3A_1091 : i32 to index
        %swap3A_1093 = tpu.vector_load %arg9[%swap3A_1092] {strides = array<i32>} : memref<1408xi32, #tpu.memory_space<vmem>>, vector<16xi32>,
        %swap3A_1094 = vector.shape_cast %swap3A_1093 : vector<16xi32> to vector<16xi32>
        %swap3A_1095 = vector.shape_cast %get3A_1085 : vector<16xi32> to vector<16xi32>
        tpu.vector_store %arg9[%swap3A_1092], %swap3A_1095 {strides = array<i32>} : memref<1408xi32, #tpu.memory_space<vmem>>, vector<16xi32>,
        %get3A_1096 = arith.constant 272 : index
        %get3A_1097 = tpu.vector_load %arg12[%get3A_1096] {strides = array<i32>} : memref<320xi32, #tpu.memory_space<vmem>>, vector<16xi32>,
        %get3A_1098 = vector.shape_cast %get3A_1097 : vector<16xi32> to vector<16xi32>
        %mul3A_1099 = arith.constant 32 : i32
        %mul3A_1100 = arith.muli %mul3A_676, %mul3A_1099 : i32
        %add3A_1101 = arith.constant 1152 : i32
        %add3A_1102 = arith.addi %add3A_1101, %mul3A_1100 : i32
        %add3A_1103 = arith.constant 16 : i32
        %add3A_1104 = arith.addi %add3A_1102, %add3A_1103 : i32
        %swap3A_1105 = arith.index_cast %add3A_1104 : i32 to index
        %swap3A_1106 = tpu.vector_load %arg9[%swap3A_1105] {strides = array<i32>} : memref<1408xi32, #tpu.memory_space<vmem>>, vector<16xi32>,
        %swap3A_1107 = vector.shape_cast %swap3A_1106 : vector<16xi32> to vector<16xi32>
        %swap3A_1108 = vector.shape_cast %get3A_1098 : vector<16xi32> to vector<16xi32>
        tpu.vector_store %arg9[%swap3A_1105], %swap3A_1108 {strides = array<i32>} : memref<1408xi32, #tpu.memory_space<vmem>>, vector<16xi32>,
        %get3A_1109 = arith.constant 288 : index
        %get3A_1110 = tpu.vector_load %arg12[%get3A_1109] {strides = array<i32>} : memref<320xi32, #tpu.memory_space<vmem>>, vector<16xi32>,
        %get3A_1111 = vector.shape_cast %get3A_1110 : vector<16xi32> to vector<16xi32>
        %mul3A_1112 = arith.constant 32 : i32
        %mul3A_1113 = arith.muli %mul3A_676, %mul3A_1112 : i32
        %add3A_1114 = arith.constant 1280 : i32
        %add3A_1115 = arith.addi %add3A_1114, %mul3A_1113 : i32
        %add3A_1116 = arith.constant 0 : i32
        %add3A_1117 = arith.addi %add3A_1115, %add3A_1116 : i32
        %swap3A_1118 = arith.index_cast %add3A_1117 : i32 to index
        %swap3A_1119 = tpu.vector_load %arg9[%swap3A_1118] {strides = array<i32>} : memref<1408xi32, #tpu.memory_space<vmem>>, vector<16xi32>,
        %swap3A_1120 = vector.shape_cast %swap3A_1119 : vector<16xi32> to vector<16xi32>
        %swap3A_1121 = vector.shape_cast %get3A_1111 : vector<16xi32> to vector<16xi32>
        tpu.vector_store %arg9[%swap3A_1118], %swap3A_1121 {strides = array<i32>} : memref<1408xi32, #tpu.memory_space<vmem>>, vector<16xi32>,
        %get3A_1122 = arith.constant 304 : index
        %get3A_1123 = tpu.vector_load %arg12[%get3A_1122] {strides = array<i32>} : memref<320xi32, #tpu.memory_space<vmem>>, vector<16xi32>,
        %get3A_1124 = vector.shape_cast %get3A_1123 : vector<16xi32> to vector<16xi32>
        %mul3A_1125 = arith.constant 32 : i32
        %mul3A_1126 = arith.muli %mul3A_676, %mul3A_1125 : i32
        %add3A_1127 = arith.constant 1280 : i32
        %add3A_1128 = arith.addi %add3A_1127, %mul3A_1126 : i32
        %add3A_1129 = arith.constant 16 : i32
        %add3A_1130 = arith.addi %add3A_1128, %add3A_1129 : i32
        %swap3A_1131 = arith.index_cast %add3A_1130 : i32 to index
        %swap3A_1132 = tpu.vector_load %arg9[%swap3A_1131] {strides = array<i32>} : memref<1408xi32, #tpu.memory_space<vmem>>, vector<16xi32>,
        %swap3A_1133 = vector.shape_cast %swap3A_1132 : vector<16xi32> to vector<16xi32>
        %swap3A_1134 = vector.shape_cast %get3A_1124 : vector<16xi32> to vector<16xi32>
        tpu.vector_store %arg9[%swap3A_1131], %swap3A_1134 {strides = array<i32>} : memref<1408xi32, #tpu.memory_space<vmem>>, vector<16xi32>,
      } else {
      }
      %add3A_713 = arith.constant 2 : i32
      %add3A_714 = arith.addi %mul3A_676, %add3A_713 : i32
      %lt3A_715 = arith.constant 44 : i32
      %lt3A_716 = arith.cmpi slt, %add3A_714, %lt3A_715 : i32
      %convert_element_type3A_717 = arith.extui %lt3A_716 : i1 to i32
      %cond3A_718 = arith.constant 0 : i32
      %cond3A_719 = arith.cmpi ne, %convert_element_type3A_717, %cond3A_718 : i32
      scf.if %cond3A_719 {
        %add3A_875 = arith.constant 2 : i32
        %add3A_876 = arith.addi %mul3A_676, %add3A_875 : i32
        %sub3A_877 = arith.constant 4 : i32
        %sub3A_878 = arith.subi %add3A_876, %sub3A_877 : i32
        %max3A_879 = arith.constant 0 : i32
        %max3A_880 = arith.maxsi %sub3A_878, %max3A_879 : i32
        %jit3A_881 = arith.constant 4 : i32
        %div3A_882 = arith.divsi %max3A_880, %jit3A_881 : i32
        %sign3A_883 = arith.constant 0 : i32
        %sign3A_884 = arith.cmpi sgt, %max3A_880, %sign3A_883 : i32
        %sign3A_885 = arith.extui %sign3A_884 : i1 to i32
        %sign3A_886 = arith.constant 0 : i32
        %sign3A_887 = arith.cmpi slt, %max3A_880, %sign3A_886 : i32
        %sign3A_888 = arith.extui %sign3A_887 : i1 to i32
        %sign3A_889 = arith.subi %sign3A_885, %sign3A_888 : i32
        %sign3A_890 = arith.constant 0 : i32
        %sign3A_891 = arith.cmpi sgt, %jit3A_881, %sign3A_890 : i32
        %sign3A_892 = arith.extui %sign3A_891 : i1 to i32
        %sign3A_893 = arith.constant 0 : i32
        %sign3A_894 = arith.cmpi slt, %jit3A_881, %sign3A_893 : i32
        %sign3A_895 = arith.extui %sign3A_894 : i1 to i32
        %sign3A_896 = arith.subi %sign3A_892, %sign3A_895 : i32
        %ne3A_897 = arith.cmpi ne, %sign3A_889, %sign3A_896 : i32
        %rem3A_898 = arith.remsi %max3A_880, %jit3A_881 : i32
        %ne3A_899 = arith.constant 0 : i32
        %ne3A_900 = arith.cmpi ne, %rem3A_898, %ne3A_899 : i32
        %and3A_901 = arith.andi %ne3A_897, %ne3A_900 : i1
        %sub3A_902 = arith.constant 1 : i32
        %sub3A_903 = arith.subi %div3A_882, %sub3A_902 : i32
        %select_n3A_904 = arith.select %and3A_901, %sub3A_903, %div3A_882 : i32
        %mul3A_905 = arith.constant 4 : i32
        %mul3A_906 = arith.muli %select_n3A_904, %mul3A_905 : i32
        %sub3A_907 = arith.subi %max3A_880, %mul3A_906 : i32
        %lt3A_908 = arith.constant 4 : i32
        %lt3A_909 = arith.cmpi slt, %add3A_876, %lt3A_908 : i32
        %mul3A_910 = arith.constant 32 : i32
        %mul3A_911 = arith.muli %add3A_876, %mul3A_910 : i32
        %mul3A_912 = arith.constant 128 : i32
        %mul3A_913 = arith.muli %select_n3A_904, %mul3A_912 : i32
        %add3A_914 = arith.constant 128 : i32
        %add3A_915 = arith.addi %add3A_914, %mul3A_913 : i32
        %mul3A_916 = arith.constant 32 : i32
        %mul3A_917 = arith.muli %sub3A_907, %mul3A_916 : i32
        %add3A_918 = arith.addi %add3A_915, %mul3A_917 : i32
        %select_n3A_919 = arith.select %lt3A_909, %mul3A_911, %add3A_918 : i32
        %add3A_920 = arith.constant 0 : i32
        %add3A_921 = arith.addi %select_n3A_919, %add3A_920 : i32
        %get3A_922 = arith.index_cast %add3A_921 : i32 to index
        %get3A_923 = tpu.vector_load %arg9[%get3A_922] {strides = array<i32>} : memref<1408xi32, #tpu.memory_space<vmem>>, vector<16xi32>,
        %get3A_924 = vector.shape_cast %get3A_923 : vector<16xi32> to vector<16xi32>
        %add3A_925 = arith.constant 0 : i32
        %add3A_926 = vector.broadcast %add3A_925 : i32 to vector<16xi32>
        %add3A_927 = arith.addi %get3A_924, %add3A_926 : vector<16xi32>
        %swap3A_928 = arith.constant 0 : index
        %swap3A_929 = tpu.vector_load %arg10[%swap3A_928] {strides = array<i32>} : memref<320xi32, #tpu.memory_space<vmem>>, vector<16xi32>,
        %swap3A_930 = vector.shape_cast %swap3A_929 : vector<16xi32> to vector<16xi32>
        %swap3A_931 = vector.shape_cast %add3A_927 : vector<16xi32> to vector<16xi32>
        tpu.vector_store %arg10[%swap3A_928], %swap3A_931 {strides = array<i32>} : memref<320xi32, #tpu.memory_space<vmem>>, vector<16xi32>,
        %add3A_932 = arith.constant 16 : i32
        %add3A_933 = arith.addi %select_n3A_919, %add3A_932 : i32
        %get3A_934 = arith.index_cast %add3A_933 : i32 to index
        %get3A_935 = tpu.vector_load %arg9[%get3A_934] {strides = array<i32>} : memref<1408xi32, #tpu.memory_space<vmem>>, vector<16xi32>,
        %get3A_936 = vector.shape_cast %get3A_935 : vector<16xi32> to vector<16xi32>
        %add3A_937 = arith.constant 0 : i32
        %add3A_938 = vector.broadcast %add3A_937 : i32 to vector<16xi32>
        %add3A_939 = arith.addi %get3A_936, %add3A_938 : vector<16xi32>
        %swap3A_940 = arith.constant 16 : index
        %swap3A_941 = tpu.vector_load %arg10[%swap3A_940] {strides = array<i32>} : memref<320xi32, #tpu.memory_space<vmem>>, vector<16xi32>,
        %swap3A_942 = vector.shape_cast %swap3A_941 : vector<16xi32> to vector<16xi32>
        %swap3A_943 = vector.shape_cast %add3A_939 : vector<16xi32> to vector<16xi32>
        tpu.vector_store %arg10[%swap3A_940], %swap3A_943 {strides = array<i32>} : memref<320xi32, #tpu.memory_space<vmem>>, vector<16xi32>,
        %add3A_944 = arith.constant 0 : i32
        %add3A_945 = arith.addi %select_n3A_919, %add3A_944 : i32
        %get3A_946 = arith.index_cast %add3A_945 : i32 to index
        %get3A_947 = tpu.vector_load %arg9[%get3A_946] {strides = array<i32>} : memref<1408xi32, #tpu.memory_space<vmem>>, vector<16xi32>,
        %get3A_948 = vector.shape_cast %get3A_947 : vector<16xi32> to vector<16xi32>
        %add3A_949 = arith.constant 100000 : i32
        %add3A_950 = vector.broadcast %add3A_949 : i32 to vector<16xi32>
        %add3A_951 = arith.addi %get3A_948, %add3A_950 : vector<16xi32>
        %swap3A_952 = arith.constant 32 : index
        %swap3A_953 = tpu.vector_load %arg10[%swap3A_952] {strides = array<i32>} : memref<320xi32, #tpu.memory_space<vmem>>, vector<16xi32>,
        %swap3A_954 = vector.shape_cast %swap3A_953 : vector<16xi32> to vector<16xi32>
        %swap3A_955 = vector.shape_cast %add3A_951 : vector<16xi32> to vector<16xi32>
        tpu.vector_store %arg10[%swap3A_952], %swap3A_955 {strides = array<i32>} : memref<320xi32, #tpu.memory_space<vmem>>, vector<16xi32>,
        %add3A_956 = arith.constant 16 : i32
        %add3A_957 = arith.addi %select_n3A_919, %add3A_956 : i32
        %get3A_958 = arith.index_cast %add3A_957 : i32 to index
        %get3A_959 = tpu.vector_load %arg9[%get3A_958] {strides = array<i32>} : memref<1408xi32, #tpu.memory_space<vmem>>, vector<16xi32>,
        %get3A_960 = vector.shape_cast %get3A_959 : vector<16xi32> to vector<16xi32>
        %add3A_961 = arith.constant 100000 : i32
        %add3A_962 = vector.broadcast %add3A_961 : i32 to vector<16xi32>
        %add3A_963 = arith.addi %get3A_960, %add3A_962 : vector<16xi32>
        %swap3A_964 = arith.constant 48 : index
        %swap3A_965 = tpu.vector_load %arg10[%swap3A_964] {strides = array<i32>} : memref<320xi32, #tpu.memory_space<vmem>>, vector<16xi32>,
        %swap3A_966 = vector.shape_cast %swap3A_965 : vector<16xi32> to vector<16xi32>
        %swap3A_967 = vector.shape_cast %add3A_963 : vector<16xi32> to vector<16xi32>
        tpu.vector_store %arg10[%swap3A_964], %swap3A_967 {strides = array<i32>} : memref<320xi32, #tpu.memory_space<vmem>>, vector<16xi32>,
        %add3A_968 = arith.constant 0 : i32
        %add3A_969 = arith.addi %select_n3A_919, %add3A_968 : i32
        %get3A_970 = arith.index_cast %add3A_969 : i32 to index
        %get3A_971 = tpu.vector_load %arg9[%get3A_970] {strides = array<i32>} : memref<1408xi32, #tpu.memory_space<vmem>>, vector<16xi32>,
        %get3A_972 = vector.shape_cast %get3A_971 : vector<16xi32> to vector<16xi32>
        %add3A_973 = arith.constant 200000 : i32
        %add3A_974 = vector.broadcast %add3A_973 : i32 to vector<16xi32>
        %add3A_975 = arith.addi %get3A_972, %add3A_974 : vector<16xi32>
        %swap3A_976 = arith.constant 64 : index
        %swap3A_977 = tpu.vector_load %arg10[%swap3A_976] {strides = array<i32>} : memref<320xi32, #tpu.memory_space<vmem>>, vector<16xi32>,
        %swap3A_978 = vector.shape_cast %swap3A_977 : vector<16xi32> to vector<16xi32>
        %swap3A_979 = vector.shape_cast %add3A_975 : vector<16xi32> to vector<16xi32>
        tpu.vector_store %arg10[%swap3A_976], %swap3A_979 {strides = array<i32>} : memref<320xi32, #tpu.memory_space<vmem>>, vector<16xi32>,
        %add3A_980 = arith.constant 16 : i32
        %add3A_981 = arith.addi %select_n3A_919, %add3A_980 : i32
        %get3A_982 = arith.index_cast %add3A_981 : i32 to index
        %get3A_983 = tpu.vector_load %arg9[%get3A_982] {strides = array<i32>} : memref<1408xi32, #tpu.memory_space<vmem>>, vector<16xi32>,
        %get3A_984 = vector.shape_cast %get3A_983 : vector<16xi32> to vector<16xi32>
        %add3A_985 = arith.constant 200000 : i32
        %add3A_986 = vector.broadcast %add3A_985 : i32 to vector<16xi32>
        %add3A_987 = arith.addi %get3A_984, %add3A_986 : vector<16xi32>
        %swap3A_988 = arith.constant 80 : index
        %swap3A_989 = tpu.vector_load %arg10[%swap3A_988] {strides = array<i32>} : memref<320xi32, #tpu.memory_space<vmem>>, vector<16xi32>,
        %swap3A_990 = vector.shape_cast %swap3A_989 : vector<16xi32> to vector<16xi32>
        %swap3A_991 = vector.shape_cast %add3A_987 : vector<16xi32> to vector<16xi32>
        tpu.vector_store %arg10[%swap3A_988], %swap3A_991 {strides = array<i32>} : memref<320xi32, #tpu.memory_space<vmem>>, vector<16xi32>,
        %add3A_992 = arith.constant 0 : i32
        %add3A_993 = arith.addi %select_n3A_919, %add3A_992 : i32
        %get3A_994 = arith.index_cast %add3A_993 : i32 to index
        %get3A_995 = tpu.vector_load %arg9[%get3A_994] {strides = array<i32>} : memref<1408xi32, #tpu.memory_space<vmem>>, vector<16xi32>,
        %get3A_996 = vector.shape_cast %get3A_995 : vector<16xi32> to vector<16xi32>
        %add3A_997 = arith.constant 300000 : i32
        %add3A_998 = vector.broadcast %add3A_997 : i32 to vector<16xi32>
        %add3A_999 = arith.addi %get3A_996, %add3A_998 : vector<16xi32>
        %swap3A_1000 = arith.constant 96 : index
        %swap3A_1001 = tpu.vector_load %arg10[%swap3A_1000] {strides = array<i32>} : memref<320xi32, #tpu.memory_space<vmem>>, vector<16xi32>,
        %swap3A_1002 = vector.shape_cast %swap3A_1001 : vector<16xi32> to vector<16xi32>
        %swap3A_1003 = vector.shape_cast %add3A_999 : vector<16xi32> to vector<16xi32>
        tpu.vector_store %arg10[%swap3A_1000], %swap3A_1003 {strides = array<i32>} : memref<320xi32, #tpu.memory_space<vmem>>, vector<16xi32>,
        %add3A_1004 = arith.constant 16 : i32
        %add3A_1005 = arith.addi %select_n3A_919, %add3A_1004 : i32
        %get3A_1006 = arith.index_cast %add3A_1005 : i32 to index
        %get3A_1007 = tpu.vector_load %arg9[%get3A_1006] {strides = array<i32>} : memref<1408xi32, #tpu.memory_space<vmem>>, vector<16xi32>,
        %get3A_1008 = vector.shape_cast %get3A_1007 : vector<16xi32> to vector<16xi32>
        %add3A_1009 = arith.constant 300000 : i32
        %add3A_1010 = vector.broadcast %add3A_1009 : i32 to vector<16xi32>
        %add3A_1011 = arith.addi %get3A_1008, %add3A_1010 : vector<16xi32>
        %swap3A_1012 = arith.constant 112 : index
        %swap3A_1013 = tpu.vector_load %arg10[%swap3A_1012] {strides = array<i32>} : memref<320xi32, #tpu.memory_space<vmem>>, vector<16xi32>,
        %swap3A_1014 = vector.shape_cast %swap3A_1013 : vector<16xi32> to vector<16xi32>
        %swap3A_1015 = vector.shape_cast %add3A_1011 : vector<16xi32> to vector<16xi32>
        tpu.vector_store %arg10[%swap3A_1012], %swap3A_1015 {strides = array<i32>} : memref<320xi32, #tpu.memory_space<vmem>>, vector<16xi32>,
        %add3A_1016 = arith.constant 0 : i32
        %add3A_1017 = arith.addi %select_n3A_919, %add3A_1016 : i32
        %get3A_1018 = arith.index_cast %add3A_1017 : i32 to index
        %get3A_1019 = tpu.vector_load %arg9[%get3A_1018] {strides = array<i32>} : memref<1408xi32, #tpu.memory_space<vmem>>, vector<16xi32>,
        %get3A_1020 = vector.shape_cast %get3A_1019 : vector<16xi32> to vector<16xi32>
        %add3A_1021 = arith.constant 400000 : i32
        %add3A_1022 = vector.broadcast %add3A_1021 : i32 to vector<16xi32>
        %add3A_1023 = arith.addi %get3A_1020, %add3A_1022 : vector<16xi32>
        %swap3A_1024 = arith.constant 128 : index
        %swap3A_1025 = tpu.vector_load %arg10[%swap3A_1024] {strides = array<i32>} : memref<320xi32, #tpu.memory_space<vmem>>, vector<16xi32>,
        %swap3A_1026 = vector.shape_cast %swap3A_1025 : vector<16xi32> to vector<16xi32>
        %swap3A_1027 = vector.shape_cast %add3A_1023 : vector<16xi32> to vector<16xi32>
        tpu.vector_store %arg10[%swap3A_1024], %swap3A_1027 {strides = array<i32>} : memref<320xi32, #tpu.memory_space<vmem>>, vector<16xi32>,
        %add3A_1028 = arith.constant 16 : i32
        %add3A_1029 = arith.addi %select_n3A_919, %add3A_1028 : i32
        %get3A_1030 = arith.index_cast %add3A_1029 : i32 to index
        %get3A_1031 = tpu.vector_load %arg9[%get3A_1030] {strides = array<i32>} : memref<1408xi32, #tpu.memory_space<vmem>>, vector<16xi32>,
        %get3A_1032 = vector.shape_cast %get3A_1031 : vector<16xi32> to vector<16xi32>
        %add3A_1033 = arith.constant 400000 : i32
        %add3A_1034 = vector.broadcast %add3A_1033 : i32 to vector<16xi32>
        %add3A_1035 = arith.addi %get3A_1032, %add3A_1034 : vector<16xi32>
        %swap3A_1036 = arith.constant 144 : index
        %swap3A_1037 = tpu.vector_load %arg10[%swap3A_1036] {strides = array<i32>} : memref<320xi32, #tpu.memory_space<vmem>>, vector<16xi32>,
        %swap3A_1038 = vector.shape_cast %swap3A_1037 : vector<16xi32> to vector<16xi32>
        %swap3A_1039 = vector.shape_cast %add3A_1035 : vector<16xi32> to vector<16xi32>
        tpu.vector_store %arg10[%swap3A_1036], %swap3A_1039 {strides = array<i32>} : memref<320xi32, #tpu.memory_space<vmem>>, vector<16xi32>,
        %add3A_1040 = arith.constant 0 : i32
        %add3A_1041 = arith.addi %select_n3A_919, %add3A_1040 : i32
        %get3A_1042 = arith.index_cast %add3A_1041 : i32 to index
        %get3A_1043 = tpu.vector_load %arg9[%get3A_1042] {strides = array<i32>} : memref<1408xi32, #tpu.memory_space<vmem>>, vector<16xi32>,
        %get3A_1044 = vector.shape_cast %get3A_1043 : vector<16xi32> to vector<16xi32>
        %add3A_1045 = arith.constant 500000 : i32
        %add3A_1046 = vector.broadcast %add3A_1045 : i32 to vector<16xi32>
        %add3A_1047 = arith.addi %get3A_1044, %add3A_1046 : vector<16xi32>
        %swap3A_1048 = arith.constant 160 : index
        %swap3A_1049 = tpu.vector_load %arg10[%swap3A_1048] {strides = array<i32>} : memref<320xi32, #tpu.memory_space<vmem>>, vector<16xi32>,
        %swap3A_1050 = vector.shape_cast %swap3A_1049 : vector<16xi32> to vector<16xi32>
        %swap3A_1051 = vector.shape_cast %add3A_1047 : vector<16xi32> to vector<16xi32>
        tpu.vector_store %arg10[%swap3A_1048], %swap3A_1051 {strides = array<i32>} : memref<320xi32, #tpu.memory_space<vmem>>, vector<16xi32>,
        %add3A_1052 = arith.constant 16 : i32
        %add3A_1053 = arith.addi %select_n3A_919, %add3A_1052 : i32
        %get3A_1054 = arith.index_cast %add3A_1053 : i32 to index
        %get3A_1055 = tpu.vector_load %arg9[%get3A_1054] {strides = array<i32>} : memref<1408xi32, #tpu.memory_space<vmem>>, vector<16xi32>,
        %get3A_1056 = vector.shape_cast %get3A_1055 : vector<16xi32> to vector<16xi32>
        %add3A_1057 = arith.constant 500000 : i32
        %add3A_1058 = vector.broadcast %add3A_1057 : i32 to vector<16xi32>
        %add3A_1059 = arith.addi %get3A_1056, %add3A_1058 : vector<16xi32>
        %swap3A_1060 = arith.constant 176 : index
        %swap3A_1061 = tpu.vector_load %arg10[%swap3A_1060] {strides = array<i32>} : memref<320xi32, #tpu.memory_space<vmem>>, vector<16xi32>,
        %swap3A_1062 = vector.shape_cast %swap3A_1061 : vector<16xi32> to vector<16xi32>
        %swap3A_1063 = vector.shape_cast %add3A_1059 : vector<16xi32> to vector<16xi32>
        tpu.vector_store %arg10[%swap3A_1060], %swap3A_1063 {strides = array<i32>} : memref<320xi32, #tpu.memory_space<vmem>>, vector<16xi32>,
        %add3A_1064 = arith.constant 0 : i32
        %add3A_1065 = arith.addi %select_n3A_919, %add3A_1064 : i32
        %get3A_1066 = arith.index_cast %add3A_1065 : i32 to index
        %get3A_1067 = tpu.vector_load %arg9[%get3A_1066] {strides = array<i32>} : memref<1408xi32, #tpu.memory_space<vmem>>, vector<16xi32>,
        %get3A_1068 = vector.shape_cast %get3A_1067 : vector<16xi32> to vector<16xi32>
        %add3A_1069 = arith.constant 600000 : i32
        %add3A_1070 = vector.broadcast %add3A_1069 : i32 to vector<16xi32>
        %add3A_1071 = arith.addi %get3A_1068, %add3A_1070 : vector<16xi32>
        %swap3A_1072 = arith.constant 192 : index
        %swap3A_1073 = tpu.vector_load %arg10[%swap3A_1072] {strides = array<i32>} : memref<320xi32, #tpu.memory_space<vmem>>, vector<16xi32>,
        %swap3A_1074 = vector.shape_cast %swap3A_1073 : vector<16xi32> to vector<16xi32>
        %swap3A_1075 = vector.shape_cast %add3A_1071 : vector<16xi32> to vector<16xi32>
        tpu.vector_store %arg10[%swap3A_1072], %swap3A_1075 {strides = array<i32>} : memref<320xi32, #tpu.memory_space<vmem>>, vector<16xi32>,
        %add3A_1076 = arith.constant 16 : i32
        %add3A_1077 = arith.addi %select_n3A_919, %add3A_1076 : i32
        %get3A_1078 = arith.index_cast %add3A_1077 : i32 to index
        %get3A_1079 = tpu.vector_load %arg9[%get3A_1078] {strides = array<i32>} : memref<1408xi32, #tpu.memory_space<vmem>>, vector<16xi32>,
        %get3A_1080 = vector.shape_cast %get3A_1079 : vector<16xi32> to vector<16xi32>
        %add3A_1081 = arith.constant 600000 : i32
        %add3A_1082 = vector.broadcast %add3A_1081 : i32 to vector<16xi32>
        %add3A_1083 = arith.addi %get3A_1080, %add3A_1082 : vector<16xi32>
        %swap3A_1084 = arith.constant 208 : index
        %swap3A_1085 = tpu.vector_load %arg10[%swap3A_1084] {strides = array<i32>} : memref<320xi32, #tpu.memory_space<vmem>>, vector<16xi32>,
        %swap3A_1086 = vector.shape_cast %swap3A_1085 : vector<16xi32> to vector<16xi32>
        %swap3A_1087 = vector.shape_cast %add3A_1083 : vector<16xi32> to vector<16xi32>
        tpu.vector_store %arg10[%swap3A_1084], %swap3A_1087 {strides = array<i32>} : memref<320xi32, #tpu.memory_space<vmem>>, vector<16xi32>,
        %add3A_1088 = arith.constant 0 : i32
        %add3A_1089 = arith.addi %select_n3A_919, %add3A_1088 : i32
        %get3A_1090 = arith.index_cast %add3A_1089 : i32 to index
        %get3A_1091 = tpu.vector_load %arg9[%get3A_1090] {strides = array<i32>} : memref<1408xi32, #tpu.memory_space<vmem>>, vector<16xi32>,
        %get3A_1092 = vector.shape_cast %get3A_1091 : vector<16xi32> to vector<16xi32>
        %add3A_1093 = arith.constant 700000 : i32
        %add3A_1094 = vector.broadcast %add3A_1093 : i32 to vector<16xi32>
        %add3A_1095 = arith.addi %get3A_1092, %add3A_1094 : vector<16xi32>
        %swap3A_1096 = arith.constant 224 : index
        %swap3A_1097 = tpu.vector_load %arg10[%swap3A_1096] {strides = array<i32>} : memref<320xi32, #tpu.memory_space<vmem>>, vector<16xi32>,
        %swap3A_1098 = vector.shape_cast %swap3A_1097 : vector<16xi32> to vector<16xi32>
        %swap3A_1099 = vector.shape_cast %add3A_1095 : vector<16xi32> to vector<16xi32>
        tpu.vector_store %arg10[%swap3A_1096], %swap3A_1099 {strides = array<i32>} : memref<320xi32, #tpu.memory_space<vmem>>, vector<16xi32>,
        %add3A_1100 = arith.constant 16 : i32
        %add3A_1101 = arith.addi %select_n3A_919, %add3A_1100 : i32
        %get3A_1102 = arith.index_cast %add3A_1101 : i32 to index
        %get3A_1103 = tpu.vector_load %arg9[%get3A_1102] {strides = array<i32>} : memref<1408xi32, #tpu.memory_space<vmem>>, vector<16xi32>,
        %get3A_1104 = vector.shape_cast %get3A_1103 : vector<16xi32> to vector<16xi32>
        %add3A_1105 = arith.constant 700000 : i32
        %add3A_1106 = vector.broadcast %add3A_1105 : i32 to vector<16xi32>
        %add3A_1107 = arith.addi %get3A_1104, %add3A_1106 : vector<16xi32>
        %swap3A_1108 = arith.constant 240 : index
        %swap3A_1109 = tpu.vector_load %arg10[%swap3A_1108] {strides = array<i32>} : memref<320xi32, #tpu.memory_space<vmem>>, vector<16xi32>,
        %swap3A_1110 = vector.shape_cast %swap3A_1109 : vector<16xi32> to vector<16xi32>
        %swap3A_1111 = vector.shape_cast %add3A_1107 : vector<16xi32> to vector<16xi32>
        tpu.vector_store %arg10[%swap3A_1108], %swap3A_1111 {strides = array<i32>} : memref<320xi32, #tpu.memory_space<vmem>>, vector<16xi32>,
        %add3A_1112 = arith.constant 0 : i32
        %add3A_1113 = arith.addi %select_n3A_919, %add3A_1112 : i32
        %get3A_1114 = arith.index_cast %add3A_1113 : i32 to index
        %get3A_1115 = tpu.vector_load %arg9[%get3A_1114] {strides = array<i32>} : memref<1408xi32, #tpu.memory_space<vmem>>, vector<16xi32>,
        %get3A_1116 = vector.shape_cast %get3A_1115 : vector<16xi32> to vector<16xi32>
        %add3A_1117 = arith.constant 800000 : i32
        %add3A_1118 = vector.broadcast %add3A_1117 : i32 to vector<16xi32>
        %add3A_1119 = arith.addi %get3A_1116, %add3A_1118 : vector<16xi32>
        %swap3A_1120 = arith.constant 256 : index
        %swap3A_1121 = tpu.vector_load %arg10[%swap3A_1120] {strides = array<i32>} : memref<320xi32, #tpu.memory_space<vmem>>, vector<16xi32>,
        %swap3A_1122 = vector.shape_cast %swap3A_1121 : vector<16xi32> to vector<16xi32>
        %swap3A_1123 = vector.shape_cast %add3A_1119 : vector<16xi32> to vector<16xi32>
        tpu.vector_store %arg10[%swap3A_1120], %swap3A_1123 {strides = array<i32>} : memref<320xi32, #tpu.memory_space<vmem>>, vector<16xi32>,
        %add3A_1124 = arith.constant 16 : i32
        %add3A_1125 = arith.addi %select_n3A_919, %add3A_1124 : i32
        %get3A_1126 = arith.index_cast %add3A_1125 : i32 to index
        %get3A_1127 = tpu.vector_load %arg9[%get3A_1126] {strides = array<i32>} : memref<1408xi32, #tpu.memory_space<vmem>>, vector<16xi32>,
        %get3A_1128 = vector.shape_cast %get3A_1127 : vector<16xi32> to vector<16xi32>
        %add3A_1129 = arith.constant 800000 : i32
        %add3A_1130 = vector.broadcast %add3A_1129 : i32 to vector<16xi32>
        %add3A_1131 = arith.addi %get3A_1128, %add3A_1130 : vector<16xi32>
        %swap3A_1132 = arith.constant 272 : index
        %swap3A_1133 = tpu.vector_load %arg10[%swap3A_1132] {strides = array<i32>} : memref<320xi32, #tpu.memory_space<vmem>>, vector<16xi32>,
        %swap3A_1134 = vector.shape_cast %swap3A_1133 : vector<16xi32> to vector<16xi32>
        %swap3A_1135 = vector.shape_cast %add3A_1131 : vector<16xi32> to vector<16xi32>
        tpu.vector_store %arg10[%swap3A_1132], %swap3A_1135 {strides = array<i32>} : memref<320xi32, #tpu.memory_space<vmem>>, vector<16xi32>,
        %add3A_1136 = arith.constant 0 : i32
        %add3A_1137 = arith.addi %select_n3A_919, %add3A_1136 : i32
        %get3A_1138 = arith.index_cast %add3A_1137 : i32 to index
        %get3A_1139 = tpu.vector_load %arg9[%get3A_1138] {strides = array<i32>} : memref<1408xi32, #tpu.memory_space<vmem>>, vector<16xi32>,
        %get3A_1140 = vector.shape_cast %get3A_1139 : vector<16xi32> to vector<16xi32>
        %add3A_1141 = arith.constant 900000 : i32
        %add3A_1142 = vector.broadcast %add3A_1141 : i32 to vector<16xi32>
        %add3A_1143 = arith.addi %get3A_1140, %add3A_1142 : vector<16xi32>
        %swap3A_1144 = arith.constant 288 : index
        %swap3A_1145 = tpu.vector_load %arg10[%swap3A_1144] {strides = array<i32>} : memref<320xi32, #tpu.memory_space<vmem>>, vector<16xi32>,
        %swap3A_1146 = vector.shape_cast %swap3A_1145 : vector<16xi32> to vector<16xi32>
        %swap3A_1147 = vector.shape_cast %add3A_1143 : vector<16xi32> to vector<16xi32>
        tpu.vector_store %arg10[%swap3A_1144], %swap3A_1147 {strides = array<i32>} : memref<320xi32, #tpu.memory_space<vmem>>, vector<16xi32>,
        %add3A_1148 = arith.constant 16 : i32
        %add3A_1149 = arith.addi %select_n3A_919, %add3A_1148 : i32
        %get3A_1150 = arith.index_cast %add3A_1149 : i32 to index
        %get3A_1151 = tpu.vector_load %arg9[%get3A_1150] {strides = array<i32>} : memref<1408xi32, #tpu.memory_space<vmem>>, vector<16xi32>,
        %get3A_1152 = vector.shape_cast %get3A_1151 : vector<16xi32> to vector<16xi32>
        %add3A_1153 = arith.constant 900000 : i32
        %add3A_1154 = vector.broadcast %add3A_1153 : i32 to vector<16xi32>
        %add3A_1155 = arith.addi %get3A_1152, %add3A_1154 : vector<16xi32>
        %swap3A_1156 = arith.constant 304 : index
        %swap3A_1157 = tpu.vector_load %arg10[%swap3A_1156] {strides = array<i32>} : memref<320xi32, #tpu.memory_space<vmem>>, vector<16xi32>,
        %swap3A_1158 = vector.shape_cast %swap3A_1157 : vector<16xi32> to vector<16xi32>
        %swap3A_1159 = vector.shape_cast %add3A_1155 : vector<16xi32> to vector<16xi32>
        tpu.vector_store %arg10[%swap3A_1156], %swap3A_1159 {strides = array<i32>} : memref<320xi32, #tpu.memory_space<vmem>>, vector<16xi32>,
        %dma_start3A_1160 = arith.constant 0 : i32
        %dma_start3A_1161 = tpu.memref_slice %arg4[%dma_start3A_1160] : memref<1000000xi32, #tpu.memory_space<hbm>> -> memref<1000000xi32, #tpu.memory_space<hbm>>
        tpu.enqueue_indirect_dma source(%dma_start3A_1161 : memref<1000000xi32, #tpu.memory_space<hbm>>) target(%arg12 : memref<320xi32, #tpu.memory_space<vmem>>) offsets(%arg10 : memref<320xi32, #tpu.memory_space<vmem>>) semaphore(%arg18 : memref<!tpu.dma_semaphore, #tpu.memory_space<semaphore_mem>>)
      } else {
      }
      %lt3A_720 = arith.constant 4 : i32
      %lt3A_721 = arith.cmpi slt, %mul3A_676, %lt3A_720 : i32
      %scan3A_722 = arith.constant 1.000000e-01 : f32
      %scan3A_723 = arith.constant 0 : i32
      %scan3A_724 = arith.constant 0 : i32
      %scan3A_725 = arith.constant 32 : i32
      %scan3A_726 = arith.addi %scan3A_724, %scan3A_725 : i32
      %scan3A_727 = arith.constant 1 : i32
      %scan3A_728 = scf.for %scan3A_875 = %scan3A_724 to %scan3A_726 step %scan3A_727 iter_args(%scan3A_876 = %scan3A_723) -> (i32)  : i32 {
        %add3A_877 = arith.constant 0 : i32
        %add3A_878 = arith.addi %add3A_877, %scan3A_875 : i32
        %get3A_879 = arith.index_cast %add3A_878 : i32 to index
        %get3A_880 = arith.constant 0 : index
        %get3A_881 = tpu.vector_load %arg15[%get3A_879, %get3A_880] {strides = array<i32>} : memref<640x128xf32, #tpu.memory_space<vmem>>, vector<1x16xf32>,
        %get3A_882 = vector.shape_cast %get3A_881 : vector<1x16xf32> to vector<16xf32>
        %add3A_883 = arith.constant 32 : i32
        %add3A_884 = arith.addi %add3A_883, %scan3A_875 : i32
        %get3A_885 = arith.index_cast %add3A_884 : i32 to index
        %get3A_886 = arith.constant 0 : index
        %get3A_887 = tpu.vector_load %arg15[%get3A_885, %get3A_886] {strides = array<i32>} : memref<640x128xf32, #tpu.memory_space<vmem>>, vector<1x16xf32>,
        %get3A_888 = vector.shape_cast %get3A_887 : vector<1x16xf32> to vector<16xf32>
        %add3A_889 = arith.addf %get3A_882, %get3A_888 : vector<16xf32>
        %add3A_890 = arith.constant 64 : i32
        %add3A_891 = arith.addi %add3A_890, %scan3A_875 : i32
        %get3A_892 = arith.index_cast %add3A_891 : i32 to index
        %get3A_893 = arith.constant 0 : index
        %get3A_894 = tpu.vector_load %arg15[%get3A_892, %get3A_893] {strides = array<i32>} : memref<640x128xf32, #tpu.memory_space<vmem>>, vector<1x16xf32>,
        %get3A_895 = vector.shape_cast %get3A_894 : vector<1x16xf32> to vector<16xf32>
        %add3A_896 = arith.addf %add3A_889, %get3A_895 : vector<16xf32>
        %add3A_897 = arith.constant 96 : i32
        %add3A_898 = arith.addi %add3A_897, %scan3A_875 : i32
        %get3A_899 = arith.index_cast %add3A_898 : i32 to index
        %get3A_900 = arith.constant 0 : index
        %get3A_901 = tpu.vector_load %arg15[%get3A_899, %get3A_900] {strides = array<i32>} : memref<640x128xf32, #tpu.memory_space<vmem>>, vector<1x16xf32>,
        %get3A_902 = vector.shape_cast %get3A_901 : vector<1x16xf32> to vector<16xf32>
        %add3A_903 = arith.addf %add3A_896, %get3A_902 : vector<16xf32>
        %add3A_904 = arith.constant 128 : i32
        %add3A_905 = arith.addi %add3A_904, %scan3A_875 : i32
        %get3A_906 = arith.index_cast %add3A_905 : i32 to index
        %get3A_907 = arith.constant 0 : index
        %get3A_908 = tpu.vector_load %arg15[%get3A_906, %get3A_907] {strides = array<i32>} : memref<640x128xf32, #tpu.memory_space<vmem>>, vector<1x16xf32>,
        %get3A_909 = vector.shape_cast %get3A_908 : vector<1x16xf32> to vector<16xf32>
        %add3A_910 = arith.addf %add3A_903, %get3A_909 : vector<16xf32>
        %add3A_911 = arith.constant 160 : i32
        %add3A_912 = arith.addi %add3A_911, %scan3A_875 : i32
        %get3A_913 = arith.index_cast %add3A_912 : i32 to index
        %get3A_914 = arith.constant 0 : index
        %get3A_915 = tpu.vector_load %arg15[%get3A_913, %get3A_914] {strides = array<i32>} : memref<640x128xf32, #tpu.memory_space<vmem>>, vector<1x16xf32>,
        %get3A_916 = vector.shape_cast %get3A_915 : vector<1x16xf32> to vector<16xf32>
        %add3A_917 = arith.addf %add3A_910, %get3A_916 : vector<16xf32>
        %add3A_918 = arith.constant 192 : i32
        %add3A_919 = arith.addi %add3A_918, %scan3A_875 : i32
        %get3A_920 = arith.index_cast %add3A_919 : i32 to index
        %get3A_921 = arith.constant 0 : index
        %get3A_922 = tpu.vector_load %arg15[%get3A_920, %get3A_921] {strides = array<i32>} : memref<640x128xf32, #tpu.memory_space<vmem>>, vector<1x16xf32>,
        %get3A_923 = vector.shape_cast %get3A_922 : vector<1x16xf32> to vector<16xf32>
        %add3A_924 = arith.addf %add3A_917, %get3A_923 : vector<16xf32>
        %add3A_925 = arith.constant 224 : i32
        %add3A_926 = arith.addi %add3A_925, %scan3A_875 : i32
        %get3A_927 = arith.index_cast %add3A_926 : i32 to index
        %get3A_928 = arith.constant 0 : index
        %get3A_929 = tpu.vector_load %arg15[%get3A_927, %get3A_928] {strides = array<i32>} : memref<640x128xf32, #tpu.memory_space<vmem>>, vector<1x16xf32>,
        %get3A_930 = vector.shape_cast %get3A_929 : vector<1x16xf32> to vector<16xf32>
        %add3A_931 = arith.addf %add3A_924, %get3A_930 : vector<16xf32>
        %add3A_932 = arith.constant 256 : i32
        %add3A_933 = arith.addi %add3A_932, %scan3A_875 : i32
        %get3A_934 = arith.index_cast %add3A_933 : i32 to index
        %get3A_935 = arith.constant 0 : index
        %get3A_936 = tpu.vector_load %arg15[%get3A_934, %get3A_935] {strides = array<i32>} : memref<640x128xf32, #tpu.memory_space<vmem>>, vector<1x16xf32>,
        %get3A_937 = vector.shape_cast %get3A_936 : vector<1x16xf32> to vector<16xf32>
        %add3A_938 = arith.addf %add3A_931, %get3A_937 : vector<16xf32>
        %add3A_939 = arith.constant 288 : i32
        %add3A_940 = arith.addi %add3A_939, %scan3A_875 : i32
        %get3A_941 = arith.index_cast %add3A_940 : i32 to index
        %get3A_942 = arith.constant 0 : index
        %get3A_943 = tpu.vector_load %arg15[%get3A_941, %get3A_942] {strides = array<i32>} : memref<640x128xf32, #tpu.memory_space<vmem>>, vector<1x16xf32>,
        %get3A_944 = vector.shape_cast %get3A_943 : vector<1x16xf32> to vector<16xf32>
        %add3A_945 = arith.addf %add3A_938, %get3A_944 : vector<16xf32>
        %mul3A_946 = vector.broadcast %scan3A_722 : f32 to vector<16xf32>
        %mul3A_947 = arith.mulf %add3A_945, %mul3A_946 : vector<16xf32>
        %add3A_948 = arith.constant 0 : i32
        %add3A_949 = arith.addi %add3A_948, %scan3A_875 : i32
        %get3A_950 = arith.index_cast %add3A_949 : i32 to index
        %get3A_951 = arith.constant 16 : index
        %get3A_952 = tpu.vector_load %arg15[%get3A_950, %get3A_951] {strides = array<i32>} : memref<640x128xf32, #tpu.memory_space<vmem>>, vector<1x16xf32>,
        %get3A_953 = vector.shape_cast %get3A_952 : vector<1x16xf32> to vector<16xf32>
        %add3A_954 = arith.constant 32 : i32
        %add3A_955 = arith.addi %add3A_954, %scan3A_875 : i32
        %get3A_956 = arith.index_cast %add3A_955 : i32 to index
        %get3A_957 = arith.constant 16 : index
        %get3A_958 = tpu.vector_load %arg15[%get3A_956, %get3A_957] {strides = array<i32>} : memref<640x128xf32, #tpu.memory_space<vmem>>, vector<1x16xf32>,
        %get3A_959 = vector.shape_cast %get3A_958 : vector<1x16xf32> to vector<16xf32>
        %add3A_960 = arith.addf %get3A_953, %get3A_959 : vector<16xf32>
        %add3A_961 = arith.constant 64 : i32
        %add3A_962 = arith.addi %add3A_961, %scan3A_875 : i32
        %get3A_963 = arith.index_cast %add3A_962 : i32 to index
        %get3A_964 = arith.constant 16 : index
        %get3A_965 = tpu.vector_load %arg15[%get3A_963, %get3A_964] {strides = array<i32>} : memref<640x128xf32, #tpu.memory_space<vmem>>, vector<1x16xf32>,
        %get3A_966 = vector.shape_cast %get3A_965 : vector<1x16xf32> to vector<16xf32>
        %add3A_967 = arith.addf %add3A_960, %get3A_966 : vector<16xf32>
        %add3A_968 = arith.constant 96 : i32
        %add3A_969 = arith.addi %add3A_968, %scan3A_875 : i32
        %get3A_970 = arith.index_cast %add3A_969 : i32 to index
        %get3A_971 = arith.constant 16 : index
        %get3A_972 = tpu.vector_load %arg15[%get3A_970, %get3A_971] {strides = array<i32>} : memref<640x128xf32, #tpu.memory_space<vmem>>, vector<1x16xf32>,
        %get3A_973 = vector.shape_cast %get3A_972 : vector<1x16xf32> to vector<16xf32>
        %add3A_974 = arith.addf %add3A_967, %get3A_973 : vector<16xf32>
        %add3A_975 = arith.constant 128 : i32
        %add3A_976 = arith.addi %add3A_975, %scan3A_875 : i32
        %get3A_977 = arith.index_cast %add3A_976 : i32 to index
        %get3A_978 = arith.constant 16 : index
        %get3A_979 = tpu.vector_load %arg15[%get3A_977, %get3A_978] {strides = array<i32>} : memref<640x128xf32, #tpu.memory_space<vmem>>, vector<1x16xf32>,
        %get3A_980 = vector.shape_cast %get3A_979 : vector<1x16xf32> to vector<16xf32>
        %add3A_981 = arith.addf %add3A_974, %get3A_980 : vector<16xf32>
        %add3A_982 = arith.constant 160 : i32
        %add3A_983 = arith.addi %add3A_982, %scan3A_875 : i32
        %get3A_984 = arith.index_cast %add3A_983 : i32 to index
        %get3A_985 = arith.constant 16 : index
        %get3A_986 = tpu.vector_load %arg15[%get3A_984, %get3A_985] {strides = array<i32>} : memref<640x128xf32, #tpu.memory_space<vmem>>, vector<1x16xf32>,
        %get3A_987 = vector.shape_cast %get3A_986 : vector<1x16xf32> to vector<16xf32>
        %add3A_988 = arith.addf %add3A_981, %get3A_987 : vector<16xf32>
        %add3A_989 = arith.constant 192 : i32
        %add3A_990 = arith.addi %add3A_989, %scan3A_875 : i32
        %get3A_991 = arith.index_cast %add3A_990 : i32 to index
        %get3A_992 = arith.constant 16 : index
        %get3A_993 = tpu.vector_load %arg15[%get3A_991, %get3A_992] {strides = array<i32>} : memref<640x128xf32, #tpu.memory_space<vmem>>, vector<1x16xf32>,
        %get3A_994 = vector.shape_cast %get3A_993 : vector<1x16xf32> to vector<16xf32>
        %add3A_995 = arith.addf %add3A_988, %get3A_994 : vector<16xf32>
        %add3A_996 = arith.constant 224 : i32
        %add3A_997 = arith.addi %add3A_996, %scan3A_875 : i32
        %get3A_998 = arith.index_cast %add3A_997 : i32 to index
        %get3A_999 = arith.constant 16 : index
        %get3A_1000 = tpu.vector_load %arg15[%get3A_998, %get3A_999] {strides = array<i32>} : memref<640x128xf32, #tpu.memory_space<vmem>>, vector<1x16xf32>,
        %get3A_1001 = vector.shape_cast %get3A_1000 : vector<1x16xf32> to vector<16xf32>
        %add3A_1002 = arith.addf %add3A_995, %get3A_1001 : vector<16xf32>
        %add3A_1003 = arith.constant 256 : i32
        %add3A_1004 = arith.addi %add3A_1003, %scan3A_875 : i32
        %get3A_1005 = arith.index_cast %add3A_1004 : i32 to index
        %get3A_1006 = arith.constant 16 : index
        %get3A_1007 = tpu.vector_load %arg15[%get3A_1005, %get3A_1006] {strides = array<i32>} : memref<640x128xf32, #tpu.memory_space<vmem>>, vector<1x16xf32>,
        %get3A_1008 = vector.shape_cast %get3A_1007 : vector<1x16xf32> to vector<16xf32>
        %add3A_1009 = arith.addf %add3A_1002, %get3A_1008 : vector<16xf32>
        %add3A_1010 = arith.constant 288 : i32
        %add3A_1011 = arith.addi %add3A_1010, %scan3A_875 : i32
        %get3A_1012 = arith.index_cast %add3A_1011 : i32 to index
        %get3A_1013 = arith.constant 16 : index
        %get3A_1014 = tpu.vector_load %arg15[%get3A_1012, %get3A_1013] {strides = array<i32>} : memref<640x128xf32, #tpu.memory_space<vmem>>, vector<1x16xf32>,
        %get3A_1015 = vector.shape_cast %get3A_1014 : vector<1x16xf32> to vector<16xf32>
        %add3A_1016 = arith.addf %add3A_1009, %get3A_1015 : vector<16xf32>
        %mul3A_1017 = vector.broadcast %scan3A_722 : f32 to vector<16xf32>
        %mul3A_1018 = arith.mulf %add3A_1016, %mul3A_1017 : vector<16xf32>
        %bitcast_convert_type3A = tpu.bitcast %mul3A_947 : vector<16xf32> -> vector<16xi32>
        %bitcast_convert_type3A_1019 = tpu.bitcast %mul3A_1018 : vector<16xf32> -> vector<16xi32>
        %shift_right_logical3A = arith.constant 16 : i32
        %shift_right_logical3A_1020 = vector.broadcast %shift_right_logical3A : i32 to vector<16xi32>
        %shift_right_logical3A_1021 = arith.shrui %bitcast_convert_type3A, %shift_right_logical3A_1020 : vector<16xi32>
        %and3A_1022 = arith.constant -65536 : i32
        %and3A_1023 = vector.broadcast %and3A_1022 : i32 to vector<16xi32>
        %and3A_1024 = arith.andi %bitcast_convert_type3A_1019, %and3A_1023 : vector<16xi32>
        %or3A = arith.ori %shift_right_logical3A_1021, %and3A_1024 : vector<16xi32>
        %add3A_1025 = arith.constant 0 : i32
        %add3A_1026 = arith.addi %add3A_1025, %scan3A_875 : i32
        %swap3A_1027 = arith.index_cast %add3A_1026 : i32 to index
        %swap3A_1028 = arith.constant 0 : index
        %swap3A_1029 = tpu.vector_load %arg16[%swap3A_1027, %swap3A_1028] {strides = array<i32>} : memref<64x64xi32, #tpu.memory_space<vmem>>, vector<1x16xi32>,
        %swap3A_1030 = vector.shape_cast %swap3A_1029 : vector<1x16xi32> to vector<16xi32>
        %swap3A_1031 = vector.shape_cast %or3A : vector<16xi32> to vector<1x16xi32>
        tpu.vector_store %arg16[%swap3A_1027, %swap3A_1028], %swap3A_1031 {strides = array<i32>} : memref<64x64xi32, #tpu.memory_space<vmem>>, vector<1x16xi32>,
        %add3A_1032 = arith.constant 0 : i32
        %add3A_1033 = arith.addi %add3A_1032, %scan3A_875 : i32
        %get3A_1034 = arith.index_cast %add3A_1033 : i32 to index
        %get3A_1035 = arith.constant 0 : index
        %get3A_1036 = tpu.vector_load %arg14[%get3A_1034, %get3A_1035] {strides = array<i32>} : memref<64x128xf32, #tpu.memory_space<vmem>>, vector<1x16xf32>,
        %get3A_1037 = vector.shape_cast %get3A_1036 : vector<1x16xf32> to vector<16xf32>
        %add3A_1038 = arith.constant 0 : i32
        %add3A_1039 = arith.addi %add3A_1038, %scan3A_875 : i32
        %get3A_1040 = arith.index_cast %add3A_1039 : i32 to index
        %get3A_1041 = arith.constant 16 : index
        %get3A_1042 = tpu.vector_load %arg14[%get3A_1040, %get3A_1041] {strides = array<i32>} : memref<64x128xf32, #tpu.memory_space<vmem>>, vector<1x16xf32>,
        %get3A_1043 = vector.shape_cast %get3A_1042 : vector<1x16xf32> to vector<16xf32>
        %bitcast_convert_type3A_1044 = tpu.bitcast %get3A_1037 : vector<16xf32> -> vector<16xi32>
        %bitcast_convert_type3A_1045 = tpu.bitcast %get3A_1043 : vector<16xf32> -> vector<16xi32>
        %shift_right_logical3A_1046 = arith.constant 16 : i32
        %shift_right_logical3A_1047 = vector.broadcast %shift_right_logical3A_1046 : i32 to vector<16xi32>
        %shift_right_logical3A_1048 = arith.shrui %bitcast_convert_type3A_1044, %shift_right_logical3A_1047 : vector<16xi32>
        %and3A_1049 = arith.constant -65536 : i32
        %and3A_1050 = vector.broadcast %and3A_1049 : i32 to vector<16xi32>
        %and3A_1051 = arith.andi %bitcast_convert_type3A_1045, %and3A_1050 : vector<16xi32>
        %or3A_1052 = arith.ori %shift_right_logical3A_1048, %and3A_1051 : vector<16xi32>
        %add3A_1053 = arith.constant 0 : i32
        %add3A_1054 = arith.addi %add3A_1053, %scan3A_875 : i32
        %swap3A_1055 = arith.index_cast %add3A_1054 : i32 to index
        %swap3A_1056 = arith.constant 0 : index
        %swap3A_1057 = tpu.vector_load %arg17[%swap3A_1055, %swap3A_1056] {strides = array<i32>} : memref<64x64xi32, #tpu.memory_space<vmem>>, vector<1x16xi32>,
        %swap3A_1058 = vector.shape_cast %swap3A_1057 : vector<1x16xi32> to vector<16xi32>
        %swap3A_1059 = vector.shape_cast %or3A_1052 : vector<16xi32> to vector<1x16xi32>
        tpu.vector_store %arg17[%swap3A_1055, %swap3A_1056], %swap3A_1059 {strides = array<i32>} : memref<64x64xi32, #tpu.memory_space<vmem>>, vector<1x16xi32>,
        %add3A_1060 = arith.constant 0 : i32
        %add3A_1061 = arith.addi %add3A_1060, %scan3A_875 : i32
        %get3A_1062 = arith.index_cast %add3A_1061 : i32 to index
        %get3A_1063 = arith.constant 32 : index
        %get3A_1064 = tpu.vector_load %arg15[%get3A_1062, %get3A_1063] {strides = array<i32>} : memref<640x128xf32, #tpu.memory_space<vmem>>, vector<1x16xf32>,
        %get3A_1065 = vector.shape_cast %get3A_1064 : vector<1x16xf32> to vector<16xf32>
        %add3A_1066 = arith.constant 32 : i32
        %add3A_1067 = arith.addi %add3A_1066, %scan3A_875 : i32
        %get3A_1068 = arith.index_cast %add3A_1067 : i32 to index
        %get3A_1069 = arith.constant 32 : index
        %get3A_1070 = tpu.vector_load %arg15[%get3A_1068, %get3A_1069] {strides = array<i32>} : memref<640x128xf32, #tpu.memory_space<vmem>>, vector<1x16xf32>,
        %get3A_1071 = vector.shape_cast %get3A_1070 : vector<1x16xf32> to vector<16xf32>
        %add3A_1072 = arith.addf %get3A_1065, %get3A_1071 : vector<16xf32>
        %add3A_1073 = arith.constant 64 : i32
        %add3A_1074 = arith.addi %add3A_1073, %scan3A_875 : i32
        %get3A_1075 = arith.index_cast %add3A_1074 : i32 to index
        %get3A_1076 = arith.constant 32 : index
        %get3A_1077 = tpu.vector_load %arg15[%get3A_1075, %get3A_1076] {strides = array<i32>} : memref<640x128xf32, #tpu.memory_space<vmem>>, vector<1x16xf32>,
        %get3A_1078 = vector.shape_cast %get3A_1077 : vector<1x16xf32> to vector<16xf32>
        %add3A_1079 = arith.addf %add3A_1072, %get3A_1078 : vector<16xf32>
        %add3A_1080 = arith.constant 96 : i32
        %add3A_1081 = arith.addi %add3A_1080, %scan3A_875 : i32
        %get3A_1082 = arith.index_cast %add3A_1081 : i32 to index
        %get3A_1083 = arith.constant 32 : index
        %get3A_1084 = tpu.vector_load %arg15[%get3A_1082, %get3A_1083] {strides = array<i32>} : memref<640x128xf32, #tpu.memory_space<vmem>>, vector<1x16xf32>,
        %get3A_1085 = vector.shape_cast %get3A_1084 : vector<1x16xf32> to vector<16xf32>
        %add3A_1086 = arith.addf %add3A_1079, %get3A_1085 : vector<16xf32>
        %add3A_1087 = arith.constant 128 : i32
        %add3A_1088 = arith.addi %add3A_1087, %scan3A_875 : i32
        %get3A_1089 = arith.index_cast %add3A_1088 : i32 to index
        %get3A_1090 = arith.constant 32 : index
        %get3A_1091 = tpu.vector_load %arg15[%get3A_1089, %get3A_1090] {strides = array<i32>} : memref<640x128xf32, #tpu.memory_space<vmem>>, vector<1x16xf32>,
        %get3A_1092 = vector.shape_cast %get3A_1091 : vector<1x16xf32> to vector<16xf32>
        %add3A_1093 = arith.addf %add3A_1086, %get3A_1092 : vector<16xf32>
        %add3A_1094 = arith.constant 160 : i32
        %add3A_1095 = arith.addi %add3A_1094, %scan3A_875 : i32
        %get3A_1096 = arith.index_cast %add3A_1095 : i32 to index
        %get3A_1097 = arith.constant 32 : index
        %get3A_1098 = tpu.vector_load %arg15[%get3A_1096, %get3A_1097] {strides = array<i32>} : memref<640x128xf32, #tpu.memory_space<vmem>>, vector<1x16xf32>,
        %get3A_1099 = vector.shape_cast %get3A_1098 : vector<1x16xf32> to vector<16xf32>
        %add3A_1100 = arith.addf %add3A_1093, %get3A_1099 : vector<16xf32>
        %add3A_1101 = arith.constant 192 : i32
        %add3A_1102 = arith.addi %add3A_1101, %scan3A_875 : i32
        %get3A_1103 = arith.index_cast %add3A_1102 : i32 to index
        %get3A_1104 = arith.constant 32 : index
        %get3A_1105 = tpu.vector_load %arg15[%get3A_1103, %get3A_1104] {strides = array<i32>} : memref<640x128xf32, #tpu.memory_space<vmem>>, vector<1x16xf32>,
        %get3A_1106 = vector.shape_cast %get3A_1105 : vector<1x16xf32> to vector<16xf32>
        %add3A_1107 = arith.addf %add3A_1100, %get3A_1106 : vector<16xf32>
        %add3A_1108 = arith.constant 224 : i32
        %add3A_1109 = arith.addi %add3A_1108, %scan3A_875 : i32
        %get3A_1110 = arith.index_cast %add3A_1109 : i32 to index
        %get3A_1111 = arith.constant 32 : index
        %get3A_1112 = tpu.vector_load %arg15[%get3A_1110, %get3A_1111] {strides = array<i32>} : memref<640x128xf32, #tpu.memory_space<vmem>>, vector<1x16xf32>,
        %get3A_1113 = vector.shape_cast %get3A_1112 : vector<1x16xf32> to vector<16xf32>
        %add3A_1114 = arith.addf %add3A_1107, %get3A_1113 : vector<16xf32>
        %add3A_1115 = arith.constant 256 : i32
        %add3A_1116 = arith.addi %add3A_1115, %scan3A_875 : i32
        %get3A_1117 = arith.index_cast %add3A_1116 : i32 to index
        %get3A_1118 = arith.constant 32 : index
        %get3A_1119 = tpu.vector_load %arg15[%get3A_1117, %get3A_1118] {strides = array<i32>} : memref<640x128xf32, #tpu.memory_space<vmem>>, vector<1x16xf32>,
        %get3A_1120 = vector.shape_cast %get3A_1119 : vector<1x16xf32> to vector<16xf32>
        %add3A_1121 = arith.addf %add3A_1114, %get3A_1120 : vector<16xf32>
        %add3A_1122 = arith.constant 288 : i32
        %add3A_1123 = arith.addi %add3A_1122, %scan3A_875 : i32
        %get3A_1124 = arith.index_cast %add3A_1123 : i32 to index
        %get3A_1125 = arith.constant 32 : index
        %get3A_1126 = tpu.vector_load %arg15[%get3A_1124, %get3A_1125] {strides = array<i32>} : memref<640x128xf32, #tpu.memory_space<vmem>>, vector<1x16xf32>,
        %get3A_1127 = vector.shape_cast %get3A_1126 : vector<1x16xf32> to vector<16xf32>
        %add3A_1128 = arith.addf %add3A_1121, %get3A_1127 : vector<16xf32>
        %mul3A_1129 = vector.broadcast %scan3A_722 : f32 to vector<16xf32>
        %mul3A_1130 = arith.mulf %add3A_1128, %mul3A_1129 : vector<16xf32>
        %add3A_1131 = arith.constant 0 : i32
        %add3A_1132 = arith.addi %add3A_1131, %scan3A_875 : i32
        %get3A_1133 = arith.index_cast %add3A_1132 : i32 to index
        %get3A_1134 = arith.constant 48 : index
        %get3A_1135 = tpu.vector_load %arg15[%get3A_1133, %get3A_1134] {strides = array<i32>} : memref<640x128xf32, #tpu.memory_space<vmem>>, vector<1x16xf32>,
        %get3A_1136 = vector.shape_cast %get3A_1135 : vector<1x16xf32> to vector<16xf32>
        %add3A_1137 = arith.constant 32 : i32
        %add3A_1138 = arith.addi %add3A_1137, %scan3A_875 : i32
        %get3A_1139 = arith.index_cast %add3A_1138 : i32 to index
        %get3A_1140 = arith.constant 48 : index
        %get3A_1141 = tpu.vector_load %arg15[%get3A_1139, %get3A_1140] {strides = array<i32>} : memref<640x128xf32, #tpu.memory_space<vmem>>, vector<1x16xf32>,
        %get3A_1142 = vector.shape_cast %get3A_1141 : vector<1x16xf32> to vector<16xf32>
        %add3A_1143 = arith.addf %get3A_1136, %get3A_1142 : vector<16xf32>
        %add3A_1144 = arith.constant 64 : i32
        %add3A_1145 = arith.addi %add3A_1144, %scan3A_875 : i32
        %get3A_1146 = arith.index_cast %add3A_1145 : i32 to index
        %get3A_1147 = arith.constant 48 : index
        %get3A_1148 = tpu.vector_load %arg15[%get3A_1146, %get3A_1147] {strides = array<i32>} : memref<640x128xf32, #tpu.memory_space<vmem>>, vector<1x16xf32>,
        %get3A_1149 = vector.shape_cast %get3A_1148 : vector<1x16xf32> to vector<16xf32>
        %add3A_1150 = arith.addf %add3A_1143, %get3A_1149 : vector<16xf32>
        %add3A_1151 = arith.constant 96 : i32
        %add3A_1152 = arith.addi %add3A_1151, %scan3A_875 : i32
        %get3A_1153 = arith.index_cast %add3A_1152 : i32 to index
        %get3A_1154 = arith.constant 48 : index
        %get3A_1155 = tpu.vector_load %arg15[%get3A_1153, %get3A_1154] {strides = array<i32>} : memref<640x128xf32, #tpu.memory_space<vmem>>, vector<1x16xf32>,
        %get3A_1156 = vector.shape_cast %get3A_1155 : vector<1x16xf32> to vector<16xf32>
        %add3A_1157 = arith.addf %add3A_1150, %get3A_1156 : vector<16xf32>
        %add3A_1158 = arith.constant 128 : i32
        %add3A_1159 = arith.addi %add3A_1158, %scan3A_875 : i32
        %get3A_1160 = arith.index_cast %add3A_1159 : i32 to index
        %get3A_1161 = arith.constant 48 : index
        %get3A_1162 = tpu.vector_load %arg15[%get3A_1160, %get3A_1161] {strides = array<i32>} : memref<640x128xf32, #tpu.memory_space<vmem>>, vector<1x16xf32>,
        %get3A_1163 = vector.shape_cast %get3A_1162 : vector<1x16xf32> to vector<16xf32>
        %add3A_1164 = arith.addf %add3A_1157, %get3A_1163 : vector<16xf32>
        %add3A_1165 = arith.constant 160 : i32
        %add3A_1166 = arith.addi %add3A_1165, %scan3A_875 : i32
        %get3A_1167 = arith.index_cast %add3A_1166 : i32 to index
        %get3A_1168 = arith.constant 48 : index
        %get3A_1169 = tpu.vector_load %arg15[%get3A_1167, %get3A_1168] {strides = array<i32>} : memref<640x128xf32, #tpu.memory_space<vmem>>, vector<1x16xf32>,
        %get3A_1170 = vector.shape_cast %get3A_1169 : vector<1x16xf32> to vector<16xf32>
        %add3A_1171 = arith.addf %add3A_1164, %get3A_1170 : vector<16xf32>
        %add3A_1172 = arith.constant 192 : i32
        %add3A_1173 = arith.addi %add3A_1172, %scan3A_875 : i32
        %get3A_1174 = arith.index_cast %add3A_1173 : i32 to index
        %get3A_1175 = arith.constant 48 : index
        %get3A_1176 = tpu.vector_load %arg15[%get3A_1174, %get3A_1175] {strides = array<i32>} : memref<640x128xf32, #tpu.memory_space<vmem>>, vector<1x16xf32>,
        %get3A_1177 = vector.shape_cast %get3A_1176 : vector<1x16xf32> to vector<16xf32>
        %add3A_1178 = arith.addf %add3A_1171, %get3A_1177 : vector<16xf32>
        %add3A_1179 = arith.constant 224 : i32
        %add3A_1180 = arith.addi %add3A_1179, %scan3A_875 : i32
        %get3A_1181 = arith.index_cast %add3A_1180 : i32 to index
        %get3A_1182 = arith.constant 48 : index
        %get3A_1183 = tpu.vector_load %arg15[%get3A_1181, %get3A_1182] {strides = array<i32>} : memref<640x128xf32, #tpu.memory_space<vmem>>, vector<1x16xf32>,
        %get3A_1184 = vector.shape_cast %get3A_1183 : vector<1x16xf32> to vector<16xf32>
        %add3A_1185 = arith.addf %add3A_1178, %get3A_1184 : vector<16xf32>
        %add3A_1186 = arith.constant 256 : i32
        %add3A_1187 = arith.addi %add3A_1186, %scan3A_875 : i32
        %get3A_1188 = arith.index_cast %add3A_1187 : i32 to index
        %get3A_1189 = arith.constant 48 : index
        %get3A_1190 = tpu.vector_load %arg15[%get3A_1188, %get3A_1189] {strides = array<i32>} : memref<640x128xf32, #tpu.memory_space<vmem>>, vector<1x16xf32>,
        %get3A_1191 = vector.shape_cast %get3A_1190 : vector<1x16xf32> to vector<16xf32>
        %add3A_1192 = arith.addf %add3A_1185, %get3A_1191 : vector<16xf32>
        %add3A_1193 = arith.constant 288 : i32
        %add3A_1194 = arith.addi %add3A_1193, %scan3A_875 : i32
        %get3A_1195 = arith.index_cast %add3A_1194 : i32 to index
        %get3A_1196 = arith.constant 48 : index
        %get3A_1197 = tpu.vector_load %arg15[%get3A_1195, %get3A_1196] {strides = array<i32>} : memref<640x128xf32, #tpu.memory_space<vmem>>, vector<1x16xf32>,
        %get3A_1198 = vector.shape_cast %get3A_1197 : vector<1x16xf32> to vector<16xf32>
        %add3A_1199 = arith.addf %add3A_1192, %get3A_1198 : vector<16xf32>
        %mul3A_1200 = vector.broadcast %scan3A_722 : f32 to vector<16xf32>
        %mul3A_1201 = arith.mulf %add3A_1199, %mul3A_1200 : vector<16xf32>
        %bitcast_convert_type3A_1202 = tpu.bitcast %mul3A_1130 : vector<16xf32> -> vector<16xi32>
        %bitcast_convert_type3A_1203 = tpu.bitcast %mul3A_1201 : vector<16xf32> -> vector<16xi32>
        %shift_right_logical3A_1204 = arith.constant 16 : i32
        %shift_right_logical3A_1205 = vector.broadcast %shift_right_logical3A_1204 : i32 to vector<16xi32>
        %shift_right_logical3A_1206 = arith.shrui %bitcast_convert_type3A_1202, %shift_right_logical3A_1205 : vector<16xi32>
        %and3A_1207 = arith.constant -65536 : i32
        %and3A_1208 = vector.broadcast %and3A_1207 : i32 to vector<16xi32>
        %and3A_1209 = arith.andi %bitcast_convert_type3A_1203, %and3A_1208 : vector<16xi32>
        %or3A_1210 = arith.ori %shift_right_logical3A_1206, %and3A_1209 : vector<16xi32>
        %add3A_1211 = arith.constant 0 : i32
        %add3A_1212 = arith.addi %add3A_1211, %scan3A_875 : i32
        %swap3A_1213 = arith.index_cast %add3A_1212 : i32 to index
        %swap3A_1214 = arith.constant 16 : index
        %swap3A_1215 = tpu.vector_load %arg16[%swap3A_1213, %swap3A_1214] {strides = array<i32>} : memref<64x64xi32, #tpu.memory_space<vmem>>, vector<1x16xi32>,
        %swap3A_1216 = vector.shape_cast %swap3A_1215 : vector<1x16xi32> to vector<16xi32>
        %swap3A_1217 = vector.shape_cast %or3A_1210 : vector<16xi32> to vector<1x16xi32>
        tpu.vector_store %arg16[%swap3A_1213, %swap3A_1214], %swap3A_1217 {strides = array<i32>} : memref<64x64xi32, #tpu.memory_space<vmem>>, vector<1x16xi32>,
        %add3A_1218 = arith.constant 0 : i32
        %add3A_1219 = arith.addi %add3A_1218, %scan3A_875 : i32
        %get3A_1220 = arith.index_cast %add3A_1219 : i32 to index
        %get3A_1221 = arith.constant 32 : index
        %get3A_1222 = tpu.vector_load %arg14[%get3A_1220, %get3A_1221] {strides = array<i32>} : memref<64x128xf32, #tpu.memory_space<vmem>>, vector<1x16xf32>,
        %get3A_1223 = vector.shape_cast %get3A_1222 : vector<1x16xf32> to vector<16xf32>
        %add3A_1224 = arith.constant 0 : i32
        %add3A_1225 = arith.addi %add3A_1224, %scan3A_875 : i32
        %get3A_1226 = arith.index_cast %add3A_1225 : i32 to index
        %get3A_1227 = arith.constant 48 : index
        %get3A_1228 = tpu.vector_load %arg14[%get3A_1226, %get3A_1227] {strides = array<i32>} : memref<64x128xf32, #tpu.memory_space<vmem>>, vector<1x16xf32>,
        %get3A_1229 = vector.shape_cast %get3A_1228 : vector<1x16xf32> to vector<16xf32>
        %bitcast_convert_type3A_1230 = tpu.bitcast %get3A_1223 : vector<16xf32> -> vector<16xi32>
        %bitcast_convert_type3A_1231 = tpu.bitcast %get3A_1229 : vector<16xf32> -> vector<16xi32>
        %shift_right_logical3A_1232 = arith.constant 16 : i32
        %shift_right_logical3A_1233 = vector.broadcast %shift_right_logical3A_1232 : i32 to vector<16xi32>
        %shift_right_logical3A_1234 = arith.shrui %bitcast_convert_type3A_1230, %shift_right_logical3A_1233 : vector<16xi32>
        %and3A_1235 = arith.constant -65536 : i32
        %and3A_1236 = vector.broadcast %and3A_1235 : i32 to vector<16xi32>
        %and3A_1237 = arith.andi %bitcast_convert_type3A_1231, %and3A_1236 : vector<16xi32>
        %or3A_1238 = arith.ori %shift_right_logical3A_1234, %and3A_1237 : vector<16xi32>
        %add3A_1239 = arith.constant 0 : i32
        %add3A_1240 = arith.addi %add3A_1239, %scan3A_875 : i32
        %swap3A_1241 = arith.index_cast %add3A_1240 : i32 to index
        %swap3A_1242 = arith.constant 16 : index
        %swap3A_1243 = tpu.vector_load %arg17[%swap3A_1241, %swap3A_1242] {strides = array<i32>} : memref<64x64xi32, #tpu.memory_space<vmem>>, vector<1x16xi32>,
        %swap3A_1244 = vector.shape_cast %swap3A_1243 : vector<1x16xi32> to vector<16xi32>
        %swap3A_1245 = vector.shape_cast %or3A_1238 : vector<16xi32> to vector<1x16xi32>
        tpu.vector_store %arg17[%swap3A_1241, %swap3A_1242], %swap3A_1245 {strides = array<i32>} : memref<64x64xi32, #tpu.memory_space<vmem>>, vector<1x16xi32>,
        %add3A_1246 = arith.constant 0 : i32
        %add3A_1247 = arith.addi %add3A_1246, %scan3A_875 : i32
        %get3A_1248 = arith.index_cast %add3A_1247 : i32 to index
        %get3A_1249 = arith.constant 64 : index
        %get3A_1250 = tpu.vector_load %arg15[%get3A_1248, %get3A_1249] {strides = array<i32>} : memref<640x128xf32, #tpu.memory_space<vmem>>, vector<1x16xf32>,
        %get3A_1251 = vector.shape_cast %get3A_1250 : vector<1x16xf32> to vector<16xf32>
        %add3A_1252 = arith.constant 32 : i32
        %add3A_1253 = arith.addi %add3A_1252, %scan3A_875 : i32
        %get3A_1254 = arith.index_cast %add3A_1253 : i32 to index
        %get3A_1255 = arith.constant 64 : index
        %get3A_1256 = tpu.vector_load %arg15[%get3A_1254, %get3A_1255] {strides = array<i32>} : memref<640x128xf32, #tpu.memory_space<vmem>>, vector<1x16xf32>,
        %get3A_1257 = vector.shape_cast %get3A_1256 : vector<1x16xf32> to vector<16xf32>
        %add3A_1258 = arith.addf %get3A_1251, %get3A_1257 : vector<16xf32>
        %add3A_1259 = arith.constant 64 : i32
        %add3A_1260 = arith.addi %add3A_1259, %scan3A_875 : i32
        %get3A_1261 = arith.index_cast %add3A_1260 : i32 to index
        %get3A_1262 = arith.constant 64 : index
        %get3A_1263 = tpu.vector_load %arg15[%get3A_1261, %get3A_1262] {strides = array<i32>} : memref<640x128xf32, #tpu.memory_space<vmem>>, vector<1x16xf32>,
        %get3A_1264 = vector.shape_cast %get3A_1263 : vector<1x16xf32> to vector<16xf32>
        %add3A_1265 = arith.addf %add3A_1258, %get3A_1264 : vector<16xf32>
        %add3A_1266 = arith.constant 96 : i32
        %add3A_1267 = arith.addi %add3A_1266, %scan3A_875 : i32
        %get3A_1268 = arith.index_cast %add3A_1267 : i32 to index
        %get3A_1269 = arith.constant 64 : index
        %get3A_1270 = tpu.vector_load %arg15[%get3A_1268, %get3A_1269] {strides = array<i32>} : memref<640x128xf32, #tpu.memory_space<vmem>>, vector<1x16xf32>,
        %get3A_1271 = vector.shape_cast %get3A_1270 : vector<1x16xf32> to vector<16xf32>
        %add3A_1272 = arith.addf %add3A_1265, %get3A_1271 : vector<16xf32>
        %add3A_1273 = arith.constant 128 : i32
        %add3A_1274 = arith.addi %add3A_1273, %scan3A_875 : i32
        %get3A_1275 = arith.index_cast %add3A_1274 : i32 to index
        %get3A_1276 = arith.constant 64 : index
        %get3A_1277 = tpu.vector_load %arg15[%get3A_1275, %get3A_1276] {strides = array<i32>} : memref<640x128xf32, #tpu.memory_space<vmem>>, vector<1x16xf32>,
        %get3A_1278 = vector.shape_cast %get3A_1277 : vector<1x16xf32> to vector<16xf32>
        %add3A_1279 = arith.addf %add3A_1272, %get3A_1278 : vector<16xf32>
        %add3A_1280 = arith.constant 160 : i32
        %add3A_1281 = arith.addi %add3A_1280, %scan3A_875 : i32
        %get3A_1282 = arith.index_cast %add3A_1281 : i32 to index
        %get3A_1283 = arith.constant 64 : index
        %get3A_1284 = tpu.vector_load %arg15[%get3A_1282, %get3A_1283] {strides = array<i32>} : memref<640x128xf32, #tpu.memory_space<vmem>>, vector<1x16xf32>,
        %get3A_1285 = vector.shape_cast %get3A_1284 : vector<1x16xf32> to vector<16xf32>
        %add3A_1286 = arith.addf %add3A_1279, %get3A_1285 : vector<16xf32>
        %add3A_1287 = arith.constant 192 : i32
        %add3A_1288 = arith.addi %add3A_1287, %scan3A_875 : i32
        %get3A_1289 = arith.index_cast %add3A_1288 : i32 to index
        %get3A_1290 = arith.constant 64 : index
        %get3A_1291 = tpu.vector_load %arg15[%get3A_1289, %get3A_1290] {strides = array<i32>} : memref<640x128xf32, #tpu.memory_space<vmem>>, vector<1x16xf32>,
        %get3A_1292 = vector.shape_cast %get3A_1291 : vector<1x16xf32> to vector<16xf32>
        %add3A_1293 = arith.addf %add3A_1286, %get3A_1292 : vector<16xf32>
        %add3A_1294 = arith.constant 224 : i32
        %add3A_1295 = arith.addi %add3A_1294, %scan3A_875 : i32
        %get3A_1296 = arith.index_cast %add3A_1295 : i32 to index
        %get3A_1297 = arith.constant 64 : index
        %get3A_1298 = tpu.vector_load %arg15[%get3A_1296, %get3A_1297] {strides = array<i32>} : memref<640x128xf32, #tpu.memory_space<vmem>>, vector<1x16xf32>,
        %get3A_1299 = vector.shape_cast %get3A_1298 : vector<1x16xf32> to vector<16xf32>
        %add3A_1300 = arith.addf %add3A_1293, %get3A_1299 : vector<16xf32>
        %add3A_1301 = arith.constant 256 : i32
        %add3A_1302 = arith.addi %add3A_1301, %scan3A_875 : i32
        %get3A_1303 = arith.index_cast %add3A_1302 : i32 to index
        %get3A_1304 = arith.constant 64 : index
        %get3A_1305 = tpu.vector_load %arg15[%get3A_1303, %get3A_1304] {strides = array<i32>} : memref<640x128xf32, #tpu.memory_space<vmem>>, vector<1x16xf32>,
        %get3A_1306 = vector.shape_cast %get3A_1305 : vector<1x16xf32> to vector<16xf32>
        %add3A_1307 = arith.addf %add3A_1300, %get3A_1306 : vector<16xf32>
        %add3A_1308 = arith.constant 288 : i32
        %add3A_1309 = arith.addi %add3A_1308, %scan3A_875 : i32
        %get3A_1310 = arith.index_cast %add3A_1309 : i32 to index
        %get3A_1311 = arith.constant 64 : index
        %get3A_1312 = tpu.vector_load %arg15[%get3A_1310, %get3A_1311] {strides = array<i32>} : memref<640x128xf32, #tpu.memory_space<vmem>>, vector<1x16xf32>,
        %get3A_1313 = vector.shape_cast %get3A_1312 : vector<1x16xf32> to vector<16xf32>
        %add3A_1314 = arith.addf %add3A_1307, %get3A_1313 : vector<16xf32>
        %mul3A_1315 = vector.broadcast %scan3A_722 : f32 to vector<16xf32>
        %mul3A_1316 = arith.mulf %add3A_1314, %mul3A_1315 : vector<16xf32>
        %add3A_1317 = arith.constant 0 : i32
        %add3A_1318 = arith.addi %add3A_1317, %scan3A_875 : i32
        %get3A_1319 = arith.index_cast %add3A_1318 : i32 to index
        %get3A_1320 = arith.constant 80 : index
        %get3A_1321 = tpu.vector_load %arg15[%get3A_1319, %get3A_1320] {strides = array<i32>} : memref<640x128xf32, #tpu.memory_space<vmem>>, vector<1x16xf32>,
        %get3A_1322 = vector.shape_cast %get3A_1321 : vector<1x16xf32> to vector<16xf32>
        %add3A_1323 = arith.constant 32 : i32
        %add3A_1324 = arith.addi %add3A_1323, %scan3A_875 : i32
        %get3A_1325 = arith.index_cast %add3A_1324 : i32 to index
        %get3A_1326 = arith.constant 80 : index
        %get3A_1327 = tpu.vector_load %arg15[%get3A_1325, %get3A_1326] {strides = array<i32>} : memref<640x128xf32, #tpu.memory_space<vmem>>, vector<1x16xf32>,
        %get3A_1328 = vector.shape_cast %get3A_1327 : vector<1x16xf32> to vector<16xf32>
        %add3A_1329 = arith.addf %get3A_1322, %get3A_1328 : vector<16xf32>
        %add3A_1330 = arith.constant 64 : i32
        %add3A_1331 = arith.addi %add3A_1330, %scan3A_875 : i32
        %get3A_1332 = arith.index_cast %add3A_1331 : i32 to index
        %get3A_1333 = arith.constant 80 : index
        %get3A_1334 = tpu.vector_load %arg15[%get3A_1332, %get3A_1333] {strides = array<i32>} : memref<640x128xf32, #tpu.memory_space<vmem>>, vector<1x16xf32>,
        %get3A_1335 = vector.shape_cast %get3A_1334 : vector<1x16xf32> to vector<16xf32>
        %add3A_1336 = arith.addf %add3A_1329, %get3A_1335 : vector<16xf32>
        %add3A_1337 = arith.constant 96 : i32
        %add3A_1338 = arith.addi %add3A_1337, %scan3A_875 : i32
        %get3A_1339 = arith.index_cast %add3A_1338 : i32 to index
        %get3A_1340 = arith.constant 80 : index
        %get3A_1341 = tpu.vector_load %arg15[%get3A_1339, %get3A_1340] {strides = array<i32>} : memref<640x128xf32, #tpu.memory_space<vmem>>, vector<1x16xf32>,
        %get3A_1342 = vector.shape_cast %get3A_1341 : vector<1x16xf32> to vector<16xf32>
        %add3A_1343 = arith.addf %add3A_1336, %get3A_1342 : vector<16xf32>
        %add3A_1344 = arith.constant 128 : i32
        %add3A_1345 = arith.addi %add3A_1344, %scan3A_875 : i32
        %get3A_1346 = arith.index_cast %add3A_1345 : i32 to index
        %get3A_1347 = arith.constant 80 : index
        %get3A_1348 = tpu.vector_load %arg15[%get3A_1346, %get3A_1347] {strides = array<i32>} : memref<640x128xf32, #tpu.memory_space<vmem>>, vector<1x16xf32>,
        %get3A_1349 = vector.shape_cast %get3A_1348 : vector<1x16xf32> to vector<16xf32>
        %add3A_1350 = arith.addf %add3A_1343, %get3A_1349 : vector<16xf32>
        %add3A_1351 = arith.constant 160 : i32
        %add3A_1352 = arith.addi %add3A_1351, %scan3A_875 : i32
        %get3A_1353 = arith.index_cast %add3A_1352 : i32 to index
        %get3A_1354 = arith.constant 80 : index
        %get3A_1355 = tpu.vector_load %arg15[%get3A_1353, %get3A_1354] {strides = array<i32>} : memref<640x128xf32, #tpu.memory_space<vmem>>, vector<1x16xf32>,
        %get3A_1356 = vector.shape_cast %get3A_1355 : vector<1x16xf32> to vector<16xf32>
        %add3A_1357 = arith.addf %add3A_1350, %get3A_1356 : vector<16xf32>
        %add3A_1358 = arith.constant 192 : i32
        %add3A_1359 = arith.addi %add3A_1358, %scan3A_875 : i32
        %get3A_1360 = arith.index_cast %add3A_1359 : i32 to index
        %get3A_1361 = arith.constant 80 : index
        %get3A_1362 = tpu.vector_load %arg15[%get3A_1360, %get3A_1361] {strides = array<i32>} : memref<640x128xf32, #tpu.memory_space<vmem>>, vector<1x16xf32>,
        %get3A_1363 = vector.shape_cast %get3A_1362 : vector<1x16xf32> to vector<16xf32>
        %add3A_1364 = arith.addf %add3A_1357, %get3A_1363 : vector<16xf32>
        %add3A_1365 = arith.constant 224 : i32
        %add3A_1366 = arith.addi %add3A_1365, %scan3A_875 : i32
        %get3A_1367 = arith.index_cast %add3A_1366 : i32 to index
        %get3A_1368 = arith.constant 80 : index
        %get3A_1369 = tpu.vector_load %arg15[%get3A_1367, %get3A_1368] {strides = array<i32>} : memref<640x128xf32, #tpu.memory_space<vmem>>, vector<1x16xf32>,
        %get3A_1370 = vector.shape_cast %get3A_1369 : vector<1x16xf32> to vector<16xf32>
        %add3A_1371 = arith.addf %add3A_1364, %get3A_1370 : vector<16xf32>
        %add3A_1372 = arith.constant 256 : i32
        %add3A_1373 = arith.addi %add3A_1372, %scan3A_875 : i32
        %get3A_1374 = arith.index_cast %add3A_1373 : i32 to index
        %get3A_1375 = arith.constant 80 : index
        %get3A_1376 = tpu.vector_load %arg15[%get3A_1374, %get3A_1375] {strides = array<i32>} : memref<640x128xf32, #tpu.memory_space<vmem>>, vector<1x16xf32>,
        %get3A_1377 = vector.shape_cast %get3A_1376 : vector<1x16xf32> to vector<16xf32>
        %add3A_1378 = arith.addf %add3A_1371, %get3A_1377 : vector<16xf32>
        %add3A_1379 = arith.constant 288 : i32
        %add3A_1380 = arith.addi %add3A_1379, %scan3A_875 : i32
        %get3A_1381 = arith.index_cast %add3A_1380 : i32 to index
        %get3A_1382 = arith.constant 80 : index
        %get3A_1383 = tpu.vector_load %arg15[%get3A_1381, %get3A_1382] {strides = array<i32>} : memref<640x128xf32, #tpu.memory_space<vmem>>, vector<1x16xf32>,
        %get3A_1384 = vector.shape_cast %get3A_1383 : vector<1x16xf32> to vector<16xf32>
        %add3A_1385 = arith.addf %add3A_1378, %get3A_1384 : vector<16xf32>
        %mul3A_1386 = vector.broadcast %scan3A_722 : f32 to vector<16xf32>
        %mul3A_1387 = arith.mulf %add3A_1385, %mul3A_1386 : vector<16xf32>
        %bitcast_convert_type3A_1388 = tpu.bitcast %mul3A_1316 : vector<16xf32> -> vector<16xi32>
        %bitcast_convert_type3A_1389 = tpu.bitcast %mul3A_1387 : vector<16xf32> -> vector<16xi32>
        %shift_right_logical3A_1390 = arith.constant 16 : i32
        %shift_right_logical3A_1391 = vector.broadcast %shift_right_logical3A_1390 : i32 to vector<16xi32>
        %shift_right_logical3A_1392 = arith.shrui %bitcast_convert_type3A_1388, %shift_right_logical3A_1391 : vector<16xi32>
        %and3A_1393 = arith.constant -65536 : i32
        %and3A_1394 = vector.broadcast %and3A_1393 : i32 to vector<16xi32>
        %and3A_1395 = arith.andi %bitcast_convert_type3A_1389, %and3A_1394 : vector<16xi32>
        %or3A_1396 = arith.ori %shift_right_logical3A_1392, %and3A_1395 : vector<16xi32>
        %add3A_1397 = arith.constant 0 : i32
        %add3A_1398 = arith.addi %add3A_1397, %scan3A_875 : i32
        %swap3A_1399 = arith.index_cast %add3A_1398 : i32 to index
        %swap3A_1400 = arith.constant 32 : index
        %swap3A_1401 = tpu.vector_load %arg16[%swap3A_1399, %swap3A_1400] {strides = array<i32>} : memref<64x64xi32, #tpu.memory_space<vmem>>, vector<1x16xi32>,
        %swap3A_1402 = vector.shape_cast %swap3A_1401 : vector<1x16xi32> to vector<16xi32>
        %swap3A_1403 = vector.shape_cast %or3A_1396 : vector<16xi32> to vector<1x16xi32>
        tpu.vector_store %arg16[%swap3A_1399, %swap3A_1400], %swap3A_1403 {strides = array<i32>} : memref<64x64xi32, #tpu.memory_space<vmem>>, vector<1x16xi32>,
        %add3A_1404 = arith.constant 0 : i32
        %add3A_1405 = arith.addi %add3A_1404, %scan3A_875 : i32
        %get3A_1406 = arith.index_cast %add3A_1405 : i32 to index
        %get3A_1407 = arith.constant 64 : index
        %get3A_1408 = tpu.vector_load %arg14[%get3A_1406, %get3A_1407] {strides = array<i32>} : memref<64x128xf32, #tpu.memory_space<vmem>>, vector<1x16xf32>,
        %get3A_1409 = vector.shape_cast %get3A_1408 : vector<1x16xf32> to vector<16xf32>
        %add3A_1410 = arith.constant 0 : i32
        %add3A_1411 = arith.addi %add3A_1410, %scan3A_875 : i32
        %get3A_1412 = arith.index_cast %add3A_1411 : i32 to index
        %get3A_1413 = arith.constant 80 : index
        %get3A_1414 = tpu.vector_load %arg14[%get3A_1412, %get3A_1413] {strides = array<i32>} : memref<64x128xf32, #tpu.memory_space<vmem>>, vector<1x16xf32>,
        %get3A_1415 = vector.shape_cast %get3A_1414 : vector<1x16xf32> to vector<16xf32>
        %bitcast_convert_type3A_1416 = tpu.bitcast %get3A_1409 : vector<16xf32> -> vector<16xi32>
        %bitcast_convert_type3A_1417 = tpu.bitcast %get3A_1415 : vector<16xf32> -> vector<16xi32>
        %shift_right_logical3A_1418 = arith.constant 16 : i32
        %shift_right_logical3A_1419 = vector.broadcast %shift_right_logical3A_1418 : i32 to vector<16xi32>
        %shift_right_logical3A_1420 = arith.shrui %bitcast_convert_type3A_1416, %shift_right_logical3A_1419 : vector<16xi32>
        %and3A_1421 = arith.constant -65536 : i32
        %and3A_1422 = vector.broadcast %and3A_1421 : i32 to vector<16xi32>
        %and3A_1423 = arith.andi %bitcast_convert_type3A_1417, %and3A_1422 : vector<16xi32>
        %or3A_1424 = arith.ori %shift_right_logical3A_1420, %and3A_1423 : vector<16xi32>
        %add3A_1425 = arith.constant 0 : i32
        %add3A_1426 = arith.addi %add3A_1425, %scan3A_875 : i32
        %swap3A_1427 = arith.index_cast %add3A_1426 : i32 to index
        %swap3A_1428 = arith.constant 32 : index
        %swap3A_1429 = tpu.vector_load %arg17[%swap3A_1427, %swap3A_1428] {strides = array<i32>} : memref<64x64xi32, #tpu.memory_space<vmem>>, vector<1x16xi32>,
        %swap3A_1430 = vector.shape_cast %swap3A_1429 : vector<1x16xi32> to vector<16xi32>
        %swap3A_1431 = vector.shape_cast %or3A_1424 : vector<16xi32> to vector<1x16xi32>
        tpu.vector_store %arg17[%swap3A_1427, %swap3A_1428], %swap3A_1431 {strides = array<i32>} : memref<64x64xi32, #tpu.memory_space<vmem>>, vector<1x16xi32>,
        %add3A_1432 = arith.constant 0 : i32
        %add3A_1433 = arith.addi %add3A_1432, %scan3A_875 : i32
        %get3A_1434 = arith.index_cast %add3A_1433 : i32 to index
        %get3A_1435 = arith.constant 96 : index
        %get3A_1436 = tpu.vector_load %arg15[%get3A_1434, %get3A_1435] {strides = array<i32>} : memref<640x128xf32, #tpu.memory_space<vmem>>, vector<1x16xf32>,
        %get3A_1437 = vector.shape_cast %get3A_1436 : vector<1x16xf32> to vector<16xf32>
        %add3A_1438 = arith.constant 32 : i32
        %add3A_1439 = arith.addi %add3A_1438, %scan3A_875 : i32
        %get3A_1440 = arith.index_cast %add3A_1439 : i32 to index
        %get3A_1441 = arith.constant 96 : index
        %get3A_1442 = tpu.vector_load %arg15[%get3A_1440, %get3A_1441] {strides = array<i32>} : memref<640x128xf32, #tpu.memory_space<vmem>>, vector<1x16xf32>,
        %get3A_1443 = vector.shape_cast %get3A_1442 : vector<1x16xf32> to vector<16xf32>
        %add3A_1444 = arith.addf %get3A_1437, %get3A_1443 : vector<16xf32>
        %add3A_1445 = arith.constant 64 : i32
        %add3A_1446 = arith.addi %add3A_1445, %scan3A_875 : i32
        %get3A_1447 = arith.index_cast %add3A_1446 : i32 to index
        %get3A_1448 = arith.constant 96 : index
        %get3A_1449 = tpu.vector_load %arg15[%get3A_1447, %get3A_1448] {strides = array<i32>} : memref<640x128xf32, #tpu.memory_space<vmem>>, vector<1x16xf32>,
        %get3A_1450 = vector.shape_cast %get3A_1449 : vector<1x16xf32> to vector<16xf32>
        %add3A_1451 = arith.addf %add3A_1444, %get3A_1450 : vector<16xf32>
        %add3A_1452 = arith.constant 96 : i32
        %add3A_1453 = arith.addi %add3A_1452, %scan3A_875 : i32
        %get3A_1454 = arith.index_cast %add3A_1453 : i32 to index
        %get3A_1455 = arith.constant 96 : index
        %get3A_1456 = tpu.vector_load %arg15[%get3A_1454, %get3A_1455] {strides = array<i32>} : memref<640x128xf32, #tpu.memory_space<vmem>>, vector<1x16xf32>,
        %get3A_1457 = vector.shape_cast %get3A_1456 : vector<1x16xf32> to vector<16xf32>
        %add3A_1458 = arith.addf %add3A_1451, %get3A_1457 : vector<16xf32>
        %add3A_1459 = arith.constant 128 : i32
        %add3A_1460 = arith.addi %add3A_1459, %scan3A_875 : i32
        %get3A_1461 = arith.index_cast %add3A_1460 : i32 to index
        %get3A_1462 = arith.constant 96 : index
        %get3A_1463 = tpu.vector_load %arg15[%get3A_1461, %get3A_1462] {strides = array<i32>} : memref<640x128xf32, #tpu.memory_space<vmem>>, vector<1x16xf32>,
        %get3A_1464 = vector.shape_cast %get3A_1463 : vector<1x16xf32> to vector<16xf32>
        %add3A_1465 = arith.addf %add3A_1458, %get3A_1464 : vector<16xf32>
        %add3A_1466 = arith.constant 160 : i32
        %add3A_1467 = arith.addi %add3A_1466, %scan3A_875 : i32
        %get3A_1468 = arith.index_cast %add3A_1467 : i32 to index
        %get3A_1469 = arith.constant 96 : index
        %get3A_1470 = tpu.vector_load %arg15[%get3A_1468, %get3A_1469] {strides = array<i32>} : memref<640x128xf32, #tpu.memory_space<vmem>>, vector<1x16xf32>,
        %get3A_1471 = vector.shape_cast %get3A_1470 : vector<1x16xf32> to vector<16xf32>
        %add3A_1472 = arith.addf %add3A_1465, %get3A_1471 : vector<16xf32>
        %add3A_1473 = arith.constant 192 : i32
        %add3A_1474 = arith.addi %add3A_1473, %scan3A_875 : i32
        %get3A_1475 = arith.index_cast %add3A_1474 : i32 to index
        %get3A_1476 = arith.constant 96 : index
        %get3A_1477 = tpu.vector_load %arg15[%get3A_1475, %get3A_1476] {strides = array<i32>} : memref<640x128xf32, #tpu.memory_space<vmem>>, vector<1x16xf32>,
        %get3A_1478 = vector.shape_cast %get3A_1477 : vector<1x16xf32> to vector<16xf32>
        %add3A_1479 = arith.addf %add3A_1472, %get3A_1478 : vector<16xf32>
        %add3A_1480 = arith.constant 224 : i32
        %add3A_1481 = arith.addi %add3A_1480, %scan3A_875 : i32
        %get3A_1482 = arith.index_cast %add3A_1481 : i32 to index
        %get3A_1483 = arith.constant 96 : index
        %get3A_1484 = tpu.vector_load %arg15[%get3A_1482, %get3A_1483] {strides = array<i32>} : memref<640x128xf32, #tpu.memory_space<vmem>>, vector<1x16xf32>,
        %get3A_1485 = vector.shape_cast %get3A_1484 : vector<1x16xf32> to vector<16xf32>
        %add3A_1486 = arith.addf %add3A_1479, %get3A_1485 : vector<16xf32>
        %add3A_1487 = arith.constant 256 : i32
        %add3A_1488 = arith.addi %add3A_1487, %scan3A_875 : i32
        %get3A_1489 = arith.index_cast %add3A_1488 : i32 to index
        %get3A_1490 = arith.constant 96 : index
        %get3A_1491 = tpu.vector_load %arg15[%get3A_1489, %get3A_1490] {strides = array<i32>} : memref<640x128xf32, #tpu.memory_space<vmem>>, vector<1x16xf32>,
        %get3A_1492 = vector.shape_cast %get3A_1491 : vector<1x16xf32> to vector<16xf32>
        %add3A_1493 = arith.addf %add3A_1486, %get3A_1492 : vector<16xf32>
        %add3A_1494 = arith.constant 288 : i32
        %add3A_1495 = arith.addi %add3A_1494, %scan3A_875 : i32
        %get3A_1496 = arith.index_cast %add3A_1495 : i32 to index
        %get3A_1497 = arith.constant 96 : index
        %get3A_1498 = tpu.vector_load %arg15[%get3A_1496, %get3A_1497] {strides = array<i32>} : memref<640x128xf32, #tpu.memory_space<vmem>>, vector<1x16xf32>,
        %get3A_1499 = vector.shape_cast %get3A_1498 : vector<1x16xf32> to vector<16xf32>
        %add3A_1500 = arith.addf %add3A_1493, %get3A_1499 : vector<16xf32>
        %mul3A_1501 = vector.broadcast %scan3A_722 : f32 to vector<16xf32>
        %mul3A_1502 = arith.mulf %add3A_1500, %mul3A_1501 : vector<16xf32>
        %add3A_1503 = arith.constant 0 : i32
        %add3A_1504 = arith.addi %add3A_1503, %scan3A_875 : i32
        %get3A_1505 = arith.index_cast %add3A_1504 : i32 to index
        %get3A_1506 = arith.constant 112 : index
        %get3A_1507 = tpu.vector_load %arg15[%get3A_1505, %get3A_1506] {strides = array<i32>} : memref<640x128xf32, #tpu.memory_space<vmem>>, vector<1x16xf32>,
        %get3A_1508 = vector.shape_cast %get3A_1507 : vector<1x16xf32> to vector<16xf32>
        %add3A_1509 = arith.constant 32 : i32
        %add3A_1510 = arith.addi %add3A_1509, %scan3A_875 : i32
        %get3A_1511 = arith.index_cast %add3A_1510 : i32 to index
        %get3A_1512 = arith.constant 112 : index
        %get3A_1513 = tpu.vector_load %arg15[%get3A_1511, %get3A_1512] {strides = array<i32>} : memref<640x128xf32, #tpu.memory_space<vmem>>, vector<1x16xf32>,
        %get3A_1514 = vector.shape_cast %get3A_1513 : vector<1x16xf32> to vector<16xf32>
        %add3A_1515 = arith.addf %get3A_1508, %get3A_1514 : vector<16xf32>
        %add3A_1516 = arith.constant 64 : i32
        %add3A_1517 = arith.addi %add3A_1516, %scan3A_875 : i32
        %get3A_1518 = arith.index_cast %add3A_1517 : i32 to index
        %get3A_1519 = arith.constant 112 : index
        %get3A_1520 = tpu.vector_load %arg15[%get3A_1518, %get3A_1519] {strides = array<i32>} : memref<640x128xf32, #tpu.memory_space<vmem>>, vector<1x16xf32>,
        %get3A_1521 = vector.shape_cast %get3A_1520 : vector<1x16xf32> to vector<16xf32>
        %add3A_1522 = arith.addf %add3A_1515, %get3A_1521 : vector<16xf32>
        %add3A_1523 = arith.constant 96 : i32
        %add3A_1524 = arith.addi %add3A_1523, %scan3A_875 : i32
        %get3A_1525 = arith.index_cast %add3A_1524 : i32 to index
        %get3A_1526 = arith.constant 112 : index
        %get3A_1527 = tpu.vector_load %arg15[%get3A_1525, %get3A_1526] {strides = array<i32>} : memref<640x128xf32, #tpu.memory_space<vmem>>, vector<1x16xf32>,
        %get3A_1528 = vector.shape_cast %get3A_1527 : vector<1x16xf32> to vector<16xf32>
        %add3A_1529 = arith.addf %add3A_1522, %get3A_1528 : vector<16xf32>
        %add3A_1530 = arith.constant 128 : i32
        %add3A_1531 = arith.addi %add3A_1530, %scan3A_875 : i32
        %get3A_1532 = arith.index_cast %add3A_1531 : i32 to index
        %get3A_1533 = arith.constant 112 : index
        %get3A_1534 = tpu.vector_load %arg15[%get3A_1532, %get3A_1533] {strides = array<i32>} : memref<640x128xf32, #tpu.memory_space<vmem>>, vector<1x16xf32>,
        %get3A_1535 = vector.shape_cast %get3A_1534 : vector<1x16xf32> to vector<16xf32>
        %add3A_1536 = arith.addf %add3A_1529, %get3A_1535 : vector<16xf32>
        %add3A_1537 = arith.constant 160 : i32
        %add3A_1538 = arith.addi %add3A_1537, %scan3A_875 : i32
        %get3A_1539 = arith.index_cast %add3A_1538 : i32 to index
        %get3A_1540 = arith.constant 112 : index
        %get3A_1541 = tpu.vector_load %arg15[%get3A_1539, %get3A_1540] {strides = array<i32>} : memref<640x128xf32, #tpu.memory_space<vmem>>, vector<1x16xf32>,
        %get3A_1542 = vector.shape_cast %get3A_1541 : vector<1x16xf32> to vector<16xf32>
        %add3A_1543 = arith.addf %add3A_1536, %get3A_1542 : vector<16xf32>
        %add3A_1544 = arith.constant 192 : i32
        %add3A_1545 = arith.addi %add3A_1544, %scan3A_875 : i32
        %get3A_1546 = arith.index_cast %add3A_1545 : i32 to index
        %get3A_1547 = arith.constant 112 : index
        %get3A_1548 = tpu.vector_load %arg15[%get3A_1546, %get3A_1547] {strides = array<i32>} : memref<640x128xf32, #tpu.memory_space<vmem>>, vector<1x16xf32>,
        %get3A_1549 = vector.shape_cast %get3A_1548 : vector<1x16xf32> to vector<16xf32>
        %add3A_1550 = arith.addf %add3A_1543, %get3A_1549 : vector<16xf32>
        %add3A_1551 = arith.constant 224 : i32
        %add3A_1552 = arith.addi %add3A_1551, %scan3A_875 : i32
        %get3A_1553 = arith.index_cast %add3A_1552 : i32 to index
        %get3A_1554 = arith.constant 112 : index
        %get3A_1555 = tpu.vector_load %arg15[%get3A_1553, %get3A_1554] {strides = array<i32>} : memref<640x128xf32, #tpu.memory_space<vmem>>, vector<1x16xf32>,
        %get3A_1556 = vector.shape_cast %get3A_1555 : vector<1x16xf32> to vector<16xf32>
        %add3A_1557 = arith.addf %add3A_1550, %get3A_1556 : vector<16xf32>
        %add3A_1558 = arith.constant 256 : i32
        %add3A_1559 = arith.addi %add3A_1558, %scan3A_875 : i32
        %get3A_1560 = arith.index_cast %add3A_1559 : i32 to index
        %get3A_1561 = arith.constant 112 : index
        %get3A_1562 = tpu.vector_load %arg15[%get3A_1560, %get3A_1561] {strides = array<i32>} : memref<640x128xf32, #tpu.memory_space<vmem>>, vector<1x16xf32>,
        %get3A_1563 = vector.shape_cast %get3A_1562 : vector<1x16xf32> to vector<16xf32>
        %add3A_1564 = arith.addf %add3A_1557, %get3A_1563 : vector<16xf32>
        %add3A_1565 = arith.constant 288 : i32
        %add3A_1566 = arith.addi %add3A_1565, %scan3A_875 : i32
        %get3A_1567 = arith.index_cast %add3A_1566 : i32 to index
        %get3A_1568 = arith.constant 112 : index
        %get3A_1569 = tpu.vector_load %arg15[%get3A_1567, %get3A_1568] {strides = array<i32>} : memref<640x128xf32, #tpu.memory_space<vmem>>, vector<1x16xf32>,
        %get3A_1570 = vector.shape_cast %get3A_1569 : vector<1x16xf32> to vector<16xf32>
        %add3A_1571 = arith.addf %add3A_1564, %get3A_1570 : vector<16xf32>
        %mul3A_1572 = vector.broadcast %scan3A_722 : f32 to vector<16xf32>
        %mul3A_1573 = arith.mulf %add3A_1571, %mul3A_1572 : vector<16xf32>
        %bitcast_convert_type3A_1574 = tpu.bitcast %mul3A_1502 : vector<16xf32> -> vector<16xi32>
        %bitcast_convert_type3A_1575 = tpu.bitcast %mul3A_1573 : vector<16xf32> -> vector<16xi32>
        %shift_right_logical3A_1576 = arith.constant 16 : i32
        %shift_right_logical3A_1577 = vector.broadcast %shift_right_logical3A_1576 : i32 to vector<16xi32>
        %shift_right_logical3A_1578 = arith.shrui %bitcast_convert_type3A_1574, %shift_right_logical3A_1577 : vector<16xi32>
        %and3A_1579 = arith.constant -65536 : i32
        %and3A_1580 = vector.broadcast %and3A_1579 : i32 to vector<16xi32>
        %and3A_1581 = arith.andi %bitcast_convert_type3A_1575, %and3A_1580 : vector<16xi32>
        %or3A_1582 = arith.ori %shift_right_logical3A_1578, %and3A_1581 : vector<16xi32>
        %add3A_1583 = arith.constant 0 : i32
        %add3A_1584 = arith.addi %add3A_1583, %scan3A_875 : i32
        %swap3A_1585 = arith.index_cast %add3A_1584 : i32 to index
        %swap3A_1586 = arith.constant 48 : index
        %swap3A_1587 = tpu.vector_load %arg16[%swap3A_1585, %swap3A_1586] {strides = array<i32>} : memref<64x64xi32, #tpu.memory_space<vmem>>, vector<1x16xi32>,
        %swap3A_1588 = vector.shape_cast %swap3A_1587 : vector<1x16xi32> to vector<16xi32>
        %swap3A_1589 = vector.shape_cast %or3A_1582 : vector<16xi32> to vector<1x16xi32>
        tpu.vector_store %arg16[%swap3A_1585, %swap3A_1586], %swap3A_1589 {strides = array<i32>} : memref<64x64xi32, #tpu.memory_space<vmem>>, vector<1x16xi32>,
        %add3A_1590 = arith.constant 0 : i32
        %add3A_1591 = arith.addi %add3A_1590, %scan3A_875 : i32
        %get3A_1592 = arith.index_cast %add3A_1591 : i32 to index
        %get3A_1593 = arith.constant 96 : index
        %get3A_1594 = tpu.vector_load %arg14[%get3A_1592, %get3A_1593] {strides = array<i32>} : memref<64x128xf32, #tpu.memory_space<vmem>>, vector<1x16xf32>,
        %get3A_1595 = vector.shape_cast %get3A_1594 : vector<1x16xf32> to vector<16xf32>
        %add3A_1596 = arith.constant 0 : i32
        %add3A_1597 = arith.addi %add3A_1596, %scan3A_875 : i32
        %get3A_1598 = arith.index_cast %add3A_1597 : i32 to index
        %get3A_1599 = arith.constant 112 : index
        %get3A_1600 = tpu.vector_load %arg14[%get3A_1598, %get3A_1599] {strides = array<i32>} : memref<64x128xf32, #tpu.memory_space<vmem>>, vector<1x16xf32>,
        %get3A_1601 = vector.shape_cast %get3A_1600 : vector<1x16xf32> to vector<16xf32>
        %bitcast_convert_type3A_1602 = tpu.bitcast %get3A_1595 : vector<16xf32> -> vector<16xi32>
        %bitcast_convert_type3A_1603 = tpu.bitcast %get3A_1601 : vector<16xf32> -> vector<16xi32>
        %shift_right_logical3A_1604 = arith.constant 16 : i32
        %shift_right_logical3A_1605 = vector.broadcast %shift_right_logical3A_1604 : i32 to vector<16xi32>
        %shift_right_logical3A_1606 = arith.shrui %bitcast_convert_type3A_1602, %shift_right_logical3A_1605 : vector<16xi32>
        %and3A_1607 = arith.constant -65536 : i32
        %and3A_1608 = vector.broadcast %and3A_1607 : i32 to vector<16xi32>
        %and3A_1609 = arith.andi %bitcast_convert_type3A_1603, %and3A_1608 : vector<16xi32>
        %or3A_1610 = arith.ori %shift_right_logical3A_1606, %and3A_1609 : vector<16xi32>
        %add3A_1611 = arith.constant 0 : i32
        %add3A_1612 = arith.addi %add3A_1611, %scan3A_875 : i32
        %swap3A_1613 = arith.index_cast %add3A_1612 : i32 to index
        %swap3A_1614 = arith.constant 48 : index
        %swap3A_1615 = tpu.vector_load %arg17[%swap3A_1613, %swap3A_1614] {strides = array<i32>} : memref<64x64xi32, #tpu.memory_space<vmem>>, vector<1x16xi32>,
        %swap3A_1616 = vector.shape_cast %swap3A_1615 : vector<1x16xi32> to vector<16xi32>
        %swap3A_1617 = vector.shape_cast %or3A_1610 : vector<16xi32> to vector<1x16xi32>
        tpu.vector_store %arg17[%swap3A_1613, %swap3A_1614], %swap3A_1617 {strides = array<i32>} : memref<64x64xi32, #tpu.memory_space<vmem>>, vector<1x16xi32>,
        %scan3A_1618 = arith.constant 0 : i32
        scf.yield %scan3A_1618 : i32
      }
      %scan3A_729 = arith.constant 32 : i32
      %sub3A_730 = arith.constant 4 : i32
      %sub3A_731 = arith.subi %mul3A_676, %sub3A_730 : i32
      %max3A_732 = arith.constant 0 : i32
      %max3A_733 = arith.maxsi %sub3A_731, %max3A_732 : i32
      %jit3A_734 = arith.constant 4 : i32
      %div3A_735 = arith.divsi %max3A_733, %jit3A_734 : i32
      %sign3A_736 = arith.constant 0 : i32
      %sign3A_737 = arith.cmpi sgt, %max3A_733, %sign3A_736 : i32
      %sign3A_738 = arith.extui %sign3A_737 : i1 to i32
      %sign3A_739 = arith.constant 0 : i32
      %sign3A_740 = arith.cmpi slt, %max3A_733, %sign3A_739 : i32
      %sign3A_741 = arith.extui %sign3A_740 : i1 to i32
      %sign3A_742 = arith.subi %sign3A_738, %sign3A_741 : i32
      %sign3A_743 = arith.constant 0 : i32
      %sign3A_744 = arith.cmpi sgt, %jit3A_734, %sign3A_743 : i32
      %sign3A_745 = arith.extui %sign3A_744 : i1 to i32
      %sign3A_746 = arith.constant 0 : i32
      %sign3A_747 = arith.cmpi slt, %jit3A_734, %sign3A_746 : i32
      %sign3A_748 = arith.extui %sign3A_747 : i1 to i32
      %sign3A_749 = arith.subi %sign3A_745, %sign3A_748 : i32
      %ne3A_750 = arith.cmpi ne, %sign3A_742, %sign3A_749 : i32
      %rem3A_751 = arith.remsi %max3A_733, %jit3A_734 : i32
      %ne3A_752 = arith.constant 0 : i32
      %ne3A_753 = arith.cmpi ne, %rem3A_751, %ne3A_752 : i32
      %and3A_754 = arith.andi %ne3A_750, %ne3A_753 : i1
      %sub3A_755 = arith.constant 1 : i32
      %sub3A_756 = arith.subi %div3A_735, %sub3A_755 : i32
      %select_n3A_757 = arith.select %and3A_754, %sub3A_756, %div3A_735 : i32
      %mul3A_758 = arith.constant 4 : i32
      %mul3A_759 = arith.muli %select_n3A_757, %mul3A_758 : i32
      %sub3A_760 = arith.subi %max3A_733, %mul3A_759 : i32
      %mul3A_761 = arith.constant 128 : i32
      %mul3A_762 = arith.muli %add3A, %mul3A_761 : i32
      %mul3A_763 = arith.constant 32 : i32
      %mul3A_764 = arith.muli %sub3A_760, %mul3A_763 : i32
      %add3A_765 = arith.addi %mul3A_762, %mul3A_764 : i32
      %convert_element_type3A_766 = arith.extui %lt3A_721 : i1 to i32
      %cond3A_767 = arith.constant 0 : i32
      %cond3A_768 = arith.cmpi ne, %convert_element_type3A_766, %cond3A_767 : i32
      scf.if %cond3A_768 {
        %mul3A_875 = arith.constant 128 : i32
        %mul3A_876 = arith.muli %add3A, %mul3A_875 : i32
        %mul3A_877 = arith.constant 32 : i32
        %mul3A_878 = arith.muli %mul3A_676, %mul3A_877 : i32
        %add3A_879 = arith.addi %mul3A_876, %mul3A_878 : i32
        %dma_start3A_880 = arith.constant 0 : i32
        %dma_start3A_881 = arith.constant 0 : i32
        %dma_start3A_882 = tpu.memref_slice %arg17[%dma_start3A_880, %dma_start3A_881] : memref<64x64xi32, #tpu.memory_space<vmem>> -> memref<32x64xi32, #tpu.memory_space<vmem>>
        %dma_start3A_883 = arith.constant 0 : i32
        %dma_start3A_884 = tpu.memref_slice %arg5[%add3A_879, %dma_start3A_883] : memref<4096x64xi32, #tpu.memory_space<hbm>> -> memref<32x64xi32, #tpu.memory_space<hbm>>
        %dma_start3A_885 = arith.constant 0 : i32
        %dma_start3A_886 = tpu.memref_slice %arg5[%add3A_879, %dma_start3A_885] : memref<4096x64xi32, #tpu.memory_space<hbm>> -> memref<32x64xi32, #tpu.memory_space<hbm>>
        %dma_start3A_887 = arith.constant 0 : i32
        %dma_start3A_888 = arith.constant 0 : i32
        %dma_start3A_889 = tpu.memref_slice %arg17[%dma_start3A_887, %dma_start3A_888] : memref<64x64xi32, #tpu.memory_space<vmem>> -> memref<32x64xi32, #tpu.memory_space<vmem>>
        tpu.enqueue_dma source(%dma_start3A_889 : memref<32x64xi32, #tpu.memory_space<vmem>>) target(%dma_start3A_886 : memref<32x64xi32, #tpu.memory_space<hbm>>) target_semaphore(%arg21 : memref<!tpu.dma_semaphore, #tpu.memory_space<semaphore_mem>>)
        %dma_start3A_890 = arith.constant 0 : i32
        %dma_start3A_891 = arith.constant 0 : i32
        %dma_start3A_892 = tpu.memref_slice %arg16[%dma_start3A_890, %dma_start3A_891] : memref<64x64xi32, #tpu.memory_space<vmem>> -> memref<32x64xi32, #tpu.memory_space<vmem>>
        %dma_start3A_893 = arith.constant 0 : i32
        %dma_start3A_894 = tpu.memref_slice %arg6[%add3A_879, %dma_start3A_893] : memref<4096x64xi32, #tpu.memory_space<hbm>> -> memref<32x64xi32, #tpu.memory_space<hbm>>
        %dma_start3A_895 = arith.constant 0 : i32
        %dma_start3A_896 = tpu.memref_slice %arg6[%add3A_879, %dma_start3A_895] : memref<4096x64xi32, #tpu.memory_space<hbm>> -> memref<32x64xi32, #tpu.memory_space<hbm>>
        %dma_start3A_897 = arith.constant 0 : i32
        %dma_start3A_898 = arith.constant 0 : i32
        %dma_start3A_899 = tpu.memref_slice %arg16[%dma_start3A_897, %dma_start3A_898] : memref<64x64xi32, #tpu.memory_space<vmem>> -> memref<32x64xi32, #tpu.memory_space<vmem>>
        tpu.enqueue_dma source(%dma_start3A_899 : memref<32x64xi32, #tpu.memory_space<vmem>>) target(%dma_start3A_896 : memref<32x64xi32, #tpu.memory_space<hbm>>) target_semaphore(%arg21 : memref<!tpu.dma_semaphore, #tpu.memory_space<semaphore_mem>>)
      } else {
      }
      %not3A = arith.constant true
      %not3A_769 = arith.xori %lt3A_721, %not3A : i1
      %convert_element_type3A_770 = arith.extui %not3A_769 : i1 to i32
      %cond3A_771 = arith.constant 0 : i32
      %cond3A_772 = arith.cmpi ne, %convert_element_type3A_770, %cond3A_771 : i32
      scf.if %cond3A_772 {
        %dma_start3A_875 = arith.constant 0 : i32
        %dma_start3A_876 = arith.constant 0 : i32
        %dma_start3A_877 = tpu.memref_slice %arg17[%dma_start3A_875, %dma_start3A_876] : memref<64x64xi32, #tpu.memory_space<vmem>> -> memref<32x64xi32, #tpu.memory_space<vmem>>
        %dma_start3A_878 = arith.constant 0 : i32
        %dma_start3A_879 = tpu.memref_slice %arg7[%select_n3A_757, %add3A_765, %dma_start3A_878] : memref<10x4096x64xi32, #tpu.memory_space<hbm>> -> memref<1x32x64xi32, #tpu.memory_space<hbm>>
        %dma_start3A_880 = tpu.memref_squeeze %dma_start3A_879 : memref<1x32x64xi32, #tpu.memory_space<hbm>> -> memref<32x64xi32, #tpu.memory_space<hbm>>
        %dma_start3A_881 = arith.constant 0 : i32
        %dma_start3A_882 = tpu.memref_slice %arg7[%select_n3A_757, %add3A_765, %dma_start3A_881] : memref<10x4096x64xi32, #tpu.memory_space<hbm>> -> memref<1x32x64xi32, #tpu.memory_space<hbm>>
        %dma_start3A_883 = tpu.memref_squeeze %dma_start3A_882 : memref<1x32x64xi32, #tpu.memory_space<hbm>> -> memref<32x64xi32, #tpu.memory_space<hbm>>
        %dma_start3A_884 = arith.constant 0 : i32
        %dma_start3A_885 = arith.constant 0 : i32
        %dma_start3A_886 = tpu.memref_slice %arg17[%dma_start3A_884, %dma_start3A_885] : memref<64x64xi32, #tpu.memory_space<vmem>> -> memref<32x64xi32, #tpu.memory_space<vmem>>
        tpu.enqueue_dma source(%dma_start3A_886 : memref<32x64xi32, #tpu.memory_space<vmem>>) target(%dma_start3A_883 : memref<32x64xi32, #tpu.memory_space<hbm>>) target_semaphore(%arg21 : memref<!tpu.dma_semaphore, #tpu.memory_space<semaphore_mem>>)
        %dma_start3A_887 = arith.constant 0 : i32
        %dma_start3A_888 = arith.constant 0 : i32
        %dma_start3A_889 = tpu.memref_slice %arg16[%dma_start3A_887, %dma_start3A_888] : memref<64x64xi32, #tpu.memory_space<vmem>> -> memref<32x64xi32, #tpu.memory_space<vmem>>
        %dma_start3A_890 = arith.constant 0 : i32
        %dma_start3A_891 = tpu.memref_slice %arg8[%select_n3A_757, %add3A_765, %dma_start3A_890] : memref<10x4096x64xi32, #tpu.memory_space<hbm>> -> memref<1x32x64xi32, #tpu.memory_space<hbm>>
        %dma_start3A_892 = tpu.memref_squeeze %dma_start3A_891 : memref<1x32x64xi32, #tpu.memory_space<hbm>> -> memref<32x64xi32, #tpu.memory_space<hbm>>
        %dma_start3A_893 = arith.constant 0 : i32
        %dma_start3A_894 = tpu.memref_slice %arg8[%select_n3A_757, %add3A_765, %dma_start3A_893] : memref<10x4096x64xi32, #tpu.memory_space<hbm>> -> memref<1x32x64xi32, #tpu.memory_space<hbm>>
        %dma_start3A_895 = tpu.memref_squeeze %dma_start3A_894 : memref<1x32x64xi32, #tpu.memory_space<hbm>> -> memref<32x64xi32, #tpu.memory_space<hbm>>
        %dma_start3A_896 = arith.constant 0 : i32
        %dma_start3A_897 = arith.constant 0 : i32
        %dma_start3A_898 = tpu.memref_slice %arg16[%dma_start3A_896, %dma_start3A_897] : memref<64x64xi32, #tpu.memory_space<vmem>> -> memref<32x64xi32, #tpu.memory_space<vmem>>
        tpu.enqueue_dma source(%dma_start3A_898 : memref<32x64xi32, #tpu.memory_space<vmem>>) target(%dma_start3A_895 : memref<32x64xi32, #tpu.memory_space<hbm>>) target_semaphore(%arg21 : memref<!tpu.dma_semaphore, #tpu.memory_space<semaphore_mem>>)
      } else {
      }
      %mul3A_773 = arith.constant 2 : i32
      %mul3A_774 = arith.muli %mul3A_773, %scan3A_673 : i32
      %add3A_775 = arith.constant 1 : i32
      %add3A_776 = arith.addi %mul3A_774, %add3A_775 : i32
      %add3A_777 = arith.constant 1 : i32
      %add3A_778 = arith.addi %add3A_776, %add3A_777 : i32
      %lt3A_779 = arith.constant 44 : i32
      %lt3A_780 = arith.cmpi slt, %add3A_778, %lt3A_779 : i32
      %convert_element_type3A_781 = arith.extui %lt3A_780 : i1 to i32
      %cond3A_782 = arith.constant 0 : i32
      %cond3A_783 = arith.cmpi ne, %convert_element_type3A_781, %cond3A_782 : i32
      scf.if %cond3A_783 {
        %add3A_875 = arith.constant 1 : i32
        %add3A_876 = arith.addi %add3A_776, %add3A_875 : i32
        %dma_wait3A_877 = arith.constant 0 : i32
        %dma_wait3A_878 = tpu.memref_slice %arg4[%dma_wait3A_877] : memref<1000000xi32, #tpu.memory_space<hbm>> -> memref<320xi32, #tpu.memory_space<hbm>>
        %dma_wait3A_879 = arith.constant 0 : i32
        %dma_wait3A_880 = tpu.memref_slice %arg4[%dma_wait3A_879] : memref<1000000xi32, #tpu.memory_space<hbm>> -> memref<320xi32, #tpu.memory_space<hbm>>
        tpu.wait_dma2 semaphore(%arg18 : memref<!tpu.dma_semaphore, #tpu.memory_space<semaphore_mem>>) src(%dma_wait3A_880 : memref<320xi32, #tpu.memory_space<hbm>>) dst(%arg12 : memref<320xi32, #tpu.memory_space<vmem>>)
        %ge3A_881 = arith.constant 2 : i32
        %ge3A_882 = arith.cmpi sge, %add3A_876, %ge3A_881 : i32
        %convert_element_type3A_883 = arith.extui %ge3A_882 : i1 to i32
        %cond3A_884 = arith.constant 0 : i32
        %cond3A_885 = arith.cmpi ne, %convert_element_type3A_883, %cond3A_884 : i32
        scf.if %cond3A_885 {
          %dma_wait3A_942 = arith.constant 0 : i32
          %dma_wait3A_943 = arith.constant 0 : i32
          %dma_wait3A_944 = tpu.memref_slice %arg17[%dma_wait3A_942, %dma_wait3A_943] : memref<64x64xi32, #tpu.memory_space<vmem>> -> memref<32x64xi32, #tpu.memory_space<vmem>>
          %dma_wait3A_945 = arith.constant 0 : i32
          %dma_wait3A_946 = arith.constant 0 : i32
          %dma_wait3A_947 = tpu.memref_slice %arg5[%dma_wait3A_945, %dma_wait3A_946] : memref<4096x64xi32, #tpu.memory_space<hbm>> -> memref<32x64xi32, #tpu.memory_space<hbm>>
          %dma_wait3A_948 = arith.constant 0 : i32
          %dma_wait3A_949 = arith.constant 0 : i32
          %dma_wait3A_950 = tpu.memref_slice %arg5[%dma_wait3A_948, %dma_wait3A_949] : memref<4096x64xi32, #tpu.memory_space<hbm>> -> memref<32x64xi32, #tpu.memory_space<hbm>>
          %dma_wait3A_951 = arith.constant 0 : i32
          %dma_wait3A_952 = arith.constant 0 : i32
          %dma_wait3A_953 = tpu.memref_slice %arg17[%dma_wait3A_951, %dma_wait3A_952] : memref<64x64xi32, #tpu.memory_space<vmem>> -> memref<32x64xi32, #tpu.memory_space<vmem>>
          tpu.wait_dma2 semaphore(%arg21 : memref<!tpu.dma_semaphore, #tpu.memory_space<semaphore_mem>>) src(%dma_wait3A_953 : memref<32x64xi32, #tpu.memory_space<vmem>>) dst(%dma_wait3A_950 : memref<32x64xi32, #tpu.memory_space<hbm>>)
          %dma_wait3A_954 = arith.constant 0 : i32
          %dma_wait3A_955 = arith.constant 0 : i32
          %dma_wait3A_956 = tpu.memref_slice %arg16[%dma_wait3A_954, %dma_wait3A_955] : memref<64x64xi32, #tpu.memory_space<vmem>> -> memref<32x64xi32, #tpu.memory_space<vmem>>
          %dma_wait3A_957 = arith.constant 0 : i32
          %dma_wait3A_958 = arith.constant 0 : i32
          %dma_wait3A_959 = tpu.memref_slice %arg6[%dma_wait3A_957, %dma_wait3A_958] : memref<4096x64xi32, #tpu.memory_space<hbm>> -> memref<32x64xi32, #tpu.memory_space<hbm>>
          %dma_wait3A_960 = arith.constant 0 : i32
          %dma_wait3A_961 = arith.constant 0 : i32
          %dma_wait3A_962 = tpu.memref_slice %arg6[%dma_wait3A_960, %dma_wait3A_961] : memref<4096x64xi32, #tpu.memory_space<hbm>> -> memref<32x64xi32, #tpu.memory_space<hbm>>
          %dma_wait3A_963 = arith.constant 0 : i32
          %dma_wait3A_964 = arith.constant 0 : i32
          %dma_wait3A_965 = tpu.memref_slice %arg16[%dma_wait3A_963, %dma_wait3A_964] : memref<64x64xi32, #tpu.memory_space<vmem>> -> memref<32x64xi32, #tpu.memory_space<vmem>>
          tpu.wait_dma2 semaphore(%arg21 : memref<!tpu.dma_semaphore, #tpu.memory_space<semaphore_mem>>) src(%dma_wait3A_965 : memref<32x64xi32, #tpu.memory_space<vmem>>) dst(%dma_wait3A_962 : memref<32x64xi32, #tpu.memory_space<hbm>>)
        } else {
        }
        %sub3A_886 = arith.constant 4 : i32
        %sub3A_887 = arith.subi %add3A_876, %sub3A_886 : i32
        %max3A_888 = arith.constant 0 : i32
        %max3A_889 = arith.maxsi %sub3A_887, %max3A_888 : i32
        %jit3A_890 = arith.constant 4 : i32
        %div3A_891 = arith.divsi %max3A_889, %jit3A_890 : i32
        %sign3A_892 = arith.constant 0 : i32
        %sign3A_893 = arith.cmpi sgt, %max3A_889, %sign3A_892 : i32
        %sign3A_894 = arith.extui %sign3A_893 : i1 to i32
        %sign3A_895 = arith.constant 0 : i32
        %sign3A_896 = arith.cmpi slt, %max3A_889, %sign3A_895 : i32
        %sign3A_897 = arith.extui %sign3A_896 : i1 to i32
        %sign3A_898 = arith.subi %sign3A_894, %sign3A_897 : i32
        %sign3A_899 = arith.constant 0 : i32
        %sign3A_900 = arith.cmpi sgt, %jit3A_890, %sign3A_899 : i32
        %sign3A_901 = arith.extui %sign3A_900 : i1 to i32
        %sign3A_902 = arith.constant 0 : i32
        %sign3A_903 = arith.cmpi slt, %jit3A_890, %sign3A_902 : i32
        %sign3A_904 = arith.extui %sign3A_903 : i1 to i32
        %sign3A_905 = arith.subi %sign3A_901, %sign3A_904 : i32
        %ne3A_906 = arith.cmpi ne, %sign3A_898, %sign3A_905 : i32
        %rem3A_907 = arith.remsi %max3A_889, %jit3A_890 : i32
        %ne3A_908 = arith.constant 0 : i32
        %ne3A_909 = arith.cmpi ne, %rem3A_907, %ne3A_908 : i32
        %and3A_910 = arith.andi %ne3A_906, %ne3A_909 : i1
        %sub3A_911 = arith.constant 1 : i32
        %sub3A_912 = arith.subi %div3A_891, %sub3A_911 : i32
        %select_n3A_913 = arith.select %and3A_910, %sub3A_912, %div3A_891 : i32
        %mul3A_914 = arith.constant 4 : i32
        %mul3A_915 = arith.muli %select_n3A_913, %mul3A_914 : i32
        %sub3A_916 = arith.subi %max3A_889, %mul3A_915 : i32
        %lt3A_917 = arith.constant 4 : i32
        %lt3A_918 = arith.cmpi slt, %add3A_876, %lt3A_917 : i32
        %mul3A_919 = arith.constant 32 : i32
        %mul3A_920 = arith.muli %add3A_876, %mul3A_919 : i32
        %mul3A_921 = arith.constant 128 : i32
        %mul3A_922 = arith.muli %select_n3A_913, %mul3A_921 : i32
        %add3A_923 = arith.constant 128 : i32
        %add3A_924 = arith.addi %add3A_923, %mul3A_922 : i32
        %mul3A_925 = arith.constant 32 : i32
        %mul3A_926 = arith.muli %sub3A_916, %mul3A_925 : i32
        %add3A_927 = arith.addi %add3A_924, %mul3A_926 : i32
        %select_n3A_928 = arith.select %lt3A_918, %mul3A_920, %add3A_927 : i32
        %dma_start3A_929 = arith.constant 0 : i32
        %dma_start3A_930 = arith.constant 0 : i32
        %dma_start3A_931 = tpu.memref_slice %arg14[%dma_start3A_929, %dma_start3A_930] : memref<64x128xf32, #tpu.memory_space<vmem>> -> memref<32x128xf32, #tpu.memory_space<vmem>>
        %dma_start3A_932 = tpu.memref_slice %arg9[%select_n3A_928] : memref<1408xi32, #tpu.memory_space<vmem>> -> memref<32xi32, #tpu.memory_space<vmem>>
        %dma_start3A_933 = arith.constant 0 : i32
        %dma_start3A_934 = arith.constant 0 : i32
        %dma_start3A_935 = tpu.memref_slice %arg3[%dma_start3A_933, %dma_start3A_934] : memref<100000x128xf32, #tpu.memory_space<hbm>> -> memref<100000x128xf32, #tpu.memory_space<hbm>>
        tpu.enqueue_indirect_dma source(%dma_start3A_935 : memref<100000x128xf32, #tpu.memory_space<hbm>>) target(%dma_start3A_931 : memref<32x128xf32, #tpu.memory_space<vmem>>) offsets(%dma_start3A_932 : memref<32xi32, #tpu.memory_space<vmem>>) semaphore(%arg19 : memref<!tpu.dma_semaphore, #tpu.memory_space<semaphore_mem>>)
        %dma_start3A_936 = arith.constant 0 : i32
        %dma_start3A_937 = arith.constant 0 : i32
        %dma_start3A_938 = tpu.memref_slice %arg15[%dma_start3A_936, %dma_start3A_937] : memref<640x128xf32, #tpu.memory_space<vmem>> -> memref<320x128xf32, #tpu.memory_space<vmem>>
        %dma_start3A_939 = arith.constant 0 : i32
        %dma_start3A_940 = arith.constant 0 : i32
        %dma_start3A_941 = tpu.memref_slice %arg3[%dma_start3A_939, %dma_start3A_940] : memref<100000x128xf32, #tpu.memory_space<hbm>> -> memref<100000x128xf32, #tpu.memory_space<hbm>>
        tpu.enqueue_indirect_dma source(%dma_start3A_941 : memref<100000x128xf32, #tpu.memory_space<hbm>>) target(%dma_start3A_938 : memref<320x128xf32, #tpu.memory_space<vmem>>) offsets(%arg12 : memref<320xi32, #tpu.memory_space<vmem>>) semaphore(%arg19 : memref<!tpu.dma_semaphore, #tpu.memory_space<semaphore_mem>>)
      } else {
      }
      %dma_wait3A_784 = arith.constant 32 : i32
      %dma_wait3A_785 = arith.constant 0 : i32
      %dma_wait3A_786 = tpu.memref_slice %arg14[%dma_wait3A_784, %dma_wait3A_785] : memref<64x128xf32, #tpu.memory_space<vmem>> -> memref<32x128xf32, #tpu.memory_space<vmem>>
      %dma_wait3A_787 = arith.constant 0 : i32
      %dma_wait3A_788 = arith.constant 0 : i32
      %dma_wait3A_789 = tpu.memref_slice %arg3[%dma_wait3A_787, %dma_wait3A_788] : memref<100000x128xf32, #tpu.memory_space<hbm>> -> memref<32x128xf32, #tpu.memory_space<hbm>>
      %dma_wait3A_790 = arith.constant 32 : i32
      %dma_wait3A_791 = arith.constant 0 : i32
      %dma_wait3A_792 = tpu.memref_slice %arg14[%dma_wait3A_790, %dma_wait3A_791] : memref<64x128xf32, #tpu.memory_space<vmem>> -> memref<32x128xf32, #tpu.memory_space<vmem>>
      %dma_wait3A_793 = arith.constant 0 : i32
      %dma_wait3A_794 = arith.constant 0 : i32
      %dma_wait3A_795 = tpu.memref_slice %arg3[%dma_wait3A_793, %dma_wait3A_794] : memref<100000x128xf32, #tpu.memory_space<hbm>> -> memref<32x128xf32, #tpu.memory_space<hbm>>
      tpu.wait_dma2 semaphore(%arg20 : memref<!tpu.dma_semaphore, #tpu.memory_space<semaphore_mem>>) src(%dma_wait3A_795 : memref<32x128xf32, #tpu.memory_space<hbm>>) dst(%dma_wait3A_792 : memref<32x128xf32, #tpu.memory_space<vmem>>)
      %dma_wait3A_796 = arith.constant 320 : i32
      %dma_wait3A_797 = arith.constant 0 : i32
      %dma_wait3A_798 = tpu.memref_slice %arg15[%dma_wait3A_796, %dma_wait3A_797] : memref<640x128xf32, #tpu.memory_space<vmem>> -> memref<320x128xf32, #tpu.memory_space<vmem>>
      %dma_wait3A_799 = arith.constant 0 : i32
      %dma_wait3A_800 = arith.constant 0 : i32
      %dma_wait3A_801 = tpu.memref_slice %arg3[%dma_wait3A_799, %dma_wait3A_800] : memref<100000x128xf32, #tpu.memory_space<hbm>> -> memref<320x128xf32, #tpu.memory_space<hbm>>
      %dma_wait3A_802 = arith.constant 320 : i32
      %dma_wait3A_803 = arith.constant 0 : i32
      %dma_wait3A_804 = tpu.memref_slice %arg15[%dma_wait3A_802, %dma_wait3A_803] : memref<640x128xf32, #tpu.memory_space<vmem>> -> memref<320x128xf32, #tpu.memory_space<vmem>>
      %dma_wait3A_805 = arith.constant 0 : i32
      %dma_wait3A_806 = arith.constant 0 : i32
      %dma_wait3A_807 = tpu.memref_slice %arg3[%dma_wait3A_805, %dma_wait3A_806] : memref<100000x128xf32, #tpu.memory_space<hbm>> -> memref<320x128xf32, #tpu.memory_space<hbm>>
      tpu.wait_dma2 semaphore(%arg20 : memref<!tpu.dma_semaphore, #tpu.memory_space<semaphore_mem>>) src(%dma_wait3A_807 : memref<320x128xf32, #tpu.memory_space<hbm>>) dst(%dma_wait3A_804 : memref<320x128xf32, #tpu.memory_space<vmem>>)
      %lt3A_808 = arith.constant 4 : i32
      %lt3A_809 = arith.cmpi slt, %add3A_776, %lt3A_808 : i32
      %convert_element_type3A_810 = arith.extui %lt3A_809 : i1 to i32
      %cond3A_811 = arith.constant 0 : i32
      %cond3A_812 = arith.cmpi ne, %convert_element_type3A_810, %cond3A_811 : i32
      scf.if %cond3A_812 {
        %get3A_875 = arith.constant 0 : index
        %get3A_876 = tpu.vector_load %arg13[%get3A_875] {strides = array<i32>} : memref<320xi32, #tpu.memory_space<vmem>>, vector<16xi32>,
        %get3A_877 = vector.shape_cast %get3A_876 : vector<16xi32> to vector<16xi32>
        %mul3A_878 = arith.constant 32 : i32
        %mul3A_879 = arith.muli %add3A_776, %mul3A_878 : i32
        %add3A_880 = arith.constant 128 : i32
        %add3A_881 = arith.addi %add3A_880, %mul3A_879 : i32
        %add3A_882 = arith.constant 0 : i32
        %add3A_883 = arith.addi %add3A_881, %add3A_882 : i32
        %swap3A_884 = arith.index_cast %add3A_883 : i32 to index
        %swap3A_885 = tpu.vector_load %arg9[%swap3A_884] {strides = array<i32>} : memref<1408xi32, #tpu.memory_space<vmem>>, vector<16xi32>,
        %swap3A_886 = vector.shape_cast %swap3A_885 : vector<16xi32> to vector<16xi32>
        %swap3A_887 = vector.shape_cast %get3A_877 : vector<16xi32> to vector<16xi32>
        tpu.vector_store %arg9[%swap3A_884], %swap3A_887 {strides = array<i32>} : memref<1408xi32, #tpu.memory_space<vmem>>, vector<16xi32>,
        %get3A_888 = arith.constant 16 : index
        %get3A_889 = tpu.vector_load %arg13[%get3A_888] {strides = array<i32>} : memref<320xi32, #tpu.memory_space<vmem>>, vector<16xi32>,
        %get3A_890 = vector.shape_cast %get3A_889 : vector<16xi32> to vector<16xi32>
        %mul3A_891 = arith.constant 32 : i32
        %mul3A_892 = arith.muli %add3A_776, %mul3A_891 : i32
        %add3A_893 = arith.constant 128 : i32
        %add3A_894 = arith.addi %add3A_893, %mul3A_892 : i32
        %add3A_895 = arith.constant 16 : i32
        %add3A_896 = arith.addi %add3A_894, %add3A_895 : i32
        %swap3A_897 = arith.index_cast %add3A_896 : i32 to index
        %swap3A_898 = tpu.vector_load %arg9[%swap3A_897] {strides = array<i32>} : memref<1408xi32, #tpu.memory_space<vmem>>, vector<16xi32>,
        %swap3A_899 = vector.shape_cast %swap3A_898 : vector<16xi32> to vector<16xi32>
        %swap3A_900 = vector.shape_cast %get3A_890 : vector<16xi32> to vector<16xi32>
        tpu.vector_store %arg9[%swap3A_897], %swap3A_900 {strides = array<i32>} : memref<1408xi32, #tpu.memory_space<vmem>>, vector<16xi32>,
        %get3A_901 = arith.constant 32 : index
        %get3A_902 = tpu.vector_load %arg13[%get3A_901] {strides = array<i32>} : memref<320xi32, #tpu.memory_space<vmem>>, vector<16xi32>,
        %get3A_903 = vector.shape_cast %get3A_902 : vector<16xi32> to vector<16xi32>
        %mul3A_904 = arith.constant 32 : i32
        %mul3A_905 = arith.muli %add3A_776, %mul3A_904 : i32
        %add3A_906 = arith.constant 256 : i32
        %add3A_907 = arith.addi %add3A_906, %mul3A_905 : i32
        %add3A_908 = arith.constant 0 : i32
        %add3A_909 = arith.addi %add3A_907, %add3A_908 : i32
        %swap3A_910 = arith.index_cast %add3A_909 : i32 to index
        %swap3A_911 = tpu.vector_load %arg9[%swap3A_910] {strides = array<i32>} : memref<1408xi32, #tpu.memory_space<vmem>>, vector<16xi32>,
        %swap3A_912 = vector.shape_cast %swap3A_911 : vector<16xi32> to vector<16xi32>
        %swap3A_913 = vector.shape_cast %get3A_903 : vector<16xi32> to vector<16xi32>
        tpu.vector_store %arg9[%swap3A_910], %swap3A_913 {strides = array<i32>} : memref<1408xi32, #tpu.memory_space<vmem>>, vector<16xi32>,
        %get3A_914 = arith.constant 48 : index
        %get3A_915 = tpu.vector_load %arg13[%get3A_914] {strides = array<i32>} : memref<320xi32, #tpu.memory_space<vmem>>, vector<16xi32>,
        %get3A_916 = vector.shape_cast %get3A_915 : vector<16xi32> to vector<16xi32>
        %mul3A_917 = arith.constant 32 : i32
        %mul3A_918 = arith.muli %add3A_776, %mul3A_917 : i32
        %add3A_919 = arith.constant 256 : i32
        %add3A_920 = arith.addi %add3A_919, %mul3A_918 : i32
        %add3A_921 = arith.constant 16 : i32
        %add3A_922 = arith.addi %add3A_920, %add3A_921 : i32
        %swap3A_923 = arith.index_cast %add3A_922 : i32 to index
        %swap3A_924 = tpu.vector_load %arg9[%swap3A_923] {strides = array<i32>} : memref<1408xi32, #tpu.memory_space<vmem>>, vector<16xi32>,
        %swap3A_925 = vector.shape_cast %swap3A_924 : vector<16xi32> to vector<16xi32>
        %swap3A_926 = vector.shape_cast %get3A_916 : vector<16xi32> to vector<16xi32>
        tpu.vector_store %arg9[%swap3A_923], %swap3A_926 {strides = array<i32>} : memref<1408xi32, #tpu.memory_space<vmem>>, vector<16xi32>,
        %get3A_927 = arith.constant 64 : index
        %get3A_928 = tpu.vector_load %arg13[%get3A_927] {strides = array<i32>} : memref<320xi32, #tpu.memory_space<vmem>>, vector<16xi32>,
        %get3A_929 = vector.shape_cast %get3A_928 : vector<16xi32> to vector<16xi32>
        %mul3A_930 = arith.constant 32 : i32
        %mul3A_931 = arith.muli %add3A_776, %mul3A_930 : i32
        %add3A_932 = arith.constant 384 : i32
        %add3A_933 = arith.addi %add3A_932, %mul3A_931 : i32
        %add3A_934 = arith.constant 0 : i32
        %add3A_935 = arith.addi %add3A_933, %add3A_934 : i32
        %swap3A_936 = arith.index_cast %add3A_935 : i32 to index
        %swap3A_937 = tpu.vector_load %arg9[%swap3A_936] {strides = array<i32>} : memref<1408xi32, #tpu.memory_space<vmem>>, vector<16xi32>,
        %swap3A_938 = vector.shape_cast %swap3A_937 : vector<16xi32> to vector<16xi32>
        %swap3A_939 = vector.shape_cast %get3A_929 : vector<16xi32> to vector<16xi32>
        tpu.vector_store %arg9[%swap3A_936], %swap3A_939 {strides = array<i32>} : memref<1408xi32, #tpu.memory_space<vmem>>, vector<16xi32>,
        %get3A_940 = arith.constant 80 : index
        %get3A_941 = tpu.vector_load %arg13[%get3A_940] {strides = array<i32>} : memref<320xi32, #tpu.memory_space<vmem>>, vector<16xi32>,
        %get3A_942 = vector.shape_cast %get3A_941 : vector<16xi32> to vector<16xi32>
        %mul3A_943 = arith.constant 32 : i32
        %mul3A_944 = arith.muli %add3A_776, %mul3A_943 : i32
        %add3A_945 = arith.constant 384 : i32
        %add3A_946 = arith.addi %add3A_945, %mul3A_944 : i32
        %add3A_947 = arith.constant 16 : i32
        %add3A_948 = arith.addi %add3A_946, %add3A_947 : i32
        %swap3A_949 = arith.index_cast %add3A_948 : i32 to index
        %swap3A_950 = tpu.vector_load %arg9[%swap3A_949] {strides = array<i32>} : memref<1408xi32, #tpu.memory_space<vmem>>, vector<16xi32>,
        %swap3A_951 = vector.shape_cast %swap3A_950 : vector<16xi32> to vector<16xi32>
        %swap3A_952 = vector.shape_cast %get3A_942 : vector<16xi32> to vector<16xi32>
        tpu.vector_store %arg9[%swap3A_949], %swap3A_952 {strides = array<i32>} : memref<1408xi32, #tpu.memory_space<vmem>>, vector<16xi32>,
        %get3A_953 = arith.constant 96 : index
        %get3A_954 = tpu.vector_load %arg13[%get3A_953] {strides = array<i32>} : memref<320xi32, #tpu.memory_space<vmem>>, vector<16xi32>,
        %get3A_955 = vector.shape_cast %get3A_954 : vector<16xi32> to vector<16xi32>
        %mul3A_956 = arith.constant 32 : i32
        %mul3A_957 = arith.muli %add3A_776, %mul3A_956 : i32
        %add3A_958 = arith.constant 512 : i32
        %add3A_959 = arith.addi %add3A_958, %mul3A_957 : i32
        %add3A_960 = arith.constant 0 : i32
        %add3A_961 = arith.addi %add3A_959, %add3A_960 : i32
        %swap3A_962 = arith.index_cast %add3A_961 : i32 to index
        %swap3A_963 = tpu.vector_load %arg9[%swap3A_962] {strides = array<i32>} : memref<1408xi32, #tpu.memory_space<vmem>>, vector<16xi32>,
        %swap3A_964 = vector.shape_cast %swap3A_963 : vector<16xi32> to vector<16xi32>
        %swap3A_965 = vector.shape_cast %get3A_955 : vector<16xi32> to vector<16xi32>
        tpu.vector_store %arg9[%swap3A_962], %swap3A_965 {strides = array<i32>} : memref<1408xi32, #tpu.memory_space<vmem>>, vector<16xi32>,
        %get3A_966 = arith.constant 112 : index
        %get3A_967 = tpu.vector_load %arg13[%get3A_966] {strides = array<i32>} : memref<320xi32, #tpu.memory_space<vmem>>, vector<16xi32>,
        %get3A_968 = vector.shape_cast %get3A_967 : vector<16xi32> to vector<16xi32>
        %mul3A_969 = arith.constant 32 : i32
        %mul3A_970 = arith.muli %add3A_776, %mul3A_969 : i32
        %add3A_971 = arith.constant 512 : i32
        %add3A_972 = arith.addi %add3A_971, %mul3A_970 : i32
        %add3A_973 = arith.constant 16 : i32
        %add3A_974 = arith.addi %add3A_972, %add3A_973 : i32
        %swap3A_975 = arith.index_cast %add3A_974 : i32 to index
        %swap3A_976 = tpu.vector_load %arg9[%swap3A_975] {strides = array<i32>} : memref<1408xi32, #tpu.memory_space<vmem>>, vector<16xi32>,
        %swap3A_977 = vector.shape_cast %swap3A_976 : vector<16xi32> to vector<16xi32>
        %swap3A_978 = vector.shape_cast %get3A_968 : vector<16xi32> to vector<16xi32>
        tpu.vector_store %arg9[%swap3A_975], %swap3A_978 {strides = array<i32>} : memref<1408xi32, #tpu.memory_space<vmem>>, vector<16xi32>,
        %get3A_979 = arith.constant 128 : index
        %get3A_980 = tpu.vector_load %arg13[%get3A_979] {strides = array<i32>} : memref<320xi32, #tpu.memory_space<vmem>>, vector<16xi32>,
        %get3A_981 = vector.shape_cast %get3A_980 : vector<16xi32> to vector<16xi32>
        %mul3A_982 = arith.constant 32 : i32
        %mul3A_983 = arith.muli %add3A_776, %mul3A_982 : i32
        %add3A_984 = arith.constant 640 : i32
        %add3A_985 = arith.addi %add3A_984, %mul3A_983 : i32
        %add3A_986 = arith.constant 0 : i32
        %add3A_987 = arith.addi %add3A_985, %add3A_986 : i32
        %swap3A_988 = arith.index_cast %add3A_987 : i32 to index
        %swap3A_989 = tpu.vector_load %arg9[%swap3A_988] {strides = array<i32>} : memref<1408xi32, #tpu.memory_space<vmem>>, vector<16xi32>,
        %swap3A_990 = vector.shape_cast %swap3A_989 : vector<16xi32> to vector<16xi32>
        %swap3A_991 = vector.shape_cast %get3A_981 : vector<16xi32> to vector<16xi32>
        tpu.vector_store %arg9[%swap3A_988], %swap3A_991 {strides = array<i32>} : memref<1408xi32, #tpu.memory_space<vmem>>, vector<16xi32>,
        %get3A_992 = arith.constant 144 : index
        %get3A_993 = tpu.vector_load %arg13[%get3A_992] {strides = array<i32>} : memref<320xi32, #tpu.memory_space<vmem>>, vector<16xi32>,
        %get3A_994 = vector.shape_cast %get3A_993 : vector<16xi32> to vector<16xi32>
        %mul3A_995 = arith.constant 32 : i32
        %mul3A_996 = arith.muli %add3A_776, %mul3A_995 : i32
        %add3A_997 = arith.constant 640 : i32
        %add3A_998 = arith.addi %add3A_997, %mul3A_996 : i32
        %add3A_999 = arith.constant 16 : i32
        %add3A_1000 = arith.addi %add3A_998, %add3A_999 : i32
        %swap3A_1001 = arith.index_cast %add3A_1000 : i32 to index
        %swap3A_1002 = tpu.vector_load %arg9[%swap3A_1001] {strides = array<i32>} : memref<1408xi32, #tpu.memory_space<vmem>>, vector<16xi32>,
        %swap3A_1003 = vector.shape_cast %swap3A_1002 : vector<16xi32> to vector<16xi32>
        %swap3A_1004 = vector.shape_cast %get3A_994 : vector<16xi32> to vector<16xi32>
        tpu.vector_store %arg9[%swap3A_1001], %swap3A_1004 {strides = array<i32>} : memref<1408xi32, #tpu.memory_space<vmem>>, vector<16xi32>,
        %get3A_1005 = arith.constant 160 : index
        %get3A_1006 = tpu.vector_load %arg13[%get3A_1005] {strides = array<i32>} : memref<320xi32, #tpu.memory_space<vmem>>, vector<16xi32>,
        %get3A_1007 = vector.shape_cast %get3A_1006 : vector<16xi32> to vector<16xi32>
        %mul3A_1008 = arith.constant 32 : i32
        %mul3A_1009 = arith.muli %add3A_776, %mul3A_1008 : i32
        %add3A_1010 = arith.constant 768 : i32
        %add3A_1011 = arith.addi %add3A_1010, %mul3A_1009 : i32
        %add3A_1012 = arith.constant 0 : i32
        %add3A_1013 = arith.addi %add3A_1011, %add3A_1012 : i32
        %swap3A_1014 = arith.index_cast %add3A_1013 : i32 to index
        %swap3A_1015 = tpu.vector_load %arg9[%swap3A_1014] {strides = array<i32>} : memref<1408xi32, #tpu.memory_space<vmem>>, vector<16xi32>,
        %swap3A_1016 = vector.shape_cast %swap3A_1015 : vector<16xi32> to vector<16xi32>
        %swap3A_1017 = vector.shape_cast %get3A_1007 : vector<16xi32> to vector<16xi32>
        tpu.vector_store %arg9[%swap3A_1014], %swap3A_1017 {strides = array<i32>} : memref<1408xi32, #tpu.memory_space<vmem>>, vector<16xi32>,
        %get3A_1018 = arith.constant 176 : index
        %get3A_1019 = tpu.vector_load %arg13[%get3A_1018] {strides = array<i32>} : memref<320xi32, #tpu.memory_space<vmem>>, vector<16xi32>,
        %get3A_1020 = vector.shape_cast %get3A_1019 : vector<16xi32> to vector<16xi32>
        %mul3A_1021 = arith.constant 32 : i32
        %mul3A_1022 = arith.muli %add3A_776, %mul3A_1021 : i32
        %add3A_1023 = arith.constant 768 : i32
        %add3A_1024 = arith.addi %add3A_1023, %mul3A_1022 : i32
        %add3A_1025 = arith.constant 16 : i32
        %add3A_1026 = arith.addi %add3A_1024, %add3A_1025 : i32
        %swap3A_1027 = arith.index_cast %add3A_1026 : i32 to index
        %swap3A_1028 = tpu.vector_load %arg9[%swap3A_1027] {strides = array<i32>} : memref<1408xi32, #tpu.memory_space<vmem>>, vector<16xi32>,
        %swap3A_1029 = vector.shape_cast %swap3A_1028 : vector<16xi32> to vector<16xi32>
        %swap3A_1030 = vector.shape_cast %get3A_1020 : vector<16xi32> to vector<16xi32>
        tpu.vector_store %arg9[%swap3A_1027], %swap3A_1030 {strides = array<i32>} : memref<1408xi32, #tpu.memory_space<vmem>>, vector<16xi32>,
        %get3A_1031 = arith.constant 192 : index
        %get3A_1032 = tpu.vector_load %arg13[%get3A_1031] {strides = array<i32>} : memref<320xi32, #tpu.memory_space<vmem>>, vector<16xi32>,
        %get3A_1033 = vector.shape_cast %get3A_1032 : vector<16xi32> to vector<16xi32>
        %mul3A_1034 = arith.constant 32 : i32
        %mul3A_1035 = arith.muli %add3A_776, %mul3A_1034 : i32
        %add3A_1036 = arith.constant 896 : i32
        %add3A_1037 = arith.addi %add3A_1036, %mul3A_1035 : i32
        %add3A_1038 = arith.constant 0 : i32
        %add3A_1039 = arith.addi %add3A_1037, %add3A_1038 : i32
        %swap3A_1040 = arith.index_cast %add3A_1039 : i32 to index
        %swap3A_1041 = tpu.vector_load %arg9[%swap3A_1040] {strides = array<i32>} : memref<1408xi32, #tpu.memory_space<vmem>>, vector<16xi32>,
        %swap3A_1042 = vector.shape_cast %swap3A_1041 : vector<16xi32> to vector<16xi32>
        %swap3A_1043 = vector.shape_cast %get3A_1033 : vector<16xi32> to vector<16xi32>
        tpu.vector_store %arg9[%swap3A_1040], %swap3A_1043 {strides = array<i32>} : memref<1408xi32, #tpu.memory_space<vmem>>, vector<16xi32>,
        %get3A_1044 = arith.constant 208 : index
        %get3A_1045 = tpu.vector_load %arg13[%get3A_1044] {strides = array<i32>} : memref<320xi32, #tpu.memory_space<vmem>>, vector<16xi32>,
        %get3A_1046 = vector.shape_cast %get3A_1045 : vector<16xi32> to vector<16xi32>
        %mul3A_1047 = arith.constant 32 : i32
        %mul3A_1048 = arith.muli %add3A_776, %mul3A_1047 : i32
        %add3A_1049 = arith.constant 896 : i32
        %add3A_1050 = arith.addi %add3A_1049, %mul3A_1048 : i32
        %add3A_1051 = arith.constant 16 : i32
        %add3A_1052 = arith.addi %add3A_1050, %add3A_1051 : i32
        %swap3A_1053 = arith.index_cast %add3A_1052 : i32 to index
        %swap3A_1054 = tpu.vector_load %arg9[%swap3A_1053] {strides = array<i32>} : memref<1408xi32, #tpu.memory_space<vmem>>, vector<16xi32>,
        %swap3A_1055 = vector.shape_cast %swap3A_1054 : vector<16xi32> to vector<16xi32>
        %swap3A_1056 = vector.shape_cast %get3A_1046 : vector<16xi32> to vector<16xi32>
        tpu.vector_store %arg9[%swap3A_1053], %swap3A_1056 {strides = array<i32>} : memref<1408xi32, #tpu.memory_space<vmem>>, vector<16xi32>,
        %get3A_1057 = arith.constant 224 : index
        %get3A_1058 = tpu.vector_load %arg13[%get3A_1057] {strides = array<i32>} : memref<320xi32, #tpu.memory_space<vmem>>, vector<16xi32>,
        %get3A_1059 = vector.shape_cast %get3A_1058 : vector<16xi32> to vector<16xi32>
        %mul3A_1060 = arith.constant 32 : i32
        %mul3A_1061 = arith.muli %add3A_776, %mul3A_1060 : i32
        %add3A_1062 = arith.constant 1024 : i32
        %add3A_1063 = arith.addi %add3A_1062, %mul3A_1061 : i32
        %add3A_1064 = arith.constant 0 : i32
        %add3A_1065 = arith.addi %add3A_1063, %add3A_1064 : i32
        %swap3A_1066 = arith.index_cast %add3A_1065 : i32 to index
        %swap3A_1067 = tpu.vector_load %arg9[%swap3A_1066] {strides = array<i32>} : memref<1408xi32, #tpu.memory_space<vmem>>, vector<16xi32>,
        %swap3A_1068 = vector.shape_cast %swap3A_1067 : vector<16xi32> to vector<16xi32>
        %swap3A_1069 = vector.shape_cast %get3A_1059 : vector<16xi32> to vector<16xi32>
        tpu.vector_store %arg9[%swap3A_1066], %swap3A_1069 {strides = array<i32>} : memref<1408xi32, #tpu.memory_space<vmem>>, vector<16xi32>,
        %get3A_1070 = arith.constant 240 : index
        %get3A_1071 = tpu.vector_load %arg13[%get3A_1070] {strides = array<i32>} : memref<320xi32, #tpu.memory_space<vmem>>, vector<16xi32>,
        %get3A_1072 = vector.shape_cast %get3A_1071 : vector<16xi32> to vector<16xi32>
        %mul3A_1073 = arith.constant 32 : i32
        %mul3A_1074 = arith.muli %add3A_776, %mul3A_1073 : i32
        %add3A_1075 = arith.constant 1024 : i32
        %add3A_1076 = arith.addi %add3A_1075, %mul3A_1074 : i32
        %add3A_1077 = arith.constant 16 : i32
        %add3A_1078 = arith.addi %add3A_1076, %add3A_1077 : i32
        %swap3A_1079 = arith.index_cast %add3A_1078 : i32 to index
        %swap3A_1080 = tpu.vector_load %arg9[%swap3A_1079] {strides = array<i32>} : memref<1408xi32, #tpu.memory_space<vmem>>, vector<16xi32>,
        %swap3A_1081 = vector.shape_cast %swap3A_1080 : vector<16xi32> to vector<16xi32>
        %swap3A_1082 = vector.shape_cast %get3A_1072 : vector<16xi32> to vector<16xi32>
        tpu.vector_store %arg9[%swap3A_1079], %swap3A_1082 {strides = array<i32>} : memref<1408xi32, #tpu.memory_space<vmem>>, vector<16xi32>,
        %get3A_1083 = arith.constant 256 : index
        %get3A_1084 = tpu.vector_load %arg13[%get3A_1083] {strides = array<i32>} : memref<320xi32, #tpu.memory_space<vmem>>, vector<16xi32>,
        %get3A_1085 = vector.shape_cast %get3A_1084 : vector<16xi32> to vector<16xi32>
        %mul3A_1086 = arith.constant 32 : i32
        %mul3A_1087 = arith.muli %add3A_776, %mul3A_1086 : i32
        %add3A_1088 = arith.constant 1152 : i32
        %add3A_1089 = arith.addi %add3A_1088, %mul3A_1087 : i32
        %add3A_1090 = arith.constant 0 : i32
        %add3A_1091 = arith.addi %add3A_1089, %add3A_1090 : i32
        %swap3A_1092 = arith.index_cast %add3A_1091 : i32 to index
        %swap3A_1093 = tpu.vector_load %arg9[%swap3A_1092] {strides = array<i32>} : memref<1408xi32, #tpu.memory_space<vmem>>, vector<16xi32>,
        %swap3A_1094 = vector.shape_cast %swap3A_1093 : vector<16xi32> to vector<16xi32>
        %swap3A_1095 = vector.shape_cast %get3A_1085 : vector<16xi32> to vector<16xi32>
        tpu.vector_store %arg9[%swap3A_1092], %swap3A_1095 {strides = array<i32>} : memref<1408xi32, #tpu.memory_space<vmem>>, vector<16xi32>,
        %get3A_1096 = arith.constant 272 : index
        %get3A_1097 = tpu.vector_load %arg13[%get3A_1096] {strides = array<i32>} : memref<320xi32, #tpu.memory_space<vmem>>, vector<16xi32>,
        %get3A_1098 = vector.shape_cast %get3A_1097 : vector<16xi32> to vector<16xi32>
        %mul3A_1099 = arith.constant 32 : i32
        %mul3A_1100 = arith.muli %add3A_776, %mul3A_1099 : i32
        %add3A_1101 = arith.constant 1152 : i32
        %add3A_1102 = arith.addi %add3A_1101, %mul3A_1100 : i32
        %add3A_1103 = arith.constant 16 : i32
        %add3A_1104 = arith.addi %add3A_1102, %add3A_1103 : i32
        %swap3A_1105 = arith.index_cast %add3A_1104 : i32 to index
        %swap3A_1106 = tpu.vector_load %arg9[%swap3A_1105] {strides = array<i32>} : memref<1408xi32, #tpu.memory_space<vmem>>, vector<16xi32>,
        %swap3A_1107 = vector.shape_cast %swap3A_1106 : vector<16xi32> to vector<16xi32>
        %swap3A_1108 = vector.shape_cast %get3A_1098 : vector<16xi32> to vector<16xi32>
        tpu.vector_store %arg9[%swap3A_1105], %swap3A_1108 {strides = array<i32>} : memref<1408xi32, #tpu.memory_space<vmem>>, vector<16xi32>,
        %get3A_1109 = arith.constant 288 : index
        %get3A_1110 = tpu.vector_load %arg13[%get3A_1109] {strides = array<i32>} : memref<320xi32, #tpu.memory_space<vmem>>, vector<16xi32>,
        %get3A_1111 = vector.shape_cast %get3A_1110 : vector<16xi32> to vector<16xi32>
        %mul3A_1112 = arith.constant 32 : i32
        %mul3A_1113 = arith.muli %add3A_776, %mul3A_1112 : i32
        %add3A_1114 = arith.constant 1280 : i32
        %add3A_1115 = arith.addi %add3A_1114, %mul3A_1113 : i32
        %add3A_1116 = arith.constant 0 : i32
        %add3A_1117 = arith.addi %add3A_1115, %add3A_1116 : i32
        %swap3A_1118 = arith.index_cast %add3A_1117 : i32 to index
        %swap3A_1119 = tpu.vector_load %arg9[%swap3A_1118] {strides = array<i32>} : memref<1408xi32, #tpu.memory_space<vmem>>, vector<16xi32>,
        %swap3A_1120 = vector.shape_cast %swap3A_1119 : vector<16xi32> to vector<16xi32>
        %swap3A_1121 = vector.shape_cast %get3A_1111 : vector<16xi32> to vector<16xi32>
        tpu.vector_store %arg9[%swap3A_1118], %swap3A_1121 {strides = array<i32>} : memref<1408xi32, #tpu.memory_space<vmem>>, vector<16xi32>,
        %get3A_1122 = arith.constant 304 : index
        %get3A_1123 = tpu.vector_load %arg13[%get3A_1122] {strides = array<i32>} : memref<320xi32, #tpu.memory_space<vmem>>, vector<16xi32>,
        %get3A_1124 = vector.shape_cast %get3A_1123 : vector<16xi32> to vector<16xi32>
        %mul3A_1125 = arith.constant 32 : i32
        %mul3A_1126 = arith.muli %add3A_776, %mul3A_1125 : i32
        %add3A_1127 = arith.constant 1280 : i32
        %add3A_1128 = arith.addi %add3A_1127, %mul3A_1126 : i32
        %add3A_1129 = arith.constant 16 : i32
        %add3A_1130 = arith.addi %add3A_1128, %add3A_1129 : i32
        %swap3A_1131 = arith.index_cast %add3A_1130 : i32 to index
        %swap3A_1132 = tpu.vector_load %arg9[%swap3A_1131] {strides = array<i32>} : memref<1408xi32, #tpu.memory_space<vmem>>, vector<16xi32>,
        %swap3A_1133 = vector.shape_cast %swap3A_1132 : vector<16xi32> to vector<16xi32>
        %swap3A_1134 = vector.shape_cast %get3A_1124 : vector<16xi32> to vector<16xi32>
        tpu.vector_store %arg9[%swap3A_1131], %swap3A_1134 {strides = array<i32>} : memref<1408xi32, #tpu.memory_space<vmem>>, vector<16xi32>,
      } else {
      }
      %add3A_813 = arith.constant 2 : i32
      %add3A_814 = arith.addi %add3A_776, %add3A_813 : i32
      %lt3A_815 = arith.constant 44 : i32
      %lt3A_816 = arith.cmpi slt, %add3A_814, %lt3A_815 : i32
      %convert_element_type3A_817 = arith.extui %lt3A_816 : i1 to i32
      %cond3A_818 = arith.constant 0 : i32
      %cond3A_819 = arith.cmpi ne, %convert_element_type3A_817, %cond3A_818 : i32
      scf.if %cond3A_819 {
        %add3A_875 = arith.constant 2 : i32
        %add3A_876 = arith.addi %add3A_776, %add3A_875 : i32
        %sub3A_877 = arith.constant 4 : i32
        %sub3A_878 = arith.subi %add3A_876, %sub3A_877 : i32
        %max3A_879 = arith.constant 0 : i32
        %max3A_880 = arith.maxsi %sub3A_878, %max3A_879 : i32
        %jit3A_881 = arith.constant 4 : i32
        %div3A_882 = arith.divsi %max3A_880, %jit3A_881 : i32
        %sign3A_883 = arith.constant 0 : i32
        %sign3A_884 = arith.cmpi sgt, %max3A_880, %sign3A_883 : i32
        %sign3A_885 = arith.extui %sign3A_884 : i1 to i32
        %sign3A_886 = arith.constant 0 : i32
        %sign3A_887 = arith.cmpi slt, %max3A_880, %sign3A_886 : i32
        %sign3A_888 = arith.extui %sign3A_887 : i1 to i32
        %sign3A_889 = arith.subi %sign3A_885, %sign3A_888 : i32
        %sign3A_890 = arith.constant 0 : i32
        %sign3A_891 = arith.cmpi sgt, %jit3A_881, %sign3A_890 : i32
        %sign3A_892 = arith.extui %sign3A_891 : i1 to i32
        %sign3A_893 = arith.constant 0 : i32
        %sign3A_894 = arith.cmpi slt, %jit3A_881, %sign3A_893 : i32
        %sign3A_895 = arith.extui %sign3A_894 : i1 to i32
        %sign3A_896 = arith.subi %sign3A_892, %sign3A_895 : i32
        %ne3A_897 = arith.cmpi ne, %sign3A_889, %sign3A_896 : i32
        %rem3A_898 = arith.remsi %max3A_880, %jit3A_881 : i32
        %ne3A_899 = arith.constant 0 : i32
        %ne3A_900 = arith.cmpi ne, %rem3A_898, %ne3A_899 : i32
        %and3A_901 = arith.andi %ne3A_897, %ne3A_900 : i1
        %sub3A_902 = arith.constant 1 : i32
        %sub3A_903 = arith.subi %div3A_882, %sub3A_902 : i32
        %select_n3A_904 = arith.select %and3A_901, %sub3A_903, %div3A_882 : i32
        %mul3A_905 = arith.constant 4 : i32
        %mul3A_906 = arith.muli %select_n3A_904, %mul3A_905 : i32
        %sub3A_907 = arith.subi %max3A_880, %mul3A_906 : i32
        %lt3A_908 = arith.constant 4 : i32
        %lt3A_909 = arith.cmpi slt, %add3A_876, %lt3A_908 : i32
        %mul3A_910 = arith.constant 32 : i32
        %mul3A_911 = arith.muli %add3A_876, %mul3A_910 : i32
        %mul3A_912 = arith.constant 128 : i32
        %mul3A_913 = arith.muli %select_n3A_904, %mul3A_912 : i32
        %add3A_914 = arith.constant 128 : i32
        %add3A_915 = arith.addi %add3A_914, %mul3A_913 : i32
        %mul3A_916 = arith.constant 32 : i32
        %mul3A_917 = arith.muli %sub3A_907, %mul3A_916 : i32
        %add3A_918 = arith.addi %add3A_915, %mul3A_917 : i32
        %select_n3A_919 = arith.select %lt3A_909, %mul3A_911, %add3A_918 : i32
        %add3A_920 = arith.constant 0 : i32
        %add3A_921 = arith.addi %select_n3A_919, %add3A_920 : i32
        %get3A_922 = arith.index_cast %add3A_921 : i32 to index
        %get3A_923 = tpu.vector_load %arg9[%get3A_922] {strides = array<i32>} : memref<1408xi32, #tpu.memory_space<vmem>>, vector<16xi32>,
        %get3A_924 = vector.shape_cast %get3A_923 : vector<16xi32> to vector<16xi32>
        %add3A_925 = arith.constant 0 : i32
        %add3A_926 = vector.broadcast %add3A_925 : i32 to vector<16xi32>
        %add3A_927 = arith.addi %get3A_924, %add3A_926 : vector<16xi32>
        %swap3A_928 = arith.constant 0 : index
        %swap3A_929 = tpu.vector_load %arg11[%swap3A_928] {strides = array<i32>} : memref<320xi32, #tpu.memory_space<vmem>>, vector<16xi32>,
        %swap3A_930 = vector.shape_cast %swap3A_929 : vector<16xi32> to vector<16xi32>
        %swap3A_931 = vector.shape_cast %add3A_927 : vector<16xi32> to vector<16xi32>
        tpu.vector_store %arg11[%swap3A_928], %swap3A_931 {strides = array<i32>} : memref<320xi32, #tpu.memory_space<vmem>>, vector<16xi32>,
        %add3A_932 = arith.constant 16 : i32
        %add3A_933 = arith.addi %select_n3A_919, %add3A_932 : i32
        %get3A_934 = arith.index_cast %add3A_933 : i32 to index
        %get3A_935 = tpu.vector_load %arg9[%get3A_934] {strides = array<i32>} : memref<1408xi32, #tpu.memory_space<vmem>>, vector<16xi32>,
        %get3A_936 = vector.shape_cast %get3A_935 : vector<16xi32> to vector<16xi32>
        %add3A_937 = arith.constant 0 : i32
        %add3A_938 = vector.broadcast %add3A_937 : i32 to vector<16xi32>
        %add3A_939 = arith.addi %get3A_936, %add3A_938 : vector<16xi32>
        %swap3A_940 = arith.constant 16 : index
        %swap3A_941 = tpu.vector_load %arg11[%swap3A_940] {strides = array<i32>} : memref<320xi32, #tpu.memory_space<vmem>>, vector<16xi32>,
        %swap3A_942 = vector.shape_cast %swap3A_941 : vector<16xi32> to vector<16xi32>
        %swap3A_943 = vector.shape_cast %add3A_939 : vector<16xi32> to vector<16xi32>
        tpu.vector_store %arg11[%swap3A_940], %swap3A_943 {strides = array<i32>} : memref<320xi32, #tpu.memory_space<vmem>>, vector<16xi32>,
        %add3A_944 = arith.constant 0 : i32
        %add3A_945 = arith.addi %select_n3A_919, %add3A_944 : i32
        %get3A_946 = arith.index_cast %add3A_945 : i32 to index
        %get3A_947 = tpu.vector_load %arg9[%get3A_946] {strides = array<i32>} : memref<1408xi32, #tpu.memory_space<vmem>>, vector<16xi32>,
        %get3A_948 = vector.shape_cast %get3A_947 : vector<16xi32> to vector<16xi32>
        %add3A_949 = arith.constant 100000 : i32
        %add3A_950 = vector.broadcast %add3A_949 : i32 to vector<16xi32>
        %add3A_951 = arith.addi %get3A_948, %add3A_950 : vector<16xi32>
        %swap3A_952 = arith.constant 32 : index
        %swap3A_953 = tpu.vector_load %arg11[%swap3A_952] {strides = array<i32>} : memref<320xi32, #tpu.memory_space<vmem>>, vector<16xi32>,
        %swap3A_954 = vector.shape_cast %swap3A_953 : vector<16xi32> to vector<16xi32>
        %swap3A_955 = vector.shape_cast %add3A_951 : vector<16xi32> to vector<16xi32>
        tpu.vector_store %arg11[%swap3A_952], %swap3A_955 {strides = array<i32>} : memref<320xi32, #tpu.memory_space<vmem>>, vector<16xi32>,
        %add3A_956 = arith.constant 16 : i32
        %add3A_957 = arith.addi %select_n3A_919, %add3A_956 : i32
        %get3A_958 = arith.index_cast %add3A_957 : i32 to index
        %get3A_959 = tpu.vector_load %arg9[%get3A_958] {strides = array<i32>} : memref<1408xi32, #tpu.memory_space<vmem>>, vector<16xi32>,
        %get3A_960 = vector.shape_cast %get3A_959 : vector<16xi32> to vector<16xi32>
        %add3A_961 = arith.constant 100000 : i32
        %add3A_962 = vector.broadcast %add3A_961 : i32 to vector<16xi32>
        %add3A_963 = arith.addi %get3A_960, %add3A_962 : vector<16xi32>
        %swap3A_964 = arith.constant 48 : index
        %swap3A_965 = tpu.vector_load %arg11[%swap3A_964] {strides = array<i32>} : memref<320xi32, #tpu.memory_space<vmem>>, vector<16xi32>,
        %swap3A_966 = vector.shape_cast %swap3A_965 : vector<16xi32> to vector<16xi32>
        %swap3A_967 = vector.shape_cast %add3A_963 : vector<16xi32> to vector<16xi32>
        tpu.vector_store %arg11[%swap3A_964], %swap3A_967 {strides = array<i32>} : memref<320xi32, #tpu.memory_space<vmem>>, vector<16xi32>,
        %add3A_968 = arith.constant 0 : i32
        %add3A_969 = arith.addi %select_n3A_919, %add3A_968 : i32
        %get3A_970 = arith.index_cast %add3A_969 : i32 to index
        %get3A_971 = tpu.vector_load %arg9[%get3A_970] {strides = array<i32>} : memref<1408xi32, #tpu.memory_space<vmem>>, vector<16xi32>,
        %get3A_972 = vector.shape_cast %get3A_971 : vector<16xi32> to vector<16xi32>
        %add3A_973 = arith.constant 200000 : i32
        %add3A_974 = vector.broadcast %add3A_973 : i32 to vector<16xi32>
        %add3A_975 = arith.addi %get3A_972, %add3A_974 : vector<16xi32>
        %swap3A_976 = arith.constant 64 : index
        %swap3A_977 = tpu.vector_load %arg11[%swap3A_976] {strides = array<i32>} : memref<320xi32, #tpu.memory_space<vmem>>, vector<16xi32>,
        %swap3A_978 = vector.shape_cast %swap3A_977 : vector<16xi32> to vector<16xi32>
        %swap3A_979 = vector.shape_cast %add3A_975 : vector<16xi32> to vector<16xi32>
        tpu.vector_store %arg11[%swap3A_976], %swap3A_979 {strides = array<i32>} : memref<320xi32, #tpu.memory_space<vmem>>, vector<16xi32>,
        %add3A_980 = arith.constant 16 : i32
        %add3A_981 = arith.addi %select_n3A_919, %add3A_980 : i32
        %get3A_982 = arith.index_cast %add3A_981 : i32 to index
        %get3A_983 = tpu.vector_load %arg9[%get3A_982] {strides = array<i32>} : memref<1408xi32, #tpu.memory_space<vmem>>, vector<16xi32>,
        %get3A_984 = vector.shape_cast %get3A_983 : vector<16xi32> to vector<16xi32>
        %add3A_985 = arith.constant 200000 : i32
        %add3A_986 = vector.broadcast %add3A_985 : i32 to vector<16xi32>
        %add3A_987 = arith.addi %get3A_984, %add3A_986 : vector<16xi32>
        %swap3A_988 = arith.constant 80 : index
        %swap3A_989 = tpu.vector_load %arg11[%swap3A_988] {strides = array<i32>} : memref<320xi32, #tpu.memory_space<vmem>>, vector<16xi32>,
        %swap3A_990 = vector.shape_cast %swap3A_989 : vector<16xi32> to vector<16xi32>
        %swap3A_991 = vector.shape_cast %add3A_987 : vector<16xi32> to vector<16xi32>
        tpu.vector_store %arg11[%swap3A_988], %swap3A_991 {strides = array<i32>} : memref<320xi32, #tpu.memory_space<vmem>>, vector<16xi32>,
        %add3A_992 = arith.constant 0 : i32
        %add3A_993 = arith.addi %select_n3A_919, %add3A_992 : i32
        %get3A_994 = arith.index_cast %add3A_993 : i32 to index
        %get3A_995 = tpu.vector_load %arg9[%get3A_994] {strides = array<i32>} : memref<1408xi32, #tpu.memory_space<vmem>>, vector<16xi32>,
        %get3A_996 = vector.shape_cast %get3A_995 : vector<16xi32> to vector<16xi32>
        %add3A_997 = arith.constant 300000 : i32
        %add3A_998 = vector.broadcast %add3A_997 : i32 to vector<16xi32>
        %add3A_999 = arith.addi %get3A_996, %add3A_998 : vector<16xi32>
        %swap3A_1000 = arith.constant 96 : index
        %swap3A_1001 = tpu.vector_load %arg11[%swap3A_1000] {strides = array<i32>} : memref<320xi32, #tpu.memory_space<vmem>>, vector<16xi32>,
        %swap3A_1002 = vector.shape_cast %swap3A_1001 : vector<16xi32> to vector<16xi32>
        %swap3A_1003 = vector.shape_cast %add3A_999 : vector<16xi32> to vector<16xi32>
        tpu.vector_store %arg11[%swap3A_1000], %swap3A_1003 {strides = array<i32>} : memref<320xi32, #tpu.memory_space<vmem>>, vector<16xi32>,
        %add3A_1004 = arith.constant 16 : i32
        %add3A_1005 = arith.addi %select_n3A_919, %add3A_1004 : i32
        %get3A_1006 = arith.index_cast %add3A_1005 : i32 to index
        %get3A_1007 = tpu.vector_load %arg9[%get3A_1006] {strides = array<i32>} : memref<1408xi32, #tpu.memory_space<vmem>>, vector<16xi32>,
        %get3A_1008 = vector.shape_cast %get3A_1007 : vector<16xi32> to vector<16xi32>
        %add3A_1009 = arith.constant 300000 : i32
        %add3A_1010 = vector.broadcast %add3A_1009 : i32 to vector<16xi32>
        %add3A_1011 = arith.addi %get3A_1008, %add3A_1010 : vector<16xi32>
        %swap3A_1012 = arith.constant 112 : index
        %swap3A_1013 = tpu.vector_load %arg11[%swap3A_1012] {strides = array<i32>} : memref<320xi32, #tpu.memory_space<vmem>>, vector<16xi32>,
        %swap3A_1014 = vector.shape_cast %swap3A_1013 : vector<16xi32> to vector<16xi32>
        %swap3A_1015 = vector.shape_cast %add3A_1011 : vector<16xi32> to vector<16xi32>
        tpu.vector_store %arg11[%swap3A_1012], %swap3A_1015 {strides = array<i32>} : memref<320xi32, #tpu.memory_space<vmem>>, vector<16xi32>,
        %add3A_1016 = arith.constant 0 : i32
        %add3A_1017 = arith.addi %select_n3A_919, %add3A_1016 : i32
        %get3A_1018 = arith.index_cast %add3A_1017 : i32 to index
        %get3A_1019 = tpu.vector_load %arg9[%get3A_1018] {strides = array<i32>} : memref<1408xi32, #tpu.memory_space<vmem>>, vector<16xi32>,
        %get3A_1020 = vector.shape_cast %get3A_1019 : vector<16xi32> to vector<16xi32>
        %add3A_1021 = arith.constant 400000 : i32
        %add3A_1022 = vector.broadcast %add3A_1021 : i32 to vector<16xi32>
        %add3A_1023 = arith.addi %get3A_1020, %add3A_1022 : vector<16xi32>
        %swap3A_1024 = arith.constant 128 : index
        %swap3A_1025 = tpu.vector_load %arg11[%swap3A_1024] {strides = array<i32>} : memref<320xi32, #tpu.memory_space<vmem>>, vector<16xi32>,
        %swap3A_1026 = vector.shape_cast %swap3A_1025 : vector<16xi32> to vector<16xi32>
        %swap3A_1027 = vector.shape_cast %add3A_1023 : vector<16xi32> to vector<16xi32>
        tpu.vector_store %arg11[%swap3A_1024], %swap3A_1027 {strides = array<i32>} : memref<320xi32, #tpu.memory_space<vmem>>, vector<16xi32>,
        %add3A_1028 = arith.constant 16 : i32
        %add3A_1029 = arith.addi %select_n3A_919, %add3A_1028 : i32
        %get3A_1030 = arith.index_cast %add3A_1029 : i32 to index
        %get3A_1031 = tpu.vector_load %arg9[%get3A_1030] {strides = array<i32>} : memref<1408xi32, #tpu.memory_space<vmem>>, vector<16xi32>,
        %get3A_1032 = vector.shape_cast %get3A_1031 : vector<16xi32> to vector<16xi32>
        %add3A_1033 = arith.constant 400000 : i32
        %add3A_1034 = vector.broadcast %add3A_1033 : i32 to vector<16xi32>
        %add3A_1035 = arith.addi %get3A_1032, %add3A_1034 : vector<16xi32>
        %swap3A_1036 = arith.constant 144 : index
        %swap3A_1037 = tpu.vector_load %arg11[%swap3A_1036] {strides = array<i32>} : memref<320xi32, #tpu.memory_space<vmem>>, vector<16xi32>,
        %swap3A_1038 = vector.shape_cast %swap3A_1037 : vector<16xi32> to vector<16xi32>
        %swap3A_1039 = vector.shape_cast %add3A_1035 : vector<16xi32> to vector<16xi32>
        tpu.vector_store %arg11[%swap3A_1036], %swap3A_1039 {strides = array<i32>} : memref<320xi32, #tpu.memory_space<vmem>>, vector<16xi32>,
        %add3A_1040 = arith.constant 0 : i32
        %add3A_1041 = arith.addi %select_n3A_919, %add3A_1040 : i32
        %get3A_1042 = arith.index_cast %add3A_1041 : i32 to index
        %get3A_1043 = tpu.vector_load %arg9[%get3A_1042] {strides = array<i32>} : memref<1408xi32, #tpu.memory_space<vmem>>, vector<16xi32>,
        %get3A_1044 = vector.shape_cast %get3A_1043 : vector<16xi32> to vector<16xi32>
        %add3A_1045 = arith.constant 500000 : i32
        %add3A_1046 = vector.broadcast %add3A_1045 : i32 to vector<16xi32>
        %add3A_1047 = arith.addi %get3A_1044, %add3A_1046 : vector<16xi32>
        %swap3A_1048 = arith.constant 160 : index
        %swap3A_1049 = tpu.vector_load %arg11[%swap3A_1048] {strides = array<i32>} : memref<320xi32, #tpu.memory_space<vmem>>, vector<16xi32>,
        %swap3A_1050 = vector.shape_cast %swap3A_1049 : vector<16xi32> to vector<16xi32>
        %swap3A_1051 = vector.shape_cast %add3A_1047 : vector<16xi32> to vector<16xi32>
        tpu.vector_store %arg11[%swap3A_1048], %swap3A_1051 {strides = array<i32>} : memref<320xi32, #tpu.memory_space<vmem>>, vector<16xi32>,
        %add3A_1052 = arith.constant 16 : i32
        %add3A_1053 = arith.addi %select_n3A_919, %add3A_1052 : i32
        %get3A_1054 = arith.index_cast %add3A_1053 : i32 to index
        %get3A_1055 = tpu.vector_load %arg9[%get3A_1054] {strides = array<i32>} : memref<1408xi32, #tpu.memory_space<vmem>>, vector<16xi32>,
        %get3A_1056 = vector.shape_cast %get3A_1055 : vector<16xi32> to vector<16xi32>
        %add3A_1057 = arith.constant 500000 : i32
        %add3A_1058 = vector.broadcast %add3A_1057 : i32 to vector<16xi32>
        %add3A_1059 = arith.addi %get3A_1056, %add3A_1058 : vector<16xi32>
        %swap3A_1060 = arith.constant 176 : index
        %swap3A_1061 = tpu.vector_load %arg11[%swap3A_1060] {strides = array<i32>} : memref<320xi32, #tpu.memory_space<vmem>>, vector<16xi32>,
        %swap3A_1062 = vector.shape_cast %swap3A_1061 : vector<16xi32> to vector<16xi32>
        %swap3A_1063 = vector.shape_cast %add3A_1059 : vector<16xi32> to vector<16xi32>
        tpu.vector_store %arg11[%swap3A_1060], %swap3A_1063 {strides = array<i32>} : memref<320xi32, #tpu.memory_space<vmem>>, vector<16xi32>,
        %add3A_1064 = arith.constant 0 : i32
        %add3A_1065 = arith.addi %select_n3A_919, %add3A_1064 : i32
        %get3A_1066 = arith.index_cast %add3A_1065 : i32 to index
        %get3A_1067 = tpu.vector_load %arg9[%get3A_1066] {strides = array<i32>} : memref<1408xi32, #tpu.memory_space<vmem>>, vector<16xi32>,
        %get3A_1068 = vector.shape_cast %get3A_1067 : vector<16xi32> to vector<16xi32>
        %add3A_1069 = arith.constant 600000 : i32
        %add3A_1070 = vector.broadcast %add3A_1069 : i32 to vector<16xi32>
        %add3A_1071 = arith.addi %get3A_1068, %add3A_1070 : vector<16xi32>
        %swap3A_1072 = arith.constant 192 : index
        %swap3A_1073 = tpu.vector_load %arg11[%swap3A_1072] {strides = array<i32>} : memref<320xi32, #tpu.memory_space<vmem>>, vector<16xi32>,
        %swap3A_1074 = vector.shape_cast %swap3A_1073 : vector<16xi32> to vector<16xi32>
        %swap3A_1075 = vector.shape_cast %add3A_1071 : vector<16xi32> to vector<16xi32>
        tpu.vector_store %arg11[%swap3A_1072], %swap3A_1075 {strides = array<i32>} : memref<320xi32, #tpu.memory_space<vmem>>, vector<16xi32>,
        %add3A_1076 = arith.constant 16 : i32
        %add3A_1077 = arith.addi %select_n3A_919, %add3A_1076 : i32
        %get3A_1078 = arith.index_cast %add3A_1077 : i32 to index
        %get3A_1079 = tpu.vector_load %arg9[%get3A_1078] {strides = array<i32>} : memref<1408xi32, #tpu.memory_space<vmem>>, vector<16xi32>,
        %get3A_1080 = vector.shape_cast %get3A_1079 : vector<16xi32> to vector<16xi32>
        %add3A_1081 = arith.constant 600000 : i32
        %add3A_1082 = vector.broadcast %add3A_1081 : i32 to vector<16xi32>
        %add3A_1083 = arith.addi %get3A_1080, %add3A_1082 : vector<16xi32>
        %swap3A_1084 = arith.constant 208 : index
        %swap3A_1085 = tpu.vector_load %arg11[%swap3A_1084] {strides = array<i32>} : memref<320xi32, #tpu.memory_space<vmem>>, vector<16xi32>,
        %swap3A_1086 = vector.shape_cast %swap3A_1085 : vector<16xi32> to vector<16xi32>
        %swap3A_1087 = vector.shape_cast %add3A_1083 : vector<16xi32> to vector<16xi32>
        tpu.vector_store %arg11[%swap3A_1084], %swap3A_1087 {strides = array<i32>} : memref<320xi32, #tpu.memory_space<vmem>>, vector<16xi32>,
        %add3A_1088 = arith.constant 0 : i32
        %add3A_1089 = arith.addi %select_n3A_919, %add3A_1088 : i32
        %get3A_1090 = arith.index_cast %add3A_1089 : i32 to index
        %get3A_1091 = tpu.vector_load %arg9[%get3A_1090] {strides = array<i32>} : memref<1408xi32, #tpu.memory_space<vmem>>, vector<16xi32>,
        %get3A_1092 = vector.shape_cast %get3A_1091 : vector<16xi32> to vector<16xi32>
        %add3A_1093 = arith.constant 700000 : i32
        %add3A_1094 = vector.broadcast %add3A_1093 : i32 to vector<16xi32>
        %add3A_1095 = arith.addi %get3A_1092, %add3A_1094 : vector<16xi32>
        %swap3A_1096 = arith.constant 224 : index
        %swap3A_1097 = tpu.vector_load %arg11[%swap3A_1096] {strides = array<i32>} : memref<320xi32, #tpu.memory_space<vmem>>, vector<16xi32>,
        %swap3A_1098 = vector.shape_cast %swap3A_1097 : vector<16xi32> to vector<16xi32>
        %swap3A_1099 = vector.shape_cast %add3A_1095 : vector<16xi32> to vector<16xi32>
        tpu.vector_store %arg11[%swap3A_1096], %swap3A_1099 {strides = array<i32>} : memref<320xi32, #tpu.memory_space<vmem>>, vector<16xi32>,
        %add3A_1100 = arith.constant 16 : i32
        %add3A_1101 = arith.addi %select_n3A_919, %add3A_1100 : i32
        %get3A_1102 = arith.index_cast %add3A_1101 : i32 to index
        %get3A_1103 = tpu.vector_load %arg9[%get3A_1102] {strides = array<i32>} : memref<1408xi32, #tpu.memory_space<vmem>>, vector<16xi32>,
        %get3A_1104 = vector.shape_cast %get3A_1103 : vector<16xi32> to vector<16xi32>
        %add3A_1105 = arith.constant 700000 : i32
        %add3A_1106 = vector.broadcast %add3A_1105 : i32 to vector<16xi32>
        %add3A_1107 = arith.addi %get3A_1104, %add3A_1106 : vector<16xi32>
        %swap3A_1108 = arith.constant 240 : index
        %swap3A_1109 = tpu.vector_load %arg11[%swap3A_1108] {strides = array<i32>} : memref<320xi32, #tpu.memory_space<vmem>>, vector<16xi32>,
        %swap3A_1110 = vector.shape_cast %swap3A_1109 : vector<16xi32> to vector<16xi32>
        %swap3A_1111 = vector.shape_cast %add3A_1107 : vector<16xi32> to vector<16xi32>
        tpu.vector_store %arg11[%swap3A_1108], %swap3A_1111 {strides = array<i32>} : memref<320xi32, #tpu.memory_space<vmem>>, vector<16xi32>,
        %add3A_1112 = arith.constant 0 : i32
        %add3A_1113 = arith.addi %select_n3A_919, %add3A_1112 : i32
        %get3A_1114 = arith.index_cast %add3A_1113 : i32 to index
        %get3A_1115 = tpu.vector_load %arg9[%get3A_1114] {strides = array<i32>} : memref<1408xi32, #tpu.memory_space<vmem>>, vector<16xi32>,
        %get3A_1116 = vector.shape_cast %get3A_1115 : vector<16xi32> to vector<16xi32>
        %add3A_1117 = arith.constant 800000 : i32
        %add3A_1118 = vector.broadcast %add3A_1117 : i32 to vector<16xi32>
        %add3A_1119 = arith.addi %get3A_1116, %add3A_1118 : vector<16xi32>
        %swap3A_1120 = arith.constant 256 : index
        %swap3A_1121 = tpu.vector_load %arg11[%swap3A_1120] {strides = array<i32>} : memref<320xi32, #tpu.memory_space<vmem>>, vector<16xi32>,
        %swap3A_1122 = vector.shape_cast %swap3A_1121 : vector<16xi32> to vector<16xi32>
        %swap3A_1123 = vector.shape_cast %add3A_1119 : vector<16xi32> to vector<16xi32>
        tpu.vector_store %arg11[%swap3A_1120], %swap3A_1123 {strides = array<i32>} : memref<320xi32, #tpu.memory_space<vmem>>, vector<16xi32>,
        %add3A_1124 = arith.constant 16 : i32
        %add3A_1125 = arith.addi %select_n3A_919, %add3A_1124 : i32
        %get3A_1126 = arith.index_cast %add3A_1125 : i32 to index
        %get3A_1127 = tpu.vector_load %arg9[%get3A_1126] {strides = array<i32>} : memref<1408xi32, #tpu.memory_space<vmem>>, vector<16xi32>,
        %get3A_1128 = vector.shape_cast %get3A_1127 : vector<16xi32> to vector<16xi32>
        %add3A_1129 = arith.constant 800000 : i32
        %add3A_1130 = vector.broadcast %add3A_1129 : i32 to vector<16xi32>
        %add3A_1131 = arith.addi %get3A_1128, %add3A_1130 : vector<16xi32>
        %swap3A_1132 = arith.constant 272 : index
        %swap3A_1133 = tpu.vector_load %arg11[%swap3A_1132] {strides = array<i32>} : memref<320xi32, #tpu.memory_space<vmem>>, vector<16xi32>,
        %swap3A_1134 = vector.shape_cast %swap3A_1133 : vector<16xi32> to vector<16xi32>
        %swap3A_1135 = vector.shape_cast %add3A_1131 : vector<16xi32> to vector<16xi32>
        tpu.vector_store %arg11[%swap3A_1132], %swap3A_1135 {strides = array<i32>} : memref<320xi32, #tpu.memory_space<vmem>>, vector<16xi32>,
        %add3A_1136 = arith.constant 0 : i32
        %add3A_1137 = arith.addi %select_n3A_919, %add3A_1136 : i32
        %get3A_1138 = arith.index_cast %add3A_1137 : i32 to index
        %get3A_1139 = tpu.vector_load %arg9[%get3A_1138] {strides = array<i32>} : memref<1408xi32, #tpu.memory_space<vmem>>, vector<16xi32>,
        %get3A_1140 = vector.shape_cast %get3A_1139 : vector<16xi32> to vector<16xi32>
        %add3A_1141 = arith.constant 900000 : i32
        %add3A_1142 = vector.broadcast %add3A_1141 : i32 to vector<16xi32>
        %add3A_1143 = arith.addi %get3A_1140, %add3A_1142 : vector<16xi32>
        %swap3A_1144 = arith.constant 288 : index
        %swap3A_1145 = tpu.vector_load %arg11[%swap3A_1144] {strides = array<i32>} : memref<320xi32, #tpu.memory_space<vmem>>, vector<16xi32>,
        %swap3A_1146 = vector.shape_cast %swap3A_1145 : vector<16xi32> to vector<16xi32>
        %swap3A_1147 = vector.shape_cast %add3A_1143 : vector<16xi32> to vector<16xi32>
        tpu.vector_store %arg11[%swap3A_1144], %swap3A_1147 {strides = array<i32>} : memref<320xi32, #tpu.memory_space<vmem>>, vector<16xi32>,
        %add3A_1148 = arith.constant 16 : i32
        %add3A_1149 = arith.addi %select_n3A_919, %add3A_1148 : i32
        %get3A_1150 = arith.index_cast %add3A_1149 : i32 to index
        %get3A_1151 = tpu.vector_load %arg9[%get3A_1150] {strides = array<i32>} : memref<1408xi32, #tpu.memory_space<vmem>>, vector<16xi32>,
        %get3A_1152 = vector.shape_cast %get3A_1151 : vector<16xi32> to vector<16xi32>
        %add3A_1153 = arith.constant 900000 : i32
        %add3A_1154 = vector.broadcast %add3A_1153 : i32 to vector<16xi32>
        %add3A_1155 = arith.addi %get3A_1152, %add3A_1154 : vector<16xi32>
        %swap3A_1156 = arith.constant 304 : index
        %swap3A_1157 = tpu.vector_load %arg11[%swap3A_1156] {strides = array<i32>} : memref<320xi32, #tpu.memory_space<vmem>>, vector<16xi32>,
        %swap3A_1158 = vector.shape_cast %swap3A_1157 : vector<16xi32> to vector<16xi32>
        %swap3A_1159 = vector.shape_cast %add3A_1155 : vector<16xi32> to vector<16xi32>
        tpu.vector_store %arg11[%swap3A_1156], %swap3A_1159 {strides = array<i32>} : memref<320xi32, #tpu.memory_space<vmem>>, vector<16xi32>,
        %dma_start3A_1160 = arith.constant 0 : i32
        %dma_start3A_1161 = tpu.memref_slice %arg4[%dma_start3A_1160] : memref<1000000xi32, #tpu.memory_space<hbm>> -> memref<1000000xi32, #tpu.memory_space<hbm>>
        tpu.enqueue_indirect_dma source(%dma_start3A_1161 : memref<1000000xi32, #tpu.memory_space<hbm>>) target(%arg13 : memref<320xi32, #tpu.memory_space<vmem>>) offsets(%arg11 : memref<320xi32, #tpu.memory_space<vmem>>) semaphore(%arg18 : memref<!tpu.dma_semaphore, #tpu.memory_space<semaphore_mem>>)
      } else {
      }
      %lt3A_820 = arith.constant 4 : i32
      %lt3A_821 = arith.cmpi slt, %add3A_776, %lt3A_820 : i32
      %scan3A_822 = arith.constant 1.000000e-01 : f32
      %scan3A_823 = arith.constant 0 : i32
      %scan3A_824 = arith.constant 0 : i32
      %scan3A_825 = arith.constant 32 : i32
      %scan3A_826 = arith.addi %scan3A_824, %scan3A_825 : i32
      %scan3A_827 = arith.constant 1 : i32
      %scan3A_828 = scf.for %scan3A_875 = %scan3A_824 to %scan3A_826 step %scan3A_827 iter_args(%scan3A_876 = %scan3A_823) -> (i32)  : i32 {
        %add3A_877 = arith.constant 320 : i32
        %add3A_878 = arith.addi %add3A_877, %scan3A_875 : i32
        %get3A_879 = arith.index_cast %add3A_878 : i32 to index
        %get3A_880 = arith.constant 0 : index
        %get3A_881 = tpu.vector_load %arg15[%get3A_879, %get3A_880] {strides = array<i32>} : memref<640x128xf32, #tpu.memory_space<vmem>>, vector<1x16xf32>,
        %get3A_882 = vector.shape_cast %get3A_881 : vector<1x16xf32> to vector<16xf32>
        %add3A_883 = arith.constant 352 : i32
        %add3A_884 = arith.addi %add3A_883, %scan3A_875 : i32
        %get3A_885 = arith.index_cast %add3A_884 : i32 to index
        %get3A_886 = arith.constant 0 : index
        %get3A_887 = tpu.vector_load %arg15[%get3A_885, %get3A_886] {strides = array<i32>} : memref<640x128xf32, #tpu.memory_space<vmem>>, vector<1x16xf32>,
        %get3A_888 = vector.shape_cast %get3A_887 : vector<1x16xf32> to vector<16xf32>
        %add3A_889 = arith.addf %get3A_882, %get3A_888 : vector<16xf32>
        %add3A_890 = arith.constant 384 : i32
        %add3A_891 = arith.addi %add3A_890, %scan3A_875 : i32
        %get3A_892 = arith.index_cast %add3A_891 : i32 to index
        %get3A_893 = arith.constant 0 : index
        %get3A_894 = tpu.vector_load %arg15[%get3A_892, %get3A_893] {strides = array<i32>} : memref<640x128xf32, #tpu.memory_space<vmem>>, vector<1x16xf32>,
        %get3A_895 = vector.shape_cast %get3A_894 : vector<1x16xf32> to vector<16xf32>
        %add3A_896 = arith.addf %add3A_889, %get3A_895 : vector<16xf32>
        %add3A_897 = arith.constant 416 : i32
        %add3A_898 = arith.addi %add3A_897, %scan3A_875 : i32
        %get3A_899 = arith.index_cast %add3A_898 : i32 to index
        %get3A_900 = arith.constant 0 : index
        %get3A_901 = tpu.vector_load %arg15[%get3A_899, %get3A_900] {strides = array<i32>} : memref<640x128xf32, #tpu.memory_space<vmem>>, vector<1x16xf32>,
        %get3A_902 = vector.shape_cast %get3A_901 : vector<1x16xf32> to vector<16xf32>
        %add3A_903 = arith.addf %add3A_896, %get3A_902 : vector<16xf32>
        %add3A_904 = arith.constant 448 : i32
        %add3A_905 = arith.addi %add3A_904, %scan3A_875 : i32
        %get3A_906 = arith.index_cast %add3A_905 : i32 to index
        %get3A_907 = arith.constant 0 : index
        %get3A_908 = tpu.vector_load %arg15[%get3A_906, %get3A_907] {strides = array<i32>} : memref<640x128xf32, #tpu.memory_space<vmem>>, vector<1x16xf32>,
        %get3A_909 = vector.shape_cast %get3A_908 : vector<1x16xf32> to vector<16xf32>
        %add3A_910 = arith.addf %add3A_903, %get3A_909 : vector<16xf32>
        %add3A_911 = arith.constant 480 : i32
        %add3A_912 = arith.addi %add3A_911, %scan3A_875 : i32
        %get3A_913 = arith.index_cast %add3A_912 : i32 to index
        %get3A_914 = arith.constant 0 : index
        %get3A_915 = tpu.vector_load %arg15[%get3A_913, %get3A_914] {strides = array<i32>} : memref<640x128xf32, #tpu.memory_space<vmem>>, vector<1x16xf32>,
        %get3A_916 = vector.shape_cast %get3A_915 : vector<1x16xf32> to vector<16xf32>
        %add3A_917 = arith.addf %add3A_910, %get3A_916 : vector<16xf32>
        %add3A_918 = arith.constant 512 : i32
        %add3A_919 = arith.addi %add3A_918, %scan3A_875 : i32
        %get3A_920 = arith.index_cast %add3A_919 : i32 to index
        %get3A_921 = arith.constant 0 : index
        %get3A_922 = tpu.vector_load %arg15[%get3A_920, %get3A_921] {strides = array<i32>} : memref<640x128xf32, #tpu.memory_space<vmem>>, vector<1x16xf32>,
        %get3A_923 = vector.shape_cast %get3A_922 : vector<1x16xf32> to vector<16xf32>
        %add3A_924 = arith.addf %add3A_917, %get3A_923 : vector<16xf32>
        %add3A_925 = arith.constant 544 : i32
        %add3A_926 = arith.addi %add3A_925, %scan3A_875 : i32
        %get3A_927 = arith.index_cast %add3A_926 : i32 to index
        %get3A_928 = arith.constant 0 : index
        %get3A_929 = tpu.vector_load %arg15[%get3A_927, %get3A_928] {strides = array<i32>} : memref<640x128xf32, #tpu.memory_space<vmem>>, vector<1x16xf32>,
        %get3A_930 = vector.shape_cast %get3A_929 : vector<1x16xf32> to vector<16xf32>
        %add3A_931 = arith.addf %add3A_924, %get3A_930 : vector<16xf32>
        %add3A_932 = arith.constant 576 : i32
        %add3A_933 = arith.addi %add3A_932, %scan3A_875 : i32
        %get3A_934 = arith.index_cast %add3A_933 : i32 to index
        %get3A_935 = arith.constant 0 : index
        %get3A_936 = tpu.vector_load %arg15[%get3A_934, %get3A_935] {strides = array<i32>} : memref<640x128xf32, #tpu.memory_space<vmem>>, vector<1x16xf32>,
        %get3A_937 = vector.shape_cast %get3A_936 : vector<1x16xf32> to vector<16xf32>
        %add3A_938 = arith.addf %add3A_931, %get3A_937 : vector<16xf32>
        %add3A_939 = arith.constant 608 : i32
        %add3A_940 = arith.addi %add3A_939, %scan3A_875 : i32
        %get3A_941 = arith.index_cast %add3A_940 : i32 to index
        %get3A_942 = arith.constant 0 : index
        %get3A_943 = tpu.vector_load %arg15[%get3A_941, %get3A_942] {strides = array<i32>} : memref<640x128xf32, #tpu.memory_space<vmem>>, vector<1x16xf32>,
        %get3A_944 = vector.shape_cast %get3A_943 : vector<1x16xf32> to vector<16xf32>
        %add3A_945 = arith.addf %add3A_938, %get3A_944 : vector<16xf32>
        %mul3A_946 = vector.broadcast %scan3A_822 : f32 to vector<16xf32>
        %mul3A_947 = arith.mulf %add3A_945, %mul3A_946 : vector<16xf32>
        %add3A_948 = arith.constant 320 : i32
        %add3A_949 = arith.addi %add3A_948, %scan3A_875 : i32
        %get3A_950 = arith.index_cast %add3A_949 : i32 to index
        %get3A_951 = arith.constant 16 : index
        %get3A_952 = tpu.vector_load %arg15[%get3A_950, %get3A_951] {strides = array<i32>} : memref<640x128xf32, #tpu.memory_space<vmem>>, vector<1x16xf32>,
        %get3A_953 = vector.shape_cast %get3A_952 : vector<1x16xf32> to vector<16xf32>
        %add3A_954 = arith.constant 352 : i32
        %add3A_955 = arith.addi %add3A_954, %scan3A_875 : i32
        %get3A_956 = arith.index_cast %add3A_955 : i32 to index
        %get3A_957 = arith.constant 16 : index
        %get3A_958 = tpu.vector_load %arg15[%get3A_956, %get3A_957] {strides = array<i32>} : memref<640x128xf32, #tpu.memory_space<vmem>>, vector<1x16xf32>,
        %get3A_959 = vector.shape_cast %get3A_958 : vector<1x16xf32> to vector<16xf32>
        %add3A_960 = arith.addf %get3A_953, %get3A_959 : vector<16xf32>
        %add3A_961 = arith.constant 384 : i32
        %add3A_962 = arith.addi %add3A_961, %scan3A_875 : i32
        %get3A_963 = arith.index_cast %add3A_962 : i32 to index
        %get3A_964 = arith.constant 16 : index
        %get3A_965 = tpu.vector_load %arg15[%get3A_963, %get3A_964] {strides = array<i32>} : memref<640x128xf32, #tpu.memory_space<vmem>>, vector<1x16xf32>,
        %get3A_966 = vector.shape_cast %get3A_965 : vector<1x16xf32> to vector<16xf32>
        %add3A_967 = arith.addf %add3A_960, %get3A_966 : vector<16xf32>
        %add3A_968 = arith.constant 416 : i32
        %add3A_969 = arith.addi %add3A_968, %scan3A_875 : i32
        %get3A_970 = arith.index_cast %add3A_969 : i32 to index
        %get3A_971 = arith.constant 16 : index
        %get3A_972 = tpu.vector_load %arg15[%get3A_970, %get3A_971] {strides = array<i32>} : memref<640x128xf32, #tpu.memory_space<vmem>>, vector<1x16xf32>,
        %get3A_973 = vector.shape_cast %get3A_972 : vector<1x16xf32> to vector<16xf32>
        %add3A_974 = arith.addf %add3A_967, %get3A_973 : vector<16xf32>
        %add3A_975 = arith.constant 448 : i32
        %add3A_976 = arith.addi %add3A_975, %scan3A_875 : i32
        %get3A_977 = arith.index_cast %add3A_976 : i32 to index
        %get3A_978 = arith.constant 16 : index
        %get3A_979 = tpu.vector_load %arg15[%get3A_977, %get3A_978] {strides = array<i32>} : memref<640x128xf32, #tpu.memory_space<vmem>>, vector<1x16xf32>,
        %get3A_980 = vector.shape_cast %get3A_979 : vector<1x16xf32> to vector<16xf32>
        %add3A_981 = arith.addf %add3A_974, %get3A_980 : vector<16xf32>
        %add3A_982 = arith.constant 480 : i32
        %add3A_983 = arith.addi %add3A_982, %scan3A_875 : i32
        %get3A_984 = arith.index_cast %add3A_983 : i32 to index
        %get3A_985 = arith.constant 16 : index
        %get3A_986 = tpu.vector_load %arg15[%get3A_984, %get3A_985] {strides = array<i32>} : memref<640x128xf32, #tpu.memory_space<vmem>>, vector<1x16xf32>,
        %get3A_987 = vector.shape_cast %get3A_986 : vector<1x16xf32> to vector<16xf32>
        %add3A_988 = arith.addf %add3A_981, %get3A_987 : vector<16xf32>
        %add3A_989 = arith.constant 512 : i32
        %add3A_990 = arith.addi %add3A_989, %scan3A_875 : i32
        %get3A_991 = arith.index_cast %add3A_990 : i32 to index
        %get3A_992 = arith.constant 16 : index
        %get3A_993 = tpu.vector_load %arg15[%get3A_991, %get3A_992] {strides = array<i32>} : memref<640x128xf32, #tpu.memory_space<vmem>>, vector<1x16xf32>,
        %get3A_994 = vector.shape_cast %get3A_993 : vector<1x16xf32> to vector<16xf32>
        %add3A_995 = arith.addf %add3A_988, %get3A_994 : vector<16xf32>
        %add3A_996 = arith.constant 544 : i32
        %add3A_997 = arith.addi %add3A_996, %scan3A_875 : i32
        %get3A_998 = arith.index_cast %add3A_997 : i32 to index
        %get3A_999 = arith.constant 16 : index
        %get3A_1000 = tpu.vector_load %arg15[%get3A_998, %get3A_999] {strides = array<i32>} : memref<640x128xf32, #tpu.memory_space<vmem>>, vector<1x16xf32>,
        %get3A_1001 = vector.shape_cast %get3A_1000 : vector<1x16xf32> to vector<16xf32>
        %add3A_1002 = arith.addf %add3A_995, %get3A_1001 : vector<16xf32>
        %add3A_1003 = arith.constant 576 : i32
        %add3A_1004 = arith.addi %add3A_1003, %scan3A_875 : i32
        %get3A_1005 = arith.index_cast %add3A_1004 : i32 to index
        %get3A_1006 = arith.constant 16 : index
        %get3A_1007 = tpu.vector_load %arg15[%get3A_1005, %get3A_1006] {strides = array<i32>} : memref<640x128xf32, #tpu.memory_space<vmem>>, vector<1x16xf32>,
        %get3A_1008 = vector.shape_cast %get3A_1007 : vector<1x16xf32> to vector<16xf32>
        %add3A_1009 = arith.addf %add3A_1002, %get3A_1008 : vector<16xf32>
        %add3A_1010 = arith.constant 608 : i32
        %add3A_1011 = arith.addi %add3A_1010, %scan3A_875 : i32
        %get3A_1012 = arith.index_cast %add3A_1011 : i32 to index
        %get3A_1013 = arith.constant 16 : index
        %get3A_1014 = tpu.vector_load %arg15[%get3A_1012, %get3A_1013] {strides = array<i32>} : memref<640x128xf32, #tpu.memory_space<vmem>>, vector<1x16xf32>,
        %get3A_1015 = vector.shape_cast %get3A_1014 : vector<1x16xf32> to vector<16xf32>
        %add3A_1016 = arith.addf %add3A_1009, %get3A_1015 : vector<16xf32>
        %mul3A_1017 = vector.broadcast %scan3A_822 : f32 to vector<16xf32>
        %mul3A_1018 = arith.mulf %add3A_1016, %mul3A_1017 : vector<16xf32>
        %bitcast_convert_type3A = tpu.bitcast %mul3A_947 : vector<16xf32> -> vector<16xi32>
        %bitcast_convert_type3A_1019 = tpu.bitcast %mul3A_1018 : vector<16xf32> -> vector<16xi32>
        %shift_right_logical3A = arith.constant 16 : i32
        %shift_right_logical3A_1020 = vector.broadcast %shift_right_logical3A : i32 to vector<16xi32>
        %shift_right_logical3A_1021 = arith.shrui %bitcast_convert_type3A, %shift_right_logical3A_1020 : vector<16xi32>
        %and3A_1022 = arith.constant -65536 : i32
        %and3A_1023 = vector.broadcast %and3A_1022 : i32 to vector<16xi32>
        %and3A_1024 = arith.andi %bitcast_convert_type3A_1019, %and3A_1023 : vector<16xi32>
        %or3A = arith.ori %shift_right_logical3A_1021, %and3A_1024 : vector<16xi32>
        %add3A_1025 = arith.constant 32 : i32
        %add3A_1026 = arith.addi %add3A_1025, %scan3A_875 : i32
        %swap3A_1027 = arith.index_cast %add3A_1026 : i32 to index
        %swap3A_1028 = arith.constant 0 : index
        %swap3A_1029 = tpu.vector_load %arg16[%swap3A_1027, %swap3A_1028] {strides = array<i32>} : memref<64x64xi32, #tpu.memory_space<vmem>>, vector<1x16xi32>,
        %swap3A_1030 = vector.shape_cast %swap3A_1029 : vector<1x16xi32> to vector<16xi32>
        %swap3A_1031 = vector.shape_cast %or3A : vector<16xi32> to vector<1x16xi32>
        tpu.vector_store %arg16[%swap3A_1027, %swap3A_1028], %swap3A_1031 {strides = array<i32>} : memref<64x64xi32, #tpu.memory_space<vmem>>, vector<1x16xi32>,
        %add3A_1032 = arith.constant 32 : i32
        %add3A_1033 = arith.addi %add3A_1032, %scan3A_875 : i32
        %get3A_1034 = arith.index_cast %add3A_1033 : i32 to index
        %get3A_1035 = arith.constant 0 : index
        %get3A_1036 = tpu.vector_load %arg14[%get3A_1034, %get3A_1035] {strides = array<i32>} : memref<64x128xf32, #tpu.memory_space<vmem>>, vector<1x16xf32>,
        %get3A_1037 = vector.shape_cast %get3A_1036 : vector<1x16xf32> to vector<16xf32>
        %add3A_1038 = arith.constant 32 : i32
        %add3A_1039 = arith.addi %add3A_1038, %scan3A_875 : i32
        %get3A_1040 = arith.index_cast %add3A_1039 : i32 to index
        %get3A_1041 = arith.constant 16 : index
        %get3A_1042 = tpu.vector_load %arg14[%get3A_1040, %get3A_1041] {strides = array<i32>} : memref<64x128xf32, #tpu.memory_space<vmem>>, vector<1x16xf32>,
        %get3A_1043 = vector.shape_cast %get3A_1042 : vector<1x16xf32> to vector<16xf32>
        %bitcast_convert_type3A_1044 = tpu.bitcast %get3A_1037 : vector<16xf32> -> vector<16xi32>
        %bitcast_convert_type3A_1045 = tpu.bitcast %get3A_1043 : vector<16xf32> -> vector<16xi32>
        %shift_right_logical3A_1046 = arith.constant 16 : i32
        %shift_right_logical3A_1047 = vector.broadcast %shift_right_logical3A_1046 : i32 to vector<16xi32>
        %shift_right_logical3A_1048 = arith.shrui %bitcast_convert_type3A_1044, %shift_right_logical3A_1047 : vector<16xi32>
        %and3A_1049 = arith.constant -65536 : i32
        %and3A_1050 = vector.broadcast %and3A_1049 : i32 to vector<16xi32>
        %and3A_1051 = arith.andi %bitcast_convert_type3A_1045, %and3A_1050 : vector<16xi32>
        %or3A_1052 = arith.ori %shift_right_logical3A_1048, %and3A_1051 : vector<16xi32>
        %add3A_1053 = arith.constant 32 : i32
        %add3A_1054 = arith.addi %add3A_1053, %scan3A_875 : i32
        %swap3A_1055 = arith.index_cast %add3A_1054 : i32 to index
        %swap3A_1056 = arith.constant 0 : index
        %swap3A_1057 = tpu.vector_load %arg17[%swap3A_1055, %swap3A_1056] {strides = array<i32>} : memref<64x64xi32, #tpu.memory_space<vmem>>, vector<1x16xi32>,
        %swap3A_1058 = vector.shape_cast %swap3A_1057 : vector<1x16xi32> to vector<16xi32>
        %swap3A_1059 = vector.shape_cast %or3A_1052 : vector<16xi32> to vector<1x16xi32>
        tpu.vector_store %arg17[%swap3A_1055, %swap3A_1056], %swap3A_1059 {strides = array<i32>} : memref<64x64xi32, #tpu.memory_space<vmem>>, vector<1x16xi32>,
        %add3A_1060 = arith.constant 320 : i32
        %add3A_1061 = arith.addi %add3A_1060, %scan3A_875 : i32
        %get3A_1062 = arith.index_cast %add3A_1061 : i32 to index
        %get3A_1063 = arith.constant 32 : index
        %get3A_1064 = tpu.vector_load %arg15[%get3A_1062, %get3A_1063] {strides = array<i32>} : memref<640x128xf32, #tpu.memory_space<vmem>>, vector<1x16xf32>,
        %get3A_1065 = vector.shape_cast %get3A_1064 : vector<1x16xf32> to vector<16xf32>
        %add3A_1066 = arith.constant 352 : i32
        %add3A_1067 = arith.addi %add3A_1066, %scan3A_875 : i32
        %get3A_1068 = arith.index_cast %add3A_1067 : i32 to index
        %get3A_1069 = arith.constant 32 : index
        %get3A_1070 = tpu.vector_load %arg15[%get3A_1068, %get3A_1069] {strides = array<i32>} : memref<640x128xf32, #tpu.memory_space<vmem>>, vector<1x16xf32>,
        %get3A_1071 = vector.shape_cast %get3A_1070 : vector<1x16xf32> to vector<16xf32>
        %add3A_1072 = arith.addf %get3A_1065, %get3A_1071 : vector<16xf32>
        %add3A_1073 = arith.constant 384 : i32
        %add3A_1074 = arith.addi %add3A_1073, %scan3A_875 : i32
        %get3A_1075 = arith.index_cast %add3A_1074 : i32 to index
        %get3A_1076 = arith.constant 32 : index
        %get3A_1077 = tpu.vector_load %arg15[%get3A_1075, %get3A_1076] {strides = array<i32>} : memref<640x128xf32, #tpu.memory_space<vmem>>, vector<1x16xf32>,
        %get3A_1078 = vector.shape_cast %get3A_1077 : vector<1x16xf32> to vector<16xf32>
        %add3A_1079 = arith.addf %add3A_1072, %get3A_1078 : vector<16xf32>
        %add3A_1080 = arith.constant 416 : i32
        %add3A_1081 = arith.addi %add3A_1080, %scan3A_875 : i32
        %get3A_1082 = arith.index_cast %add3A_1081 : i32 to index
        %get3A_1083 = arith.constant 32 : index
        %get3A_1084 = tpu.vector_load %arg15[%get3A_1082, %get3A_1083] {strides = array<i32>} : memref<640x128xf32, #tpu.memory_space<vmem>>, vector<1x16xf32>,
        %get3A_1085 = vector.shape_cast %get3A_1084 : vector<1x16xf32> to vector<16xf32>
        %add3A_1086 = arith.addf %add3A_1079, %get3A_1085 : vector<16xf32>
        %add3A_1087 = arith.constant 448 : i32
        %add3A_1088 = arith.addi %add3A_1087, %scan3A_875 : i32
        %get3A_1089 = arith.index_cast %add3A_1088 : i32 to index
        %get3A_1090 = arith.constant 32 : index
        %get3A_1091 = tpu.vector_load %arg15[%get3A_1089, %get3A_1090] {strides = array<i32>} : memref<640x128xf32, #tpu.memory_space<vmem>>, vector<1x16xf32>,
        %get3A_1092 = vector.shape_cast %get3A_1091 : vector<1x16xf32> to vector<16xf32>
        %add3A_1093 = arith.addf %add3A_1086, %get3A_1092 : vector<16xf32>
        %add3A_1094 = arith.constant 480 : i32
        %add3A_1095 = arith.addi %add3A_1094, %scan3A_875 : i32
        %get3A_1096 = arith.index_cast %add3A_1095 : i32 to index
        %get3A_1097 = arith.constant 32 : index
        %get3A_1098 = tpu.vector_load %arg15[%get3A_1096, %get3A_1097] {strides = array<i32>} : memref<640x128xf32, #tpu.memory_space<vmem>>, vector<1x16xf32>,
        %get3A_1099 = vector.shape_cast %get3A_1098 : vector<1x16xf32> to vector<16xf32>
        %add3A_1100 = arith.addf %add3A_1093, %get3A_1099 : vector<16xf32>
        %add3A_1101 = arith.constant 512 : i32
        %add3A_1102 = arith.addi %add3A_1101, %scan3A_875 : i32
        %get3A_1103 = arith.index_cast %add3A_1102 : i32 to index
        %get3A_1104 = arith.constant 32 : index
        %get3A_1105 = tpu.vector_load %arg15[%get3A_1103, %get3A_1104] {strides = array<i32>} : memref<640x128xf32, #tpu.memory_space<vmem>>, vector<1x16xf32>,
        %get3A_1106 = vector.shape_cast %get3A_1105 : vector<1x16xf32> to vector<16xf32>
        %add3A_1107 = arith.addf %add3A_1100, %get3A_1106 : vector<16xf32>
        %add3A_1108 = arith.constant 544 : i32
        %add3A_1109 = arith.addi %add3A_1108, %scan3A_875 : i32
        %get3A_1110 = arith.index_cast %add3A_1109 : i32 to index
        %get3A_1111 = arith.constant 32 : index
        %get3A_1112 = tpu.vector_load %arg15[%get3A_1110, %get3A_1111] {strides = array<i32>} : memref<640x128xf32, #tpu.memory_space<vmem>>, vector<1x16xf32>,
        %get3A_1113 = vector.shape_cast %get3A_1112 : vector<1x16xf32> to vector<16xf32>
        %add3A_1114 = arith.addf %add3A_1107, %get3A_1113 : vector<16xf32>
        %add3A_1115 = arith.constant 576 : i32
        %add3A_1116 = arith.addi %add3A_1115, %scan3A_875 : i32
        %get3A_1117 = arith.index_cast %add3A_1116 : i32 to index
        %get3A_1118 = arith.constant 32 : index
        %get3A_1119 = tpu.vector_load %arg15[%get3A_1117, %get3A_1118] {strides = array<i32>} : memref<640x128xf32, #tpu.memory_space<vmem>>, vector<1x16xf32>,
        %get3A_1120 = vector.shape_cast %get3A_1119 : vector<1x16xf32> to vector<16xf32>
        %add3A_1121 = arith.addf %add3A_1114, %get3A_1120 : vector<16xf32>
        %add3A_1122 = arith.constant 608 : i32
        %add3A_1123 = arith.addi %add3A_1122, %scan3A_875 : i32
        %get3A_1124 = arith.index_cast %add3A_1123 : i32 to index
        %get3A_1125 = arith.constant 32 : index
        %get3A_1126 = tpu.vector_load %arg15[%get3A_1124, %get3A_1125] {strides = array<i32>} : memref<640x128xf32, #tpu.memory_space<vmem>>, vector<1x16xf32>,
        %get3A_1127 = vector.shape_cast %get3A_1126 : vector<1x16xf32> to vector<16xf32>
        %add3A_1128 = arith.addf %add3A_1121, %get3A_1127 : vector<16xf32>
        %mul3A_1129 = vector.broadcast %scan3A_822 : f32 to vector<16xf32>
        %mul3A_1130 = arith.mulf %add3A_1128, %mul3A_1129 : vector<16xf32>
        %add3A_1131 = arith.constant 320 : i32
        %add3A_1132 = arith.addi %add3A_1131, %scan3A_875 : i32
        %get3A_1133 = arith.index_cast %add3A_1132 : i32 to index
        %get3A_1134 = arith.constant 48 : index
        %get3A_1135 = tpu.vector_load %arg15[%get3A_1133, %get3A_1134] {strides = array<i32>} : memref<640x128xf32, #tpu.memory_space<vmem>>, vector<1x16xf32>,
        %get3A_1136 = vector.shape_cast %get3A_1135 : vector<1x16xf32> to vector<16xf32>
        %add3A_1137 = arith.constant 352 : i32
        %add3A_1138 = arith.addi %add3A_1137, %scan3A_875 : i32
        %get3A_1139 = arith.index_cast %add3A_1138 : i32 to index
        %get3A_1140 = arith.constant 48 : index
        %get3A_1141 = tpu.vector_load %arg15[%get3A_1139, %get3A_1140] {strides = array<i32>} : memref<640x128xf32, #tpu.memory_space<vmem>>, vector<1x16xf32>,
        %get3A_1142 = vector.shape_cast %get3A_1141 : vector<1x16xf32> to vector<16xf32>
        %add3A_1143 = arith.addf %get3A_1136, %get3A_1142 : vector<16xf32>
        %add3A_1144 = arith.constant 384 : i32
        %add3A_1145 = arith.addi %add3A_1144, %scan3A_875 : i32
        %get3A_1146 = arith.index_cast %add3A_1145 : i32 to index
        %get3A_1147 = arith.constant 48 : index
        %get3A_1148 = tpu.vector_load %arg15[%get3A_1146, %get3A_1147] {strides = array<i32>} : memref<640x128xf32, #tpu.memory_space<vmem>>, vector<1x16xf32>,
        %get3A_1149 = vector.shape_cast %get3A_1148 : vector<1x16xf32> to vector<16xf32>
        %add3A_1150 = arith.addf %add3A_1143, %get3A_1149 : vector<16xf32>
        %add3A_1151 = arith.constant 416 : i32
        %add3A_1152 = arith.addi %add3A_1151, %scan3A_875 : i32
        %get3A_1153 = arith.index_cast %add3A_1152 : i32 to index
        %get3A_1154 = arith.constant 48 : index
        %get3A_1155 = tpu.vector_load %arg15[%get3A_1153, %get3A_1154] {strides = array<i32>} : memref<640x128xf32, #tpu.memory_space<vmem>>, vector<1x16xf32>,
        %get3A_1156 = vector.shape_cast %get3A_1155 : vector<1x16xf32> to vector<16xf32>
        %add3A_1157 = arith.addf %add3A_1150, %get3A_1156 : vector<16xf32>
        %add3A_1158 = arith.constant 448 : i32
        %add3A_1159 = arith.addi %add3A_1158, %scan3A_875 : i32
        %get3A_1160 = arith.index_cast %add3A_1159 : i32 to index
        %get3A_1161 = arith.constant 48 : index
        %get3A_1162 = tpu.vector_load %arg15[%get3A_1160, %get3A_1161] {strides = array<i32>} : memref<640x128xf32, #tpu.memory_space<vmem>>, vector<1x16xf32>,
        %get3A_1163 = vector.shape_cast %get3A_1162 : vector<1x16xf32> to vector<16xf32>
        %add3A_1164 = arith.addf %add3A_1157, %get3A_1163 : vector<16xf32>
        %add3A_1165 = arith.constant 480 : i32
        %add3A_1166 = arith.addi %add3A_1165, %scan3A_875 : i32
        %get3A_1167 = arith.index_cast %add3A_1166 : i32 to index
        %get3A_1168 = arith.constant 48 : index
        %get3A_1169 = tpu.vector_load %arg15[%get3A_1167, %get3A_1168] {strides = array<i32>} : memref<640x128xf32, #tpu.memory_space<vmem>>, vector<1x16xf32>,
        %get3A_1170 = vector.shape_cast %get3A_1169 : vector<1x16xf32> to vector<16xf32>
        %add3A_1171 = arith.addf %add3A_1164, %get3A_1170 : vector<16xf32>
        %add3A_1172 = arith.constant 512 : i32
        %add3A_1173 = arith.addi %add3A_1172, %scan3A_875 : i32
        %get3A_1174 = arith.index_cast %add3A_1173 : i32 to index
        %get3A_1175 = arith.constant 48 : index
        %get3A_1176 = tpu.vector_load %arg15[%get3A_1174, %get3A_1175] {strides = array<i32>} : memref<640x128xf32, #tpu.memory_space<vmem>>, vector<1x16xf32>,
        %get3A_1177 = vector.shape_cast %get3A_1176 : vector<1x16xf32> to vector<16xf32>
        %add3A_1178 = arith.addf %add3A_1171, %get3A_1177 : vector<16xf32>
        %add3A_1179 = arith.constant 544 : i32
        %add3A_1180 = arith.addi %add3A_1179, %scan3A_875 : i32
        %get3A_1181 = arith.index_cast %add3A_1180 : i32 to index
        %get3A_1182 = arith.constant 48 : index
        %get3A_1183 = tpu.vector_load %arg15[%get3A_1181, %get3A_1182] {strides = array<i32>} : memref<640x128xf32, #tpu.memory_space<vmem>>, vector<1x16xf32>,
        %get3A_1184 = vector.shape_cast %get3A_1183 : vector<1x16xf32> to vector<16xf32>
        %add3A_1185 = arith.addf %add3A_1178, %get3A_1184 : vector<16xf32>
        %add3A_1186 = arith.constant 576 : i32
        %add3A_1187 = arith.addi %add3A_1186, %scan3A_875 : i32
        %get3A_1188 = arith.index_cast %add3A_1187 : i32 to index
        %get3A_1189 = arith.constant 48 : index
        %get3A_1190 = tpu.vector_load %arg15[%get3A_1188, %get3A_1189] {strides = array<i32>} : memref<640x128xf32, #tpu.memory_space<vmem>>, vector<1x16xf32>,
        %get3A_1191 = vector.shape_cast %get3A_1190 : vector<1x16xf32> to vector<16xf32>
        %add3A_1192 = arith.addf %add3A_1185, %get3A_1191 : vector<16xf32>
        %add3A_1193 = arith.constant 608 : i32
        %add3A_1194 = arith.addi %add3A_1193, %scan3A_875 : i32
        %get3A_1195 = arith.index_cast %add3A_1194 : i32 to index
        %get3A_1196 = arith.constant 48 : index
        %get3A_1197 = tpu.vector_load %arg15[%get3A_1195, %get3A_1196] {strides = array<i32>} : memref<640x128xf32, #tpu.memory_space<vmem>>, vector<1x16xf32>,
        %get3A_1198 = vector.shape_cast %get3A_1197 : vector<1x16xf32> to vector<16xf32>
        %add3A_1199 = arith.addf %add3A_1192, %get3A_1198 : vector<16xf32>
        %mul3A_1200 = vector.broadcast %scan3A_822 : f32 to vector<16xf32>
        %mul3A_1201 = arith.mulf %add3A_1199, %mul3A_1200 : vector<16xf32>
        %bitcast_convert_type3A_1202 = tpu.bitcast %mul3A_1130 : vector<16xf32> -> vector<16xi32>
        %bitcast_convert_type3A_1203 = tpu.bitcast %mul3A_1201 : vector<16xf32> -> vector<16xi32>
        %shift_right_logical3A_1204 = arith.constant 16 : i32
        %shift_right_logical3A_1205 = vector.broadcast %shift_right_logical3A_1204 : i32 to vector<16xi32>
        %shift_right_logical3A_1206 = arith.shrui %bitcast_convert_type3A_1202, %shift_right_logical3A_1205 : vector<16xi32>
        %and3A_1207 = arith.constant -65536 : i32
        %and3A_1208 = vector.broadcast %and3A_1207 : i32 to vector<16xi32>
        %and3A_1209 = arith.andi %bitcast_convert_type3A_1203, %and3A_1208 : vector<16xi32>
        %or3A_1210 = arith.ori %shift_right_logical3A_1206, %and3A_1209 : vector<16xi32>
        %add3A_1211 = arith.constant 32 : i32
        %add3A_1212 = arith.addi %add3A_1211, %scan3A_875 : i32
        %swap3A_1213 = arith.index_cast %add3A_1212 : i32 to index
        %swap3A_1214 = arith.constant 16 : index
        %swap3A_1215 = tpu.vector_load %arg16[%swap3A_1213, %swap3A_1214] {strides = array<i32>} : memref<64x64xi32, #tpu.memory_space<vmem>>, vector<1x16xi32>,
        %swap3A_1216 = vector.shape_cast %swap3A_1215 : vector<1x16xi32> to vector<16xi32>
        %swap3A_1217 = vector.shape_cast %or3A_1210 : vector<16xi32> to vector<1x16xi32>
        tpu.vector_store %arg16[%swap3A_1213, %swap3A_1214], %swap3A_1217 {strides = array<i32>} : memref<64x64xi32, #tpu.memory_space<vmem>>, vector<1x16xi32>,
        %add3A_1218 = arith.constant 32 : i32
        %add3A_1219 = arith.addi %add3A_1218, %scan3A_875 : i32
        %get3A_1220 = arith.index_cast %add3A_1219 : i32 to index
        %get3A_1221 = arith.constant 32 : index
        %get3A_1222 = tpu.vector_load %arg14[%get3A_1220, %get3A_1221] {strides = array<i32>} : memref<64x128xf32, #tpu.memory_space<vmem>>, vector<1x16xf32>,
        %get3A_1223 = vector.shape_cast %get3A_1222 : vector<1x16xf32> to vector<16xf32>
        %add3A_1224 = arith.constant 32 : i32
        %add3A_1225 = arith.addi %add3A_1224, %scan3A_875 : i32
        %get3A_1226 = arith.index_cast %add3A_1225 : i32 to index
        %get3A_1227 = arith.constant 48 : index
        %get3A_1228 = tpu.vector_load %arg14[%get3A_1226, %get3A_1227] {strides = array<i32>} : memref<64x128xf32, #tpu.memory_space<vmem>>, vector<1x16xf32>,
        %get3A_1229 = vector.shape_cast %get3A_1228 : vector<1x16xf32> to vector<16xf32>
        %bitcast_convert_type3A_1230 = tpu.bitcast %get3A_1223 : vector<16xf32> -> vector<16xi32>
        %bitcast_convert_type3A_1231 = tpu.bitcast %get3A_1229 : vector<16xf32> -> vector<16xi32>
        %shift_right_logical3A_1232 = arith.constant 16 : i32
        %shift_right_logical3A_1233 = vector.broadcast %shift_right_logical3A_1232 : i32 to vector<16xi32>
        %shift_right_logical3A_1234 = arith.shrui %bitcast_convert_type3A_1230, %shift_right_logical3A_1233 : vector<16xi32>
        %and3A_1235 = arith.constant -65536 : i32
        %and3A_1236 = vector.broadcast %and3A_1235 : i32 to vector<16xi32>
        %and3A_1237 = arith.andi %bitcast_convert_type3A_1231, %and3A_1236 : vector<16xi32>
        %or3A_1238 = arith.ori %shift_right_logical3A_1234, %and3A_1237 : vector<16xi32>
        %add3A_1239 = arith.constant 32 : i32
        %add3A_1240 = arith.addi %add3A_1239, %scan3A_875 : i32
        %swap3A_1241 = arith.index_cast %add3A_1240 : i32 to index
        %swap3A_1242 = arith.constant 16 : index
        %swap3A_1243 = tpu.vector_load %arg17[%swap3A_1241, %swap3A_1242] {strides = array<i32>} : memref<64x64xi32, #tpu.memory_space<vmem>>, vector<1x16xi32>,
        %swap3A_1244 = vector.shape_cast %swap3A_1243 : vector<1x16xi32> to vector<16xi32>
        %swap3A_1245 = vector.shape_cast %or3A_1238 : vector<16xi32> to vector<1x16xi32>
        tpu.vector_store %arg17[%swap3A_1241, %swap3A_1242], %swap3A_1245 {strides = array<i32>} : memref<64x64xi32, #tpu.memory_space<vmem>>, vector<1x16xi32>,
        %add3A_1246 = arith.constant 320 : i32
        %add3A_1247 = arith.addi %add3A_1246, %scan3A_875 : i32
        %get3A_1248 = arith.index_cast %add3A_1247 : i32 to index
        %get3A_1249 = arith.constant 64 : index
        %get3A_1250 = tpu.vector_load %arg15[%get3A_1248, %get3A_1249] {strides = array<i32>} : memref<640x128xf32, #tpu.memory_space<vmem>>, vector<1x16xf32>,
        %get3A_1251 = vector.shape_cast %get3A_1250 : vector<1x16xf32> to vector<16xf32>
        %add3A_1252 = arith.constant 352 : i32
        %add3A_1253 = arith.addi %add3A_1252, %scan3A_875 : i32
        %get3A_1254 = arith.index_cast %add3A_1253 : i32 to index
        %get3A_1255 = arith.constant 64 : index
        %get3A_1256 = tpu.vector_load %arg15[%get3A_1254, %get3A_1255] {strides = array<i32>} : memref<640x128xf32, #tpu.memory_space<vmem>>, vector<1x16xf32>,
        %get3A_1257 = vector.shape_cast %get3A_1256 : vector<1x16xf32> to vector<16xf32>
        %add3A_1258 = arith.addf %get3A_1251, %get3A_1257 : vector<16xf32>
        %add3A_1259 = arith.constant 384 : i32
        %add3A_1260 = arith.addi %add3A_1259, %scan3A_875 : i32
        %get3A_1261 = arith.index_cast %add3A_1260 : i32 to index
        %get3A_1262 = arith.constant 64 : index
        %get3A_1263 = tpu.vector_load %arg15[%get3A_1261, %get3A_1262] {strides = array<i32>} : memref<640x128xf32, #tpu.memory_space<vmem>>, vector<1x16xf32>,
        %get3A_1264 = vector.shape_cast %get3A_1263 : vector<1x16xf32> to vector<16xf32>
        %add3A_1265 = arith.addf %add3A_1258, %get3A_1264 : vector<16xf32>
        %add3A_1266 = arith.constant 416 : i32
        %add3A_1267 = arith.addi %add3A_1266, %scan3A_875 : i32
        %get3A_1268 = arith.index_cast %add3A_1267 : i32 to index
        %get3A_1269 = arith.constant 64 : index
        %get3A_1270 = tpu.vector_load %arg15[%get3A_1268, %get3A_1269] {strides = array<i32>} : memref<640x128xf32, #tpu.memory_space<vmem>>, vector<1x16xf32>,
        %get3A_1271 = vector.shape_cast %get3A_1270 : vector<1x16xf32> to vector<16xf32>
        %add3A_1272 = arith.addf %add3A_1265, %get3A_1271 : vector<16xf32>
        %add3A_1273 = arith.constant 448 : i32
        %add3A_1274 = arith.addi %add3A_1273, %scan3A_875 : i32
        %get3A_1275 = arith.index_cast %add3A_1274 : i32 to index
        %get3A_1276 = arith.constant 64 : index
        %get3A_1277 = tpu.vector_load %arg15[%get3A_1275, %get3A_1276] {strides = array<i32>} : memref<640x128xf32, #tpu.memory_space<vmem>>, vector<1x16xf32>,
        %get3A_1278 = vector.shape_cast %get3A_1277 : vector<1x16xf32> to vector<16xf32>
        %add3A_1279 = arith.addf %add3A_1272, %get3A_1278 : vector<16xf32>
        %add3A_1280 = arith.constant 480 : i32
        %add3A_1281 = arith.addi %add3A_1280, %scan3A_875 : i32
        %get3A_1282 = arith.index_cast %add3A_1281 : i32 to index
        %get3A_1283 = arith.constant 64 : index
        %get3A_1284 = tpu.vector_load %arg15[%get3A_1282, %get3A_1283] {strides = array<i32>} : memref<640x128xf32, #tpu.memory_space<vmem>>, vector<1x16xf32>,
        %get3A_1285 = vector.shape_cast %get3A_1284 : vector<1x16xf32> to vector<16xf32>
        %add3A_1286 = arith.addf %add3A_1279, %get3A_1285 : vector<16xf32>
        %add3A_1287 = arith.constant 512 : i32
        %add3A_1288 = arith.addi %add3A_1287, %scan3A_875 : i32
        %get3A_1289 = arith.index_cast %add3A_1288 : i32 to index
        %get3A_1290 = arith.constant 64 : index
        %get3A_1291 = tpu.vector_load %arg15[%get3A_1289, %get3A_1290] {strides = array<i32>} : memref<640x128xf32, #tpu.memory_space<vmem>>, vector<1x16xf32>,
        %get3A_1292 = vector.shape_cast %get3A_1291 : vector<1x16xf32> to vector<16xf32>
        %add3A_1293 = arith.addf %add3A_1286, %get3A_1292 : vector<16xf32>
        %add3A_1294 = arith.constant 544 : i32
        %add3A_1295 = arith.addi %add3A_1294, %scan3A_875 : i32
        %get3A_1296 = arith.index_cast %add3A_1295 : i32 to index
        %get3A_1297 = arith.constant 64 : index
        %get3A_1298 = tpu.vector_load %arg15[%get3A_1296, %get3A_1297] {strides = array<i32>} : memref<640x128xf32, #tpu.memory_space<vmem>>, vector<1x16xf32>,
        %get3A_1299 = vector.shape_cast %get3A_1298 : vector<1x16xf32> to vector<16xf32>
        %add3A_1300 = arith.addf %add3A_1293, %get3A_1299 : vector<16xf32>
        %add3A_1301 = arith.constant 576 : i32
        %add3A_1302 = arith.addi %add3A_1301, %scan3A_875 : i32
        %get3A_1303 = arith.index_cast %add3A_1302 : i32 to index
        %get3A_1304 = arith.constant 64 : index
        %get3A_1305 = tpu.vector_load %arg15[%get3A_1303, %get3A_1304] {strides = array<i32>} : memref<640x128xf32, #tpu.memory_space<vmem>>, vector<1x16xf32>,
        %get3A_1306 = vector.shape_cast %get3A_1305 : vector<1x16xf32> to vector<16xf32>
        %add3A_1307 = arith.addf %add3A_1300, %get3A_1306 : vector<16xf32>
        %add3A_1308 = arith.constant 608 : i32
        %add3A_1309 = arith.addi %add3A_1308, %scan3A_875 : i32
        %get3A_1310 = arith.index_cast %add3A_1309 : i32 to index
        %get3A_1311 = arith.constant 64 : index
        %get3A_1312 = tpu.vector_load %arg15[%get3A_1310, %get3A_1311] {strides = array<i32>} : memref<640x128xf32, #tpu.memory_space<vmem>>, vector<1x16xf32>,
        %get3A_1313 = vector.shape_cast %get3A_1312 : vector<1x16xf32> to vector<16xf32>
        %add3A_1314 = arith.addf %add3A_1307, %get3A_1313 : vector<16xf32>
        %mul3A_1315 = vector.broadcast %scan3A_822 : f32 to vector<16xf32>
        %mul3A_1316 = arith.mulf %add3A_1314, %mul3A_1315 : vector<16xf32>
        %add3A_1317 = arith.constant 320 : i32
        %add3A_1318 = arith.addi %add3A_1317, %scan3A_875 : i32
        %get3A_1319 = arith.index_cast %add3A_1318 : i32 to index
        %get3A_1320 = arith.constant 80 : index
        %get3A_1321 = tpu.vector_load %arg15[%get3A_1319, %get3A_1320] {strides = array<i32>} : memref<640x128xf32, #tpu.memory_space<vmem>>, vector<1x16xf32>,
        %get3A_1322 = vector.shape_cast %get3A_1321 : vector<1x16xf32> to vector<16xf32>
        %add3A_1323 = arith.constant 352 : i32
        %add3A_1324 = arith.addi %add3A_1323, %scan3A_875 : i32
        %get3A_1325 = arith.index_cast %add3A_1324 : i32 to index
        %get3A_1326 = arith.constant 80 : index
        %get3A_1327 = tpu.vector_load %arg15[%get3A_1325, %get3A_1326] {strides = array<i32>} : memref<640x128xf32, #tpu.memory_space<vmem>>, vector<1x16xf32>,
        %get3A_1328 = vector.shape_cast %get3A_1327 : vector<1x16xf32> to vector<16xf32>
        %add3A_1329 = arith.addf %get3A_1322, %get3A_1328 : vector<16xf32>
        %add3A_1330 = arith.constant 384 : i32
        %add3A_1331 = arith.addi %add3A_1330, %scan3A_875 : i32
        %get3A_1332 = arith.index_cast %add3A_1331 : i32 to index
        %get3A_1333 = arith.constant 80 : index
        %get3A_1334 = tpu.vector_load %arg15[%get3A_1332, %get3A_1333] {strides = array<i32>} : memref<640x128xf32, #tpu.memory_space<vmem>>, vector<1x16xf32>,
        %get3A_1335 = vector.shape_cast %get3A_1334 : vector<1x16xf32> to vector<16xf32>
        %add3A_1336 = arith.addf %add3A_1329, %get3A_1335 : vector<16xf32>
        %add3A_1337 = arith.constant 416 : i32
        %add3A_1338 = arith.addi %add3A_1337, %scan3A_875 : i32
        %get3A_1339 = arith.index_cast %add3A_1338 : i32 to index
        %get3A_1340 = arith.constant 80 : index
        %get3A_1341 = tpu.vector_load %arg15[%get3A_1339, %get3A_1340] {strides = array<i32>} : memref<640x128xf32, #tpu.memory_space<vmem>>, vector<1x16xf32>,
        %get3A_1342 = vector.shape_cast %get3A_1341 : vector<1x16xf32> to vector<16xf32>
        %add3A_1343 = arith.addf %add3A_1336, %get3A_1342 : vector<16xf32>
        %add3A_1344 = arith.constant 448 : i32
        %add3A_1345 = arith.addi %add3A_1344, %scan3A_875 : i32
        %get3A_1346 = arith.index_cast %add3A_1345 : i32 to index
        %get3A_1347 = arith.constant 80 : index
        %get3A_1348 = tpu.vector_load %arg15[%get3A_1346, %get3A_1347] {strides = array<i32>} : memref<640x128xf32, #tpu.memory_space<vmem>>, vector<1x16xf32>,
        %get3A_1349 = vector.shape_cast %get3A_1348 : vector<1x16xf32> to vector<16xf32>
        %add3A_1350 = arith.addf %add3A_1343, %get3A_1349 : vector<16xf32>
        %add3A_1351 = arith.constant 480 : i32
        %add3A_1352 = arith.addi %add3A_1351, %scan3A_875 : i32
        %get3A_1353 = arith.index_cast %add3A_1352 : i32 to index
        %get3A_1354 = arith.constant 80 : index
        %get3A_1355 = tpu.vector_load %arg15[%get3A_1353, %get3A_1354] {strides = array<i32>} : memref<640x128xf32, #tpu.memory_space<vmem>>, vector<1x16xf32>,
        %get3A_1356 = vector.shape_cast %get3A_1355 : vector<1x16xf32> to vector<16xf32>
        %add3A_1357 = arith.addf %add3A_1350, %get3A_1356 : vector<16xf32>
        %add3A_1358 = arith.constant 512 : i32
        %add3A_1359 = arith.addi %add3A_1358, %scan3A_875 : i32
        %get3A_1360 = arith.index_cast %add3A_1359 : i32 to index
        %get3A_1361 = arith.constant 80 : index
        %get3A_1362 = tpu.vector_load %arg15[%get3A_1360, %get3A_1361] {strides = array<i32>} : memref<640x128xf32, #tpu.memory_space<vmem>>, vector<1x16xf32>,
        %get3A_1363 = vector.shape_cast %get3A_1362 : vector<1x16xf32> to vector<16xf32>
        %add3A_1364 = arith.addf %add3A_1357, %get3A_1363 : vector<16xf32>
        %add3A_1365 = arith.constant 544 : i32
        %add3A_1366 = arith.addi %add3A_1365, %scan3A_875 : i32
        %get3A_1367 = arith.index_cast %add3A_1366 : i32 to index
        %get3A_1368 = arith.constant 80 : index
        %get3A_1369 = tpu.vector_load %arg15[%get3A_1367, %get3A_1368] {strides = array<i32>} : memref<640x128xf32, #tpu.memory_space<vmem>>, vector<1x16xf32>,
        %get3A_1370 = vector.shape_cast %get3A_1369 : vector<1x16xf32> to vector<16xf32>
        %add3A_1371 = arith.addf %add3A_1364, %get3A_1370 : vector<16xf32>
        %add3A_1372 = arith.constant 576 : i32
        %add3A_1373 = arith.addi %add3A_1372, %scan3A_875 : i32
        %get3A_1374 = arith.index_cast %add3A_1373 : i32 to index
        %get3A_1375 = arith.constant 80 : index
        %get3A_1376 = tpu.vector_load %arg15[%get3A_1374, %get3A_1375] {strides = array<i32>} : memref<640x128xf32, #tpu.memory_space<vmem>>, vector<1x16xf32>,
        %get3A_1377 = vector.shape_cast %get3A_1376 : vector<1x16xf32> to vector<16xf32>
        %add3A_1378 = arith.addf %add3A_1371, %get3A_1377 : vector<16xf32>
        %add3A_1379 = arith.constant 608 : i32
        %add3A_1380 = arith.addi %add3A_1379, %scan3A_875 : i32
        %get3A_1381 = arith.index_cast %add3A_1380 : i32 to index
        %get3A_1382 = arith.constant 80 : index
        %get3A_1383 = tpu.vector_load %arg15[%get3A_1381, %get3A_1382] {strides = array<i32>} : memref<640x128xf32, #tpu.memory_space<vmem>>, vector<1x16xf32>,
        %get3A_1384 = vector.shape_cast %get3A_1383 : vector<1x16xf32> to vector<16xf32>
        %add3A_1385 = arith.addf %add3A_1378, %get3A_1384 : vector<16xf32>
        %mul3A_1386 = vector.broadcast %scan3A_822 : f32 to vector<16xf32>
        %mul3A_1387 = arith.mulf %add3A_1385, %mul3A_1386 : vector<16xf32>
        %bitcast_convert_type3A_1388 = tpu.bitcast %mul3A_1316 : vector<16xf32> -> vector<16xi32>
        %bitcast_convert_type3A_1389 = tpu.bitcast %mul3A_1387 : vector<16xf32> -> vector<16xi32>
        %shift_right_logical3A_1390 = arith.constant 16 : i32
        %shift_right_logical3A_1391 = vector.broadcast %shift_right_logical3A_1390 : i32 to vector<16xi32>
        %shift_right_logical3A_1392 = arith.shrui %bitcast_convert_type3A_1388, %shift_right_logical3A_1391 : vector<16xi32>
        %and3A_1393 = arith.constant -65536 : i32
        %and3A_1394 = vector.broadcast %and3A_1393 : i32 to vector<16xi32>
        %and3A_1395 = arith.andi %bitcast_convert_type3A_1389, %and3A_1394 : vector<16xi32>
        %or3A_1396 = arith.ori %shift_right_logical3A_1392, %and3A_1395 : vector<16xi32>
        %add3A_1397 = arith.constant 32 : i32
        %add3A_1398 = arith.addi %add3A_1397, %scan3A_875 : i32
        %swap3A_1399 = arith.index_cast %add3A_1398 : i32 to index
        %swap3A_1400 = arith.constant 32 : index
        %swap3A_1401 = tpu.vector_load %arg16[%swap3A_1399, %swap3A_1400] {strides = array<i32>} : memref<64x64xi32, #tpu.memory_space<vmem>>, vector<1x16xi32>,
        %swap3A_1402 = vector.shape_cast %swap3A_1401 : vector<1x16xi32> to vector<16xi32>
        %swap3A_1403 = vector.shape_cast %or3A_1396 : vector<16xi32> to vector<1x16xi32>
        tpu.vector_store %arg16[%swap3A_1399, %swap3A_1400], %swap3A_1403 {strides = array<i32>} : memref<64x64xi32, #tpu.memory_space<vmem>>, vector<1x16xi32>,
        %add3A_1404 = arith.constant 32 : i32
        %add3A_1405 = arith.addi %add3A_1404, %scan3A_875 : i32
        %get3A_1406 = arith.index_cast %add3A_1405 : i32 to index
        %get3A_1407 = arith.constant 64 : index
        %get3A_1408 = tpu.vector_load %arg14[%get3A_1406, %get3A_1407] {strides = array<i32>} : memref<64x128xf32, #tpu.memory_space<vmem>>, vector<1x16xf32>,
        %get3A_1409 = vector.shape_cast %get3A_1408 : vector<1x16xf32> to vector<16xf32>
        %add3A_1410 = arith.constant 32 : i32
        %add3A_1411 = arith.addi %add3A_1410, %scan3A_875 : i32
        %get3A_1412 = arith.index_cast %add3A_1411 : i32 to index
        %get3A_1413 = arith.constant 80 : index
        %get3A_1414 = tpu.vector_load %arg14[%get3A_1412, %get3A_1413] {strides = array<i32>} : memref<64x128xf32, #tpu.memory_space<vmem>>, vector<1x16xf32>,
        %get3A_1415 = vector.shape_cast %get3A_1414 : vector<1x16xf32> to vector<16xf32>
        %bitcast_convert_type3A_1416 = tpu.bitcast %get3A_1409 : vector<16xf32> -> vector<16xi32>
        %bitcast_convert_type3A_1417 = tpu.bitcast %get3A_1415 : vector<16xf32> -> vector<16xi32>
        %shift_right_logical3A_1418 = arith.constant 16 : i32
        %shift_right_logical3A_1419 = vector.broadcast %shift_right_logical3A_1418 : i32 to vector<16xi32>
        %shift_right_logical3A_1420 = arith.shrui %bitcast_convert_type3A_1416, %shift_right_logical3A_1419 : vector<16xi32>
        %and3A_1421 = arith.constant -65536 : i32
        %and3A_1422 = vector.broadcast %and3A_1421 : i32 to vector<16xi32>
        %and3A_1423 = arith.andi %bitcast_convert_type3A_1417, %and3A_1422 : vector<16xi32>
        %or3A_1424 = arith.ori %shift_right_logical3A_1420, %and3A_1423 : vector<16xi32>
        %add3A_1425 = arith.constant 32 : i32
        %add3A_1426 = arith.addi %add3A_1425, %scan3A_875 : i32
        %swap3A_1427 = arith.index_cast %add3A_1426 : i32 to index
        %swap3A_1428 = arith.constant 32 : index
        %swap3A_1429 = tpu.vector_load %arg17[%swap3A_1427, %swap3A_1428] {strides = array<i32>} : memref<64x64xi32, #tpu.memory_space<vmem>>, vector<1x16xi32>,
        %swap3A_1430 = vector.shape_cast %swap3A_1429 : vector<1x16xi32> to vector<16xi32>
        %swap3A_1431 = vector.shape_cast %or3A_1424 : vector<16xi32> to vector<1x16xi32>
        tpu.vector_store %arg17[%swap3A_1427, %swap3A_1428], %swap3A_1431 {strides = array<i32>} : memref<64x64xi32, #tpu.memory_space<vmem>>, vector<1x16xi32>,
        %add3A_1432 = arith.constant 320 : i32
        %add3A_1433 = arith.addi %add3A_1432, %scan3A_875 : i32
        %get3A_1434 = arith.index_cast %add3A_1433 : i32 to index
        %get3A_1435 = arith.constant 96 : index
        %get3A_1436 = tpu.vector_load %arg15[%get3A_1434, %get3A_1435] {strides = array<i32>} : memref<640x128xf32, #tpu.memory_space<vmem>>, vector<1x16xf32>,
        %get3A_1437 = vector.shape_cast %get3A_1436 : vector<1x16xf32> to vector<16xf32>
        %add3A_1438 = arith.constant 352 : i32
        %add3A_1439 = arith.addi %add3A_1438, %scan3A_875 : i32
        %get3A_1440 = arith.index_cast %add3A_1439 : i32 to index
        %get3A_1441 = arith.constant 96 : index
        %get3A_1442 = tpu.vector_load %arg15[%get3A_1440, %get3A_1441] {strides = array<i32>} : memref<640x128xf32, #tpu.memory_space<vmem>>, vector<1x16xf32>,
        %get3A_1443 = vector.shape_cast %get3A_1442 : vector<1x16xf32> to vector<16xf32>
        %add3A_1444 = arith.addf %get3A_1437, %get3A_1443 : vector<16xf32>
        %add3A_1445 = arith.constant 384 : i32
        %add3A_1446 = arith.addi %add3A_1445, %scan3A_875 : i32
        %get3A_1447 = arith.index_cast %add3A_1446 : i32 to index
        %get3A_1448 = arith.constant 96 : index
        %get3A_1449 = tpu.vector_load %arg15[%get3A_1447, %get3A_1448] {strides = array<i32>} : memref<640x128xf32, #tpu.memory_space<vmem>>, vector<1x16xf32>,
        %get3A_1450 = vector.shape_cast %get3A_1449 : vector<1x16xf32> to vector<16xf32>
        %add3A_1451 = arith.addf %add3A_1444, %get3A_1450 : vector<16xf32>
        %add3A_1452 = arith.constant 416 : i32
        %add3A_1453 = arith.addi %add3A_1452, %scan3A_875 : i32
        %get3A_1454 = arith.index_cast %add3A_1453 : i32 to index
        %get3A_1455 = arith.constant 96 : index
        %get3A_1456 = tpu.vector_load %arg15[%get3A_1454, %get3A_1455] {strides = array<i32>} : memref<640x128xf32, #tpu.memory_space<vmem>>, vector<1x16xf32>,
        %get3A_1457 = vector.shape_cast %get3A_1456 : vector<1x16xf32> to vector<16xf32>
        %add3A_1458 = arith.addf %add3A_1451, %get3A_1457 : vector<16xf32>
        %add3A_1459 = arith.constant 448 : i32
        %add3A_1460 = arith.addi %add3A_1459, %scan3A_875 : i32
        %get3A_1461 = arith.index_cast %add3A_1460 : i32 to index
        %get3A_1462 = arith.constant 96 : index
        %get3A_1463 = tpu.vector_load %arg15[%get3A_1461, %get3A_1462] {strides = array<i32>} : memref<640x128xf32, #tpu.memory_space<vmem>>, vector<1x16xf32>,
        %get3A_1464 = vector.shape_cast %get3A_1463 : vector<1x16xf32> to vector<16xf32>
        %add3A_1465 = arith.addf %add3A_1458, %get3A_1464 : vector<16xf32>
        %add3A_1466 = arith.constant 480 : i32
        %add3A_1467 = arith.addi %add3A_1466, %scan3A_875 : i32
        %get3A_1468 = arith.index_cast %add3A_1467 : i32 to index
        %get3A_1469 = arith.constant 96 : index
        %get3A_1470 = tpu.vector_load %arg15[%get3A_1468, %get3A_1469] {strides = array<i32>} : memref<640x128xf32, #tpu.memory_space<vmem>>, vector<1x16xf32>,
        %get3A_1471 = vector.shape_cast %get3A_1470 : vector<1x16xf32> to vector<16xf32>
        %add3A_1472 = arith.addf %add3A_1465, %get3A_1471 : vector<16xf32>
        %add3A_1473 = arith.constant 512 : i32
        %add3A_1474 = arith.addi %add3A_1473, %scan3A_875 : i32
        %get3A_1475 = arith.index_cast %add3A_1474 : i32 to index
        %get3A_1476 = arith.constant 96 : index
        %get3A_1477 = tpu.vector_load %arg15[%get3A_1475, %get3A_1476] {strides = array<i32>} : memref<640x128xf32, #tpu.memory_space<vmem>>, vector<1x16xf32>,
        %get3A_1478 = vector.shape_cast %get3A_1477 : vector<1x16xf32> to vector<16xf32>
        %add3A_1479 = arith.addf %add3A_1472, %get3A_1478 : vector<16xf32>
        %add3A_1480 = arith.constant 544 : i32
        %add3A_1481 = arith.addi %add3A_1480, %scan3A_875 : i32
        %get3A_1482 = arith.index_cast %add3A_1481 : i32 to index
        %get3A_1483 = arith.constant 96 : index
        %get3A_1484 = tpu.vector_load %arg15[%get3A_1482, %get3A_1483] {strides = array<i32>} : memref<640x128xf32, #tpu.memory_space<vmem>>, vector<1x16xf32>,
        %get3A_1485 = vector.shape_cast %get3A_1484 : vector<1x16xf32> to vector<16xf32>
        %add3A_1486 = arith.addf %add3A_1479, %get3A_1485 : vector<16xf32>
        %add3A_1487 = arith.constant 576 : i32
        %add3A_1488 = arith.addi %add3A_1487, %scan3A_875 : i32
        %get3A_1489 = arith.index_cast %add3A_1488 : i32 to index
        %get3A_1490 = arith.constant 96 : index
        %get3A_1491 = tpu.vector_load %arg15[%get3A_1489, %get3A_1490] {strides = array<i32>} : memref<640x128xf32, #tpu.memory_space<vmem>>, vector<1x16xf32>,
        %get3A_1492 = vector.shape_cast %get3A_1491 : vector<1x16xf32> to vector<16xf32>
        %add3A_1493 = arith.addf %add3A_1486, %get3A_1492 : vector<16xf32>
        %add3A_1494 = arith.constant 608 : i32
        %add3A_1495 = arith.addi %add3A_1494, %scan3A_875 : i32
        %get3A_1496 = arith.index_cast %add3A_1495 : i32 to index
        %get3A_1497 = arith.constant 96 : index
        %get3A_1498 = tpu.vector_load %arg15[%get3A_1496, %get3A_1497] {strides = array<i32>} : memref<640x128xf32, #tpu.memory_space<vmem>>, vector<1x16xf32>,
        %get3A_1499 = vector.shape_cast %get3A_1498 : vector<1x16xf32> to vector<16xf32>
        %add3A_1500 = arith.addf %add3A_1493, %get3A_1499 : vector<16xf32>
        %mul3A_1501 = vector.broadcast %scan3A_822 : f32 to vector<16xf32>
        %mul3A_1502 = arith.mulf %add3A_1500, %mul3A_1501 : vector<16xf32>
        %add3A_1503 = arith.constant 320 : i32
        %add3A_1504 = arith.addi %add3A_1503, %scan3A_875 : i32
        %get3A_1505 = arith.index_cast %add3A_1504 : i32 to index
        %get3A_1506 = arith.constant 112 : index
        %get3A_1507 = tpu.vector_load %arg15[%get3A_1505, %get3A_1506] {strides = array<i32>} : memref<640x128xf32, #tpu.memory_space<vmem>>, vector<1x16xf32>,
        %get3A_1508 = vector.shape_cast %get3A_1507 : vector<1x16xf32> to vector<16xf32>
        %add3A_1509 = arith.constant 352 : i32
        %add3A_1510 = arith.addi %add3A_1509, %scan3A_875 : i32
        %get3A_1511 = arith.index_cast %add3A_1510 : i32 to index
        %get3A_1512 = arith.constant 112 : index
        %get3A_1513 = tpu.vector_load %arg15[%get3A_1511, %get3A_1512] {strides = array<i32>} : memref<640x128xf32, #tpu.memory_space<vmem>>, vector<1x16xf32>,
        %get3A_1514 = vector.shape_cast %get3A_1513 : vector<1x16xf32> to vector<16xf32>
        %add3A_1515 = arith.addf %get3A_1508, %get3A_1514 : vector<16xf32>
        %add3A_1516 = arith.constant 384 : i32
        %add3A_1517 = arith.addi %add3A_1516, %scan3A_875 : i32
        %get3A_1518 = arith.index_cast %add3A_1517 : i32 to index
        %get3A_1519 = arith.constant 112 : index
        %get3A_1520 = tpu.vector_load %arg15[%get3A_1518, %get3A_1519] {strides = array<i32>} : memref<640x128xf32, #tpu.memory_space<vmem>>, vector<1x16xf32>,
        %get3A_1521 = vector.shape_cast %get3A_1520 : vector<1x16xf32> to vector<16xf32>
        %add3A_1522 = arith.addf %add3A_1515, %get3A_1521 : vector<16xf32>
        %add3A_1523 = arith.constant 416 : i32
        %add3A_1524 = arith.addi %add3A_1523, %scan3A_875 : i32
        %get3A_1525 = arith.index_cast %add3A_1524 : i32 to index
        %get3A_1526 = arith.constant 112 : index
        %get3A_1527 = tpu.vector_load %arg15[%get3A_1525, %get3A_1526] {strides = array<i32>} : memref<640x128xf32, #tpu.memory_space<vmem>>, vector<1x16xf32>,
        %get3A_1528 = vector.shape_cast %get3A_1527 : vector<1x16xf32> to vector<16xf32>
        %add3A_1529 = arith.addf %add3A_1522, %get3A_1528 : vector<16xf32>
        %add3A_1530 = arith.constant 448 : i32
        %add3A_1531 = arith.addi %add3A_1530, %scan3A_875 : i32
        %get3A_1532 = arith.index_cast %add3A_1531 : i32 to index
        %get3A_1533 = arith.constant 112 : index
        %get3A_1534 = tpu.vector_load %arg15[%get3A_1532, %get3A_1533] {strides = array<i32>} : memref<640x128xf32, #tpu.memory_space<vmem>>, vector<1x16xf32>,
        %get3A_1535 = vector.shape_cast %get3A_1534 : vector<1x16xf32> to vector<16xf32>
        %add3A_1536 = arith.addf %add3A_1529, %get3A_1535 : vector<16xf32>
        %add3A_1537 = arith.constant 480 : i32
        %add3A_1538 = arith.addi %add3A_1537, %scan3A_875 : i32
        %get3A_1539 = arith.index_cast %add3A_1538 : i32 to index
        %get3A_1540 = arith.constant 112 : index
        %get3A_1541 = tpu.vector_load %arg15[%get3A_1539, %get3A_1540] {strides = array<i32>} : memref<640x128xf32, #tpu.memory_space<vmem>>, vector<1x16xf32>,
        %get3A_1542 = vector.shape_cast %get3A_1541 : vector<1x16xf32> to vector<16xf32>
        %add3A_1543 = arith.addf %add3A_1536, %get3A_1542 : vector<16xf32>
        %add3A_1544 = arith.constant 512 : i32
        %add3A_1545 = arith.addi %add3A_1544, %scan3A_875 : i32
        %get3A_1546 = arith.index_cast %add3A_1545 : i32 to index
        %get3A_1547 = arith.constant 112 : index
        %get3A_1548 = tpu.vector_load %arg15[%get3A_1546, %get3A_1547] {strides = array<i32>} : memref<640x128xf32, #tpu.memory_space<vmem>>, vector<1x16xf32>,
        %get3A_1549 = vector.shape_cast %get3A_1548 : vector<1x16xf32> to vector<16xf32>
        %add3A_1550 = arith.addf %add3A_1543, %get3A_1549 : vector<16xf32>
        %add3A_1551 = arith.constant 544 : i32
        %add3A_1552 = arith.addi %add3A_1551, %scan3A_875 : i32
        %get3A_1553 = arith.index_cast %add3A_1552 : i32 to index
        %get3A_1554 = arith.constant 112 : index
        %get3A_1555 = tpu.vector_load %arg15[%get3A_1553, %get3A_1554] {strides = array<i32>} : memref<640x128xf32, #tpu.memory_space<vmem>>, vector<1x16xf32>,
        %get3A_1556 = vector.shape_cast %get3A_1555 : vector<1x16xf32> to vector<16xf32>
        %add3A_1557 = arith.addf %add3A_1550, %get3A_1556 : vector<16xf32>
        %add3A_1558 = arith.constant 576 : i32
        %add3A_1559 = arith.addi %add3A_1558, %scan3A_875 : i32
        %get3A_1560 = arith.index_cast %add3A_1559 : i32 to index
        %get3A_1561 = arith.constant 112 : index
        %get3A_1562 = tpu.vector_load %arg15[%get3A_1560, %get3A_1561] {strides = array<i32>} : memref<640x128xf32, #tpu.memory_space<vmem>>, vector<1x16xf32>,
        %get3A_1563 = vector.shape_cast %get3A_1562 : vector<1x16xf32> to vector<16xf32>
        %add3A_1564 = arith.addf %add3A_1557, %get3A_1563 : vector<16xf32>
        %add3A_1565 = arith.constant 608 : i32
        %add3A_1566 = arith.addi %add3A_1565, %scan3A_875 : i32
        %get3A_1567 = arith.index_cast %add3A_1566 : i32 to index
        %get3A_1568 = arith.constant 112 : index
        %get3A_1569 = tpu.vector_load %arg15[%get3A_1567, %get3A_1568] {strides = array<i32>} : memref<640x128xf32, #tpu.memory_space<vmem>>, vector<1x16xf32>,
        %get3A_1570 = vector.shape_cast %get3A_1569 : vector<1x16xf32> to vector<16xf32>
        %add3A_1571 = arith.addf %add3A_1564, %get3A_1570 : vector<16xf32>
        %mul3A_1572 = vector.broadcast %scan3A_822 : f32 to vector<16xf32>
        %mul3A_1573 = arith.mulf %add3A_1571, %mul3A_1572 : vector<16xf32>
        %bitcast_convert_type3A_1574 = tpu.bitcast %mul3A_1502 : vector<16xf32> -> vector<16xi32>
        %bitcast_convert_type3A_1575 = tpu.bitcast %mul3A_1573 : vector<16xf32> -> vector<16xi32>
        %shift_right_logical3A_1576 = arith.constant 16 : i32
        %shift_right_logical3A_1577 = vector.broadcast %shift_right_logical3A_1576 : i32 to vector<16xi32>
        %shift_right_logical3A_1578 = arith.shrui %bitcast_convert_type3A_1574, %shift_right_logical3A_1577 : vector<16xi32>
        %and3A_1579 = arith.constant -65536 : i32
        %and3A_1580 = vector.broadcast %and3A_1579 : i32 to vector<16xi32>
        %and3A_1581 = arith.andi %bitcast_convert_type3A_1575, %and3A_1580 : vector<16xi32>
        %or3A_1582 = arith.ori %shift_right_logical3A_1578, %and3A_1581 : vector<16xi32>
        %add3A_1583 = arith.constant 32 : i32
        %add3A_1584 = arith.addi %add3A_1583, %scan3A_875 : i32
        %swap3A_1585 = arith.index_cast %add3A_1584 : i32 to index
        %swap3A_1586 = arith.constant 48 : index
        %swap3A_1587 = tpu.vector_load %arg16[%swap3A_1585, %swap3A_1586] {strides = array<i32>} : memref<64x64xi32, #tpu.memory_space<vmem>>, vector<1x16xi32>,
        %swap3A_1588 = vector.shape_cast %swap3A_1587 : vector<1x16xi32> to vector<16xi32>
        %swap3A_1589 = vector.shape_cast %or3A_1582 : vector<16xi32> to vector<1x16xi32>
        tpu.vector_store %arg16[%swap3A_1585, %swap3A_1586], %swap3A_1589 {strides = array<i32>} : memref<64x64xi32, #tpu.memory_space<vmem>>, vector<1x16xi32>,
        %add3A_1590 = arith.constant 32 : i32
        %add3A_1591 = arith.addi %add3A_1590, %scan3A_875 : i32
        %get3A_1592 = arith.index_cast %add3A_1591 : i32 to index
        %get3A_1593 = arith.constant 96 : index
        %get3A_1594 = tpu.vector_load %arg14[%get3A_1592, %get3A_1593] {strides = array<i32>} : memref<64x128xf32, #tpu.memory_space<vmem>>, vector<1x16xf32>,
        %get3A_1595 = vector.shape_cast %get3A_1594 : vector<1x16xf32> to vector<16xf32>
        %add3A_1596 = arith.constant 32 : i32
        %add3A_1597 = arith.addi %add3A_1596, %scan3A_875 : i32
        %get3A_1598 = arith.index_cast %add3A_1597 : i32 to index
        %get3A_1599 = arith.constant 112 : index
        %get3A_1600 = tpu.vector_load %arg14[%get3A_1598, %get3A_1599] {strides = array<i32>} : memref<64x128xf32, #tpu.memory_space<vmem>>, vector<1x16xf32>,
        %get3A_1601 = vector.shape_cast %get3A_1600 : vector<1x16xf32> to vector<16xf32>
        %bitcast_convert_type3A_1602 = tpu.bitcast %get3A_1595 : vector<16xf32> -> vector<16xi32>
        %bitcast_convert_type3A_1603 = tpu.bitcast %get3A_1601 : vector<16xf32> -> vector<16xi32>
        %shift_right_logical3A_1604 = arith.constant 16 : i32
        %shift_right_logical3A_1605 = vector.broadcast %shift_right_logical3A_1604 : i32 to vector<16xi32>
        %shift_right_logical3A_1606 = arith.shrui %bitcast_convert_type3A_1602, %shift_right_logical3A_1605 : vector<16xi32>
        %and3A_1607 = arith.constant -65536 : i32
        %and3A_1608 = vector.broadcast %and3A_1607 : i32 to vector<16xi32>
        %and3A_1609 = arith.andi %bitcast_convert_type3A_1603, %and3A_1608 : vector<16xi32>
        %or3A_1610 = arith.ori %shift_right_logical3A_1606, %and3A_1609 : vector<16xi32>
        %add3A_1611 = arith.constant 32 : i32
        %add3A_1612 = arith.addi %add3A_1611, %scan3A_875 : i32
        %swap3A_1613 = arith.index_cast %add3A_1612 : i32 to index
        %swap3A_1614 = arith.constant 48 : index
        %swap3A_1615 = tpu.vector_load %arg17[%swap3A_1613, %swap3A_1614] {strides = array<i32>} : memref<64x64xi32, #tpu.memory_space<vmem>>, vector<1x16xi32>,
        %swap3A_1616 = vector.shape_cast %swap3A_1615 : vector<1x16xi32> to vector<16xi32>
        %swap3A_1617 = vector.shape_cast %or3A_1610 : vector<16xi32> to vector<1x16xi32>
        tpu.vector_store %arg17[%swap3A_1613, %swap3A_1614], %swap3A_1617 {strides = array<i32>} : memref<64x64xi32, #tpu.memory_space<vmem>>, vector<1x16xi32>,
        %scan3A_1618 = arith.constant 0 : i32
        scf.yield %scan3A_1618 : i32
      }
      %scan3A_829 = arith.constant 32 : i32
      %sub3A_830 = arith.constant 4 : i32
      %sub3A_831 = arith.subi %add3A_776, %sub3A_830 : i32
      %max3A_832 = arith.constant 0 : i32
      %max3A_833 = arith.maxsi %sub3A_831, %max3A_832 : i32
      %jit3A_834 = arith.constant 4 : i32
      %div3A_835 = arith.divsi %max3A_833, %jit3A_834 : i32
      %sign3A_836 = arith.constant 0 : i32
      %sign3A_837 = arith.cmpi sgt, %max3A_833, %sign3A_836 : i32
      %sign3A_838 = arith.extui %sign3A_837 : i1 to i32
      %sign3A_839 = arith.constant 0 : i32
      %sign3A_840 = arith.cmpi slt, %max3A_833, %sign3A_839 : i32
      %sign3A_841 = arith.extui %sign3A_840 : i1 to i32
      %sign3A_842 = arith.subi %sign3A_838, %sign3A_841 : i32
      %sign3A_843 = arith.constant 0 : i32
      %sign3A_844 = arith.cmpi sgt, %jit3A_834, %sign3A_843 : i32
      %sign3A_845 = arith.extui %sign3A_844 : i1 to i32
      %sign3A_846 = arith.constant 0 : i32
      %sign3A_847 = arith.cmpi slt, %jit3A_834, %sign3A_846 : i32
      %sign3A_848 = arith.extui %sign3A_847 : i1 to i32
      %sign3A_849 = arith.subi %sign3A_845, %sign3A_848 : i32
      %ne3A_850 = arith.cmpi ne, %sign3A_842, %sign3A_849 : i32
      %rem3A_851 = arith.remsi %max3A_833, %jit3A_834 : i32
      %ne3A_852 = arith.constant 0 : i32
      %ne3A_853 = arith.cmpi ne, %rem3A_851, %ne3A_852 : i32
      %and3A_854 = arith.andi %ne3A_850, %ne3A_853 : i1
      %sub3A_855 = arith.constant 1 : i32
      %sub3A_856 = arith.subi %div3A_835, %sub3A_855 : i32
      %select_n3A_857 = arith.select %and3A_854, %sub3A_856, %div3A_835 : i32
      %mul3A_858 = arith.constant 4 : i32
      %mul3A_859 = arith.muli %select_n3A_857, %mul3A_858 : i32
      %sub3A_860 = arith.subi %max3A_833, %mul3A_859 : i32
      %mul3A_861 = arith.constant 128 : i32
      %mul3A_862 = arith.muli %add3A, %mul3A_861 : i32
      %mul3A_863 = arith.constant 32 : i32
      %mul3A_864 = arith.muli %sub3A_860, %mul3A_863 : i32
      %add3A_865 = arith.addi %mul3A_862, %mul3A_864 : i32
      %convert_element_type3A_866 = arith.extui %lt3A_821 : i1 to i32
      %cond3A_867 = arith.constant 0 : i32
      %cond3A_868 = arith.cmpi ne, %convert_element_type3A_866, %cond3A_867 : i32
      scf.if %cond3A_868 {
        %mul3A_875 = arith.constant 128 : i32
        %mul3A_876 = arith.muli %add3A, %mul3A_875 : i32
        %mul3A_877 = arith.constant 32 : i32
        %mul3A_878 = arith.muli %add3A_776, %mul3A_877 : i32
        %add3A_879 = arith.addi %mul3A_876, %mul3A_878 : i32
        %dma_start3A_880 = arith.constant 32 : i32
        %dma_start3A_881 = arith.constant 0 : i32
        %dma_start3A_882 = tpu.memref_slice %arg17[%dma_start3A_880, %dma_start3A_881] : memref<64x64xi32, #tpu.memory_space<vmem>> -> memref<32x64xi32, #tpu.memory_space<vmem>>
        %dma_start3A_883 = arith.constant 0 : i32
        %dma_start3A_884 = tpu.memref_slice %arg5[%add3A_879, %dma_start3A_883] : memref<4096x64xi32, #tpu.memory_space<hbm>> -> memref<32x64xi32, #tpu.memory_space<hbm>>
        %dma_start3A_885 = arith.constant 0 : i32
        %dma_start3A_886 = tpu.memref_slice %arg5[%add3A_879, %dma_start3A_885] : memref<4096x64xi32, #tpu.memory_space<hbm>> -> memref<32x64xi32, #tpu.memory_space<hbm>>
        %dma_start3A_887 = arith.constant 32 : i32
        %dma_start3A_888 = arith.constant 0 : i32
        %dma_start3A_889 = tpu.memref_slice %arg17[%dma_start3A_887, %dma_start3A_888] : memref<64x64xi32, #tpu.memory_space<vmem>> -> memref<32x64xi32, #tpu.memory_space<vmem>>
        tpu.enqueue_dma source(%dma_start3A_889 : memref<32x64xi32, #tpu.memory_space<vmem>>) target(%dma_start3A_886 : memref<32x64xi32, #tpu.memory_space<hbm>>) target_semaphore(%arg22 : memref<!tpu.dma_semaphore, #tpu.memory_space<semaphore_mem>>)
        %dma_start3A_890 = arith.constant 32 : i32
        %dma_start3A_891 = arith.constant 0 : i32
        %dma_start3A_892 = tpu.memref_slice %arg16[%dma_start3A_890, %dma_start3A_891] : memref<64x64xi32, #tpu.memory_space<vmem>> -> memref<32x64xi32, #tpu.memory_space<vmem>>
        %dma_start3A_893 = arith.constant 0 : i32
        %dma_start3A_894 = tpu.memref_slice %arg6[%add3A_879, %dma_start3A_893] : memref<4096x64xi32, #tpu.memory_space<hbm>> -> memref<32x64xi32, #tpu.memory_space<hbm>>
        %dma_start3A_895 = arith.constant 0 : i32
        %dma_start3A_896 = tpu.memref_slice %arg6[%add3A_879, %dma_start3A_895] : memref<4096x64xi32, #tpu.memory_space<hbm>> -> memref<32x64xi32, #tpu.memory_space<hbm>>
        %dma_start3A_897 = arith.constant 32 : i32
        %dma_start3A_898 = arith.constant 0 : i32
        %dma_start3A_899 = tpu.memref_slice %arg16[%dma_start3A_897, %dma_start3A_898] : memref<64x64xi32, #tpu.memory_space<vmem>> -> memref<32x64xi32, #tpu.memory_space<vmem>>
        tpu.enqueue_dma source(%dma_start3A_899 : memref<32x64xi32, #tpu.memory_space<vmem>>) target(%dma_start3A_896 : memref<32x64xi32, #tpu.memory_space<hbm>>) target_semaphore(%arg22 : memref<!tpu.dma_semaphore, #tpu.memory_space<semaphore_mem>>)
      } else {
      }
      %not3A_869 = arith.constant true
      %not3A_870 = arith.xori %lt3A_821, %not3A_869 : i1
      %convert_element_type3A_871 = arith.extui %not3A_870 : i1 to i32
      %cond3A_872 = arith.constant 0 : i32
      %cond3A_873 = arith.cmpi ne, %convert_element_type3A_871, %cond3A_872 : i32
      scf.if %cond3A_873 {
        %dma_start3A_875 = arith.constant 32 : i32
        %dma_start3A_876 = arith.constant 0 : i32
        %dma_start3A_877 = tpu.memref_slice %arg17[%dma_start3A_875, %dma_start3A_876] : memref<64x64xi32, #tpu.memory_space<vmem>> -> memref<32x64xi32, #tpu.memory_space<vmem>>
        %dma_start3A_878 = arith.constant 0 : i32
        %dma_start3A_879 = tpu.memref_slice %arg7[%select_n3A_857, %add3A_865, %dma_start3A_878] : memref<10x4096x64xi32, #tpu.memory_space<hbm>> -> memref<1x32x64xi32, #tpu.memory_space<hbm>>
        %dma_start3A_880 = tpu.memref_squeeze %dma_start3A_879 : memref<1x32x64xi32, #tpu.memory_space<hbm>> -> memref<32x64xi32, #tpu.memory_space<hbm>>
        %dma_start3A_881 = arith.constant 0 : i32
        %dma_start3A_882 = tpu.memref_slice %arg7[%select_n3A_857, %add3A_865, %dma_start3A_881] : memref<10x4096x64xi32, #tpu.memory_space<hbm>> -> memref<1x32x64xi32, #tpu.memory_space<hbm>>
        %dma_start3A_883 = tpu.memref_squeeze %dma_start3A_882 : memref<1x32x64xi32, #tpu.memory_space<hbm>> -> memref<32x64xi32, #tpu.memory_space<hbm>>
        %dma_start3A_884 = arith.constant 32 : i32
        %dma_start3A_885 = arith.constant 0 : i32
        %dma_start3A_886 = tpu.memref_slice %arg17[%dma_start3A_884, %dma_start3A_885] : memref<64x64xi32, #tpu.memory_space<vmem>> -> memref<32x64xi32, #tpu.memory_space<vmem>>
        tpu.enqueue_dma source(%dma_start3A_886 : memref<32x64xi32, #tpu.memory_space<vmem>>) target(%dma_start3A_883 : memref<32x64xi32, #tpu.memory_space<hbm>>) target_semaphore(%arg22 : memref<!tpu.dma_semaphore, #tpu.memory_space<semaphore_mem>>)
        %dma_start3A_887 = arith.constant 32 : i32
        %dma_start3A_888 = arith.constant 0 : i32
        %dma_start3A_889 = tpu.memref_slice %arg16[%dma_start3A_887, %dma_start3A_888] : memref<64x64xi32, #tpu.memory_space<vmem>> -> memref<32x64xi32, #tpu.memory_space<vmem>>
        %dma_start3A_890 = arith.constant 0 : i32
        %dma_start3A_891 = tpu.memref_slice %arg8[%select_n3A_857, %add3A_865, %dma_start3A_890] : memref<10x4096x64xi32, #tpu.memory_space<hbm>> -> memref<1x32x64xi32, #tpu.memory_space<hbm>>
        %dma_start3A_892 = tpu.memref_squeeze %dma_start3A_891 : memref<1x32x64xi32, #tpu.memory_space<hbm>> -> memref<32x64xi32, #tpu.memory_space<hbm>>
        %dma_start3A_893 = arith.constant 0 : i32
        %dma_start3A_894 = tpu.memref_slice %arg8[%select_n3A_857, %add3A_865, %dma_start3A_893] : memref<10x4096x64xi32, #tpu.memory_space<hbm>> -> memref<1x32x64xi32, #tpu.memory_space<hbm>>
        %dma_start3A_895 = tpu.memref_squeeze %dma_start3A_894 : memref<1x32x64xi32, #tpu.memory_space<hbm>> -> memref<32x64xi32, #tpu.memory_space<hbm>>
        %dma_start3A_896 = arith.constant 32 : i32
        %dma_start3A_897 = arith.constant 0 : i32
        %dma_start3A_898 = tpu.memref_slice %arg16[%dma_start3A_896, %dma_start3A_897] : memref<64x64xi32, #tpu.memory_space<vmem>> -> memref<32x64xi32, #tpu.memory_space<vmem>>
        tpu.enqueue_dma source(%dma_start3A_898 : memref<32x64xi32, #tpu.memory_space<vmem>>) target(%dma_start3A_895 : memref<32x64xi32, #tpu.memory_space<hbm>>) target_semaphore(%arg22 : memref<!tpu.dma_semaphore, #tpu.memory_space<semaphore_mem>>)
      } else {
      }
      %scan3A_874 = arith.constant 0 : i32
      scf.yield %scan3A_874 : i32
    }
    %scan3A_624 = arith.constant 22 : i32
    %dma_wait3A_625 = arith.constant 0 : i32
    %dma_wait3A_626 = arith.constant 0 : i32
    %dma_wait3A_627 = tpu.memref_slice %arg17[%dma_wait3A_625, %dma_wait3A_626] : memref<64x64xi32, #tpu.memory_space<vmem>> -> memref<32x64xi32, #tpu.memory_space<vmem>>
    %dma_wait3A_628 = arith.constant 0 : i32
    %dma_wait3A_629 = arith.constant 0 : i32
    %dma_wait3A_630 = tpu.memref_slice %arg5[%dma_wait3A_628, %dma_wait3A_629] : memref<4096x64xi32, #tpu.memory_space<hbm>> -> memref<32x64xi32, #tpu.memory_space<hbm>>
    %dma_wait3A_631 = arith.constant 0 : i32
    %dma_wait3A_632 = arith.constant 0 : i32
    %dma_wait3A_633 = tpu.memref_slice %arg5[%dma_wait3A_631, %dma_wait3A_632] : memref<4096x64xi32, #tpu.memory_space<hbm>> -> memref<32x64xi32, #tpu.memory_space<hbm>>
    %dma_wait3A_634 = arith.constant 0 : i32
    %dma_wait3A_635 = arith.constant 0 : i32
    %dma_wait3A_636 = tpu.memref_slice %arg17[%dma_wait3A_634, %dma_wait3A_635] : memref<64x64xi32, #tpu.memory_space<vmem>> -> memref<32x64xi32, #tpu.memory_space<vmem>>
    tpu.wait_dma2 semaphore(%arg21 : memref<!tpu.dma_semaphore, #tpu.memory_space<semaphore_mem>>) src(%dma_wait3A_636 : memref<32x64xi32, #tpu.memory_space<vmem>>) dst(%dma_wait3A_633 : memref<32x64xi32, #tpu.memory_space<hbm>>)
    %dma_wait3A_637 = arith.constant 0 : i32
    %dma_wait3A_638 = arith.constant 0 : i32
    %dma_wait3A_639 = tpu.memref_slice %arg16[%dma_wait3A_637, %dma_wait3A_638] : memref<64x64xi32, #tpu.memory_space<vmem>> -> memref<32x64xi32, #tpu.memory_space<vmem>>
    %dma_wait3A_640 = arith.constant 0 : i32
    %dma_wait3A_641 = arith.constant 0 : i32
    %dma_wait3A_642 = tpu.memref_slice %arg6[%dma_wait3A_640, %dma_wait3A_641] : memref<4096x64xi32, #tpu.memory_space<hbm>> -> memref<32x64xi32, #tpu.memory_space<hbm>>
    %dma_wait3A_643 = arith.constant 0 : i32
    %dma_wait3A_644 = arith.constant 0 : i32
    %dma_wait3A_645 = tpu.memref_slice %arg6[%dma_wait3A_643, %dma_wait3A_644] : memref<4096x64xi32, #tpu.memory_space<hbm>> -> memref<32x64xi32, #tpu.memory_space<hbm>>
    %dma_wait3A_646 = arith.constant 0 : i32
    %dma_wait3A_647 = arith.constant 0 : i32
    %dma_wait3A_648 = tpu.memref_slice %arg16[%dma_wait3A_646, %dma_wait3A_647] : memref<64x64xi32, #tpu.memory_space<vmem>> -> memref<32x64xi32, #tpu.memory_space<vmem>>
    tpu.wait_dma2 semaphore(%arg21 : memref<!tpu.dma_semaphore, #tpu.memory_space<semaphore_mem>>) src(%dma_wait3A_648 : memref<32x64xi32, #tpu.memory_space<vmem>>) dst(%dma_wait3A_645 : memref<32x64xi32, #tpu.memory_space<hbm>>)
    %dma_wait3A_649 = arith.constant 32 : i32
    %dma_wait3A_650 = arith.constant 0 : i32
    %dma_wait3A_651 = tpu.memref_slice %arg17[%dma_wait3A_649, %dma_wait3A_650] : memref<64x64xi32, #tpu.memory_space<vmem>> -> memref<32x64xi32, #tpu.memory_space<vmem>>
    %dma_wait3A_652 = arith.constant 0 : i32
    %dma_wait3A_653 = arith.constant 0 : i32
    %dma_wait3A_654 = tpu.memref_slice %arg5[%dma_wait3A_652, %dma_wait3A_653] : memref<4096x64xi32, #tpu.memory_space<hbm>> -> memref<32x64xi32, #tpu.memory_space<hbm>>
    %dma_wait3A_655 = arith.constant 0 : i32
    %dma_wait3A_656 = arith.constant 0 : i32
    %dma_wait3A_657 = tpu.memref_slice %arg5[%dma_wait3A_655, %dma_wait3A_656] : memref<4096x64xi32, #tpu.memory_space<hbm>> -> memref<32x64xi32, #tpu.memory_space<hbm>>
    %dma_wait3A_658 = arith.constant 32 : i32
    %dma_wait3A_659 = arith.constant 0 : i32
    %dma_wait3A_660 = tpu.memref_slice %arg17[%dma_wait3A_658, %dma_wait3A_659] : memref<64x64xi32, #tpu.memory_space<vmem>> -> memref<32x64xi32, #tpu.memory_space<vmem>>
    tpu.wait_dma2 semaphore(%arg22 : memref<!tpu.dma_semaphore, #tpu.memory_space<semaphore_mem>>) src(%dma_wait3A_660 : memref<32x64xi32, #tpu.memory_space<vmem>>) dst(%dma_wait3A_657 : memref<32x64xi32, #tpu.memory_space<hbm>>)
    %dma_wait3A_661 = arith.constant 32 : i32
    %dma_wait3A_662 = arith.constant 0 : i32
    %dma_wait3A_663 = tpu.memref_slice %arg16[%dma_wait3A_661, %dma_wait3A_662] : memref<64x64xi32, #tpu.memory_space<vmem>> -> memref<32x64xi32, #tpu.memory_space<vmem>>
    %dma_wait3A_664 = arith.constant 0 : i32
    %dma_wait3A_665 = arith.constant 0 : i32
    %dma_wait3A_666 = tpu.memref_slice %arg6[%dma_wait3A_664, %dma_wait3A_665] : memref<4096x64xi32, #tpu.memory_space<hbm>> -> memref<32x64xi32, #tpu.memory_space<hbm>>
    %dma_wait3A_667 = arith.constant 0 : i32
    %dma_wait3A_668 = arith.constant 0 : i32
    %dma_wait3A_669 = tpu.memref_slice %arg6[%dma_wait3A_667, %dma_wait3A_668] : memref<4096x64xi32, #tpu.memory_space<hbm>> -> memref<32x64xi32, #tpu.memory_space<hbm>>
    %dma_wait3A_670 = arith.constant 32 : i32
    %dma_wait3A_671 = arith.constant 0 : i32
    %dma_wait3A_672 = tpu.memref_slice %arg16[%dma_wait3A_670, %dma_wait3A_671] : memref<64x64xi32, #tpu.memory_space<vmem>> -> memref<32x64xi32, #tpu.memory_space<vmem>>
    tpu.wait_dma2 semaphore(%arg22 : memref<!tpu.dma_semaphore, #tpu.memory_space<semaphore_mem>>) src(%dma_wait3A_672 : memref<32x64xi32, #tpu.memory_space<vmem>>) dst(%dma_wait3A_669 : memref<32x64xi32, #tpu.memory_space<hbm>>)
    return
  }
}

module attributes {stable_mosaic.version = 14 : i64} {
  func.func @_tc_body(%arg0: i32, %arg1: memref<256x128xbf16, #tpu.memory_space<vmem>>, %arg2: memref<256x128xbf16, #tpu.memory_space<vmem>>, %arg3: memref<10x256x128xbf16, #tpu.memory_space<vmem>>, %arg4: memref<10x256x128xbf16, #tpu.memory_space<vmem>>, %arg5: memref<128x256xf32, #tpu.memory_space<vmem>>, %arg6: memref<128x256xf32, #tpu.memory_space<vmem>>, %arg7: memref<256x128xf32, #tpu.memory_space<vmem>>) attributes {dimension_semantics = [#tpu.dimension_semantics<arbitrary>], iteration_bounds = array<i64: 16>, scalar_prefetch = 0 : i64, scratch_operands = 0 : i64, tpu.core_type = #tpu.core_type<tc>, window_params = [{transform_indices = @transform_0, window_bounds = array<i64: 256, 128>}, {transform_indices = @transform_1, window_bounds = array<i64: 256, 128>}, {transform_indices = @transform_2, window_bounds = array<i64: 10, 256, 128>}, {transform_indices = @transform_3, window_bounds = array<i64: 10, 256, 128>}, {pipeline_mode = #tpu.pipeline_mode<synchronous>, transform_indices = @transform_4, window_bounds = array<i64: 128, 256>}, {pipeline_mode = #tpu.pipeline_mode<synchronous>, transform_indices = @transform_5, window_bounds = array<i64: 128, 256>}, {transform_indices = @transform_6, window_bounds = array<i64: 256, 128>}]} {
    %get3A = arith.constant 0 : index
    %get3A_0 = arith.constant 0 : index
    %get3A_1 = vector.load %arg5[%get3A, %get3A_0] : memref<128x256xf32, #tpu.memory_space<vmem>>, vector<128x128xf32>
    %get3A_2 = arith.constant 0 : index
    %get3A_3 = arith.constant 128 : index
    %get3A_4 = vector.load %arg5[%get3A_2, %get3A_3] : memref<128x256xf32, #tpu.memory_space<vmem>>, vector<128x128xf32>
    %get3A_5 = arith.constant 0 : index
    %get3A_6 = arith.constant 0 : index
    %get3A_7 = vector.load %arg1[%get3A_5, %get3A_6] : memref<256x128xbf16, #tpu.memory_space<vmem>>, vector<256x128xbf16>
    %convert_element_type3A = arith.extf %get3A_7 : vector<256x128xbf16> to vector<256x128xf32>
    %dot_general3A = arith.constant dense<0.000000e+00> : vector<256x128xf32>
    %dot_general3A_8 = tpu.matmul %convert_element_type3A, %get3A_1, %dot_general3A {dimension_numbers = #tpu.dot_dimension_numbers<[1], [1], [0], [0], [0, 0, 1, 0], [], []>, transpose_lhs_hint = false} : vector<256x128xf32>, vector<128x128xf32>, vector<256x128xf32> -> vector<256x128xf32>
    %get3A_9 = arith.constant 0 : index
    %get3A_10 = arith.constant 0 : index
    %get3A_11 = vector.load %arg2[%get3A_9, %get3A_10] : memref<256x128xbf16, #tpu.memory_space<vmem>>, vector<256x128xbf16>
    %convert_element_type3A_12 = arith.extf %get3A_11 : vector<256x128xbf16> to vector<256x128xf32>
    %dot_general3A_13 = arith.constant dense<0.000000e+00> : vector<256x128xf32>
    %dot_general3A_14 = tpu.matmul %convert_element_type3A_12, %get3A_4, %dot_general3A_13 {dimension_numbers = #tpu.dot_dimension_numbers<[1], [1], [0], [0], [0, 0, 1, 0], [], []>, transpose_lhs_hint = false} : vector<256x128xf32>, vector<128x128xf32>, vector<256x128xf32> -> vector<256x128xf32>
    %add3A = arith.addf %dot_general3A_8, %dot_general3A_14 : vector<256x128xf32>
    %max3A = arith.constant 0.000000e+00 : f32
    %max3A_15 = vector.broadcast %max3A : f32 to vector<256x128xf32>
    %max3A_16 = arith.maximumf %add3A, %max3A_15 : vector<256x128xf32>
    %get3A_17 = arith.constant 0 : index
    %get3A_18 = arith.constant 0 : index
    %get3A_19 = arith.constant 0 : index
    %get3A_20 = vector.load %arg3[%get3A_17, %get3A_18, %get3A_19] : memref<10x256x128xbf16, #tpu.memory_space<vmem>>, vector<10x256x128xbf16>
    %convert_element_type3A_21 = arith.extf %get3A_20 : vector<10x256x128xbf16> to vector<10x256x128xf32>
    %reshape3A = vector.shape_cast %convert_element_type3A_21 : vector<10x256x128xf32> to vector<2560x128xf32>
    %get3A_22 = arith.constant 0 : index
    %get3A_23 = arith.constant 0 : index
    %get3A_24 = arith.constant 0 : index
    %get3A_25 = vector.load %arg4[%get3A_22, %get3A_23, %get3A_24] : memref<10x256x128xbf16, #tpu.memory_space<vmem>>, vector<10x256x128xbf16>
    %convert_element_type3A_26 = arith.extf %get3A_25 : vector<10x256x128xbf16> to vector<10x256x128xf32>
    %reshape3A_27 = vector.shape_cast %convert_element_type3A_26 : vector<10x256x128xf32> to vector<2560x128xf32>
    %dot_general3A_28 = arith.constant dense<0.000000e+00> : vector<2560x128xf32>
    %dot_general3A_29 = tpu.matmul %reshape3A, %get3A_1, %dot_general3A_28 {dimension_numbers = #tpu.dot_dimension_numbers<[1], [1], [0], [0], [0, 0, 1, 0], [], []>, transpose_lhs_hint = false} : vector<2560x128xf32>, vector<128x128xf32>, vector<2560x128xf32> -> vector<2560x128xf32>
    %dot_general3A_30 = arith.constant dense<0.000000e+00> : vector<2560x128xf32>
    %dot_general3A_31 = tpu.matmul %reshape3A_27, %get3A_4, %dot_general3A_30 {dimension_numbers = #tpu.dot_dimension_numbers<[1], [1], [0], [0], [0, 0, 1, 0], [], []>, transpose_lhs_hint = false} : vector<2560x128xf32>, vector<128x128xf32>, vector<2560x128xf32> -> vector<2560x128xf32>
    %add3A_32 = arith.addf %dot_general3A_29, %dot_general3A_31 : vector<2560x128xf32>
    %max3A_33 = arith.constant 0.000000e+00 : f32
    %max3A_34 = vector.broadcast %max3A_33 : f32 to vector<2560x128xf32>
    %max3A_35 = arith.maximumf %add3A_32, %max3A_34 : vector<2560x128xf32>
    %reshape3A_36 = vector.shape_cast %max3A_35 : vector<2560x128xf32> to vector<10x256x128xf32>
    %reduce_sum3A = arith.constant dense<0.000000e+00> : vector<256x128xf32>
    %reduce_sum3A_37 = vector.multi_reduction <add>, %reshape3A_36, %reduce_sum3A [0] : vector<10x256x128xf32> to vector<256x128xf32>
    %div3A = arith.constant 1.000000e+01 : f32
    %div3A_38 = vector.broadcast %div3A : f32 to vector<256x128xf32>
    %div3A_39 = arith.divf %reduce_sum3A_37, %div3A_38 : vector<256x128xf32>
    %get3A_40 = arith.constant 0 : index
    %get3A_41 = arith.constant 0 : index
    %get3A_42 = vector.load %arg6[%get3A_40, %get3A_41] : memref<128x256xf32, #tpu.memory_space<vmem>>, vector<128x128xf32>
    %dot_general3A_43 = arith.constant dense<0.000000e+00> : vector<256x128xf32>
    %dot_general3A_44 = tpu.matmul %max3A_16, %get3A_42, %dot_general3A_43 {dimension_numbers = #tpu.dot_dimension_numbers<[1], [1], [0], [0], [0, 0, 1, 0], [], []>, transpose_lhs_hint = false} : vector<256x128xf32>, vector<128x128xf32>, vector<256x128xf32> -> vector<256x128xf32>
    %get3A_45 = arith.constant 0 : index
    %get3A_46 = arith.constant 128 : index
    %get3A_47 = vector.load %arg6[%get3A_45, %get3A_46] : memref<128x256xf32, #tpu.memory_space<vmem>>, vector<128x128xf32>
    %dot_general3A_48 = arith.constant dense<0.000000e+00> : vector<256x128xf32>
    %dot_general3A_49 = tpu.matmul %div3A_39, %get3A_47, %dot_general3A_48 {dimension_numbers = #tpu.dot_dimension_numbers<[1], [1], [0], [0], [0, 0, 1, 0], [], []>, transpose_lhs_hint = false} : vector<256x128xf32>, vector<128x128xf32>, vector<256x128xf32> -> vector<256x128xf32>
    %add3A_50 = arith.addf %dot_general3A_44, %dot_general3A_49 : vector<256x128xf32>
    %max3A_51 = arith.constant 0.000000e+00 : f32
    %max3A_52 = vector.broadcast %max3A_51 : f32 to vector<256x128xf32>
    %max3A_53 = arith.maximumf %add3A_50, %max3A_52 : vector<256x128xf32>
    %swap3A = arith.constant 0 : index
    %swap3A_54 = arith.constant 0 : index
    %swap3A_55 = vector.load %arg7[%swap3A, %swap3A_54] : memref<256x128xf32, #tpu.memory_space<vmem>>, vector<256x128xf32>
    tpu.vector_store %arg7[%swap3A, %swap3A_54], %max3A_53 {strides = array<i32>} : memref<256x128xf32, #tpu.memory_space<vmem>>, vector<256x128xf32>,
    return
  }
  func.func @transform_0(%arg0: i32) -> (i32, i32) {
    %c0_i32 = arith.constant 0 : i32
    %c0_i32_0 = arith.constant 0 : i32
    return %arg0, %c0_i32 : i32, i32
  }
  func.func @transform_1(%arg0: i32) -> (i32, i32) {
    %c0_i32 = arith.constant 0 : i32
    %c0_i32_0 = arith.constant 0 : i32
    return %arg0, %c0_i32 : i32, i32
  }
  func.func @transform_2(%arg0: i32) -> (i32, i32, i32) {
    %c0_i32 = arith.constant 0 : i32
    %c0_i32_0 = arith.constant 0 : i32
    %c0_i32_1 = arith.constant 0 : i32
    return %c0_i32, %arg0, %c0_i32_0 : i32, i32, i32
  }
  func.func @transform_3(%arg0: i32) -> (i32, i32, i32) {
    %c0_i32 = arith.constant 0 : i32
    %c0_i32_0 = arith.constant 0 : i32
    %c0_i32_1 = arith.constant 0 : i32
    return %c0_i32, %arg0, %c0_i32_0 : i32, i32, i32
  }
  func.func @transform_4(%arg0: i32) -> (i32, i32) {
    %c0_i32 = arith.constant 0 : i32
    %c0_i32_0 = arith.constant 0 : i32
    %c0_i32_1 = arith.constant 0 : i32
    return %c0_i32, %c0_i32_0 : i32, i32
  }
  func.func @transform_5(%arg0: i32) -> (i32, i32) {
    %c0_i32 = arith.constant 0 : i32
    %c0_i32_0 = arith.constant 0 : i32
    %c0_i32_1 = arith.constant 0 : i32
    return %c0_i32, %c0_i32_0 : i32, i32
  }
  func.func @transform_6(%arg0: i32) -> (i32, i32) {
    %c0_i32 = arith.constant 0 : i32
    %c0_i32_0 = arith.constant 0 : i32
    return %arg0, %c0_i32 : i32, i32
  }
}

</mosaic_0001>

<sc_bundles>
// kernel: kernel.4.cloned.1.call-start
scs
__scs_entry_jumppad:
0x0: {  	(pc) =	sbr.rel $0x88, $3  }
0x1: {  	(tag) =	ssettag $0x0;
	lr =	simm.s32 $0x1  }
0x2: {  	[smem:$0x3F9C] =	sst lr;
	_ =	strace $0xD0000000  }
0x3: {  	_ = 	snop  }
0x4: {  	_ = 	snop  }
0x5: {  	_ = 	snop  }
0x6: {  	_ = 	snop  }
0x7: {  	_ = 	snop  }
__scs_overlays_trampoline_lowered:
0x8: {  	[smem:$0x3FAB] =	sst s0  }
0x9: {  	[smem:$0x3FAC] =	sst s1  }
0xa: {  	[smem:$0x3FAD] =	sst s2  }
0xb: {  	[smem:$0x3FAE] =	sst s3  }
0xc: {  	[smem:$0x3FAF] =	sst s4  }
0xd: {  	[smem:$0x3FB0] =	sst s5  }
0xe: {  	[smem:$0x3FB1] =	sst s6  }
0xf: {  	[smem:$0x3FB2] =	sst s7  }
0x10: {  	[smem:$0x3FB3] =	sst s8  }
0x11: {  	[smem:$0x3FB4] =	sst s9;
	s0 =	simm.s32 @!p0 $0x0  }
0x12: {  	s1 =	sld [smem:$0x3F9A];
	s0 =	simm.s32 @p0 $0x1  }
0x13: {  	[smem:$0x3FB5] =	sst s0;
	s0 =	simm.s32 @!p1 $0x0  }
0x14: {  	s2 =	sld [smem:$0x3F99];
	s0 =	simm.s32 @p1 $0x1  }
0x15: {  	[smem:$0x3FB6] =	sst s0;
	s0 =	simm.s32 @!p2 $0x0  }
0x16: {  	s3 =	sld [smem:$0x3FDB];
	s0 =	simm.s32 @p2 $0x1  }
0x17: {  	s4 =	simm.s32 $0x1BF5;
	[smem:$0x3FB8] =	sst s0  }
0x18: {  	s0 =	sld [smem:$0x3F9B];
	_ =	swait.ge [sflag:s4], $0x0  }
0x19: {  	s7 =	sld [smem:$0x3F9C]  }
0x1a: {  	s8 =	sadd.s32 $0xFFFFE003, lr  }
0x1b: {  	s9 =	sadd.s32 $0xFFFFFEF7, lr;
	s5 =	simm.s32 $0xFFFFFFFF;
	p2 =	slt.u32 s8, $0xFFFFF086  }
0x1c: {  	p1 =	slt.u32 s9, $0xF7A;
	s5 =	simm.s32 @!p2 $0x0  }
0x1d: {  	s5 =	simm.s32 @p1 $0x1;
	p0 =	seq.s32 s7, s2  }
0x1e: {  	s7 =	smul.u32 @!p0 $0xF7A, s2;
	p2 =	seq.s32 @!p0 s5, $0x0  }
0x1f: {  	s9 =	smul.u32 $0xF7A, s1;
	s8 =	simm.s32 @!p0 $0x1BF5;
	p2 =	por !p2, p0  }
0x20: {  	[sflag:s8] =	ssyncset.s32 @!p0 $0xFFFFF086;
	s6 =	sadd.s32 @!p0 s3, s7;
	s7 =	simm.s32 @!p0 $0x108  }
0x21: {  	s3 =	sadd.s32 s3, s9;
	s6 =	sadd.s32 @!p0 $0x88, s6;
	s7 =	simm.s32 @p2 $0x1082  }
0x22: {  	[simem:s7], [sflag:s8] =	dma.local @!p0 [hbm:s6], $0xF7A  }
0x23: {  	s9 =	sor.u32 $0xD0000000, s2;
	s6 =	simm.s32 $0x108;
	_ =	swait.ge @!p0 [sflag:s8], $0x0  }
0x24: {  	s3 =	sadd.s32 $0x88, s3;
	s6 =	simm.s32 @!p1 $0x1082;
	[sflag:s4] =	ssyncset.s32 $0xFFFFF086  }
0x25: {  	[simem:s6], [sflag:s4] =	dma.local [hbm:s3], $0xF7A  }
0x26: {  	[smem:$0x3F9C] =	sst s1;
	(tag) =	ssettag s2;
	_ =	strace s9  }
0x27: {  	s1 =	sld [smem:$0x3FAC]  }
0x28: {  	s2 =	sld [smem:$0x3FAD]  }
0x29: {  	s4 =	sld [smem:$0x3FAF]  }
0x2a: {  	p0 =	seq.s32 s5, $0x0;
	s5 =	sld [smem:$0x3FB0]  }
0x2b: {  	s6 =	sld [smem:$0x3FB1]  }
0x2c: {  	s7 =	sld [smem:$0x3FB2]  }
0x2d: {  	s3 =	simm.s32 $0x108;
	s8 =	sld [smem:$0x3FB3]  }
0x2e: {  	s3 =	simm.s32 @!p0 $0x1082;
	s9 =	sld [smem:$0x3FB4]  }
0x2f: {  	lr =	sadd.s32 s0, s3;
	s0 =	sld [smem:$0x3FAB]  }
0x30: {  	s3 =	sld [smem:$0x3FAE]  }
0x31: {  	[smem:$0x3FB7] =	sst s10  }
0x32: {  	s10 =	sld [smem:$0x3FB5];
	_ =	sdelay $0x3  }
0x33: {  	p0 =	seq.s32 s10, $0x1;
	s10 =	sld [smem:$0x3FB7];
	_ =	sdelay $0x3  }
0x34: {  	[smem:$0x3FB7] =	sst s10  }
0x35: {  	s10 =	sld [smem:$0x3FB6];
	_ =	sdelay $0x3  }
0x36: {  	p1 =	seq.s32 s10, $0x1;
	s10 =	sld [smem:$0x3FB7];
	_ =	sdelay $0x3  }
0x37: {  	[smem:$0x3FB7] =	sst s10  }
0x38: {  	s10 =	sld [smem:$0x3FB8]  }
0x39: {  	_ = 	snop;
	(pc) =	sbr.ind lr, $3  }
0x3a: {  	_ = 	snop  }
0x3b: {  	_ = 	snop  }
0x3c: {  	p2 =	seq.s32 s10, $0x1;
	s10 =	sld [smem:$0x3FB7]  }
0x3d: {  	_ =	shalt  }
0x3e: {  	_ =	shalt  }
0x3f: {  	_ =	shalt  }
0x40: {  	_ =	shalt  }
0x41: {  	_ =	shalt  }
0x42: {  	_ =	shalt  }
0x43: {  	_ =	shalt  }
0x44: {  	_ =	shalt  }
0x45: {  	_ =	shalt  }
0x46: {  	_ =	shalt  }
0x47: {  	_ =	shalt  }
0x48: {  	_ =	shalt  }
0x49: {  	_ =	shalt  }
0x4a: {  	_ =	shalt  }
0x4b: {  	_ =	shalt  }
0x4c: {  	_ =	shalt  }
0x4d: {  	_ =	shalt  }
0x4e: {  	_ =	shalt  }
0x4f: {  	_ =	shalt  }
0x50: {  	_ =	shalt  }
0x51: {  	_ =	shalt  }
0x52: {  	_ =	shalt  }
0x53: {  	_ =	shalt  }
0x54: {  	_ =	shalt  }
0x55: {  	_ =	shalt  }
0x56: {  	_ =	shalt  }
0x57: {  	_ =	shalt  }
0x58: {  	_ =	shalt  }
0x59: {  	_ =	shalt  }
0x5a: {  	_ =	shalt  }
0x5b: {  	_ =	shalt  }
0x5c: {  	_ =	shalt  }
0x5d: {  	_ =	shalt  }
0x5e: {  	_ =	shalt  }
0x5f: {  	_ =	shalt  }
0x60: {  	_ =	shalt  }
0x61: {  	_ =	shalt  }
0x62: {  	_ =	shalt  }
0x63: {  	_ =	shalt  }
0x64: {  	_ =	shalt  }
0x65: {  	_ =	shalt  }
0x66: {  	_ =	shalt  }
0x67: {  	_ =	shalt  }
0x68: {  	_ =	shalt  }
0x69: {  	_ =	shalt  }
0x6a: {  	_ =	shalt  }
0x6b: {  	_ =	shalt  }
0x6c: {  	_ =	shalt  }
0x6d: {  	_ =	shalt  }
0x6e: {  	_ =	shalt  }
0x6f: {  	_ =	shalt  }
0x70: {  	_ =	shalt  }
0x71: {  	_ =	shalt  }
0x72: {  	_ =	shalt  }
0x73: {  	_ =	shalt  }
0x74: {  	_ =	shalt  }
0x75: {  	_ =	shalt  }
0x76: {  	_ =	shalt  }
0x77: {  	_ =	shalt  }
0x78: {  	_ =	shalt  }
0x79: {  	_ =	shalt  }
0x7a: {  	_ =	shalt  }
0x7b: {  	_ =	shalt  }
0x7c: {  	_ =	shalt  }
0x7d: {  	_ =	shalt  }
0x7e: {  	_ =	shalt  }
0x7f: {  	_ =	shalt  }
0x80: {  	_ =	shalt  }
0x81: {  	_ =	shalt  }
0x82: {  	_ =	shalt  }
0x83: {  	_ =	shalt  }
0x84: {  	_ =	shalt  }
0x85: {  	_ =	shalt  }
0x86: {  	_ =	shalt  }
0x87: {  	_ =	shalt  }
.Lfunc_end0:
.L_simem_size_0:
called_computation_lowered:
.L_overlay_start_0:
0x88: {  	s2 =	sld [smem:$0x3FD9]  }
0x89: {  	s3 =	sld [smem:$0x3FFE];
	_ =	sdelay $0x1  }
0x8a: {  	s1 =	srdreg.scid  }
0x8b: {  	s0 =	sand.u32 $0x1, s1  }
0x8c: {  	s17 =	sshll.u32 s0, $0xA;
	s2 =	sadd.s32 s3, s2  }
0x8d: {  	s2 =	sadd.s32 s2, s17  }
0x8e: {  	[smem:$0x3FC3] =	sst s2  }
0x8f: {  	_ = 	snop  }
0x90: {  	s2 =	sld [smem:$0x3FC9]  }
0x91: {  	s18 =	sld [smem:$0x3FC8]  }
0x92: {  	s4 =	sld [smem:$0x3FD0];
	(tm) =	ssettm $0x1  }
0x93: {  	s5 =	sld [smem:$0x3FFB];
	_ =	sdelay $0x3  }
0x94: {  	_ =	strace s5  }
0x95: {  	s5 =	sld [smem:$0x3FFC];
	_ =	sdelay $0x3  }
0x96: {  	_ =	strace s5  }
0x97: {  	s5 =	sld [smem:$0x3FFD];
	_ =	sdelay $0x3  }
0x98: {  	_ =	strace s5  }
0x99: {  	_ =	strace $0x8FFFFFFF  }
0x9a: {  	s19 =	sld [smem:$0x3FDB];
	_ =	sdelay $0x1  }
0x9b: {  	s6 =	simm.s32 $_scs_section_size  }
0x9c: {  	s7 =	simm.s32 $_size__tile_overlayer_lowered;
	s8 =	simm.s32 $_tile_overlayer_lowered  }
0x9d: {  	s22 =	simm.s32 $0x1BFF;
	s21 =	sshll.u32 s8, $0x1;
	s5 =	sadd.s32 s6, s19  }
0x9e: {  	s9 =	simm.s32 $0x0;
	s20 =	sshll.u32 s7, $0x1;
	s7 =	sadd.s32 s21, s5  }
0x9f: {  	[timem:s9], [sflag:s22] =	dma.local [hbm:s7], s20  }
0xa0: {  	_ =	swait.ge [sflag:s22], s20  }
0xa1: {  	s6 =	ssub.s32 $0x0, s20;
	[sflag:s22] =	ssyncset.done $0x0  }
0xa2: {  	[sflag:s22] =	ssyncadd.s32 s6;
	_ =	sdelay $0x1  }
0xa3: {  	s23 =	simm.s32 $0x1B8B  }
0xa4: {  	_ =	swait.ge [sflag:s23], $0x1  }
0xa5: {  	[sflag:s23] =	ssyncset.done $0x0  }
0xa6: {  	s25 =	simm.s32 $0x1B8E;
	s24 =	sld [smem:$0x3FFE];
	[sflag:s23] =	ssyncadd.s32 $0xFFFFFFFF  }
0xa7: {  	s26 =	simm.s32 $execute0_lowered;
	[smem:$0x3FD2] =	sst s25  }
0xa8: {  	s7 =	sshll.u32 s26, $0x1;
	_ =	strace $0x80000046;
	[dreg:$0x1] =	wrdreg $0xFFFFFFFF  }
0xa9: {  	s28 =	simm.s32 $_size_execute0_lowered;
	s5 =	sadd.s32 s5, s7;
	[dreg:$0x0] =	wrdreg $0x0  }
0xaa: {  	s7 =	sshll.u32 s28, $0x1;
	[dreg:$0x2] =	wrdreg s5  }
0xab: {  	[dreg:$0x3] =	wrdreg s7  }
0xac: {  	[dreg:$0x4] =	wrdreg $0xC0  }
0xad: {  	_ =	task [dreg:s9], $0x5FFFF  }
0xae: {  	[dreg:$0x1] =	wrdreg $0xFFFFFFFF  }
0xaf: {  	[dreg:$0x0] =	wrdreg $0x60  }
0xb0: {  	[dreg:$0x2] =	wrdreg s2  }
0xb1: {  	[dreg:$0x3] =	wrdreg s18  }
0xb2: {  	[dreg:$0x4] =	wrdreg s24  }
0xb3: {  	[dreg:$0x5] =	wrdreg s4  }
0xb4: {  	[dreg:$0x6] =	wrdreg $0x9  }
0xb5: {  	_ =	task.clear_ibuf [dreg:s9], $0x7FFFF;
	_ =	strace $0x90000046  }
0xb6: {  	s29 =	simm.s32 $0x9;
	_ =	strace $0x80000048  }
0xb7: {  	_ =	swait.ge [sflag:s29], $0x1  }
0xb8: {  	[sflag:s29] =	ssyncadd.s32 $0xFFFFFFFF  }
0xb9: {  	_ =	strace $0x90000048  }
0xba: {  	_ =	sfence  }
0xbb: {  	s30 =	sld [smem:$0x0];
	_ =	sdelay $0x2  }
0xbc: {  	s31 =	sshll.u32 s1, $0xD;
	s1 =	sshrl.u32 s1, $0x2  }
0xbd: {  	s3 =	sand.u32 $0x4000, s31;
	s1 =	sadd.s32 s1, s30  }
0xbe: {  	s0 =	sor.u32 s3, s0;
	s1 =	sshll.u32 s1, $0x11  }
0xbf: {  	s0 =	sor.u32 s1, s0  }
0xc0: {  	s0 =	sadd.s32 $0x8F2B, s0  }
0xc1: {  	[sflag:s0] =	ssyncadd.remote.s32 $0x1  }
0xc2: {  	_ =	sfence.sel $0xFFFF  }
0xc3: {  	[dreg:$0x0] =	wrdreg $0xFFFFFFFF;
	(pc) =	sbr.abs _section_cstart, $3  }
0xc4: {  	[dreg:$0x1] =	wrdreg $0xFFFFFFFF  }
0xc5: {  	_ =	task.clear_ibuf [dreg:s9], $0x2FFFF;
	_ =	strace $0x9FFFFFFF  }
0xc6: {  	(tm) =	ssettm $0x7FFFFFFF  }
0xc7: {  	_ =	shalt  }
tec
execute0_lowered:
.L_overlay_start_1:
0x0: {  	(tag) =	ssettag $0x1  }
0x1: {  	s0 =	rddreg [dreg:$0x0]  }
0x2: {  	s1 =	rddreg [dreg:$0x1]  }
0x3: {  	s4 =	rddreg [dreg:$0x2]  }
0x4: {  	s2 =	rddreg [dreg:$0x3];
	s3 =	simm.s32 $0x0  }
0x5: {  	s6 =	srdreg.scid;
	s7 =	stileid.u32;
	s15 =	simm.s32 $0x140  }
0x6: {  	s18 =	simm.s32 $0x1;
	s19 =	simm.s32 $0x20;
	s23 =	simm.s32 $0xA00  }
0x7: {  	s24 =	simm.s32 $0x1B80;
	s25 =	simm.s32 $0xCB80;
	s28 =	simm.s32 $0x16B80  }
0x8: {  	s29 =	simm.s32 $0x3;
	s30 =	simm.s32 $0x17B80;
	[smem:$0x7FF] =	sst s3  }
0x9: {  	s5 =	sadd.s32 $0x1800, s4;
	s8 =	sand.u32 $0x1, s6;
	s6 =	sadd.s32 $0x20200, s4  }
0xa: {  	s9 =	sshll.u32 s7, $0x8;
	s7 =	sadd.s32 $0xD0200, s4;
	s10 =	sshll.u32 s8, $0x7  }
0xb: {  	_ =	strace $0x80000047;
	s11 =	ssub.s32 $0x2, s8;
	s8 =	sor.u32 s10, s9  }
0xc: {  	s9 =	sadd.s32 $0x30200, s4;
	s26 =	sshrl.u32 s11, $0x1;
	s10 =	sshrl.u32 s8, $0x3  }
0xd: {  	s4 =	ssub.s32 s11, s26;
	s11 =	sshll.u32 s8, $0x4;
	s0 =	sadd.s32 s0, s10  }
0xe: {  	s13 =	sshll.u32 s8, $0x7;
	s31 =	smax.u32 s4, $0x1;
	[dreg:$0x5] =	wrdreg s0  }
0xf: {  	s26 =	simm.s32 $0x2;
	s10 =	simm.s32 $0x0;
	[dreg:$0x6] =	wrdreg s31  }
.LBB2_1:
0x10: {  	[dreg:$0x7] =	wrdreg s10  }
0x11: {  	s0 =	rddreg [dreg:$0x5];
	s17 =	simm.s32 $0x6  }
0x12: {  	[tilespmem:s3], [sflag:$0x6] =	stream.linear.gather [hbm4b:s0+s3], $0x80, $0x38;
	[tilespmem:$0x1AB80] =	vst v63  }
0x13: {  	_ =	swait.ge [sflag:s17], $0x80  }
0x14: {  	[sflag:s17] =	ssyncset.done $0x0  }
0x15: {  	[sflag:s17] =	ssyncadd.s32 $0xFFFFFF80  }
0x16: {  	v0 =	vld [tilespmem:$0x0]  }
0x17: {  	v1 =	vld [tilespmem:$0x10]  }
0x18: {  	v2 =	vld [tilespmem:$0x0]  }
0x19: {  	v3 =	vld [tilespmem:$0x10]  }
0x1a: {  	v4 =	vld [tilespmem:$0x0]  }
0x1b: {  	v5 =	vld [tilespmem:$0x10]  }
0x1c: {  	v52 =	vld [tilespmem:$0x0];
	[tilespmem:$0x580] =	vst v0  }
0x1d: {  	v54 =	vld [tilespmem:$0x10];
	[tilespmem:$0x590] =	vst v1;
	v53 =	vadd.s32 $0x186A0, v2  }
0x1e: {  	v56 =	vld [tilespmem:$0x0];
	v55 =	vadd.s32 $0x186A0, v3;
	[tilespmem:$0x5A0] =	vst v53  }
0x1f: {  	v58 =	vld [tilespmem:$0x10];
	v57 =	vadd.s32 $0x30D40, v4;
	[tilespmem:$0x5B0] =	vst v55  }
0x20: {  	v60 =	vld [tilespmem:$0x0];
	v59 =	vadd.s32 $0x30D40, v5;
	[tilespmem:$0x5C0] =	vst v57  }
0x21: {  	v61 =	vld [tilespmem:$0x10];
	v0 =	vadd.s32 $0x493E0, v52;
	[tilespmem:$0x5D0] =	vst v59  }
0x22: {  	v63 =	vld [tilespmem:$0x0];
	v62 =	vadd.s32 $0x493E0, v54;
	[tilespmem:$0x5E0] =	vst v0  }
0x23: {  	v9 =	vld [tilespmem:$0x10];
	v8 =	vadd.s32 $0x61A80, v56;
	[tilespmem:$0x5F0] =	vst v62  }
0x24: {  	v11 =	vld [tilespmem:$0x0];
	v10 =	vadd.s32 $0x61A80, v58;
	[tilespmem:$0x600] =	vst v8  }
0x25: {  	v13 =	vld [tilespmem:$0x10];
	v12 =	vadd.s32 $0x7A120, v60;
	[tilespmem:$0x610] =	vst v10  }
0x26: {  	v15 =	vld [tilespmem:$0x0];
	v14 =	vadd.s32 $0x7A120, v61;
	[tilespmem:$0x620] =	vst v12  }
0x27: {  	v17 =	vld [tilespmem:$0x10];
	v16 =	vadd.s32 $0x927C0, v63;
	[tilespmem:$0x630] =	vst v14  }
0x28: {  	v19 =	vld [tilespmem:$0x0];
	v18 =	vadd.s32 $0x927C0, v9;
	[tilespmem:$0x640] =	vst v16  }
0x29: {  	v21 =	vld [tilespmem:$0x10];
	v20 =	vadd.s32 $0xAAE60, v11;
	[tilespmem:$0x650] =	vst v18  }
0x2a: {  	v22 =	vadd.s32 $0xAAE60, v13;
	[tilespmem:$0x660] =	vst v20  }
0x2b: {  	v23 =	vadd.s32 $0xC3500, v15;
	[tilespmem:$0x670] =	vst v22  }
0x2c: {  	v24 =	vadd.s32 $0xC3500, v17;
	[tilespmem:$0x680] =	vst v23  }
0x2d: {  	v25 =	vadd.s32 $0xDBBA0, v19;
	[tilespmem:$0x690] =	vst v24  }
0x2e: {  	v26 =	vadd.s32 $0xDBBA0, v21;
	[tilespmem:$0x6A0] =	vst v25  }
0x2f: {  	s20 =	simm.s32 $0x580;
	s4 =	simm.s32 $0x880;
	[tilespmem:$0x6B0] =	vst v26  }
0x30: {  	[tilespmem:s4], [sflag:$0x1] =	stream.indirect.gather [hbm4b:s5+s15], $0x1, s20, s15, $0xb8;
	[tilespmem:$0x1AB80] =	vst v63  }
0x31: {  	_ =	swait.ge [sflag:s18], $0x140  }
0x32: {  	[sflag:s18] =	ssyncset.done $0x0  }
0x33: {  	s21 =	simm.s32 $0xB80;
	[sflag:s18] =	ssyncadd.s32 $0xFFFFFEC0  }
0x34: {  	[tilespmem:s21], [sflag:$0x2] =	stream.indirect.gather [hbm4b:s1+s19], $0x80, s3, s19, $0xb8;
	[tilespmem:$0x1AB80] =	vst v63  }
0x35: {  	s22 =	simm.s32 $0x2B80  }
0x36: {  	[tilespmem:s22], [sflag:$0x2] =	stream.indirect.gather [hbm4b:s1+s15], $0x80, s4, s15, $0xb8;
	[tilespmem:$0x1AB80] =	vst v63  }
0x37: {  	v27 =	vld [tilespmem:$0x20]  }
0x38: {  	v28 =	vld [tilespmem:$0x30]  }
0x39: {  	v29 =	vld [tilespmem:$0x20]  }
0x3a: {  	v30 =	vld [tilespmem:$0x30]  }
0x3b: {  	v31 =	vld [tilespmem:$0x20]  }
0x3c: {  	v32 =	vld [tilespmem:$0x30]  }
0x3d: {  	v33 =	vld [tilespmem:$0x20];
	[tilespmem:$0x700] =	vst v27  }
0x3e: {  	v35 =	vld [tilespmem:$0x30];
	[tilespmem:$0x710] =	vst v28;
	v34 =	vadd.s32 $0x186A0, v29  }
0x3f: {  	v37 =	vld [tilespmem:$0x20];
	v36 =	vadd.s32 $0x186A0, v30;
	[tilespmem:$0x720] =	vst v34  }
0x40: {  	v39 =	vld [tilespmem:$0x30];
	v38 =	vadd.s32 $0x30D40, v31;
	[tilespmem:$0x730] =	vst v36  }
0x41: {  	v41 =	vld [tilespmem:$0x20];
	v40 =	vadd.s32 $0x30D40, v32;
	[tilespmem:$0x740] =	vst v38  }
0x42: {  	v42 =	vld [tilespmem:$0x30];
	v0 =	vadd.s32 $0x493E0, v33;
	[tilespmem:$0x750] =	vst v40  }
0x43: {  	v44 =	vld [tilespmem:$0x20];
	v43 =	vadd.s32 $0x493E0, v35;
	[tilespmem:$0x760] =	vst v0  }
0x44: {  	v46 =	vld [tilespmem:$0x30];
	v45 =	vadd.s32 $0x61A80, v37;
	[tilespmem:$0x770] =	vst v43  }
0x45: {  	v48 =	vld [tilespmem:$0x20];
	v47 =	vadd.s32 $0x61A80, v39;
	[tilespmem:$0x780] =	vst v45  }
0x46: {  	v50 =	vld [tilespmem:$0x30];
	v49 =	vadd.s32 $0x7A120, v41;
	[tilespmem:$0x790] =	vst v47  }
0x47: {  	v52 =	vld [tilespmem:$0x20];
	v51 =	vadd.s32 $0x7A120, v42;
	[tilespmem:$0x7A0] =	vst v49  }
0x48: {  	v54 =	vld [tilespmem:$0x30];
	v53 =	vadd.s32 $0x927C0, v44;
	[tilespmem:$0x7B0] =	vst v51  }
0x49: {  	v56 =	vld [tilespmem:$0x20];
	v55 =	vadd.s32 $0x927C0, v46;
	[tilespmem:$0x7C0] =	vst v53  }
0x4a: {  	v58 =	vld [tilespmem:$0x30];
	v57 =	vadd.s32 $0xAAE60, v48;
	[tilespmem:$0x7D0] =	vst v55  }
0x4b: {  	v59 =	vadd.s32 $0xAAE60, v50;
	[tilespmem:$0x7E0] =	vst v57  }
0x4c: {  	v60 =	vadd.s32 $0xC3500, v52;
	[tilespmem:$0x7F0] =	vst v59  }
0x4d: {  	v61 =	vadd.s32 $0xC3500, v54;
	[tilespmem:$0x800] =	vst v60  }
0x4e: {  	v62 =	vadd.s32 $0xDBBA0, v56;
	[tilespmem:$0x810] =	vst v61  }
0x4f: {  	v63 =	vadd.s32 $0xDBBA0, v58;
	[tilespmem:$0x820] =	vst v62  }
0x50: {  	s31 =	simm.s32 $0x700;
	s20 =	simm.s32 $0x0;
	[tilespmem:$0x830] =	vst v63  }
0x51: {  	[tilespmem:s23], [sflag:$0x1] =	stream.indirect.gather [hbm4b:s5+s15], $0x1, s31, s15, $0xb8;
	[tilespmem:$0x1AB80] =	vst v63  }
.LBB2_2:
0x52: {  	_ =	swait.ge [sflag:s18], $0x140  }
0x53: {  	p1 =	seq.s32 s20, $0x0;
	[sflag:s18] =	ssyncset.done $0x0  }
0x54: {  	s14 =	sshll.u32 s20, $0x1;
	s0 =	simm.s32 @!p1 $0x5;
	[sflag:s18] =	ssyncadd.s32 $0xFFFFFEC0  }
0x55: {  	s4 =	smax.u32 s14, $0x3;
	_ =	swait.ge @!p1 [sflag:s0], $0x1000  }
0x56: {  	s10 =	sadd.s32 $0xFFFFFFFD, s4;
	[sflag:s0] =	ssyncset.done @!p1 $0x0  }
0x57: {  	s21 =	sshllo.u32 s20, $0x1;
	s12 =	sshll.u32 s10, $0x5;
	[sflag:s0] =	ssyncadd.s32 @!p1 $0xFFFFF000  }
0x58: {  	p0 =	slt.u32 s20, $0x2;
	s22 =	sand.u32 $0x7E0, s12;
	_ =	swait.ge @!p1 [sflag:s0], $0x1000  }
0x59: {  	s31 =	sshll.u32 s21, $0x5;
	s4 =	sadd.s32 $0x80, s22;
	[sflag:s0] =	ssyncset.done @!p1 $0x0  }
0x5a: {  	s4 =	smov.u32 @p0 s31;
	[sflag:s0] =	ssyncadd.s32 @!p1 $0xFFFFF000  }
0x5b: {  	[tilespmem:s24], [sflag:$0x3] =	stream.indirect.gather [hbm4b:s1+s19], $0x80, s4, s19, $0xb8;
	[tilespmem:$0x1AB80] =	vst v63  }
0x5c: {  	_ = 	snop  }
0x5d: {  	[tilespmem:s25], [sflag:$0x3] =	stream.indirect.gather [hbm4b:s1+s15], $0x80, s23, s15, $0xb8;
	[tilespmem:$0x1AB80] =	vst v63  }
0x5e: {  	p0 =	sgt.u32 s20, $0x1;
	_ =	swait.ge [sflag:s26], $0x1000  }
.Ltmp0:
0x5f: {  	[sflag:s26] =	ssyncset.done $0x0;
	(pc) =	sbr.rel @p0 .LBB2_4-.Ltmp0, $4  }
0x60: {  	[sflag:s26] =	ssyncadd.s32 $0xFFFFF000  }
0x61: {  	_ =	swait.ge [sflag:s26], $0xA000  }
0x62: {  	[sflag:s26] =	ssyncset.done $0x0  }
0x63: {  	[sflag:s26] =	ssyncadd.s32 $0xFFFF6000  }
0x64: {  	v0 =	vld [tilespmem:$0x880];
	_ =	sdelay $0x3  }
0x65: {  	s0 =	sshll.u32 s20, $0x6  }
0x66: {  	[tilespmem:s0+$0x80] =	vst v0  }
0x67: {  	v0 =	vld [tilespmem:$0x890];
	_ =	sdelay $0x4  }
0x68: {  	[tilespmem:s0+$0x90] =	vst v0  }
0x69: {  	v0 =	vld [tilespmem:$0x8A0];
	_ =	sdelay $0x4  }
0x6a: {  	[tilespmem:s0+$0x100] =	vst v0  }
0x6b: {  	v0 =	vld [tilespmem:$0x8B0];
	_ =	sdelay $0x4  }
0x6c: {  	[tilespmem:s0+$0x110] =	vst v0  }
0x6d: {  	v0 =	vld [tilespmem:$0x8C0];
	_ =	sdelay $0x4  }
0x6e: {  	[tilespmem:s0+$0x180] =	vst v0  }
0x6f: {  	v0 =	vld [tilespmem:$0x8D0];
	_ =	sdelay $0x4  }
0x70: {  	[tilespmem:s0+$0x190] =	vst v0  }
0x71: {  	v0 =	vld [tilespmem:$0x8E0];
	_ =	sdelay $0x4  }
0x72: {  	[tilespmem:s0+$0x200] =	vst v0  }
0x73: {  	v0 =	vld [tilespmem:$0x8F0];
	_ =	sdelay $0x4  }
0x74: {  	[tilespmem:s0+$0x210] =	vst v0  }
0x75: {  	v0 =	vld [tilespmem:$0x900];
	_ =	sdelay $0x4  }
0x76: {  	[tilespmem:s0+$0x280] =	vst v0  }
0x77: {  	v0 =	vld [tilespmem:$0x910];
	_ =	sdelay $0x4  }
0x78: {  	[tilespmem:s0+$0x290] =	vst v0  }
0x79: {  	v0 =	vld [tilespmem:$0x920];
	_ =	sdelay $0x4  }
0x7a: {  	[tilespmem:s0+$0x300] =	vst v0  }
0x7b: {  	v0 =	vld [tilespmem:$0x930];
	_ =	sdelay $0x4  }
0x7c: {  	[tilespmem:s0+$0x310] =	vst v0  }
0x7d: {  	v0 =	vld [tilespmem:$0x940];
	_ =	sdelay $0x4  }
0x7e: {  	[tilespmem:s0+$0x380] =	vst v0  }
0x7f: {  	v0 =	vld [tilespmem:$0x950];
	_ =	sdelay $0x4  }
0x80: {  	[tilespmem:s0+$0x390] =	vst v0  }
0x81: {  	v0 =	vld [tilespmem:$0x960];
	_ =	sdelay $0x4  }
0x82: {  	[tilespmem:s0+$0x400] =	vst v0  }
0x83: {  	v0 =	vld [tilespmem:$0x970];
	_ =	sdelay $0x4  }
0x84: {  	[tilespmem:s0+$0x410] =	vst v0  }
0x85: {  	v0 =	vld [tilespmem:$0x980];
	_ =	sdelay $0x4  }
0x86: {  	[tilespmem:s0+$0x480] =	vst v0  }
0x87: {  	v0 =	vld [tilespmem:$0x990];
	_ =	sdelay $0x4  }
0x88: {  	[tilespmem:s0+$0x490] =	vst v0  }
0x89: {  	v0 =	vld [tilespmem:$0x9A0];
	_ =	sdelay $0x4  }
0x8a: {  	[tilespmem:s0+$0x500] =	vst v0  }
0x8b: {  	v0 =	vld [tilespmem:$0x9B0]  }
.Ltmp1:
0x8c: {  	_ = 	snop;
	(pc) =	sbr.rel .LBB2_5-.Ltmp1, $2  }
0x8d: {  	_ =	sdelay $0x2  }
0x8e: {  	[tilespmem:s0+$0x510] =	vst v0  }
.LBB2_4:
0x8f: {  	p3 =	seq.s32 s20, $0x15  }
.Ltmp2:
0x90: {  	_ = 	snop;
	(pc) =	sbr.rel @p3 .LBB2_6-.Ltmp2, $2  }
0x91: {  	_ =	sdelay $0x2  }
0x92: {  	p2 =	por $0x1, $0x1  }
.LBB2_5:
0x93: {  	s0 =	smax.u32 s14, $0x2  }
0x94: {  	s0 =	sshll.u32 s0, $0x5  }
0x95: {  	s0 =	sadd.s32 $0x40, s0  }
0x96: {  	s0 =	simm.s32 @p1 $0x40  }
0x97: {  	v0 =	vld [tilespmem:s0+$0x0];
	_ =	sdelay $0x4  }
0x98: {  	[tilespmem:$0x580] =	vst v0  }
0x99: {  	v0 =	vld [tilespmem:s0+$0x10];
	_ =	sdelay $0x4  }
0x9a: {  	[tilespmem:$0x590] =	vst v0  }
0x9b: {  	v0 =	vld [tilespmem:s0+$0x0];
	_ =	sdelay $0x4  }
0x9c: {  	v0 =	vadd.s32 $0x186A0, v0  }
0x9d: {  	[tilespmem:$0x5A0] =	vst v0  }
0x9e: {  	v0 =	vld [tilespmem:s0+$0x10];
	_ =	sdelay $0x4  }
0x9f: {  	v0 =	vadd.s32 $0x186A0, v0  }
0xa0: {  	[tilespmem:$0x5B0] =	vst v0  }
0xa1: {  	v0 =	vld [tilespmem:s0+$0x0];
	_ =	sdelay $0x4  }
0xa2: {  	v0 =	vadd.s32 $0x30D40, v0  }
0xa3: {  	[tilespmem:$0x5C0] =	vst v0  }
0xa4: {  	v0 =	vld [tilespmem:s0+$0x10];
	_ =	sdelay $0x4  }
0xa5: {  	v0 =	vadd.s32 $0x30D40, v0  }
0xa6: {  	[tilespmem:$0x5D0] =	vst v0  }
0xa7: {  	v0 =	vld [tilespmem:s0+$0x0];
	_ =	sdelay $0x4  }
0xa8: {  	v0 =	vadd.s32 $0x493E0, v0  }
0xa9: {  	[tilespmem:$0x5E0] =	vst v0  }
0xaa: {  	v0 =	vld [tilespmem:s0+$0x10];
	_ =	sdelay $0x4  }
0xab: {  	v0 =	vadd.s32 $0x493E0, v0  }
0xac: {  	[tilespmem:$0x5F0] =	vst v0  }
0xad: {  	v0 =	vld [tilespmem:s0+$0x0];
	_ =	sdelay $0x4  }
0xae: {  	v0 =	vadd.s32 $0x61A80, v0  }
0xaf: {  	[tilespmem:$0x600] =	vst v0  }
0xb0: {  	v0 =	vld [tilespmem:s0+$0x10];
	_ =	sdelay $0x4  }
0xb1: {  	v0 =	vadd.s32 $0x61A80, v0  }
0xb2: {  	[tilespmem:$0x610] =	vst v0  }
0xb3: {  	v0 =	vld [tilespmem:s0+$0x0];
	_ =	sdelay $0x4  }
0xb4: {  	v0 =	vadd.s32 $0x7A120, v0  }
0xb5: {  	[tilespmem:$0x620] =	vst v0  }
0xb6: {  	v0 =	vld [tilespmem:s0+$0x10];
	_ =	sdelay $0x4  }
0xb7: {  	v0 =	vadd.s32 $0x7A120, v0  }
0xb8: {  	[tilespmem:$0x630] =	vst v0  }
0xb9: {  	v0 =	vld [tilespmem:s0+$0x0];
	_ =	sdelay $0x4  }
0xba: {  	v0 =	vadd.s32 $0x927C0, v0  }
0xbb: {  	[tilespmem:$0x640] =	vst v0  }
0xbc: {  	v0 =	vld [tilespmem:s0+$0x10];
	_ =	sdelay $0x4  }
0xbd: {  	v0 =	vadd.s32 $0x927C0, v0  }
0xbe: {  	[tilespmem:$0x650] =	vst v0  }
0xbf: {  	v0 =	vld [tilespmem:s0+$0x0];
	_ =	sdelay $0x4  }
0xc0: {  	v0 =	vadd.s32 $0xAAE60, v0  }
0xc1: {  	[tilespmem:$0x660] =	vst v0  }
0xc2: {  	v0 =	vld [tilespmem:s0+$0x10];
	_ =	sdelay $0x4  }
0xc3: {  	v0 =	vadd.s32 $0xAAE60, v0  }
0xc4: {  	[tilespmem:$0x670] =	vst v0  }
0xc5: {  	v0 =	vld [tilespmem:s0+$0x0];
	_ =	sdelay $0x4  }
0xc6: {  	v0 =	vadd.s32 $0xC3500, v0  }
0xc7: {  	[tilespmem:$0x680] =	vst v0  }
0xc8: {  	v0 =	vld [tilespmem:s0+$0x10];
	_ =	sdelay $0x4  }
0xc9: {  	v0 =	vadd.s32 $0xC3500, v0  }
0xca: {  	[tilespmem:$0x690] =	vst v0  }
0xcb: {  	v0 =	vld [tilespmem:s0+$0x0];
	_ =	sdelay $0x4  }
0xcc: {  	v0 =	vadd.s32 $0xDBBA0, v0  }
0xcd: {  	[tilespmem:$0x6A0] =	vst v0  }
0xce: {  	v0 =	vld [tilespmem:s0+$0x10];
	_ =	sdelay $0x4  }
0xcf: {  	v0 =	vadd.s32 $0xDBBA0, v0  }
0xd0: {  	s22 =	simm.s32 $0x580;
	s4 =	simm.s32 $0x880;
	p2 =	por $0x0, $0x0;
	[tilespmem:$0x6B0] =	vst v0  }
0xd1: {  	[tilespmem:s4], [sflag:$0x1] =	stream.indirect.gather [hbm4b:s5+s15], $0x1, s22, s15, $0xb8;
	[tilespmem:$0x1AB80] =	vst v63  }
.LBB2_6:
0xd2: {  	s0 =	simm.s32 $0x0  }
0xd3: {  	v0 =	vld [tilespmem:s0+$0x2BE0]  }
0xd4: {  	v1 =	vld [tilespmem:s0+$0x3BE0]  }
0xd5: {  	v2 =	vld [tilespmem:s0+$0x2BF0]  }
0xd6: {  	v3 =	vld [tilespmem:s0+$0x3BF0]  }
0xd7: {  	v4 =	vld [tilespmem:s0+$0x4BE0]  }
0xd8: {  	v5 =	vld [tilespmem:s0+$0x4BF0]  }
0xd9: {  	v6 =	vld [tilespmem:s0+$0x5BE0]  }
0xda: {  	v7 =	vld [tilespmem:s0+$0x5BF0]  }
0xdb: {  	v8 =	vld [tilespmem:s0+$0x6BE0]  }
0xdc: {  	v9 =	vld [tilespmem:s0+$0x3BB0]  }
0xdd: {  	v10 =	vld [tilespmem:s0+$0x2BC0]  }
0xde: {  	v11 =	vld [tilespmem:s0+$0x3BC0]  }
0xdf: {  	v12 =	vld [tilespmem:s0+$0x4B80]  }
0xe0: {  	v13 =	vld [tilespmem:s0+$0x4B90]  }
0xe1: {  	v14 =	vld [tilespmem:s0+$0x4BA0]  }
0xe2: {  	v15 =	vld [tilespmem:s0+$0x4BB0]  }
0xe3: {  	v16 =	vld [tilespmem:s0+$0x4BC0]  }
0xe4: {  	v17 =	vld [tilespmem:s0+$0x4BD0]  }
0xe5: {  	v18 =	vld [tilespmem:s0+$0x5B80]  }
0xe6: {  	v19 =	vld [tilespmem:s0+$0x5B90]  }
0xe7: {  	v20 =	vld [tilespmem:s0+$0x5BA0]  }
0xe8: {  	v21 =	vld [tilespmem:s0+$0x5BB0]  }
0xe9: {  	v22 =	vld [tilespmem:s0+$0x5BC0]  }
0xea: {  	v23 =	vld [tilespmem:s0+$0x5BD0]  }
0xeb: {  	v24 =	vld [tilespmem:s0+$0x6B80]  }
0xec: {  	v25 =	vld [tilespmem:s0+$0x6B90]  }
0xed: {  	v26 =	vld [tilespmem:s0+$0x6BA0]  }
0xee: {  	v27 =	vld [tilespmem:s0+$0x6BB0]  }
0xef: {  	v28 =	vld [tilespmem:s0+$0x6BC0]  }
0xf0: {  	v29 =	vld [tilespmem:s0+$0x6BD0]  }
0xf1: {  	v30 =	vld [tilespmem:s0+$0x7B80]  }
0xf2: {  	v31 =	vld [tilespmem:s0+$0x7B90]  }
0xf3: {  	v32 =	vld [tilespmem:s0+$0x7BA0]  }
0xf4: {  	v33 =	vld [tilespmem:s0+$0x7BB0]  }
0xf5: {  	v34 =	vld [tilespmem:s0+$0x7BC0]  }
0xf6: {  	v35 =	vld [tilespmem:s0+$0x7BD0]  }
0xf7: {  	v36 =	vld [tilespmem:s0+$0x8B80]  }
0xf8: {  	v37 =	vld [tilespmem:s0+$0x8B90]  }
0xf9: {  	v0 =	vadd.f32 v1, v0;
	v1 =	vadd.f32 v3, v2;
	v2 =	vld [tilespmem:s0+$0x6BF0]  }
0xfa: {  	v3 =	vld [tilespmem:s0+$0x7BE0]  }
0xfb: {  	v0 =	vadd.f32 v4, v0;
	v1 =	vadd.f32 v5, v1;
	v4 =	vld [tilespmem:s0+$0x7BF0]  }
0xfc: {  	v5 =	vld [tilespmem:s0+$0x8BE0]  }
0xfd: {  	v0 =	vadd.f32 v6, v0;
	v1 =	vadd.f32 v7, v1;
	v6 =	vld [tilespmem:s0+$0x8BF0]  }
0xfe: {  	v7 =	vld [tilespmem:s0+$0x9BE0]  }
0xff: {  	v0 =	vadd.f32 v8, v0;
	v1 =	vadd.f32 v2, v1;
	v2 =	vld [tilespmem:s0+$0x9BF0]  }
0x100: {  	v8 =	vld [tilespmem:s0+$0xABE0]  }
0x101: {  	v0 =	vadd.f32 v3, v0;
	v1 =	vadd.f32 v4, v1;
	v3 =	vld [tilespmem:s0+$0xABF0]  }
0x102: {  	v4 =	vld [tilespmem:s0+$0xBBE0]  }
0x103: {  	v0 =	vadd.f32 v5, v0;
	v1 =	vadd.f32 v6, v1;
	v5 =	vld [tilespmem:s0+$0xBBF0]  }
0x104: {  	v6 =	vld [tilespmem:s0+$0x2B80]  }
0x105: {  	v0 =	vadd.f32 v7, v0;
	v1 =	vadd.f32 v2, v1;
	v2 =	vld [tilespmem:s0+$0x3B80]  }
0x106: {  	v7 =	vld [tilespmem:s0+$0x2B90]  }
0x107: {  	v0 =	vadd.f32 v8, v0;
	v1 =	vadd.f32 v3, v1;
	v3 =	vld [tilespmem:s0+$0x3B90]  }
0x108: {  	v8 =	vld [tilespmem:s0+$0x2BA0]  }
0x109: {  	v0 =	vadd.f32 v4, v0;
	v4 =	vld [tilespmem:s0+$0x3BA0]  }
0x10a: {  	v1 =	vadd.f32 v5, v1;
	v5 =	vld [tilespmem:s0+$0x2BB0]  }
0x10b: {  	v38 =	vld [tilespmem:s0+$0x8BA0]  }
0x10c: {  	v39 =	vld [tilespmem:s0+$0x8BB0];
	v2 =	vadd.f32 v2, v6;
	v0 =	vmul.f32 $1.000000010e-01, v0  }
0x10d: {  	v50 =	vld [tilespmem:s0+$0x9BC0];
	v1 =	vmul.f32 $1.000000010e-01, v1;
	v3 =	vadd.f32 v3, v7  }
0x10e: {  	v51 =	vld [tilespmem:s0+$0x9BD0];
	v2 =	vadd.f32 v12, v2;
	v0 =	vshrl.u32 v0, $0x10;
	v4 =	vadd.f32 v4, v8  }
0x10f: {  	v52 =	vld [tilespmem:s0+$0xAB80];
	v1 =	vand.u32 $0xFFFF0000, v1;
	v5 =	vadd.f32 v9, v5;
	v8 =	vadd.f32 v11, v10  }
0x110: {  	v0 =	vor.u32 v0, v1;
	v1 =	vld [tilespmem:s0+$0x2BD0];
	v3 =	vadd.f32 v13, v3;
	v2 =	vadd.f32 v18, v2  }
0x111: {  	[tilespmem:s0+$0x16BB0] =	vst v0;
	v0 =	vld [tilespmem:s0+$0x3BD0];
	v4 =	vadd.f32 v14, v4;
	v5 =	vadd.f32 v15, v5  }
0x112: {  	v53 =	vld [tilespmem:s0+$0xAB90];
	v8 =	vadd.f32 v16, v8;
	v3 =	vadd.f32 v19, v3  }
0x113: {  	v54 =	vld [tilespmem:s0+$0xABA0];
	v2 =	vadd.f32 v24, v2;
	v4 =	vadd.f32 v20, v4  }
0x114: {  	v55 =	vld [tilespmem:s0+$0xABB0];
	v5 =	vadd.f32 v21, v5;
	v8 =	vadd.f32 v22, v8  }
0x115: {  	v56 =	vld [tilespmem:s0+$0xABC0];
	v3 =	vadd.f32 v25, v3;
	v2 =	vadd.f32 v30, v2  }
0x116: {  	v57 =	vld [tilespmem:s0+$0xABD0];
	v0 =	vadd.f32 v0, v1;
	v4 =	vadd.f32 v26, v4  }
0x117: {  	v6 =	vld [tilespmem:s0+$0x8BC0];
	v5 =	vadd.f32 v27, v5;
	v8 =	vadd.f32 v28, v8  }
0x118: {  	v9 =	vld [tilespmem:s0+$0x9B90];
	v3 =	vadd.f32 v31, v3;
	v2 =	vadd.f32 v36, v2  }
0x119: {  	v1 =	vld [tilespmem:s0+$0x9B80];
	v0 =	vadd.f32 v17, v0;
	v4 =	vadd.f32 v32, v4  }
0x11a: {  	v10 =	vld [tilespmem:s0+$0x9BA0];
	v5 =	vadd.f32 v33, v5;
	v8 =	vadd.f32 v34, v8  }
0x11b: {  	v11 =	vld [tilespmem:s0+$0x9BB0];
	v3 =	vadd.f32 v37, v3;
	v0 =	vadd.f32 v23, v0  }
0x11c: {  	v7 =	vld [tilespmem:s0+$0x8BD0];
	v4 =	vadd.f32 v38, v4;
	v5 =	vadd.f32 v39, v5  }
0x11d: {  	v58 =	vld [tilespmem:s0+$0xBB80];
	v6 =	vadd.f32 v6, v8;
	v0 =	vadd.f32 v29, v0  }
0x11e: {  	v59 =	vld [tilespmem:s0+$0xBB90];
	v1 =	vadd.f32 v1, v2;
	v2 =	vadd.f32 v9, v3  }
0x11f: {  	v60 =	vld [tilespmem:s0+$0xBBA0];
	v4 =	vadd.f32 v10, v4;
	v0 =	vadd.f32 v35, v0  }
0x120: {  	v61 =	vld [tilespmem:s0+$0xBB0];
	v5 =	vadd.f32 v11, v5;
	v6 =	vadd.f32 v50, v6  }
0x121: {  	v2 =	vadd.f32 v53, v2;
	v0 =	vadd.f32 v7, v0;
	v7 =	vld [tilespmem:s0+$0xBBB0]  }
0x122: {  	v3 =	vld [tilespmem:s0+$0xBBC0];
	v1 =	vadd.f32 v52, v1;
	v4 =	vadd.f32 v54, v4  }
0x123: {  	v8 =	vld [tilespmem:s0+$0xBBD0];
	v5 =	vadd.f32 v55, v5;
	v2 =	vadd.f32 v59, v2  }
0x124: {  	v62 =	vld [tilespmem:s0+$0xBC0];
	v1 =	vadd.f32 v58, v1;
	v0 =	vadd.f32 v51, v0  }
0x125: {  	v9 =	vld [tilespmem:s0+$0xB80];
	v6 =	vadd.f32 v56, v6;
	v4 =	vadd.f32 v60, v4;
	v2 =	vmul.f32 $1.000000010e-01, v2  }
0x126: {  	v11 =	vld [tilespmem:s0+$0xBA0];
	v1 =	vmul.f32 $1.000000010e-01, v1;
	v0 =	vadd.f32 v57, v0;
	v5 =	vadd.f32 v7, v5  }
0x127: {  	v10 =	vld [tilespmem:s0+$0xB90];
	v3 =	vadd.f32 v3, v6;
	v4 =	vmul.f32 $1.000000010e-01, v4;
	v6 =	vand.u32 $0xFFFF0000, v2  }
0x128: {  	v63 =	vld [tilespmem:s0+$0xBD0];
	v7 =	vshrl.u32 v1, $0x10;
	v8 =	vadd.f32 v8, v0;
	v5 =	vmul.f32 $1.000000010e-01, v5  }
0x129: {  	v2 =	vld [tilespmem:s0+$0xBF0];
	v6 =	vor.u32 v7, v6;
	v7 =	vmul.f32 $1.000000010e-01, v3  }
0x12a: {  	s22 =	simm.s32 $0x80;
	v4 =	vshrl.u32 v4, $0x10;
	v1 =	vld [tilespmem:s0+$0xBE0];
	v3 =	vand.u32 $0xFFFF0000, v5;
	v5 =	vmul.f32 $1.000000010e-01, v8  }
0x12b: {  	v0 =	vld [tilespmem:s22+$0x2BE0];
	[tilespmem:s0+$0x16B80] =	vst v6;
	v6 =	vshrl.u32 v9, $0x10;
	v9 =	vshrl.u32 v11, $0x10;
	v7 =	vshrl.u32 v7, $0x10  }
0x12c: {  	v8 =	vand.u32 $0xFFFF0000, v10;
	v4 =	vor.u32 v4, v3;
	v10 =	vand.u32 $0xFFFF0000, v5  }
0x12d: {  	v11 =	vand.u32 $0xFFFF0000, v61;
	v3 =	vld [tilespmem:s22+$0x3BE0];
	[tilespmem:s0+$0x16B90] =	vst v4;
	v5 =	vor.u32 v6, v8;
	v8 =	vor.u32 v7, v10  }
0x12e: {  	s12 =	sand.u32 $0x60, s12;
	s4 =	simm.s32 $0x400;
	v6 =	vshrl.u32 v62, $0x10;
	v4 =	vld [tilespmem:s22+$0x2BF0];
	v7 =	vor.u32 v9, v11;
	[tilespmem:s0+$0x16BA0] =	vst v8;
	v8 =	vand.u32 $0xFFFF0000, v63  }
.LBB2_7:
0x12f: {  	p3 =	sne.s32 s4, $0x3E00;
	v9 =	vld [tilespmem:s22+$0x3BF0];
	[tilespmem:s0+$0x18B80] =	vst v5;
	v5 =	vor.u32 v6, v8;
	v1 =	vshrl.u32 v1, $0x10  }
0x130: {  	v6 =	vld [tilespmem:s22+$0x4BE0];
	[tilespmem:s0+$0x18B90] =	vst v7;
	v2 =	vand.u32 $0xFFFF0000, v2  }
0x131: {  	v7 =	vld [tilespmem:s22+$0x4BF0];
	[tilespmem:s0+$0x18BA0] =	vst v5;
	v1 =	vor.u32 v1, v2  }
0x132: {  	v2 =	vld [tilespmem:s22+$0x5BE0];
	[tilespmem:s0+$0x18BB0] =	vst v1;
	s0 =	smov.u32 s22  }
0x133: {  	v1 =	vld [tilespmem:s0+$0x5BF0]  }
0x134: {  	v0 =	vadd.f32 v3, v0;
	v3 =	vld [tilespmem:s0+$0x6BE0];
	v4 =	vadd.f32 v9, v4  }
0x135: {  	v5 =	vld [tilespmem:s0+$0x6BF0]  }
0x136: {  	v0 =	vadd.f32 v6, v0;
	v6 =	vld [tilespmem:s0+$0x7BE0];
	v4 =	vadd.f32 v7, v4  }
0x137: {  	v7 =	vld [tilespmem:s0+$0x7BF0]  }
0x138: {  	v0 =	vadd.f32 v2, v0;
	v2 =	vld [tilespmem:s0+$0x8BE0];
	v1 =	vadd.f32 v1, v4  }
0x139: {  	v4 =	vld [tilespmem:s0+$0x8BF0]  }
0x13a: {  	v0 =	vadd.f32 v3, v0;
	v3 =	vld [tilespmem:s0+$0x9BE0];
	v1 =	vadd.f32 v5, v1  }
0x13b: {  	v5 =	vld [tilespmem:s0+$0x9BF0]  }
0x13c: {  	v0 =	vadd.f32 v6, v0;
	v6 =	vld [tilespmem:s0+$0xABE0];
	v1 =	vadd.f32 v7, v1  }
0x13d: {  	v7 =	vld [tilespmem:s0+$0xABF0]  }
0x13e: {  	v0 =	vadd.f32 v2, v0;
	v2 =	vld [tilespmem:s0+$0xBBE0];
	v1 =	vadd.f32 v4, v1  }
0x13f: {  	v4 =	vld [tilespmem:s0+$0xBBF0]  }
0x140: {  	v0 =	vadd.f32 v3, v0;
	v8 =	vld [tilespmem:s0+$0x2B80];
	v1 =	vadd.f32 v5, v1  }
0x141: {  	v3 =	vld [tilespmem:s0+$0x3B80]  }
0x142: {  	v0 =	vadd.f32 v6, v0;
	v5 =	vld [tilespmem:s0+$0x2B90];
	v1 =	vadd.f32 v7, v1  }
0x143: {  	v6 =	vld [tilespmem:s0+$0x3B90]  }
0x144: {  	v0 =	vadd.f32 v2, v0;
	v7 =	vld [tilespmem:s0+$0x2BA0];
	v1 =	vadd.f32 v4, v1  }
0x145: {  	v2 =	vld [tilespmem:s0+$0x3BA0]  }
0x146: {  	v0 =	vmul.f32 $1.000000010e-01, v0;
	v3 =	vadd.f32 v3, v8;
	v4 =	vld [tilespmem:s0+$0x2BB0];
	v1 =	vmul.f32 $1.000000010e-01, v1  }
0x147: {  	v8 =	vld [tilespmem:s0+$0x3BB0]  }
0x148: {  	v0 =	vshrl.u32 v0, $0x10;
	v5 =	vadd.f32 v6, v5;
	v6 =	vld [tilespmem:s0+$0x2BC0];
	v1 =	vand.u32 $0xFFFF0000, v1  }
0x149: {  	v9 =	vld [tilespmem:s0+$0x3BC0];
	v0 =	vor.u32 v0, v1  }
0x14a: {  	v1 =	vadd.f32 v2, v7;
	v2 =	vld [tilespmem:s0+$0x2BD0];
	[tilespmem:s0+$0x16BB0] =	vst v0  }
0x14b: {  	v0 =	vld [tilespmem:s0+$0x3BD0]  }
0x14c: {  	v7 =	vld [tilespmem:s0+$0x4B80];
	v4 =	vadd.f32 v8, v4  }
0x14d: {  	v8 =	vld [tilespmem:s0+$0x4B90]  }
0x14e: {  	v10 =	vld [tilespmem:s0+$0x4BA0];
	v6 =	vadd.f32 v9, v6  }
0x14f: {  	v9 =	vld [tilespmem:s0+$0x4BB0]  }
0x150: {  	v11 =	vld [tilespmem:s0+$0x4BC0];
	v0 =	vadd.f32 v0, v2  }
0x151: {  	v2 =	vadd.f32 v7, v3;
	v3 =	vld [tilespmem:s0+$0x4BD0]  }
0x152: {  	v7 =	vld [tilespmem:s0+$0x5B80];
	v5 =	vadd.f32 v8, v5  }
0x153: {  	v8 =	vld [tilespmem:s0+$0x5B90];
	v1 =	vadd.f32 v10, v1  }
0x154: {  	v10 =	vld [tilespmem:s0+$0x5BA0];
	v4 =	vadd.f32 v9, v4  }
0x155: {  	v9 =	vld [tilespmem:s0+$0x5BB0];
	v6 =	vadd.f32 v11, v6  }
0x156: {  	v11 =	vld [tilespmem:s0+$0x5BC0];
	v0 =	vadd.f32 v3, v0  }
0x157: {  	v2 =	vadd.f32 v7, v2;
	v3 =	vld [tilespmem:s0+$0x5BD0]  }
0x158: {  	v7 =	vld [tilespmem:s0+$0x6B80];
	v5 =	vadd.f32 v8, v5  }
0x159: {  	v8 =	vld [tilespmem:s0+$0x6B90];
	v1 =	vadd.f32 v10, v1  }
0x15a: {  	v10 =	vld [tilespmem:s0+$0x6BA0];
	v4 =	vadd.f32 v9, v4  }
0x15b: {  	v9 =	vld [tilespmem:s0+$0x6BB0];
	v6 =	vadd.f32 v11, v6  }
0x15c: {  	v11 =	vld [tilespmem:s0+$0x6BC0];
	v0 =	vadd.f32 v3, v0  }
0x15d: {  	v2 =	vadd.f32 v7, v2;
	v3 =	vld [tilespmem:s0+$0x6BD0]  }
0x15e: {  	v7 =	vld [tilespmem:s0+$0x7B80];
	v5 =	vadd.f32 v8, v5  }
0x15f: {  	v8 =	vld [tilespmem:s0+$0x7B90];
	v1 =	vadd.f32 v10, v1  }
0x160: {  	v10 =	vld [tilespmem:s0+$0x7BA0];
	v4 =	vadd.f32 v9, v4  }
0x161: {  	v9 =	vld [tilespmem:s0+$0x7BB0];
	v6 =	vadd.f32 v11, v6  }
0x162: {  	v11 =	vld [tilespmem:s0+$0x7BC0];
	v0 =	vadd.f32 v3, v0  }
0x163: {  	v2 =	vadd.f32 v7, v2;
	v3 =	vld [tilespmem:s0+$0x7BD0]  }
0x164: {  	v7 =	vld [tilespmem:s0+$0x8B80];
	v5 =	vadd.f32 v8, v5  }
0x165: {  	v8 =	vld [tilespmem:s0+$0x8B90];
	v1 =	vadd.f32 v10, v1  }
0x166: {  	v10 =	vld [tilespmem:s0+$0x8BA0];
	v4 =	vadd.f32 v9, v4  }
0x167: {  	v9 =	vld [tilespmem:s0+$0x8BB0];
	v6 =	vadd.f32 v11, v6  }
0x168: {  	v11 =	vld [tilespmem:s0+$0x8BC0];
	v0 =	vadd.f32 v3, v0  }
0x169: {  	v2 =	vadd.f32 v7, v2;
	v3 =	vld [tilespmem:s0+$0x8BD0]  }
0x16a: {  	v7 =	vld [tilespmem:s0+$0x9B80];
	v5 =	vadd.f32 v8, v5  }
0x16b: {  	v8 =	vld [tilespmem:s0+$0x9B90];
	v1 =	vadd.f32 v10, v1  }
0x16c: {  	v10 =	vld [tilespmem:s0+$0x9BA0];
	v4 =	vadd.f32 v9, v4  }
0x16d: {  	v9 =	vld [tilespmem:s0+$0x9BB0];
	v6 =	vadd.f32 v11, v6  }
0x16e: {  	v11 =	vld [tilespmem:s0+$0x9BC0];
	v0 =	vadd.f32 v3, v0  }
0x16f: {  	v2 =	vadd.f32 v7, v2;
	v3 =	vld [tilespmem:s0+$0x9BD0]  }
0x170: {  	v7 =	vld [tilespmem:s0+$0xAB80];
	v5 =	vadd.f32 v8, v5  }
0x171: {  	v8 =	vld [tilespmem:s0+$0xAB90];
	v1 =	vadd.f32 v10, v1  }
0x172: {  	v10 =	vld [tilespmem:s0+$0xABA0];
	v4 =	vadd.f32 v9, v4  }
0x173: {  	v9 =	vld [tilespmem:s0+$0xABB0];
	v6 =	vadd.f32 v11, v6  }
0x174: {  	v11 =	vld [tilespmem:s0+$0xABC0];
	v0 =	vadd.f32 v3, v0  }
0x175: {  	v2 =	vadd.f32 v7, v2;
	v3 =	vld [tilespmem:s0+$0xABD0]  }
0x176: {  	v7 =	vld [tilespmem:s0+$0xBB80];
	v5 =	vadd.f32 v8, v5  }
0x177: {  	v8 =	vld [tilespmem:s0+$0xBB90];
	v1 =	vadd.f32 v10, v1  }
0x178: {  	v10 =	vld [tilespmem:s0+$0xBBA0];
	v4 =	vadd.f32 v9, v4  }
0x179: {  	v9 =	vld [tilespmem:s0+$0xBBB0];
	v6 =	vadd.f32 v11, v6  }
0x17a: {  	v11 =	vld [tilespmem:s0+$0xBBC0];
	v0 =	vadd.f32 v3, v0  }
0x17b: {  	v2 =	vadd.f32 v7, v2;
	v3 =	vld [tilespmem:s0+$0xBBD0]  }
0x17c: {  	v5 =	vadd.f32 v8, v5;
	v7 =	vld [tilespmem:s0+$0xB80]  }
0x17d: {  	v2 =	vmul.f32 $1.000000010e-01, v2;
	v8 =	vld [tilespmem:s0+$0xB90];
	v1 =	vadd.f32 v10, v1  }
0x17e: {  	v5 =	vmul.f32 $1.000000010e-01, v5;
	v4 =	vadd.f32 v9, v4;
	v9 =	vld [tilespmem:s0+$0xBA0]  }
0x17f: {  	v2 =	vshrl.u32 v2, $0x10;
	v1 =	vmul.f32 $1.000000010e-01, v1;
	v10 =	vld [tilespmem:s0+$0xBB0];
	v6 =	vadd.f32 v11, v6  }
0x180: {  	v5 =	vand.u32 $0xFFFF0000, v5;
	v4 =	vmul.f32 $1.000000010e-01, v4;
	v0 =	vadd.f32 v3, v0;
	v11 =	vld [tilespmem:s0+$0xBC0]  }
0x181: {  	v7 =	vshrl.u32 v7, $0x10;
	v3 =	vshrl.u32 v1, $0x10;
	v6 =	vmul.f32 $1.000000010e-01, v6;
	v12 =	vld [tilespmem:s0+$0xBD0]  }
.Ltmp3:
0x182: {  	v8 =	vand.u32 $0xFFFF0000, v8;
	v4 =	vand.u32 $0xFFFF0000, v4;
	v13 =	vmul.f32 $1.000000010e-01, v0;
	v1 =	vld [tilespmem:s0+$0xBE0];
	(pc) =	sbr.rel @p3 .LBB2_7-.Ltmp3, $4  }
0x183: {  	s22 =	sshra.s32 s4, $0x2;
	v5 =	vor.u32 v2, v5;
	v9 =	vshrl.u32 v9, $0x10;
	v6 =	vshrl.u32 v6, $0x10;
	v2 =	vld [tilespmem:s0+$0xBF0]  }
0x184: {  	v4 =	vor.u32 v3, v4;
	v0 =	vld [tilespmem:s22+$0x2BE0];
	[tilespmem:s0+$0x16B80] =	vst v5;
	v10 =	vand.u32 $0xFFFF0000, v10;
	v13 =	vand.u32 $0xFFFF0000, v13  }
0x185: {  	v5 =	vor.u32 v7, v8;
	v3 =	vld [tilespmem:s22+$0x3BE0];
	[tilespmem:s0+$0x16B90] =	vst v4;
	v8 =	vor.u32 v6, v13;
	v6 =	vshrl.u32 v11, $0x10  }
0x186: {  	s4 =	sadd.s32 $0x200, s4;
	v7 =	vor.u32 v9, v10;
	v4 =	vld [tilespmem:s22+$0x2BF0];
	[tilespmem:s0+$0x16BA0] =	vst v8;
	v8 =	vand.u32 $0xFFFF0000, v12  }
0x187: {  	v9 =	vld [tilespmem:s22+$0x3BF0];
	[tilespmem:s0+$0x18B80] =	vst v5  }
0x188: {  	v6 =	vor.u32 v6, v8;
	v1 =	vshrl.u32 v1, $0x10;
	v5 =	vld [tilespmem:s22+$0x4BE0];
	[tilespmem:s0+$0x18B90] =	vst v7;
	v2 =	vand.u32 $0xFFFF0000, v2  }
0x189: {  	v7 =	vld [tilespmem:s22+$0x4BF0];
	[tilespmem:s0+$0x18BA0] =	vst v6;
	v1 =	vor.u32 v1, v2  }
0x18a: {  	v30 =	vld [tilespmem:s22+$0x5BE0];
	[tilespmem:s0+$0x18BB0] =	vst v1  }
0x18b: {  	v1 =	vld [tilespmem:s22+$0x5BF0]  }
0x18c: {  	v6 =	vld [tilespmem:s22+$0x6BE0]  }
0x18d: {  	v32 =	vld [tilespmem:s22+$0x6BF0]  }
0x18e: {  	v33 =	vld [tilespmem:s22+$0x7BE0]  }
0x18f: {  	v34 =	vld [tilespmem:s22+$0x7BF0]  }
0x190: {  	v35 =	vld [tilespmem:s22+$0x8BE0]  }
0x191: {  	v36 =	vld [tilespmem:s22+$0x8BF0]  }
0x192: {  	v37 =	vld [tilespmem:s22+$0x9BE0]  }
0x193: {  	v38 =	vld [tilespmem:s22+$0x9BF0]  }
0x194: {  	v39 =	vld [tilespmem:s22+$0xABE0]  }
0x195: {  	v40 =	vld [tilespmem:s22+$0xABF0]  }
0x196: {  	v41 =	vld [tilespmem:s22+$0xBBE0]  }
0x197: {  	v42 =	vld [tilespmem:s22+$0xBBF0]  }
0x198: {  	v43 =	vld [tilespmem:s22+$0x2B80]  }
0x199: {  	v44 =	vld [tilespmem:s22+$0x3B80]  }
0x19a: {  	v45 =	vld [tilespmem:s22+$0x2B90]  }
0x19b: {  	v46 =	vld [tilespmem:s22+$0x3B90]  }
0x19c: {  	v47 =	vld [tilespmem:s22+$0x2BA0]  }
0x19d: {  	v48 =	vld [tilespmem:s22+$0x3BA0]  }
0x19e: {  	v49 =	vld [tilespmem:s22+$0x2BB0]  }
0x19f: {  	v50 =	vld [tilespmem:s22+$0x3BB0]  }
0x1a0: {  	v10 =	vld [tilespmem:s22+$0x2BC0]  }
0x1a1: {  	v11 =	vld [tilespmem:s22+$0x3BC0]  }
0x1a2: {  	v51 =	vld [tilespmem:s22+$0x2BD0]  }
0x1a3: {  	v52 =	vld [tilespmem:s22+$0x3BD0]  }
0x1a4: {  	v12 =	vld [tilespmem:s22+$0x4B80]  }
0x1a5: {  	v13 =	vld [tilespmem:s22+$0x4B90]  }
0x1a6: {  	v14 =	vld [tilespmem:s22+$0x4BA0]  }
0x1a7: {  	v15 =	vld [tilespmem:s22+$0x4BB0]  }
0x1a8: {  	v16 =	vld [tilespmem:s22+$0x4BC0]  }
0x1a9: {  	v17 =	vld [tilespmem:s22+$0x4BD0]  }
0x1aa: {  	v18 =	vld [tilespmem:s22+$0x5B80]  }
0x1ab: {  	v19 =	vld [tilespmem:s22+$0x5B90]  }
0x1ac: {  	v20 =	vld [tilespmem:s22+$0x5BA0]  }
0x1ad: {  	v21 =	vld [tilespmem:s22+$0x5BB0]  }
0x1ae: {  	v22 =	vld [tilespmem:s22+$0x5BC0]  }
0x1af: {  	v23 =	vld [tilespmem:s22+$0x5BD0]  }
0x1b0: {  	v24 =	vld [tilespmem:s22+$0x6B80]  }
0x1b1: {  	v25 =	vld [tilespmem:s22+$0x6B90]  }
0x1b2: {  	v0 =	vadd.f32 v3, v0;
	v26 =	vld [tilespmem:s22+$0x6BA0]  }
0x1b3: {  	v27 =	vld [tilespmem:s22+$0x6BB0];
	v31 =	vadd.f32 v9, v4  }
0x1b4: {  	v28 =	vld [tilespmem:s22+$0x6BC0];
	v0 =	vadd.f32 v5, v0  }
0x1b5: {  	v29 =	vld [tilespmem:s22+$0x6BD0];
	v3 =	vadd.f32 v7, v31  }
0x1b6: {  	v53 =	vld [tilespmem:s22+$0x8BA0];
	v0 =	vadd.f32 v30, v0  }
0x1b7: {  	v55 =	vld [tilespmem:s22+$0x8BB0];
	v1 =	vadd.f32 v1, v3;
	v3 =	vadd.f32 v44, v43  }
0x1b8: {  	v57 =	vld [tilespmem:s22+$0x8BC0];
	v4 =	vadd.f32 v46, v45;
	v2 =	vadd.f32 v48, v47  }
0x1b9: {  	v58 =	vld [tilespmem:s22+$0x8BD0];
	v54 =	vadd.f32 v50, v49;
	v56 =	vadd.f32 v11, v10  }
0x1ba: {  	v59 =	vld [tilespmem:s22+$0x9B80];
	v0 =	vadd.f32 v6, v0;
	v1 =	vadd.f32 v32, v1  }
0x1bb: {  	v60 =	vld [tilespmem:s22+$0x9B90];
	v3 =	vadd.f32 v12, v3;
	v4 =	vadd.f32 v13, v4  }
0x1bc: {  	v61 =	vld [tilespmem:s22+$0x9BA0];
	v0 =	vadd.f32 v33, v0;
	v1 =	vadd.f32 v34, v1  }
0x1bd: {  	v62 =	vld [tilespmem:s22+$0x9BB0];
	v2 =	vadd.f32 v14, v2;
	v6 =	vadd.f32 v15, v54  }
0x1be: {  	v63 =	vld [tilespmem:s22+$0x9BC0];
	v0 =	vadd.f32 v35, v0;
	v1 =	vadd.f32 v36, v1  }
0x1bf: {  	v31 =	vld [tilespmem:s22+$0x7B90];
	v8 =	vadd.f32 v16, v56;
	v3 =	vadd.f32 v18, v3  }
0x1c0: {  	v30 =	vld [tilespmem:s22+$0x7B80];
	v0 =	vadd.f32 v37, v0;
	v1 =	vadd.f32 v38, v1  }
0x1c1: {  	v43 =	vld [tilespmem:s22+$0xBBA0];
	v4 =	vadd.f32 v19, v4;
	v2 =	vadd.f32 v20, v2  }
0x1c2: {  	v44 =	vld [tilespmem:s22+$0xBBB0];
	v0 =	vadd.f32 v39, v0;
	v1 =	vadd.f32 v40, v1  }
0x1c3: {  	v32 =	vld [tilespmem:s22+$0x7BA0];
	v6 =	vadd.f32 v21, v6;
	v8 =	vadd.f32 v22, v8  }
0x1c4: {  	v54 =	vld [tilespmem:s22+$0xBF0];
	v0 =	vadd.f32 v41, v0;
	v1 =	vadd.f32 v42, v1  }
0x1c5: {  	v33 =	vld [tilespmem:s22+$0x7BB0];
	v3 =	vadd.f32 v24, v3;
	v4 =	vadd.f32 v25, v4  }
0x1c6: {  	v34 =	vld [tilespmem:s22+$0x7BC0];
	v2 =	vadd.f32 v26, v2;
	v0 =	vmul.f32 $1.000000010e-01, v0;
	v1 =	vmul.f32 $1.000000010e-01, v1  }
0x1c7: {  	v36 =	vld [tilespmem:s22+$0x8B80];
	v6 =	vadd.f32 v27, v6;
	v8 =	vadd.f32 v28, v8  }
0x1c8: {  	v37 =	vld [tilespmem:s22+$0x8B90];
	v3 =	vadd.f32 v30, v3;
	v0 =	vshrl.u32 v0, $0x10;
	v1 =	vand.u32 $0xFFFF0000, v1  }
0x1c9: {  	v35 =	vld [tilespmem:s22+$0x7BD0];
	v4 =	vadd.f32 v31, v4;
	v2 =	vadd.f32 v32, v2;
	v0 =	vor.u32 v0, v1  }
0x1ca: {  	v25 =	vld [tilespmem:s22+$0x9BD0];
	v6 =	vadd.f32 v33, v6;
	[tilespmem:s22+$0x16BB0] =	vst v0;
	v0 =	vadd.f32 v52, v51  }
0x1cb: {  	v31 =	vld [tilespmem:s22+$0xABA0];
	v8 =	vadd.f32 v34, v8;
	v2 =	vadd.f32 v53, v2  }
0x1cc: {  	v33 =	vld [tilespmem:s22+$0xABB0];
	v40 =	vadd.f32 v55, v6;
	v0 =	vadd.f32 v17, v0  }
0x1cd: {  	v27 =	vld [tilespmem:s22+$0xAB80];
	v3 =	vadd.f32 v36, v3;
	v4 =	vadd.f32 v37, v4  }
0x1ce: {  	v38 =	vld [tilespmem:s22+$0xABC0];
	v2 =	vadd.f32 v61, v2;
	v0 =	vadd.f32 v23, v0  }
0x1cf: {  	v39 =	vld [tilespmem:s22+$0xABD0];
	v5 =	vadd.f32 v62, v40;
	v3 =	vadd.f32 v59, v3  }
0x1d0: {  	v41 =	vld [tilespmem:s22+$0xBB80];
	v4 =	vadd.f32 v60, v4;
	v0 =	vadd.f32 v29, v0  }
0x1d1: {  	v2 =	vadd.f32 v31, v2;
	v5 =	vadd.f32 v33, v5;
	v29 =	vld [tilespmem:s22+$0xAB90]  }
0x1d2: {  	v53 =	vld [tilespmem:s22+$0xBE0];
	v3 =	vadd.f32 v27, v3;
	v0 =	vadd.f32 v35, v0  }
0x1d3: {  	v42 =	vld [tilespmem:s22+$0xBB90];
	v2 =	vadd.f32 v43, v2;
	v1 =	vadd.f32 v57, v8  }
0x1d4: {  	v45 =	vld [tilespmem:s22+$0xBBC0];
	v5 =	vadd.f32 v44, v5;
	v0 =	vadd.f32 v58, v0  }
0x1d5: {  	v46 =	vld [tilespmem:s22+$0xBBD0];
	v3 =	vadd.f32 v41, v3;
	v1 =	vadd.f32 v63, v1  }
0x1d6: {  	v47 =	vld [tilespmem:s22+$0xB80];
	v62 =	vand.u32 $0xFFFF0000, v54;
	v4 =	vadd.f32 v29, v4;
	v0 =	vadd.f32 v25, v0  }
0x1d7: {  	v48 =	vld [tilespmem:s22+$0xB90];
	v2 =	vmul.f32 $1.000000010e-01, v2;
	v5 =	vmul.f32 $1.000000010e-01, v5;
	v1 =	vadd.f32 v38, v1  }
0x1d8: {  	v49 =	vld [tilespmem:s22+$0xBA0];
	v61 =	vshrl.u32 v53, $0x10;
	v4 =	vadd.f32 v42, v4;
	v0 =	vadd.f32 v39, v0  }
0x1d9: {  	v50 =	vld [tilespmem:s22+$0xBB0];
	v3 =	vmul.f32 $1.000000010e-01, v3;
	v2 =	vshrl.u32 v2, $0x10;
	v5 =	vand.u32 $0xFFFF0000, v5  }
0x1da: {  	v51 =	vld [tilespmem:s22+$0xBC0];
	v1 =	vadd.f32 v45, v1;
	v4 =	vmul.f32 $1.000000010e-01, v4;
	v0 =	vadd.f32 v46, v0  }
0x1db: {  	v52 =	vld [tilespmem:s22+$0xBD0];
	v63 =	vor.u32 v61, v62;
	v3 =	vshrl.u32 v3, $0x10;
	v2 =	vor.u32 v2, v5  }
0x1dc: {  	s0 =	sadd.s32 @p0 $0xFFFFFFFC, s14;
	[tilespmem:s22+$0x18BB0] =	vst v63;
	v1 =	vmul.f32 $1.000000010e-01, v1;
	v4 =	vand.u32 $0xFFFF0000, v4;
	v0 =	vmul.f32 $1.000000010e-01, v0  }
0x1dd: {  	s4 =	sshrl.u32 @p0 s0, $0x2;
	s0 =	sshll.u32 @p0 s0, $0xC;
	v56 =	vand.u32 $0xFFFF0000, v48;
	v55 =	vshrl.u32 v47, $0x10;
	[tilespmem:s22+$0x16B90] =	vst v2;
	v3 =	vor.u32 v3, v4  }
0x1de: {  	s16 =	sshll.u32 @p0 s4, $0xE;
	s0 =	sadd.s32 @p0 s13, s0;
	v1 =	vshrl.u32 v1, $0x10;
	[tilespmem:s22+$0x16B80] =	vst v3;
	v3 =	vor.u32 v55, v56;
	v0 =	vand.u32 $0xFFFF0000, v0  }
0x1df: {  	s4 =	sshll.u32 @p0 s4, $0x13;
	s0 =	ssub.s32 @p0 s0, s16;
	v57 =	vshrl.u32 v49, $0x10;
	v58 =	vand.u32 $0xFFFF0000, v50;
	[tilespmem:s22+$0x18B80] =	vst v3;
	v0 =	vor.u32 v1, v0  }
0x1e0: {  	s0 =	sadd.s32 @p0 s4, s0;
	v59 =	vshrl.u32 v51, $0x10;
	v60 =	vand.u32 $0xFFFF0000, v52;
	v1 =	vor.u32 v57, v58;
	[tilespmem:s22+$0x16BA0] =	vst v0  }
0x1e1: {  	s0 =	sshrl.u32 @p0 s0, $0x3;
	v0 =	vor.u32 v59, v60;
	[tilespmem:s22+$0x18B90] =	vst v1  }
0x1e2: {  	s16 =	simm.s32 @p0 $0x0;
	s4 =	sadd.s32 @p0 s7, s0;
	[tilespmem:s22+$0x18BA0] =	vst v0;
	s22 =	simm.s32 @p0 $0x18B80  }
0x1e3: {  	[hbm4b:s4+s16] =	stream.linear.scatter @p0 [tilespmem:s22], [sflag:$0x4], $0x1000, $0x38;
	[tilespmem:$0x1AB80] =	vst v63  }
0x1e4: {  	s4 =	sshll.u32 @!p0 s20, $0xA  }
0x1e5: {  	s17 =	simm.s32 @!p0 $0x18B80;
	s0 =	sadd.s32 @p0 s9, s0;
	s4 =	sor.u32 @!p0 s11, s4  }
0x1e6: {  	s22 =	simm.s32 @!p0 $0x0;
	s16 =	sadd.s32 @!p0 s6, s4;
	s4 =	sadd.s32 @!p0 s2, s4  }
0x1e7: {  	[hbm4b:s16+s22] =	stream.linear.scatter @!p0 [tilespmem:s17], [sflag:$0x4], $0x1000, $0x38;
	[tilespmem:$0x1AB80] =	vst v63  }
0x1e8: {  	s4 =	smov.u32 @p0 s0;
	s0 =	simm.s32 @!p2 $0x1  }
0x1e9: {  	[hbm4b:s4+s3] =	stream.linear.scatter [tilespmem:s28], [sflag:$0x4], $0x1000, $0x38;
	[tilespmem:$0x1AB80] =	vst v63  }
0x1ea: {  	_ =	swait.ge @!p2 [sflag:s0], $0x140  }
0x1eb: {  	[sflag:s0] =	ssyncset.done @!p2 $0x0  }
0x1ec: {  	[sflag:s0] =	ssyncadd.s32 @!p2 $0xFFFFFEC0;
	s0 =	simm.s32 @!p2 $0x4  }
0x1ed: {  	_ =	swait.ge @!p2 [sflag:s0], $0x1000  }
0x1ee: {  	[sflag:s0] =	ssyncset.done @!p2 $0x0  }
0x1ef: {  	[sflag:s0] =	ssyncadd.s32 @!p2 $0xFFFFF000  }
0x1f0: {  	s4 =	smax.u32 @!p2 s14, $0x2;
	_ =	swait.ge @!p2 [sflag:s0], $0x1000  }
0x1f1: {  	p3 =	seq.s32 @!p2 s20, $0x0;
	s4 =	sshll.u32 @!p2 s4, $0x5;
	[sflag:s0] =	ssyncset.done @!p2 $0x0  }
0x1f2: {  	p3 =	por !p3, p2;
	[sflag:s0] =	ssyncadd.s32 @!p2 $0xFFFFF000;
	s0 =	sadd.s32 @!p2 $0x40, s4  }
0x1f3: {  	s16 =	simm.s32 @!p2 $0xB80;
	s4 =	simm.s32 @!p2 $0x20;
	s0 =	simm.s32 @!p3 $0x40  }
0x1f4: {  	[tilespmem:s16], [sflag:$0x2] =	stream.indirect.gather @!p2 [hbm4b:s1+s4], $0x80, s0, s4, $0xb8;
	[tilespmem:$0x1AB80] =	vst v63  }
0x1f5: {  	s0 =	simm.s32 @!p2 $0x140;
	s4 =	simm.s32 @!p2 $0x880;
	s16 =	simm.s32 @!p2 $0x2B80  }
0x1f6: {  	[tilespmem:s16], [sflag:$0x2] =	stream.indirect.gather @!p2 [hbm4b:s1+s0], $0x80, s4, s0, $0xb8;
	[tilespmem:$0x1AB80] =	vst v63  }
0x1f7: {  	_ =	swait.ge [sflag:s29], $0x1000  }
0x1f8: {  	[sflag:s29] =	ssyncset.done $0x0  }
0x1f9: {  	[sflag:s29] =	ssyncadd.s32 $0xFFFFF000  }
0x1fa: {  	_ =	swait.ge [sflag:s29], $0xA000  }
0x1fb: {  	[sflag:s29] =	ssyncset.done $0x0  }
0x1fc: {  	[sflag:s29] =	ssyncadd.s32 $0xFFFF6000  }
0x1fd: {  	v0 =	vld @!p0 [tilespmem:$0xA00];
	_ =	sdelay $0x4  }
0x1fe: {  	[tilespmem:s31+$0x80] =	vst @!p0 v0  }
0x1ff: {  	v0 =	vld @!p0 [tilespmem:$0xA10];
	_ =	sdelay $0x4  }
0x200: {  	[tilespmem:s31+$0x90] =	vst @!p0 v0  }
0x201: {  	v0 =	vld @!p0 [tilespmem:$0xA20];
	_ =	sdelay $0x4  }
0x202: {  	[tilespmem:s31+$0x100] =	vst @!p0 v0  }
0x203: {  	v0 =	vld @!p0 [tilespmem:$0xA30];
	_ =	sdelay $0x4  }
0x204: {  	[tilespmem:s31+$0x110] =	vst @!p0 v0  }
0x205: {  	v0 =	vld @!p0 [tilespmem:$0xA40];
	_ =	sdelay $0x4  }
0x206: {  	[tilespmem:s31+$0x180] =	vst @!p0 v0  }
0x207: {  	v0 =	vld @!p0 [tilespmem:$0xA50];
	_ =	sdelay $0x4  }
0x208: {  	[tilespmem:s31+$0x190] =	vst @!p0 v0  }
0x209: {  	v0 =	vld @!p0 [tilespmem:$0xA60];
	_ =	sdelay $0x4  }
0x20a: {  	[tilespmem:s31+$0x200] =	vst @!p0 v0  }
0x20b: {  	v0 =	vld @!p0 [tilespmem:$0xA70];
	_ =	sdelay $0x4  }
0x20c: {  	[tilespmem:s31+$0x210] =	vst @!p0 v0  }
0x20d: {  	v0 =	vld @!p0 [tilespmem:$0xA80];
	_ =	sdelay $0x4  }
0x20e: {  	[tilespmem:s31+$0x280] =	vst @!p0 v0  }
0x20f: {  	v0 =	vld @!p0 [tilespmem:$0xA90];
	_ =	sdelay $0x4  }
0x210: {  	[tilespmem:s31+$0x290] =	vst @!p0 v0  }
0x211: {  	v0 =	vld @!p0 [tilespmem:$0xAA0];
	_ =	sdelay $0x4  }
0x212: {  	[tilespmem:s31+$0x300] =	vst @!p0 v0  }
0x213: {  	v0 =	vld @!p0 [tilespmem:$0xAB0];
	_ =	sdelay $0x4  }
0x214: {  	[tilespmem:s31+$0x310] =	vst @!p0 v0  }
0x215: {  	v0 =	vld @!p0 [tilespmem:$0xAC0];
	_ =	sdelay $0x4  }
0x216: {  	[tilespmem:s31+$0x380] =	vst @!p0 v0  }
0x217: {  	v0 =	vld @!p0 [tilespmem:$0xAD0];
	_ =	sdelay $0x4  }
0x218: {  	[tilespmem:s31+$0x390] =	vst @!p0 v0  }
0x219: {  	v0 =	vld @!p0 [tilespmem:$0xAE0];
	_ =	sdelay $0x4  }
0x21a: {  	[tilespmem:s31+$0x400] =	vst @!p0 v0  }
0x21b: {  	v0 =	vld @!p0 [tilespmem:$0xAF0];
	_ =	sdelay $0x4  }
0x21c: {  	[tilespmem:s31+$0x410] =	vst @!p0 v0  }
0x21d: {  	v0 =	vld @!p0 [tilespmem:$0xB00];
	_ =	sdelay $0x4  }
0x21e: {  	[tilespmem:s31+$0x480] =	vst @!p0 v0  }
0x21f: {  	v0 =	vld @!p0 [tilespmem:$0xB10];
	_ =	sdelay $0x4  }
0x220: {  	[tilespmem:s31+$0x490] =	vst @!p0 v0  }
0x221: {  	v0 =	vld @!p0 [tilespmem:$0xB20];
	_ =	sdelay $0x4  }
0x222: {  	[tilespmem:s31+$0x500] =	vst @!p0 v0  }
0x223: {  	v0 =	vld @!p0 [tilespmem:$0xB30]  }
.Ltmp4:
0x224: {  	_ = 	snop;
	(pc) =	sbr.rel @p2 .LBB2_10-.Ltmp4, $2  }
0x225: {  	_ =	sdelay $0x2  }
0x226: {  	[tilespmem:s31+$0x510] =	vst @!p0 v0  }
0x227: {  	s0 =	smax.u32 s14, $0x1  }
0x228: {  	s0 =	sshll.u32 s0, $0x5  }
0x229: {  	s0 =	sadd.s32 $0x60, s0  }
0x22a: {  	s0 =	simm.s32 @p1 $0x60  }
0x22b: {  	v0 =	vld [tilespmem:s0+$0x0];
	_ =	sdelay $0x4  }
0x22c: {  	[tilespmem:$0x700] =	vst v0  }
0x22d: {  	v0 =	vld [tilespmem:s0+$0x10];
	_ =	sdelay $0x4  }
0x22e: {  	[tilespmem:$0x710] =	vst v0  }
0x22f: {  	v0 =	vld [tilespmem:s0+$0x0];
	_ =	sdelay $0x4  }
0x230: {  	v0 =	vadd.s32 $0x186A0, v0  }
0x231: {  	[tilespmem:$0x720] =	vst v0  }
0x232: {  	v0 =	vld [tilespmem:s0+$0x10];
	_ =	sdelay $0x4  }
0x233: {  	v0 =	vadd.s32 $0x186A0, v0  }
0x234: {  	[tilespmem:$0x730] =	vst v0  }
0x235: {  	v0 =	vld [tilespmem:s0+$0x0];
	_ =	sdelay $0x4  }
0x236: {  	v0 =	vadd.s32 $0x30D40, v0  }
0x237: {  	[tilespmem:$0x740] =	vst v0  }
0x238: {  	v0 =	vld [tilespmem:s0+$0x10];
	_ =	sdelay $0x4  }
0x239: {  	v0 =	vadd.s32 $0x30D40, v0  }
0x23a: {  	[tilespmem:$0x750] =	vst v0  }
0x23b: {  	v0 =	vld [tilespmem:s0+$0x0];
	_ =	sdelay $0x4  }
0x23c: {  	v0 =	vadd.s32 $0x493E0, v0  }
0x23d: {  	[tilespmem:$0x760] =	vst v0  }
0x23e: {  	v0 =	vld [tilespmem:s0+$0x10];
	_ =	sdelay $0x4  }
0x23f: {  	v0 =	vadd.s32 $0x493E0, v0  }
0x240: {  	[tilespmem:$0x770] =	vst v0  }
0x241: {  	v0 =	vld [tilespmem:s0+$0x0];
	_ =	sdelay $0x4  }
0x242: {  	v0 =	vadd.s32 $0x61A80, v0  }
0x243: {  	[tilespmem:$0x780] =	vst v0  }
0x244: {  	v0 =	vld [tilespmem:s0+$0x10];
	_ =	sdelay $0x4  }
0x245: {  	v0 =	vadd.s32 $0x61A80, v0  }
0x246: {  	[tilespmem:$0x790] =	vst v0  }
0x247: {  	v0 =	vld [tilespmem:s0+$0x0];
	_ =	sdelay $0x4  }
0x248: {  	v0 =	vadd.s32 $0x7A120, v0  }
0x249: {  	[tilespmem:$0x7A0] =	vst v0  }
0x24a: {  	v0 =	vld [tilespmem:s0+$0x10];
	_ =	sdelay $0x4  }
0x24b: {  	v0 =	vadd.s32 $0x7A120, v0  }
0x24c: {  	[tilespmem:$0x7B0] =	vst v0  }
0x24d: {  	v0 =	vld [tilespmem:s0+$0x0];
	_ =	sdelay $0x4  }
0x24e: {  	v0 =	vadd.s32 $0x927C0, v0  }
0x24f: {  	[tilespmem:$0x7C0] =	vst v0  }
0x250: {  	v0 =	vld [tilespmem:s0+$0x10];
	_ =	sdelay $0x4  }
0x251: {  	v0 =	vadd.s32 $0x927C0, v0  }
0x252: {  	[tilespmem:$0x7D0] =	vst v0  }
0x253: {  	v0 =	vld [tilespmem:s0+$0x0];
	_ =	sdelay $0x4  }
0x254: {  	v0 =	vadd.s32 $0xAAE60, v0  }
0x255: {  	[tilespmem:$0x7E0] =	vst v0  }
0x256: {  	v0 =	vld [tilespmem:s0+$0x10];
	_ =	sdelay $0x4  }
0x257: {  	v0 =	vadd.s32 $0xAAE60, v0  }
0x258: {  	[tilespmem:$0x7F0] =	vst v0  }
0x259: {  	v0 =	vld [tilespmem:s0+$0x0];
	_ =	sdelay $0x4  }
0x25a: {  	v0 =	vadd.s32 $0xC3500, v0  }
0x25b: {  	[tilespmem:$0x800] =	vst v0  }
0x25c: {  	v0 =	vld [tilespmem:s0+$0x10];
	_ =	sdelay $0x4  }
0x25d: {  	v0 =	vadd.s32 $0xC3500, v0  }
0x25e: {  	[tilespmem:$0x810] =	vst v0  }
0x25f: {  	v0 =	vld [tilespmem:s0+$0x0];
	_ =	sdelay $0x4  }
0x260: {  	v0 =	vadd.s32 $0xDBBA0, v0  }
0x261: {  	[tilespmem:$0x820] =	vst v0  }
0x262: {  	v0 =	vld [tilespmem:s0+$0x10];
	_ =	sdelay $0x4  }
0x263: {  	v0 =	vadd.s32 $0xDBBA0, v0  }
0x264: {  	s31 =	simm.s32 $0x700;
	[tilespmem:$0x830] =	vst v0  }
0x265: {  	[tilespmem:s23], [sflag:$0x1] =	stream.indirect.gather [hbm4b:s5+s15], $0x1, s31, s15, $0xb8;
	[tilespmem:$0x1AB80] =	vst v63  }
.LBB2_10:
0x266: {  	s0 =	simm.s32 $0x0  }
0x267: {  	v0 =	vld [tilespmem:s0+$0xCBE0]  }
0x268: {  	v1 =	vld [tilespmem:s0+$0xDBE0]  }
0x269: {  	v2 =	vld [tilespmem:s0+$0xCBF0]  }
0x26a: {  	v3 =	vld [tilespmem:s0+$0xDBF0]  }
0x26b: {  	v4 =	vld [tilespmem:s0+$0xEBE0]  }
0x26c: {  	v5 =	vld [tilespmem:s0+$0xEBF0]  }
0x26d: {  	v6 =	vld [tilespmem:s0+$0xFBE0]  }
0x26e: {  	v7 =	vld [tilespmem:s0+$0xFBF0]  }
0x26f: {  	v8 =	vld [tilespmem:s0+$0x10BE0]  }
0x270: {  	v9 =	vld [tilespmem:s0+$0xDBB0]  }
0x271: {  	v10 =	vld [tilespmem:s0+$0xCBC0]  }
0x272: {  	v11 =	vld [tilespmem:s0+$0xDBC0]  }
0x273: {  	v12 =	vld [tilespmem:s0+$0xEB80]  }
0x274: {  	v13 =	vld [tilespmem:s0+$0xEB90]  }
0x275: {  	v14 =	vld [tilespmem:s0+$0xEBA0]  }
0x276: {  	v15 =	vld [tilespmem:s0+$0xEBB0]  }
0x277: {  	v16 =	vld [tilespmem:s0+$0xEBC0]  }
0x278: {  	v17 =	vld [tilespmem:s0+$0xEBD0]  }
0x279: {  	v18 =	vld [tilespmem:s0+$0xFB80]  }
0x27a: {  	v19 =	vld [tilespmem:s0+$0xFB90]  }
0x27b: {  	v20 =	vld [tilespmem:s0+$0xFBA0]  }
0x27c: {  	v21 =	vld [tilespmem:s0+$0xFBB0]  }
0x27d: {  	v22 =	vld [tilespmem:s0+$0xFBC0]  }
0x27e: {  	v23 =	vld [tilespmem:s0+$0xFBD0]  }
0x27f: {  	v24 =	vld [tilespmem:s0+$0x10B80]  }
0x280: {  	v25 =	vld [tilespmem:s0+$0x10B90]  }
0x281: {  	v26 =	vld [tilespmem:s0+$0x10BA0]  }
0x282: {  	v27 =	vld [tilespmem:s0+$0x10BB0]  }
0x283: {  	v28 =	vld [tilespmem:s0+$0x10BC0]  }
0x284: {  	v29 =	vld [tilespmem:s0+$0x10BD0]  }
0x285: {  	v30 =	vld [tilespmem:s0+$0x11B80]  }
0x286: {  	v31 =	vld [tilespmem:s0+$0x11B90]  }
0x287: {  	v32 =	vld [tilespmem:s0+$0x11BA0]  }
0x288: {  	v33 =	vld [tilespmem:s0+$0x11BB0]  }
0x289: {  	v34 =	vld [tilespmem:s0+$0x11BC0]  }
0x28a: {  	v35 =	vld [tilespmem:s0+$0x11BD0]  }
0x28b: {  	v36 =	vld [tilespmem:s0+$0x12B80]  }
0x28c: {  	v37 =	vld [tilespmem:s0+$0x12B90]  }
0x28d: {  	v0 =	vadd.f32 v1, v0;
	v1 =	vadd.f32 v3, v2;
	v2 =	vld [tilespmem:s0+$0x10BF0]  }
0x28e: {  	v3 =	vld [tilespmem:s0+$0x11BE0]  }
0x28f: {  	v0 =	vadd.f32 v4, v0;
	v1 =	vadd.f32 v5, v1;
	v4 =	vld [tilespmem:s0+$0x11BF0]  }
0x290: {  	v5 =	vld [tilespmem:s0+$0x12BE0]  }
0x291: {  	v0 =	vadd.f32 v6, v0;
	v1 =	vadd.f32 v7, v1;
	v6 =	vld [tilespmem:s0+$0x12BF0]  }
0x292: {  	v7 =	vld [tilespmem:s0+$0x13BE0]  }
0x293: {  	v0 =	vadd.f32 v8, v0;
	v1 =	vadd.f32 v2, v1;
	v2 =	vld [tilespmem:s0+$0x13BF0]  }
0x294: {  	v8 =	vld [tilespmem:s0+$0x14BE0]  }
0x295: {  	v0 =	vadd.f32 v3, v0;
	v1 =	vadd.f32 v4, v1;
	v3 =	vld [tilespmem:s0+$0x14BF0]  }
0x296: {  	v4 =	vld [tilespmem:s0+$0x15BE0]  }
0x297: {  	v0 =	vadd.f32 v5, v0;
	v1 =	vadd.f32 v6, v1;
	v5 =	vld [tilespmem:s0+$0x15BF0]  }
0x298: {  	v6 =	vld [tilespmem:s0+$0xCB80]  }
0x299: {  	v0 =	vadd.f32 v7, v0;
	v1 =	vadd.f32 v2, v1;
	v2 =	vld [tilespmem:s0+$0xDB80]  }
0x29a: {  	v7 =	vld [tilespmem:s0+$0xCB90]  }
0x29b: {  	v0 =	vadd.f32 v8, v0;
	v1 =	vadd.f32 v3, v1;
	v3 =	vld [tilespmem:s0+$0xDB90]  }
0x29c: {  	v8 =	vld [tilespmem:s0+$0xCBA0]  }
0x29d: {  	v0 =	vadd.f32 v4, v0;
	v4 =	vld [tilespmem:s0+$0xDBA0]  }
0x29e: {  	v1 =	vadd.f32 v5, v1;
	v5 =	vld [tilespmem:s0+$0xCBB0]  }
0x29f: {  	v38 =	vld [tilespmem:s0+$0x12BA0]  }
0x2a0: {  	v39 =	vld [tilespmem:s0+$0x12BB0];
	v2 =	vadd.f32 v2, v6;
	v0 =	vmul.f32 $1.000000010e-01, v0  }
0x2a1: {  	v50 =	vld [tilespmem:s0+$0x13BC0];
	v1 =	vmul.f32 $1.000000010e-01, v1;
	v3 =	vadd.f32 v3, v7  }
0x2a2: {  	v51 =	vld [tilespmem:s0+$0x13BD0];
	v2 =	vadd.f32 v12, v2;
	v0 =	vshrl.u32 v0, $0x10;
	v4 =	vadd.f32 v4, v8  }
0x2a3: {  	v52 =	vld [tilespmem:s0+$0x14B80];
	v1 =	vand.u32 $0xFFFF0000, v1;
	v5 =	vadd.f32 v9, v5;
	v8 =	vadd.f32 v11, v10  }
0x2a4: {  	v0 =	vor.u32 v0, v1;
	v1 =	vld [tilespmem:s0+$0xCBD0];
	v3 =	vadd.f32 v13, v3;
	v2 =	vadd.f32 v18, v2  }
0x2a5: {  	[tilespmem:s0+$0x17BB0] =	vst v0;
	v0 =	vld [tilespmem:s0+$0xDBD0];
	v4 =	vadd.f32 v14, v4;
	v5 =	vadd.f32 v15, v5  }
0x2a6: {  	v53 =	vld [tilespmem:s0+$0x14B90];
	v8 =	vadd.f32 v16, v8;
	v3 =	vadd.f32 v19, v3  }
0x2a7: {  	v54 =	vld [tilespmem:s0+$0x14BA0];
	v2 =	vadd.f32 v24, v2;
	v4 =	vadd.f32 v20, v4  }
0x2a8: {  	v55 =	vld [tilespmem:s0+$0x14BB0];
	v5 =	vadd.f32 v21, v5;
	v8 =	vadd.f32 v22, v8  }
0x2a9: {  	v56 =	vld [tilespmem:s0+$0x14BC0];
	v3 =	vadd.f32 v25, v3;
	v2 =	vadd.f32 v30, v2  }
0x2aa: {  	v57 =	vld [tilespmem:s0+$0x14BD0];
	v0 =	vadd.f32 v0, v1;
	v4 =	vadd.f32 v26, v4  }
0x2ab: {  	v6 =	vld [tilespmem:s0+$0x12BC0];
	v5 =	vadd.f32 v27, v5;
	v8 =	vadd.f32 v28, v8  }
0x2ac: {  	v9 =	vld [tilespmem:s0+$0x13B90];
	v3 =	vadd.f32 v31, v3;
	v2 =	vadd.f32 v36, v2  }
0x2ad: {  	v1 =	vld [tilespmem:s0+$0x13B80];
	v0 =	vadd.f32 v17, v0;
	v4 =	vadd.f32 v32, v4  }
0x2ae: {  	v10 =	vld [tilespmem:s0+$0x13BA0];
	v5 =	vadd.f32 v33, v5;
	v8 =	vadd.f32 v34, v8  }
0x2af: {  	v11 =	vld [tilespmem:s0+$0x13BB0];
	v3 =	vadd.f32 v37, v3;
	v0 =	vadd.f32 v23, v0  }
0x2b0: {  	v7 =	vld [tilespmem:s0+$0x12BD0];
	v4 =	vadd.f32 v38, v4;
	v5 =	vadd.f32 v39, v5  }
0x2b1: {  	v58 =	vld [tilespmem:s0+$0x15B80];
	v6 =	vadd.f32 v6, v8;
	v0 =	vadd.f32 v29, v0  }
0x2b2: {  	v59 =	vld [tilespmem:s0+$0x15B90];
	v1 =	vadd.f32 v1, v2;
	v2 =	vadd.f32 v9, v3  }
0x2b3: {  	v60 =	vld [tilespmem:s0+$0x15BA0];
	v4 =	vadd.f32 v10, v4;
	v0 =	vadd.f32 v35, v0  }
0x2b4: {  	v61 =	vld [tilespmem:s0+$0x1BB0];
	v5 =	vadd.f32 v11, v5;
	v6 =	vadd.f32 v50, v6  }
0x2b5: {  	v2 =	vadd.f32 v53, v2;
	v0 =	vadd.f32 v7, v0;
	v7 =	vld [tilespmem:s0+$0x15BB0]  }
0x2b6: {  	v3 =	vld [tilespmem:s0+$0x15BC0];
	v1 =	vadd.f32 v52, v1;
	v4 =	vadd.f32 v54, v4  }
0x2b7: {  	v8 =	vld [tilespmem:s0+$0x15BD0];
	v5 =	vadd.f32 v55, v5;
	v2 =	vadd.f32 v59, v2  }
0x2b8: {  	v62 =	vld [tilespmem:s0+$0x1BC0];
	v1 =	vadd.f32 v58, v1;
	v0 =	vadd.f32 v51, v0  }
0x2b9: {  	v9 =	vld [tilespmem:s0+$0x1B80];
	v6 =	vadd.f32 v56, v6;
	v4 =	vadd.f32 v60, v4;
	v2 =	vmul.f32 $1.000000010e-01, v2  }
0x2ba: {  	v11 =	vld [tilespmem:s0+$0x1BA0];
	v1 =	vmul.f32 $1.000000010e-01, v1;
	v0 =	vadd.f32 v57, v0;
	v5 =	vadd.f32 v7, v5  }
0x2bb: {  	v10 =	vld [tilespmem:s0+$0x1B90];
	v3 =	vadd.f32 v3, v6;
	v4 =	vmul.f32 $1.000000010e-01, v4;
	v6 =	vand.u32 $0xFFFF0000, v2  }
0x2bc: {  	v63 =	vld [tilespmem:s0+$0x1BD0];
	v7 =	vshrl.u32 v1, $0x10;
	v8 =	vadd.f32 v8, v0;
	v5 =	vmul.f32 $1.000000010e-01, v5  }
0x2bd: {  	v2 =	vld [tilespmem:s0+$0x1BF0];
	v6 =	vor.u32 v7, v6;
	v7 =	vmul.f32 $1.000000010e-01, v3  }
0x2be: {  	s14 =	simm.s32 $0x80;
	v4 =	vshrl.u32 v4, $0x10;
	v1 =	vld [tilespmem:s0+$0x1BE0];
	v3 =	vand.u32 $0xFFFF0000, v5;
	v5 =	vmul.f32 $1.000000010e-01, v8  }
0x2bf: {  	v0 =	vld [tilespmem:s14+$0xCBE0];
	[tilespmem:s0+$0x17B80] =	vst v6;
	v6 =	vshrl.u32 v9, $0x10;
	v9 =	vshrl.u32 v11, $0x10;
	v7 =	vshrl.u32 v7, $0x10  }
0x2c0: {  	v8 =	vand.u32 $0xFFFF0000, v10;
	v4 =	vor.u32 v4, v3;
	v10 =	vand.u32 $0xFFFF0000, v5  }
0x2c1: {  	v11 =	vand.u32 $0xFFFF0000, v61;
	v3 =	vld [tilespmem:s14+$0xDBE0];
	[tilespmem:s0+$0x17B90] =	vst v4;
	v5 =	vor.u32 v6, v8;
	v8 =	vor.u32 v7, v10  }
0x2c2: {  	s4 =	simm.s32 $0x400;
	v6 =	vshrl.u32 v62, $0x10;
	v4 =	vld [tilespmem:s14+$0xCBF0];
	v7 =	vor.u32 v9, v11;
	[tilespmem:s0+$0x17BA0] =	vst v8;
	v8 =	vand.u32 $0xFFFF0000, v63  }
.LBB2_11:
0x2c3: {  	p1 =	sne.s32 s4, $0x3E00;
	v9 =	vld [tilespmem:s14+$0xDBF0];
	[tilespmem:s0+$0x19B80] =	vst v5;
	v5 =	vor.u32 v6, v8;
	v1 =	vshrl.u32 v1, $0x10  }
0x2c4: {  	v6 =	vld [tilespmem:s14+$0xEBE0];
	[tilespmem:s0+$0x19B90] =	vst v7;
	v2 =	vand.u32 $0xFFFF0000, v2  }
0x2c5: {  	v7 =	vld [tilespmem:s14+$0xEBF0];
	[tilespmem:s0+$0x19BA0] =	vst v5;
	v1 =	vor.u32 v1, v2  }
0x2c6: {  	v2 =	vld [tilespmem:s14+$0xFBE0];
	[tilespmem:s0+$0x19BB0] =	vst v1;
	s0 =	smov.u32 s14  }
0x2c7: {  	v1 =	vld [tilespmem:s0+$0xFBF0]  }
0x2c8: {  	v0 =	vadd.f32 v3, v0;
	v3 =	vld [tilespmem:s0+$0x10BE0];
	v4 =	vadd.f32 v9, v4  }
0x2c9: {  	v5 =	vld [tilespmem:s0+$0x10BF0]  }
0x2ca: {  	v0 =	vadd.f32 v6, v0;
	v6 =	vld [tilespmem:s0+$0x11BE0];
	v4 =	vadd.f32 v7, v4  }
0x2cb: {  	v7 =	vld [tilespmem:s0+$0x11BF0]  }
0x2cc: {  	v0 =	vadd.f32 v2, v0;
	v2 =	vld [tilespmem:s0+$0x12BE0];
	v1 =	vadd.f32 v1, v4  }
0x2cd: {  	v4 =	vld [tilespmem:s0+$0x12BF0]  }
0x2ce: {  	v0 =	vadd.f32 v3, v0;
	v3 =	vld [tilespmem:s0+$0x13BE0];
	v1 =	vadd.f32 v5, v1  }
0x2cf: {  	v5 =	vld [tilespmem:s0+$0x13BF0]  }
0x2d0: {  	v0 =	vadd.f32 v6, v0;
	v6 =	vld [tilespmem:s0+$0x14BE0];
	v1 =	vadd.f32 v7, v1  }
0x2d1: {  	v7 =	vld [tilespmem:s0+$0x14BF0]  }
0x2d2: {  	v0 =	vadd.f32 v2, v0;
	v2 =	vld [tilespmem:s0+$0x15BE0];
	v1 =	vadd.f32 v4, v1  }
0x2d3: {  	v4 =	vld [tilespmem:s0+$0x15BF0]  }
0x2d4: {  	v0 =	vadd.f32 v3, v0;
	v8 =	vld [tilespmem:s0+$0xCB80];
	v1 =	vadd.f32 v5, v1  }
0x2d5: {  	v3 =	vld [tilespmem:s0+$0xDB80]  }
0x2d6: {  	v0 =	vadd.f32 v6, v0;
	v5 =	vld [tilespmem:s0+$0xCB90];
	v1 =	vadd.f32 v7, v1  }
0x2d7: {  	v6 =	vld [tilespmem:s0+$0xDB90]  }
0x2d8: {  	v0 =	vadd.f32 v2, v0;
	v7 =	vld [tilespmem:s0+$0xCBA0];
	v1 =	vadd.f32 v4, v1  }
0x2d9: {  	v2 =	vld [tilespmem:s0+$0xDBA0]  }
0x2da: {  	v0 =	vmul.f32 $1.000000010e-01, v0;
	v3 =	vadd.f32 v3, v8;
	v4 =	vld [tilespmem:s0+$0xCBB0];
	v1 =	vmul.f32 $1.000000010e-01, v1  }
0x2db: {  	v8 =	vld [tilespmem:s0+$0xDBB0]  }
0x2dc: {  	v0 =	vshrl.u32 v0, $0x10;
	v5 =	vadd.f32 v6, v5;
	v6 =	vld [tilespmem:s0+$0xCBC0];
	v1 =	vand.u32 $0xFFFF0000, v1  }
0x2dd: {  	v9 =	vld [tilespmem:s0+$0xDBC0];
	v0 =	vor.u32 v0, v1  }
0x2de: {  	v1 =	vadd.f32 v2, v7;
	v2 =	vld [tilespmem:s0+$0xCBD0];
	[tilespmem:s0+$0x17BB0] =	vst v0  }
0x2df: {  	v0 =	vld [tilespmem:s0+$0xDBD0]  }
0x2e0: {  	v7 =	vld [tilespmem:s0+$0xEB80];
	v4 =	vadd.f32 v8, v4  }
0x2e1: {  	v8 =	vld [tilespmem:s0+$0xEB90]  }
0x2e2: {  	v10 =	vld [tilespmem:s0+$0xEBA0];
	v6 =	vadd.f32 v9, v6  }
0x2e3: {  	v9 =	vld [tilespmem:s0+$0xEBB0]  }
0x2e4: {  	v11 =	vld [tilespmem:s0+$0xEBC0];
	v0 =	vadd.f32 v0, v2  }
0x2e5: {  	v2 =	vadd.f32 v7, v3;
	v3 =	vld [tilespmem:s0+$0xEBD0]  }
0x2e6: {  	v7 =	vld [tilespmem:s0+$0xFB80];
	v5 =	vadd.f32 v8, v5  }
0x2e7: {  	v8 =	vld [tilespmem:s0+$0xFB90];
	v1 =	vadd.f32 v10, v1  }
0x2e8: {  	v10 =	vld [tilespmem:s0+$0xFBA0];
	v4 =	vadd.f32 v9, v4  }
0x2e9: {  	v9 =	vld [tilespmem:s0+$0xFBB0];
	v6 =	vadd.f32 v11, v6  }
0x2ea: {  	v11 =	vld [tilespmem:s0+$0xFBC0];
	v0 =	vadd.f32 v3, v0  }
0x2eb: {  	v2 =	vadd.f32 v7, v2;
	v3 =	vld [tilespmem:s0+$0xFBD0]  }
0x2ec: {  	v7 =	vld [tilespmem:s0+$0x10B80];
	v5 =	vadd.f32 v8, v5  }
0x2ed: {  	v8 =	vld [tilespmem:s0+$0x10B90];
	v1 =	vadd.f32 v10, v1  }
0x2ee: {  	v10 =	vld [tilespmem:s0+$0x10BA0];
	v4 =	vadd.f32 v9, v4  }
0x2ef: {  	v9 =	vld [tilespmem:s0+$0x10BB0];
	v6 =	vadd.f32 v11, v6  }
0x2f0: {  	v11 =	vld [tilespmem:s0+$0x10BC0];
	v0 =	vadd.f32 v3, v0  }
0x2f1: {  	v2 =	vadd.f32 v7, v2;
	v3 =	vld [tilespmem:s0+$0x10BD0]  }
0x2f2: {  	v7 =	vld [tilespmem:s0+$0x11B80];
	v5 =	vadd.f32 v8, v5  }
0x2f3: {  	v8 =	vld [tilespmem:s0+$0x11B90];
	v1 =	vadd.f32 v10, v1  }
0x2f4: {  	v10 =	vld [tilespmem:s0+$0x11BA0];
	v4 =	vadd.f32 v9, v4  }
0x2f5: {  	v9 =	vld [tilespmem:s0+$0x11BB0];
	v6 =	vadd.f32 v11, v6  }
0x2f6: {  	v11 =	vld [tilespmem:s0+$0x11BC0];
	v0 =	vadd.f32 v3, v0  }
0x2f7: {  	v2 =	vadd.f32 v7, v2;
	v3 =	vld [tilespmem:s0+$0x11BD0]  }
0x2f8: {  	v7 =	vld [tilespmem:s0+$0x12B80];
	v5 =	vadd.f32 v8, v5  }
0x2f9: {  	v8 =	vld [tilespmem:s0+$0x12B90];
	v1 =	vadd.f32 v10, v1  }
0x2fa: {  	v10 =	vld [tilespmem:s0+$0x12BA0];
	v4 =	vadd.f32 v9, v4  }
0x2fb: {  	v9 =	vld [tilespmem:s0+$0x12BB0];
	v6 =	vadd.f32 v11, v6  }
0x2fc: {  	v11 =	vld [tilespmem:s0+$0x12BC0];
	v0 =	vadd.f32 v3, v0  }
0x2fd: {  	v2 =	vadd.f32 v7, v2;
	v3 =	vld [tilespmem:s0+$0x12BD0]  }
0x2fe: {  	v7 =	vld [tilespmem:s0+$0x13B80];
	v5 =	vadd.f32 v8, v5  }
0x2ff: {  	v8 =	vld [tilespmem:s0+$0x13B90];
	v1 =	vadd.f32 v10, v1  }
0x300: {  	v10 =	vld [tilespmem:s0+$0x13BA0];
	v4 =	vadd.f32 v9, v4  }
0x301: {  	v9 =	vld [tilespmem:s0+$0x13BB0];
	v6 =	vadd.f32 v11, v6  }
0x302: {  	v11 =	vld [tilespmem:s0+$0x13BC0];
	v0 =	vadd.f32 v3, v0  }
0x303: {  	v2 =	vadd.f32 v7, v2;
	v3 =	vld [tilespmem:s0+$0x13BD0]  }
0x304: {  	v7 =	vld [tilespmem:s0+$0x14B80];
	v5 =	vadd.f32 v8, v5  }
0x305: {  	v8 =	vld [tilespmem:s0+$0x14B90];
	v1 =	vadd.f32 v10, v1  }
0x306: {  	v10 =	vld [tilespmem:s0+$0x14BA0];
	v4 =	vadd.f32 v9, v4  }
0x307: {  	v9 =	vld [tilespmem:s0+$0x14BB0];
	v6 =	vadd.f32 v11, v6  }
0x308: {  	v11 =	vld [tilespmem:s0+$0x14BC0];
	v0 =	vadd.f32 v3, v0  }
0x309: {  	v2 =	vadd.f32 v7, v2;
	v3 =	vld [tilespmem:s0+$0x14BD0]  }
0x30a: {  	v7 =	vld [tilespmem:s0+$0x15B80];
	v5 =	vadd.f32 v8, v5  }
0x30b: {  	v8 =	vld [tilespmem:s0+$0x15B90];
	v1 =	vadd.f32 v10, v1  }
0x30c: {  	v10 =	vld [tilespmem:s0+$0x15BA0];
	v4 =	vadd.f32 v9, v4  }
0x30d: {  	v9 =	vld [tilespmem:s0+$0x15BB0];
	v6 =	vadd.f32 v11, v6  }
0x30e: {  	v11 =	vld [tilespmem:s0+$0x15BC0];
	v0 =	vadd.f32 v3, v0  }
0x30f: {  	v2 =	vadd.f32 v7, v2;
	v3 =	vld [tilespmem:s0+$0x15BD0]  }
0x310: {  	v5 =	vadd.f32 v8, v5;
	v7 =	vld [tilespmem:s0+$0x1B80]  }
0x311: {  	v2 =	vmul.f32 $1.000000010e-01, v2;
	v8 =	vld [tilespmem:s0+$0x1B90];
	v1 =	vadd.f32 v10, v1  }
0x312: {  	v5 =	vmul.f32 $1.000000010e-01, v5;
	v4 =	vadd.f32 v9, v4;
	v9 =	vld [tilespmem:s0+$0x1BA0]  }
0x313: {  	v2 =	vshrl.u32 v2, $0x10;
	v1 =	vmul.f32 $1.000000010e-01, v1;
	v10 =	vld [tilespmem:s0+$0x1BB0];
	v6 =	vadd.f32 v11, v6  }
0x314: {  	v5 =	vand.u32 $0xFFFF0000, v5;
	v4 =	vmul.f32 $1.000000010e-01, v4;
	v0 =	vadd.f32 v3, v0;
	v11 =	vld [tilespmem:s0+$0x1BC0]  }
0x315: {  	v7 =	vshrl.u32 v7, $0x10;
	v3 =	vshrl.u32 v1, $0x10;
	v6 =	vmul.f32 $1.000000010e-01, v6;
	v12 =	vld [tilespmem:s0+$0x1BD0]  }
.Ltmp5:
0x316: {  	v8 =	vand.u32 $0xFFFF0000, v8;
	v4 =	vand.u32 $0xFFFF0000, v4;
	v13 =	vmul.f32 $1.000000010e-01, v0;
	v1 =	vld [tilespmem:s0+$0x1BE0];
	(pc) =	sbr.rel @p1 .LBB2_11-.Ltmp5, $4  }
0x317: {  	s14 =	sshra.s32 s4, $0x2;
	v5 =	vor.u32 v2, v5;
	v9 =	vshrl.u32 v9, $0x10;
	v6 =	vshrl.u32 v6, $0x10;
	v2 =	vld [tilespmem:s0+$0x1BF0]  }
0x318: {  	v4 =	vor.u32 v3, v4;
	v0 =	vld [tilespmem:s14+$0xCBE0];
	[tilespmem:s0+$0x17B80] =	vst v5;
	v10 =	vand.u32 $0xFFFF0000, v10;
	v13 =	vand.u32 $0xFFFF0000, v13  }
0x319: {  	v5 =	vor.u32 v7, v8;
	v3 =	vld [tilespmem:s14+$0xDBE0];
	[tilespmem:s0+$0x17B90] =	vst v4;
	v8 =	vor.u32 v6, v13;
	v6 =	vshrl.u32 v11, $0x10  }
0x31a: {  	s4 =	sadd.s32 $0x200, s4;
	v7 =	vor.u32 v9, v10;
	v4 =	vld [tilespmem:s14+$0xCBF0];
	[tilespmem:s0+$0x17BA0] =	vst v8;
	v8 =	vand.u32 $0xFFFF0000, v12  }
0x31b: {  	v9 =	vld [tilespmem:s14+$0xDBF0];
	[tilespmem:s0+$0x19B80] =	vst v5  }
0x31c: {  	v6 =	vor.u32 v6, v8;
	v1 =	vshrl.u32 v1, $0x10;
	v5 =	vld [tilespmem:s14+$0xEBE0];
	[tilespmem:s0+$0x19B90] =	vst v7;
	v2 =	vand.u32 $0xFFFF0000, v2  }
0x31d: {  	v7 =	vld [tilespmem:s14+$0xEBF0];
	[tilespmem:s0+$0x19BA0] =	vst v6;
	v1 =	vor.u32 v1, v2  }
0x31e: {  	v30 =	vld [tilespmem:s14+$0xFBE0];
	[tilespmem:s0+$0x19BB0] =	vst v1  }
0x31f: {  	v1 =	vld [tilespmem:s14+$0xFBF0]  }
0x320: {  	v6 =	vld [tilespmem:s14+$0x10BE0]  }
0x321: {  	v32 =	vld [tilespmem:s14+$0x10BF0]  }
0x322: {  	v33 =	vld [tilespmem:s14+$0x11BE0]  }
0x323: {  	v34 =	vld [tilespmem:s14+$0x11BF0]  }
0x324: {  	v35 =	vld [tilespmem:s14+$0x12BE0]  }
0x325: {  	v36 =	vld [tilespmem:s14+$0x12BF0]  }
0x326: {  	v37 =	vld [tilespmem:s14+$0x13BE0]  }
0x327: {  	v38 =	vld [tilespmem:s14+$0x13BF0]  }
0x328: {  	v39 =	vld [tilespmem:s14+$0x14BE0]  }
0x329: {  	v40 =	vld [tilespmem:s14+$0x14BF0]  }
0x32a: {  	v41 =	vld [tilespmem:s14+$0x15BE0]  }
0x32b: {  	v42 =	vld [tilespmem:s14+$0x15BF0]  }
0x32c: {  	v43 =	vld [tilespmem:s14+$0xCB80]  }
0x32d: {  	v44 =	vld [tilespmem:s14+$0xDB80]  }
0x32e: {  	v45 =	vld [tilespmem:s14+$0xCB90]  }
0x32f: {  	v46 =	vld [tilespmem:s14+$0xDB90]  }
0x330: {  	v47 =	vld [tilespmem:s14+$0xCBA0]  }
0x331: {  	v48 =	vld [tilespmem:s14+$0xDBA0]  }
0x332: {  	v49 =	vld [tilespmem:s14+$0xCBB0]  }
0x333: {  	v50 =	vld [tilespmem:s14+$0xDBB0]  }
0x334: {  	v10 =	vld [tilespmem:s14+$0xCBC0]  }
0x335: {  	v11 =	vld [tilespmem:s14+$0xDBC0]  }
0x336: {  	v51 =	vld [tilespmem:s14+$0xCBD0]  }
0x337: {  	v52 =	vld [tilespmem:s14+$0xDBD0]  }
0x338: {  	v12 =	vld [tilespmem:s14+$0xEB80]  }
0x339: {  	v13 =	vld [tilespmem:s14+$0xEB90]  }
0x33a: {  	v14 =	vld [tilespmem:s14+$0xEBA0]  }
0x33b: {  	v15 =	vld [tilespmem:s14+$0xEBB0]  }
0x33c: {  	v16 =	vld [tilespmem:s14+$0xEBC0]  }
0x33d: {  	v17 =	vld [tilespmem:s14+$0xEBD0]  }
0x33e: {  	v18 =	vld [tilespmem:s14+$0xFB80]  }
0x33f: {  	v19 =	vld [tilespmem:s14+$0xFB90]  }
0x340: {  	v20 =	vld [tilespmem:s14+$0xFBA0]  }
0x341: {  	v21 =	vld [tilespmem:s14+$0xFBB0]  }
0x342: {  	v22 =	vld [tilespmem:s14+$0xFBC0]  }
0x343: {  	v23 =	vld [tilespmem:s14+$0xFBD0]  }
0x344: {  	v24 =	vld [tilespmem:s14+$0x10B80]  }
0x345: {  	v25 =	vld [tilespmem:s14+$0x10B90]  }
0x346: {  	v0 =	vadd.f32 v3, v0;
	v26 =	vld [tilespmem:s14+$0x10BA0]  }
0x347: {  	v27 =	vld [tilespmem:s14+$0x10BB0];
	v31 =	vadd.f32 v9, v4  }
0x348: {  	v28 =	vld [tilespmem:s14+$0x10BC0];
	v0 =	vadd.f32 v5, v0  }
0x349: {  	v29 =	vld [tilespmem:s14+$0x10BD0];
	v3 =	vadd.f32 v7, v31  }
0x34a: {  	v53 =	vld [tilespmem:s14+$0x12BA0];
	v0 =	vadd.f32 v30, v0  }
0x34b: {  	v55 =	vld [tilespmem:s14+$0x12BB0];
	v1 =	vadd.f32 v1, v3;
	v3 =	vadd.f32 v44, v43  }
0x34c: {  	v57 =	vld [tilespmem:s14+$0x12BC0];
	v4 =	vadd.f32 v46, v45;
	v2 =	vadd.f32 v48, v47  }
0x34d: {  	v58 =	vld [tilespmem:s14+$0x12BD0];
	v54 =	vadd.f32 v50, v49;
	v56 =	vadd.f32 v11, v10  }
0x34e: {  	v59 =	vld [tilespmem:s14+$0x13B80];
	v0 =	vadd.f32 v6, v0;
	v1 =	vadd.f32 v32, v1  }
0x34f: {  	v60 =	vld [tilespmem:s14+$0x13B90];
	v3 =	vadd.f32 v12, v3;
	v4 =	vadd.f32 v13, v4  }
0x350: {  	v61 =	vld [tilespmem:s14+$0x13BA0];
	v0 =	vadd.f32 v33, v0;
	v1 =	vadd.f32 v34, v1  }
0x351: {  	v62 =	vld [tilespmem:s14+$0x13BB0];
	v2 =	vadd.f32 v14, v2;
	v6 =	vadd.f32 v15, v54  }
0x352: {  	v63 =	vld [tilespmem:s14+$0x13BC0];
	v0 =	vadd.f32 v35, v0;
	v1 =	vadd.f32 v36, v1  }
0x353: {  	v31 =	vld [tilespmem:s14+$0x11B90];
	v8 =	vadd.f32 v16, v56;
	v3 =	vadd.f32 v18, v3  }
0x354: {  	v30 =	vld [tilespmem:s14+$0x11B80];
	v0 =	vadd.f32 v37, v0;
	v1 =	vadd.f32 v38, v1  }
0x355: {  	v43 =	vld [tilespmem:s14+$0x15BA0];
	v4 =	vadd.f32 v19, v4;
	v2 =	vadd.f32 v20, v2  }
0x356: {  	v44 =	vld [tilespmem:s14+$0x15BB0];
	v0 =	vadd.f32 v39, v0;
	v1 =	vadd.f32 v40, v1  }
0x357: {  	v32 =	vld [tilespmem:s14+$0x11BA0];
	v6 =	vadd.f32 v21, v6;
	v8 =	vadd.f32 v22, v8  }
0x358: {  	v54 =	vld [tilespmem:s14+$0x1BF0];
	v0 =	vadd.f32 v41, v0;
	v1 =	vadd.f32 v42, v1  }
0x359: {  	v33 =	vld [tilespmem:s14+$0x11BB0];
	v3 =	vadd.f32 v24, v3;
	v4 =	vadd.f32 v25, v4  }
0x35a: {  	v34 =	vld [tilespmem:s14+$0x11BC0];
	v2 =	vadd.f32 v26, v2;
	v0 =	vmul.f32 $1.000000010e-01, v0;
	v1 =	vmul.f32 $1.000000010e-01, v1  }
0x35b: {  	v36 =	vld [tilespmem:s14+$0x12B80];
	v6 =	vadd.f32 v27, v6;
	v8 =	vadd.f32 v28, v8  }
0x35c: {  	v37 =	vld [tilespmem:s14+$0x12B90];
	v3 =	vadd.f32 v30, v3;
	v0 =	vshrl.u32 v0, $0x10;
	v1 =	vand.u32 $0xFFFF0000, v1  }
0x35d: {  	v35 =	vld [tilespmem:s14+$0x11BD0];
	v4 =	vadd.f32 v31, v4;
	v2 =	vadd.f32 v32, v2;
	v0 =	vor.u32 v0, v1  }
0x35e: {  	v25 =	vld [tilespmem:s14+$0x13BD0];
	v6 =	vadd.f32 v33, v6;
	[tilespmem:s14+$0x17BB0] =	vst v0;
	v0 =	vadd.f32 v52, v51  }
0x35f: {  	v31 =	vld [tilespmem:s14+$0x14BA0];
	v8 =	vadd.f32 v34, v8;
	v2 =	vadd.f32 v53, v2  }
0x360: {  	v33 =	vld [tilespmem:s14+$0x14BB0];
	v40 =	vadd.f32 v55, v6;
	v0 =	vadd.f32 v17, v0  }
0x361: {  	v27 =	vld [tilespmem:s14+$0x14B80];
	v3 =	vadd.f32 v36, v3;
	v4 =	vadd.f32 v37, v4  }
0x362: {  	v38 =	vld [tilespmem:s14+$0x14BC0];
	v2 =	vadd.f32 v61, v2;
	v0 =	vadd.f32 v23, v0  }
0x363: {  	v39 =	vld [tilespmem:s14+$0x14BD0];
	v5 =	vadd.f32 v62, v40;
	v3 =	vadd.f32 v59, v3  }
0x364: {  	v41 =	vld [tilespmem:s14+$0x15B80];
	v4 =	vadd.f32 v60, v4;
	v0 =	vadd.f32 v29, v0  }
0x365: {  	v2 =	vadd.f32 v31, v2;
	v5 =	vadd.f32 v33, v5;
	v29 =	vld [tilespmem:s14+$0x14B90]  }
0x366: {  	v53 =	vld [tilespmem:s14+$0x1BE0];
	v3 =	vadd.f32 v27, v3;
	v0 =	vadd.f32 v35, v0  }
0x367: {  	v42 =	vld [tilespmem:s14+$0x15B90];
	v2 =	vadd.f32 v43, v2;
	v1 =	vadd.f32 v57, v8  }
0x368: {  	v45 =	vld [tilespmem:s14+$0x15BC0];
	v5 =	vadd.f32 v44, v5;
	v0 =	vadd.f32 v58, v0  }
0x369: {  	v46 =	vld [tilespmem:s14+$0x15BD0];
	v3 =	vadd.f32 v41, v3;
	v1 =	vadd.f32 v63, v1  }
0x36a: {  	v47 =	vld [tilespmem:s14+$0x1B80];
	v62 =	vand.u32 $0xFFFF0000, v54;
	v4 =	vadd.f32 v29, v4;
	v0 =	vadd.f32 v25, v0  }
0x36b: {  	v48 =	vld [tilespmem:s14+$0x1B90];
	v2 =	vmul.f32 $1.000000010e-01, v2;
	v5 =	vmul.f32 $1.000000010e-01, v5;
	v1 =	vadd.f32 v38, v1  }
0x36c: {  	v49 =	vld [tilespmem:s14+$0x1BA0];
	v61 =	vshrl.u32 v53, $0x10;
	v4 =	vadd.f32 v42, v4;
	v0 =	vadd.f32 v39, v0  }
0x36d: {  	v50 =	vld [tilespmem:s14+$0x1BB0];
	v3 =	vmul.f32 $1.000000010e-01, v3;
	v2 =	vshrl.u32 v2, $0x10;
	v5 =	vand.u32 $0xFFFF0000, v5  }
0x36e: {  	v51 =	vld [tilespmem:s14+$0x1BC0];
	v1 =	vadd.f32 v45, v1;
	v4 =	vmul.f32 $1.000000010e-01, v4;
	v0 =	vadd.f32 v46, v0  }
0x36f: {  	v52 =	vld [tilespmem:s14+$0x1BD0];
	v63 =	vor.u32 v61, v62;
	v3 =	vshrl.u32 v3, $0x10;
	v2 =	vor.u32 v2, v5  }
0x370: {  	[tilespmem:s14+$0x19BB0] =	vst v63;
	v1 =	vmul.f32 $1.000000010e-01, v1;
	v4 =	vand.u32 $0xFFFF0000, v4;
	v0 =	vmul.f32 $1.000000010e-01, v0  }
0x371: {  	v56 =	vand.u32 $0xFFFF0000, v48;
	v55 =	vshrl.u32 v47, $0x10;
	[tilespmem:s14+$0x17B90] =	vst v2;
	v3 =	vor.u32 v3, v4  }
0x372: {  	v1 =	vshrl.u32 v1, $0x10;
	[tilespmem:s14+$0x17B80] =	vst v3;
	v3 =	vor.u32 v55, v56;
	v0 =	vand.u32 $0xFFFF0000, v0  }
0x373: {  	s4 =	sshll.u32 @p0 s10, $0xE;
	s0 =	sor.u32 @p0 s8, s12;
	v57 =	vshrl.u32 v49, $0x10;
	v58 =	vand.u32 $0xFFFF0000, v50;
	[tilespmem:s14+$0x19B80] =	vst v3;
	v0 =	vor.u32 v1, v0  }
0x374: {  	s4 =	sand.u32 @p0 $0xF0000, s4;
	s0 =	sshll.u32 @p0 s0, $0x4;
	v59 =	vshrl.u32 v51, $0x10;
	v60 =	vand.u32 $0xFFFF0000, v52;
	v1 =	vor.u32 v57, v58;
	[tilespmem:s14+$0x17BA0] =	vst v0  }
0x375: {  	s0 =	sor.u32 @p0 s4, s0;
	v0 =	vor.u32 v59, v60;
	[tilespmem:s14+$0x19B90] =	vst v1  }
0x376: {  	s10 =	simm.s32 @p0 $0x0;
	s12 =	simm.s32 @p0 $0x19B80;
	s4 =	sadd.s32 @p0 s7, s0;
	[tilespmem:s14+$0x19BA0] =	vst v0  }
0x377: {  	[hbm4b:s4+s10] =	stream.linear.scatter @p0 [tilespmem:s12], [sflag:$0x5], $0x1000, $0x38;
	[tilespmem:$0x1AB80] =	vst v63  }
0x378: {  	s20 =	sadd.s32 $0x1, s20;
	s4 =	sshll.u32 @!p0 s21, $0x9  }
0x379: {  	s0 =	sadd.s32 @p0 s9, s0;
	s14 =	simm.s32 @!p0 $0x19B80;
	s4 =	sor.u32 @!p0 s11, s4  }
0x37a: {  	s12 =	simm.s32 @!p0 $0x0;
	s10 =	sadd.s32 @!p0 s6, s4;
	s4 =	sadd.s32 @!p0 s2, s4  }
0x37b: {  	[hbm4b:s10+s12] =	stream.linear.scatter @!p0 [tilespmem:s14], [sflag:$0x5], $0x1000, $0x38;
	[tilespmem:$0x1AB80] =	vst v63  }
0x37c: {  	s4 =	smov.u32 @p0 s0;
	p0 =	sne.s32 s20, $0x16  }
.Ltmp6:
0x37d: {  	_ = 	snop;
	(pc) =	sbr.rel @p0 .LBB2_2-.Ltmp6, $2  }
0x37e: {  	_ =	sdelay $0x2  }
0x37f: {  	[hbm4b:s4+s3] =	stream.linear.scatter [tilespmem:s30], [sflag:$0x5], $0x1000, $0x38;
	[tilespmem:$0x1AB80] =	vst v63  }
0x380: {  	s0 =	simm.s32 $0x4  }
0x381: {  	_ =	swait.ge [sflag:s0], $0x1000  }
0x382: {  	[sflag:s0] =	ssyncset.done $0x0  }
0x383: {  	[sflag:s0] =	ssyncadd.s32 $0xFFFFF000  }
0x384: {  	_ =	swait.ge [sflag:s0], $0x1000  }
0x385: {  	[sflag:s0] =	ssyncset.done $0x0  }
0x386: {  	s4 =	simm.s32 $0x5;
	[sflag:s0] =	ssyncadd.s32 $0xFFFFF000  }
0x387: {  	_ =	swait.ge [sflag:s4], $0x1000  }
0x388: {  	[sflag:s4] =	ssyncset.done $0x0  }
0x389: {  	[sflag:s4] =	ssyncadd.s32 $0xFFFFF000  }
0x38a: {  	_ =	swait.ge [sflag:s4], $0x1000  }
0x38b: {  	s10 =	rddreg [dreg:$0x7]  }
0x38c: {  	s31 =	rddreg [dreg:$0x6];
	s10 =	sadd.s32 $0x1, s10  }
0x38d: {  	p0 =	sne.s32 s10, s31  }
.Ltmp7:
0x38e: {  	_ = 	snop;
	(pc) =	sbr.rel @p0 .LBB2_1-.Ltmp7, $3  }
0x38f: {  	_ =	sdelay $0x1  }
0x390: {  	[sflag:s4] =	ssyncset.done $0x0  }
0x391: {  	[sflag:s4] =	ssyncadd.s32 $0xFFFFF000  }
0x392: {  	_ =	sfence.sel $0x180000  }
0x393: {  	[bflag:$0x0] =	sbarrier.arrive $0xFFFF  }
0x394: {  	_ =	strace $0x90000047  }
0x395: {  	s0 =	stileid.u32;
	[bflag:$0x2] =	sbarrier.arrive $0xFFFF  }
0x396: {  	p0 =	sne.s32 s0, $0x0;
	s0 =	rddreg [dreg:$0x4]  }
0x397: {  	s0 =	sadd.s32 @!p0 $0x100000, s0  }
0x398: {  	[sflag:s0] =	ssyncadd.tile.s32 @!p0 $0x1;
	_ =	shalt  }
.Lfunc_end2:
_tile_overlayer_lowered:
.L_overlay_start_2:
0x399: {  	(tag) =	ssettag $0x2  }
0x39a: {  	s0 =	rddreg [dreg:$0x0];
	s2 =	stileid.u32  }
0x39b: {  	s1 =	rddreg [dreg:$0x1];
	p0 =	sne.s32 s2, $0x0  }
0x39c: {  	s3 =	rddreg [dreg:$0x2];
	[bflag:$0x3] =	sbarrier.arrive $0xFFFF;
	s2 =	simm.s32 @!p0 $0x1C06  }
0x39d: {  	[timem:s3], [sflag:s2] =	dma.local @!p0 [hbm:s0], s1  }
0x39e: {  	s0 =	simm.s32 @!p0 $0x6  }
0x39f: {  	_ =	swait.ge @!p0 [sflag:s0], s1  }
0x3a0: {  	s1 =	ssub.s32 @!p0 $0x0, s1;
	[sflag:s0] =	ssyncset.done @!p0 $0x0  }
0x3a1: {  	[sflag:s0] =	ssyncadd.s32 @!p0 s1  }
0x3a2: {  	[bflag:$0x3] =	sbarrier.arrive $0xFFFF  }
0x3a3: {  	_ =	shalt  }

</sc_bundles>
